<compile_context>
chip_gen: v7x
topology: tpu7x:2x2x1
jax: 0.10.2.dev20260603
libtpu: 0.0.44.dev20260713+nightly
codegen_flags: <defaults>
</compile_context>

<pallas_src>
import functools

import numpy as np

import jax
import jax.numpy as jnp
from jax import lax
from jax.experimental import pallas as pl
from jax.experimental.pallas import tpu as pltpu
from jax.experimental.pallas import tpu_sc as plsc

N = 10000
E = 320000
DF = 128
NHEADS = 8
NHID = 16
TW = 136
TBW = 160
ALPHA = 0.2
EPS = 1e-16

NC = 2
NS = 16
EPT = E // (NC * NS)
CHUNK = 80
NCHUNK = EPT // CHUNK
IBLK = 25
NIBLK = NCHUNK // IBLK

_COL = np.arange(DF)
_HEAD = _COL // NHID
_FEAT = _COL % NHID
_HEAD_ONEHOT = np.zeros((DF, 16), np.float32)
_HEAD_ONEHOT[_COL, _HEAD] = 1.0
_PMAT = np.zeros((DF, DF), np.float32)
_PMAT[_COL, 32 * (_HEAD // 2) + 2 * _FEAT + (_HEAD % 2)] = 1.0
_SPREAD = np.zeros((16, 32), np.float32)
_SPREAD[np.arange(16), 2 * np.arange(16)] = 1.0
NPAD = 10112
ZROWS = NPAD // NS

ROWBLK = 1000
NBLK = N // ROWBLK



def _pre_body(x_ref, wall_ref, a1_ref, a2_ref, pmat_ref, spread_ref, tb_ref,
              s1_ref):
    h = jnp.dot(x_ref[...], wall_ref[...], preferred_element_type=jnp.float32)
    s1_ref[...] = jnp.dot(h, a1_ref[...], preferred_element_type=jnp.float32)
    s2 = jnp.dot(h, a2_ref[...], preferred_element_type=jnp.float32)
    hp = jnp.dot(h, pmat_ref[...], preferred_element_type=jnp.float32)
    tb_ref[:, 0:DF] = hp.astype(jnp.bfloat16)
    tb_ref[:, DF:TBW] = jnp.dot(
        s2, spread_ref[...], preferred_element_type=jnp.float32
    ).astype(jnp.bfloat16)


_pre_call = pl.pallas_call(
    _pre_body,
    grid=(NBLK,),
    in_specs=[
        pl.BlockSpec((ROWBLK, DF), lambda i: (i, 0)),
        pl.BlockSpec((DF, DF), lambda i: (0, 0)),
        pl.BlockSpec((DF, 16), lambda i: (0, 0)),
        pl.BlockSpec((DF, 16), lambda i: (0, 0)),
        pl.BlockSpec((DF, DF), lambda i: (0, 0)),
        pl.BlockSpec((16, 32), lambda i: (0, 0)),
    ],
    out_specs=[
        pl.BlockSpec((ROWBLK, TBW), lambda i: (i, 0)),
        pl.BlockSpec((ROWBLK, 16), lambda i: (i, 0)),
    ],
    out_shape=[
        jax.ShapeDtypeStruct((N, TBW), jnp.bfloat16),
        jax.ShapeDtypeStruct((N, 16), jnp.float32),
    ],
)


def _mid_body(acc_ref, wout_ref, a1_ref, a2_ref, pmat_ref, spread_ref, tb_ref,
              s1_ref):
    s = acc_ref[0] + acc_ref[1]
    cols = []
    for i in range(NHEADS):
        hi = s[:, NHID * i:NHID * (i + 1)]
        ri = s[:, DF + i:DF + i + 1]
        cols.append(hi / (ri + EPS))
    x2 = jnp.concatenate(cols, axis=1)
    x2 = jnp.where(x2 > 0, x2, jnp.exp(x2) - 1.0)
    h = jnp.dot(x2, wout_ref[...], preferred_element_type=jnp.float32)
    s1_ref[...] = jnp.dot(h, a1_ref[...], preferred_element_type=jnp.float32)
    s2 = jnp.dot(h, a2_ref[...], preferred_element_type=jnp.float32)
    hp = jnp.dot(h, pmat_ref[...], preferred_element_type=jnp.float32)
    tb_ref[:, 0:DF] = hp.astype(jnp.bfloat16)
    tb_ref[:, DF:TBW] = jnp.dot(
        s2, spread_ref[...], preferred_element_type=jnp.float32
    ).astype(jnp.bfloat16)


_mid_call = pl.pallas_call(
    _mid_body,
    grid=(NBLK,),
    in_specs=[
        pl.BlockSpec((NC, ROWBLK, TW), lambda i: (0, i, 0)),
        pl.BlockSpec((DF, DF), lambda i: (0, 0)),
        pl.BlockSpec((DF, 16), lambda i: (0, 0)),
        pl.BlockSpec((DF, 16), lambda i: (0, 0)),
        pl.BlockSpec((DF, DF), lambda i: (0, 0)),
        pl.BlockSpec((16, 32), lambda i: (0, 0)),
    ],
    out_specs=[
        pl.BlockSpec((ROWBLK, TBW), lambda i: (i, 0)),
        pl.BlockSpec((ROWBLK, 16), lambda i: (i, 0)),
    ],
    out_shape=[
        jax.ShapeDtypeStruct((N, TBW), jnp.bfloat16),
        jax.ShapeDtypeStruct((N, 16), jnp.float32),
    ],
)


def _post_body(acc_ref, o_ref):
    s = acc_ref[0] + acc_ref[1]
    x = s[:, 0:DF] / (s[:, DF:DF + 1] + EPS)
    o_ref[...] = jnp.where(x > 0, x, jnp.exp(x) - 1.0)


_post_call = pl.pallas_call(
    _post_body,
    grid=(NBLK,),
    in_specs=[pl.BlockSpec((NC, ROWBLK, TW), lambda i: (0, i, 0))],
    out_specs=pl.BlockSpec((ROWBLK, DF), lambda i: (i, 0)),
    out_shape=jax.ShapeDtypeStruct((N, DF), jnp.float32),
)



def _lane_gather(v, idx_vec):
    dn = lax.GatherDimensionNumbers(
        offset_dims=(), collapsed_slice_dims=(0,), start_index_map=(0,))
    return lax.gather(v, idx_vec.reshape(16, 1), dn, slice_sizes=(1,),
                      mode=lax.GatherScatterMode.PROMISE_IN_BOUNDS)


def _lane_broadcast(v, j):
    return _lane_gather(v, jnp.full((16,), j, dtype=jnp.int32))


def _wshift_idx():
    return jnp.maximum(lax.iota(jnp.int32, 16) - 8, 0)


def _edge_pass_body(t_hbm, s1_hbm, edges_hbm, zeros_hbm,
                    out_hbm, srcblk, dstblk, gbuf0, gbuf1, s1b0, s1b1,
                    mb0, mb1, accum, gsem0, gsem1, s1sem0,
                    s1sem1, ssem0, ssem1):
    cid = lax.axis_index("c")
    sid = lax.axis_index("s")
    crow = (cid * NS + sid) * NCHUNK
    zrow0 = pl.multiple_of(sid * ZROWS, ZROWS)

    gbufs = [gbuf0, gbuf1]
    s1bufs = [s1b0, s1b1]
    mbufs = [mb0, mb1]
    gsems = [gsem0, gsem1]
    s1sems = [s1sem0, s1sem1]
    ssems = [ssem0, ssem1]

    pltpu.sync_copy(zeros_hbm, accum.at[pl.ds(zrow0, ZROWS)])
    plsc.subcore_barrier()

    def issue_gather(c, b):
        pltpu.async_copy(t_hbm.at[dstblk.at[c]], gbufs[b], gsems[b])
        pltpu.async_copy(s1_hbm.at[srcblk.at[c]], s1bufs[b], s1sems[b])

    def wait_gather(c, b):
        pltpu.make_async_copy(t_hbm.at[dstblk.at[c]], gbufs[b], gsems[b]).wait()
        pltpu.make_async_copy(s1_hbm.at[srcblk.at[c]], s1bufs[b],
                              s1sems[b]).wait()

    def issue_scatter(c, b):
        pltpu.async_copy(mbufs[b], accum.at[srcblk.at[c]], ssems[b], add=True)

    def wait_scatter(c, b):
        pltpu.make_async_copy(mbufs[b], accum.at[srcblk.at[c]],
                              ssems[b]).wait()

    def compute(b):
        gbuf, s1buf, mbuf = gbufs[b], s1bufs[b], mbufs[b]

        def edge_body(e):
            s1 = s1buf[e, :]
            s2, _ = plsc.unpack(gbuf[e, pl.ds(DF, 32)],
                                format=plsc.PackFormat.INTERLEAVED,
                                preferred_element_type=jnp.float32)
            t = s1 + s2
            w = jnp.exp(-jnp.maximum(t, ALPHA * t))
            mbuf[e, pl.ds(DF - 16, 16)] = _lane_gather(w, _wshift_idx())
            for g in range(NHEADS // 2):
                hb = gbuf[e, pl.ds(32 * g, 32)]
                ha, hc = plsc.unpack(hb, format=plsc.PackFormat.INTERLEAVED,
                                     preferred_element_type=jnp.float32)
                mbuf[e, pl.ds(32 * g, 16)] = _lane_broadcast(w, 2 * g) * ha
                mbuf[e, pl.ds(32 * g + 16, 16)] = (
                    _lane_broadcast(w, 2 * g + 1) * hc)

        plsc.parallel_loop(0, CHUNK, 1, unroll=4)(edge_body)

    def block_body(blk, carry):
        brow = crow + blk * IBLK
        pltpu.sync_copy(edges_hbm.at[0, pl.ds(brow, IBLK)], srcblk)
        pltpu.sync_copy(edges_hbm.at[1, pl.ds(brow, IBLK)], dstblk)
        issue_gather(0, 0)
        issue_gather(1, 1)

        def pair_body(p, carry2):
            for b in range(2):
                cb = 2 * p + b
                wait_gather(cb, b)

                @pl.when(cb >= 2)
                def _():
                    wait_scatter(cb - 2, b)

                compute(b)
                issue_scatter(cb, b)

                @pl.when(cb + 2 < IBLK)
                def _():
                    issue_gather(cb + 2, b)
            return carry2

        lax.fori_loop(0, (IBLK - 1) // 2, pair_body, 0)

        cb = IBLK - 1
        b = cb % 2
        wait_gather(cb, b)
        wait_scatter(cb - 2, b)
        compute(b)
        issue_scatter(cb, b)
        wait_scatter(IBLK - 2, (IBLK - 2) % 2)
        wait_scatter(IBLK - 1, (IBLK - 1) % 2)
        return carry

    lax.fori_loop(0, NIBLK, block_body, 0)

    plsc.subcore_barrier()
    pltpu.sync_copy(accum.at[pl.ds(zrow0, ZROWS)],
                    out_hbm.at[cid, pl.ds(zrow0, ZROWS)])


_EDGE_PASS_CACHE = []


def _edge_pass(*args):
    if not _EDGE_PASS_CACHE:
        mesh = plsc.VectorSubcoreMesh(core_axis_name="c", subcore_axis_name="s")
        _EDGE_PASS_CACHE.append(functools.partial(
            pl.kernel,
            out_type=jax.ShapeDtypeStruct((NC, NPAD, TW), jnp.float32),
            mesh=mesh,
            scratch_types=[
                pltpu.VMEM((IBLK, CHUNK), jnp.int32),
                pltpu.VMEM((IBLK, CHUNK), jnp.int32),
                pltpu.VMEM((CHUNK, TBW), jnp.bfloat16),
                pltpu.VMEM((CHUNK, TBW), jnp.bfloat16),
                pltpu.VMEM((CHUNK, 16), jnp.float32),
                pltpu.VMEM((CHUNK, 16), jnp.float32),
                pltpu.VMEM((CHUNK, TW), jnp.float32),
                pltpu.VMEM((CHUNK, TW), jnp.float32),
                pltpu.VMEM_SHARED((NPAD, TW), jnp.float32),
                pltpu.SemaphoreType.DMA,
                pltpu.SemaphoreType.DMA,
                pltpu.SemaphoreType.DMA,
                pltpu.SemaphoreType.DMA,
                pltpu.SemaphoreType.DMA,
                pltpu.SemaphoreType.DMA,
            ],
            compiler_params=pltpu.CompilerParams(
                use_tc_tiling_on_sc=False, needs_layout_passes=False),
        )(_edge_pass_body))
    return _EDGE_PASS_CACHE[0](*args)



def kernel(Corpus_, batch_inputs, entity_embeddings, edge_list, W, a, W_out, a_out):
    x = entity_embeddings
    edges = edge_list.reshape(2, E // CHUNK, CHUNK)

    wall = jnp.transpose(W, (1, 0, 2)).reshape(DF, DF)
    a1 = a[:, 0, :NHID]
    a2 = a[:, 0, NHID:]
    onehot = jnp.asarray(_HEAD_ONEHOT)
    A1p = onehot * a1.reshape(-1)[:, None]
    A2p = onehot * a2.reshape(-1)[:, None]

    ao1 = a_out[0, :DF]
    ao2 = a_out[0, DF:]
    A1o = jnp.tile(ao1[:, None], (1, 16))
    A2o = jnp.concatenate(
        [jnp.tile(ao2[:, None], (1, 8)), jnp.zeros((DF, 8), jnp.float32)], axis=1)

    Pmat = jnp.asarray(_PMAT)
    Spread = jnp.asarray(_SPREAD)
    zeros_blk = jnp.zeros((ZROWS, TW), jnp.float32)

    t1, s1a = _pre_call(x, wall, A1p, A2p, Pmat, Spread)
    acc1 = _edge_pass(t1, s1a, edges, zeros_blk)
    t2, s1b = _mid_call(acc1, W_out, A1o, A2o, Pmat, Spread)
    acc2 = _edge_pass(t2, s1b, edges, zeros_blk)
    return _post_call(acc2)

# --- scband reference (transcript-rebuilt; emitter-appended) ---
"""Pipeline reference for scband-sp-gat-9998683865674 (READ-ONLY COPY).

The authoritative reference and input builder live on the scoring server;
editing this copy changes nothing except your own understanding.
"""

import jax, jax.numpy as jnp
import numpy as np

N_NODES = 10000
N_EDGES = 320000
NFEAT = 128
NHID = 16
NHEADS = 8
ALPHA = 0.2


def setup_inputs(seed: int = 0) -> dict:
    key = jax.random.key(seed)
    ks = jax.random.split(key, 8)
    entity_embeddings = jax.random.normal(ks[0], (N_NODES, NFEAT), dtype=jnp.float32)
    edge_list = jax.random.randint(ks[1], (2, N_EDGES), 0, N_NODES)
    Corpus_ = jnp.zeros((1,), dtype=jnp.int32)
    batch_inputs = jax.random.randint(ks[2], (1024, 3), 0, N_NODES)
    # Learned parameters: per-head W [nfeat, nhid], a [1, 2*nhid]; out layer on nheads*nhid dims
    W = jax.random.normal(ks[3], (NHEADS, NFEAT, NHID), dtype=jnp.float32) * (1.0 / np.sqrt(NFEAT))
    a = jax.random.normal(ks[4], (NHEADS, 1, 2 * NHID), dtype=jnp.float32) * 0.1
    W_out = jax.random.normal(ks[5], (NHEADS * NHID, NHEADS * NHID), dtype=jnp.float32) * (1.0 / np.sqrt(NHEADS * NHID))
    a_out = jax.random.normal(ks[6], (1, 2 * NHEADS * NHID), dtype=jnp.float32) * 0.1
    return {
        "Corpus_": Corpus_,
        "batch_inputs": batch_inputs,
        "entity_embeddings": entity_embeddings,
        "edge_list": edge_list,
        "W": W,
        "a": a,
        "W_out": W_out,
        "a_out": a_out,
    }


def _sp_attention(x, edge, W, a, alpha, concat):
    # Faithful jax port of SpGraphAttentionLayer (sparse GAT layer):
    #   h = x @ W
    #   edge_h = [h[src] || h[dst]]  ([E, 2*D])
    #   edge_e = exp(-leakyrelu(a @ edge_h^T))
    #   e_rowsum = spmm(edge, edge_e, ones[N,1])   -> segment_sum over src
    #   h_prime  = spmm(edge, edge_e, h)           -> segment_sum(edge_e * h[dst]) over src
    #   h_prime /= e_rowsum ; elu if concat
    N = x.shape[0]
    h = x @ W
    src = edge[0]
    dst = edge[1]
    edge_h = jnp.concatenate([h[src], h[dst]], axis=1)  # [E, 2D]
    score = (edge_h @ a.T)[:, 0]  # [E]
    edge_e = jnp.exp(-jax.nn.leaky_relu(score, negative_slope=alpha))  # [E]
    e_rowsum = jax.ops.segment_sum(edge_e, src, num_segments=N)  # [N]
    h_prime = jax.ops.segment_sum(edge_e[:, None] * h[dst], src, num_segments=N)  # [N, D]
    h_prime = h_prime / (e_rowsum[:, None] + 1e-16)
    if concat:
        return jax.nn.elu(h_prime)
    return h_prime


def reference(Corpus_, batch_inputs, entity_embeddings, edge_list, W, a, W_out, a_out):
    # SpGAT.forward (dropout is identity in eval / p=0.0)
    heads = [
        _sp_attention(entity_embeddings, edge_list, W[i], a[i], ALPHA, True)
        for i in range(NHEADS)
    ]
    x = jnp.concatenate(heads, axis=1)  # [N, nheads*nhid]
    x = jax.nn.elu(_sp_attention(x, edge_list, W_out, a_out, ALPHA, False))
    return x

if __name__ == "__main__":
    import jax
    _d = setup_inputs()
    print(jax.jit(kernel)(*tuple(_d.values())))

</pallas_src>

<mosaic_0001>
#map = affine_map<(d0, d1) -> (0, 0)>
#map1 = affine_map<(d0, d1) -> (0, 0, 0)>
module attributes {stable_mosaic.version = 14 : i64} {
  func.func @_edge_pass_body(%arg0: i32, %arg1: i32, %arg2: memref<10000x160xbf16, #tpu.memory_space<hbm>>, %arg3: memref<10000x16xf32, #tpu.memory_space<hbm>>, %arg4: memref<2x4000x80xi32, #tpu.memory_space<hbm>>, %arg5: memref<632x136xf32, #tpu.memory_space<hbm>>, %arg6: memref<2x10112x136xf32, #tpu.memory_space<hbm>>, %arg7: memref<25x80xi32, #tpu.memory_space<vmem>>, %arg8: memref<25x80xi32, #tpu.memory_space<vmem>>, %arg9: memref<80x160xbf16, #tpu.memory_space<vmem>>, %arg10: memref<80x160xbf16, #tpu.memory_space<vmem>>, %arg11: memref<80x16xf32, #tpu.memory_space<vmem>>, %arg12: memref<80x16xf32, #tpu.memory_space<vmem>>, %arg13: memref<80x136xf32, #tpu.memory_space<vmem>>, %arg14: memref<80x136xf32, #tpu.memory_space<vmem>>, %arg15: memref<10112x136xf32, #tpu.memory_space<vmem_shared>>, %arg16: memref<!tpu.dma_semaphore, #tpu.memory_space<semaphore_mem>>, %arg17: memref<!tpu.dma_semaphore, #tpu.memory_space<semaphore_mem>>, %arg18: memref<!tpu.dma_semaphore, #tpu.memory_space<semaphore_mem>>, %arg19: memref<!tpu.dma_semaphore, #tpu.memory_space<semaphore_mem>>, %arg20: memref<!tpu.dma_semaphore, #tpu.memory_space<semaphore_mem>>, %arg21: memref<!tpu.dma_semaphore, #tpu.memory_space<semaphore_mem>>) attributes {dimension_semantics = [#tpu.dimension_semantics<core_parallel>, #tpu.dimension_semantics<subcore_parallel>], iteration_bounds = array<i64: 2, 16>, scalar_prefetch = 0 : i64, scratch_operands = 15 : i64, tpu.core_type = #tpu.core_type<sc_vector_subcore>, window_params = [{transform_indices = #map}, {transform_indices = #map}, {transform_indices = #map1}, {transform_indices = #map}, {transform_indices = #map1}]} {
    %mul3A = arith.constant 16 : i32
    %mul3A_0 = arith.muli %arg0, %mul3A : i32
    %add3A = arith.addi %mul3A_0, %arg1 : i32
    %mul3A_1 = arith.constant 125 : i32
    %mul3A_2 = arith.muli %add3A, %mul3A_1 : i32
    %mul3A_3 = arith.constant 632 : i32
    %mul3A_4 = arith.muli %arg1, %mul3A_3 : i32
    %multiple_of3A = tpu.assume_multiple %mul3A_4, 632 : i32
    "tpu.region"() ({
      %run_scoped3A = tpu.sem_alloc : memref<!tpu.dma_semaphore, #tpu.memory_space<semaphore_mem>>
      %dma_start3A = arith.constant 0 : i32
      %dma_start3A_11 = tpu.memref_slice %arg15[%multiple_of3A, %dma_start3A] : memref<10112x136xf32, #tpu.memory_space<vmem_shared>> -> memref<632x136xf32, #tpu.memory_space<vmem_shared>>
      tpu.enqueue_dma source(%arg5 : memref<632x136xf32, #tpu.memory_space<hbm>>) target(%dma_start3A_11 : memref<632x136xf32, #tpu.memory_space<vmem_shared>>) target_semaphore(%run_scoped3A : memref<!tpu.dma_semaphore, #tpu.memory_space<semaphore_mem>>)
      %dma_wait3A = arith.constant 0 : i32
      %dma_wait3A_12 = tpu.memref_slice %arg15[%multiple_of3A, %dma_wait3A] : memref<10112x136xf32, #tpu.memory_space<vmem_shared>> -> memref<632x136xf32, #tpu.memory_space<vmem_shared>>
      tpu.wait_dma2 semaphore(%run_scoped3A : memref<!tpu.dma_semaphore, #tpu.memory_space<semaphore_mem>>) src(%arg5 : memref<632x136xf32, #tpu.memory_space<hbm>>) dst(%dma_wait3A_12 : memref<632x136xf32, #tpu.memory_space<vmem_shared>>)
      tpu.yield
    }) : () -> ()
    %barrier3A = arith.constant 0 : index
    tpu.barrier barrier_id(%barrier3A)
    %scan3A = arith.constant 0 : i32
    %scan3A_5 = arith.constant 0 : i32
    %scan3A_6 = arith.constant 5 : i32
    %scan3A_7 = arith.addi %scan3A_5, %scan3A_6 : i32
    %scan3A_8 = arith.constant 1 : i32
    scf.for %scan3A_11 = %scan3A_5 to %scan3A_7 step %scan3A_8  : i32 {
      %mul3A_12 = arith.constant 25 : i32
      %mul3A_13 = arith.muli %scan3A_11, %mul3A_12 : i32
      %add3A_14 = arith.addi %mul3A_2, %mul3A_13 : i32
      %run_scoped3A = arith.constant 0 : i32
      "tpu.region"() ({
        %run_scoped3A_92 = tpu.sem_alloc : memref<!tpu.dma_semaphore, #tpu.memory_space<semaphore_mem>>
        %dma_start3A_93 = arith.constant 0 : i32
        %dma_start3A_94 = tpu.memref_slice %arg4[%run_scoped3A, %add3A_14, %dma_start3A_93] : memref<2x4000x80xi32, #tpu.memory_space<hbm>> -> memref<1x25x80xi32, #tpu.memory_space<hbm>>
        %dma_start3A_95 = tpu.memref_squeeze %dma_start3A_94 : memref<1x25x80xi32, #tpu.memory_space<hbm>> -> memref<25x80xi32, #tpu.memory_space<hbm>>
        %dma_start3A_96 = arith.constant 0 : i32
        %dma_start3A_97 = tpu.memref_slice %arg4[%run_scoped3A, %add3A_14, %dma_start3A_96] : memref<2x4000x80xi32, #tpu.memory_space<hbm>> -> memref<1x25x80xi32, #tpu.memory_space<hbm>>
        %dma_start3A_98 = tpu.memref_squeeze %dma_start3A_97 : memref<1x25x80xi32, #tpu.memory_space<hbm>> -> memref<25x80xi32, #tpu.memory_space<hbm>>
        tpu.enqueue_dma source(%dma_start3A_98 : memref<25x80xi32, #tpu.memory_space<hbm>>) target(%arg7 : memref<25x80xi32, #tpu.memory_space<vmem>>) target_semaphore(%run_scoped3A_92 : memref<!tpu.dma_semaphore, #tpu.memory_space<semaphore_mem>>)
        %dma_wait3A_99 = arith.constant 0 : i32
        %dma_wait3A_100 = tpu.memref_slice %arg4[%run_scoped3A, %add3A_14, %dma_wait3A_99] : memref<2x4000x80xi32, #tpu.memory_space<hbm>> -> memref<1x25x80xi32, #tpu.memory_space<hbm>>
        %dma_wait3A_101 = tpu.memref_squeeze %dma_wait3A_100 : memref<1x25x80xi32, #tpu.memory_space<hbm>> -> memref<25x80xi32, #tpu.memory_space<hbm>>
        %dma_wait3A_102 = arith.constant 0 : i32
        %dma_wait3A_103 = tpu.memref_slice %arg4[%run_scoped3A, %add3A_14, %dma_wait3A_102] : memref<2x4000x80xi32, #tpu.memory_space<hbm>> -> memref<1x25x80xi32, #tpu.memory_space<hbm>>
        %dma_wait3A_104 = tpu.memref_squeeze %dma_wait3A_103 : memref<1x25x80xi32, #tpu.memory_space<hbm>> -> memref<25x80xi32, #tpu.memory_space<hbm>>
        tpu.wait_dma2 semaphore(%run_scoped3A_92 : memref<!tpu.dma_semaphore, #tpu.memory_space<semaphore_mem>>) src(%dma_wait3A_104 : memref<25x80xi32, #tpu.memory_space<hbm>>) dst(%arg7 : memref<25x80xi32, #tpu.memory_space<vmem>>)
        tpu.yield
      }) : () -> ()
      %run_scoped3A_15 = arith.constant 1 : i32
      "tpu.region"() ({
        %run_scoped3A_92 = tpu.sem_alloc : memref<!tpu.dma_semaphore, #tpu.memory_space<semaphore_mem>>
        %dma_start3A_93 = arith.constant 0 : i32
        %dma_start3A_94 = tpu.memref_slice %arg4[%run_scoped3A_15, %add3A_14, %dma_start3A_93] : memref<2x4000x80xi32, #tpu.memory_space<hbm>> -> memref<1x25x80xi32, #tpu.memory_space<hbm>>
        %dma_start3A_95 = tpu.memref_squeeze %dma_start3A_94 : memref<1x25x80xi32, #tpu.memory_space<hbm>> -> memref<25x80xi32, #tpu.memory_space<hbm>>
        %dma_start3A_96 = arith.constant 0 : i32
        %dma_start3A_97 = tpu.memref_slice %arg4[%run_scoped3A_15, %add3A_14, %dma_start3A_96] : memref<2x4000x80xi32, #tpu.memory_space<hbm>> -> memref<1x25x80xi32, #tpu.memory_space<hbm>>
        %dma_start3A_98 = tpu.memref_squeeze %dma_start3A_97 : memref<1x25x80xi32, #tpu.memory_space<hbm>> -> memref<25x80xi32, #tpu.memory_space<hbm>>
        tpu.enqueue_dma source(%dma_start3A_98 : memref<25x80xi32, #tpu.memory_space<hbm>>) target(%arg8 : memref<25x80xi32, #tpu.memory_space<vmem>>) target_semaphore(%run_scoped3A_92 : memref<!tpu.dma_semaphore, #tpu.memory_space<semaphore_mem>>)
        %dma_wait3A_99 = arith.constant 0 : i32
        %dma_wait3A_100 = tpu.memref_slice %arg4[%run_scoped3A_15, %add3A_14, %dma_wait3A_99] : memref<2x4000x80xi32, #tpu.memory_space<hbm>> -> memref<1x25x80xi32, #tpu.memory_space<hbm>>
        %dma_wait3A_101 = tpu.memref_squeeze %dma_wait3A_100 : memref<1x25x80xi32, #tpu.memory_space<hbm>> -> memref<25x80xi32, #tpu.memory_space<hbm>>
        %dma_wait3A_102 = arith.constant 0 : i32
        %dma_wait3A_103 = tpu.memref_slice %arg4[%run_scoped3A_15, %add3A_14, %dma_wait3A_102] : memref<2x4000x80xi32, #tpu.memory_space<hbm>> -> memref<1x25x80xi32, #tpu.memory_space<hbm>>
        %dma_wait3A_104 = tpu.memref_squeeze %dma_wait3A_103 : memref<1x25x80xi32, #tpu.memory_space<hbm>> -> memref<25x80xi32, #tpu.memory_space<hbm>>
        tpu.wait_dma2 semaphore(%run_scoped3A_92 : memref<!tpu.dma_semaphore, #tpu.memory_space<semaphore_mem>>) src(%dma_wait3A_104 : memref<25x80xi32, #tpu.memory_space<hbm>>) dst(%arg8 : memref<25x80xi32, #tpu.memory_space<vmem>>)
        tpu.yield
      }) : () -> ()
      %dma_start3A = arith.constant 0 : i32
      %dma_start3A_16 = arith.constant 0 : i32
      %dma_start3A_17 = tpu.memref_slice %arg8[%dma_start3A, %dma_start3A_16] : memref<25x80xi32, #tpu.memory_space<vmem>> -> memref<1x80xi32, #tpu.memory_space<vmem>>
      %dma_start3A_18 = tpu.memref_squeeze %dma_start3A_17 : memref<1x80xi32, #tpu.memory_space<vmem>> -> memref<80xi32, #tpu.memory_space<vmem>>
      %dma_start3A_19 = arith.constant 0 : i32
      %dma_start3A_20 = arith.constant 0 : i32
      %dma_start3A_21 = tpu.memref_slice %arg2[%dma_start3A_19, %dma_start3A_20] : memref<10000x160xbf16, #tpu.memory_space<hbm>> -> memref<10000x160xbf16, #tpu.memory_space<hbm>>
      tpu.enqueue_indirect_dma source(%dma_start3A_21 : memref<10000x160xbf16, #tpu.memory_space<hbm>>) target(%arg9 : memref<80x160xbf16, #tpu.memory_space<vmem>>) offsets(%dma_start3A_18 : memref<80xi32, #tpu.memory_space<vmem>>) semaphore(%arg16 : memref<!tpu.dma_semaphore, #tpu.memory_space<semaphore_mem>>)
      %dma_start3A_22 = arith.constant 0 : i32
      %dma_start3A_23 = arith.constant 0 : i32
      %dma_start3A_24 = tpu.memref_slice %arg7[%dma_start3A_22, %dma_start3A_23] : memref<25x80xi32, #tpu.memory_space<vmem>> -> memref<1x80xi32, #tpu.memory_space<vmem>>
      %dma_start3A_25 = tpu.memref_squeeze %dma_start3A_24 : memref<1x80xi32, #tpu.memory_space<vmem>> -> memref<80xi32, #tpu.memory_space<vmem>>
      %dma_start3A_26 = arith.constant 0 : i32
      %dma_start3A_27 = arith.constant 0 : i32
      %dma_start3A_28 = tpu.memref_slice %arg3[%dma_start3A_26, %dma_start3A_27] : memref<10000x16xf32, #tpu.memory_space<hbm>> -> memref<10000x16xf32, #tpu.memory_space<hbm>>
      tpu.enqueue_indirect_dma source(%dma_start3A_28 : memref<10000x16xf32, #tpu.memory_space<hbm>>) target(%arg11 : memref<80x16xf32, #tpu.memory_space<vmem>>) offsets(%dma_start3A_25 : memref<80xi32, #tpu.memory_space<vmem>>) semaphore(%arg18 : memref<!tpu.dma_semaphore, #tpu.memory_space<semaphore_mem>>)
      %dma_start3A_29 = arith.constant 1 : i32
      %dma_start3A_30 = arith.constant 0 : i32
      %dma_start3A_31 = tpu.memref_slice %arg8[%dma_start3A_29, %dma_start3A_30] : memref<25x80xi32, #tpu.memory_space<vmem>> -> memref<1x80xi32, #tpu.memory_space<vmem>>
      %dma_start3A_32 = tpu.memref_squeeze %dma_start3A_31 : memref<1x80xi32, #tpu.memory_space<vmem>> -> memref<80xi32, #tpu.memory_space<vmem>>
      %dma_start3A_33 = arith.constant 0 : i32
      %dma_start3A_34 = arith.constant 0 : i32
      %dma_start3A_35 = tpu.memref_slice %arg2[%dma_start3A_33, %dma_start3A_34] : memref<10000x160xbf16, #tpu.memory_space<hbm>> -> memref<10000x160xbf16, #tpu.memory_space<hbm>>
      tpu.enqueue_indirect_dma source(%dma_start3A_35 : memref<10000x160xbf16, #tpu.memory_space<hbm>>) target(%arg10 : memref<80x160xbf16, #tpu.memory_space<vmem>>) offsets(%dma_start3A_32 : memref<80xi32, #tpu.memory_space<vmem>>) semaphore(%arg17 : memref<!tpu.dma_semaphore, #tpu.memory_space<semaphore_mem>>)
      %dma_start3A_36 = arith.constant 1 : i32
      %dma_start3A_37 = arith.constant 0 : i32
      %dma_start3A_38 = tpu.memref_slice %arg7[%dma_start3A_36, %dma_start3A_37] : memref<25x80xi32, #tpu.memory_space<vmem>> -> memref<1x80xi32, #tpu.memory_space<vmem>>
      %dma_start3A_39 = tpu.memref_squeeze %dma_start3A_38 : memref<1x80xi32, #tpu.memory_space<vmem>> -> memref<80xi32, #tpu.memory_space<vmem>>
      %dma_start3A_40 = arith.constant 0 : i32
      %dma_start3A_41 = arith.constant 0 : i32
      %dma_start3A_42 = tpu.memref_slice %arg3[%dma_start3A_40, %dma_start3A_41] : memref<10000x16xf32, #tpu.memory_space<hbm>> -> memref<10000x16xf32, #tpu.memory_space<hbm>>
      tpu.enqueue_indirect_dma source(%dma_start3A_42 : memref<10000x16xf32, #tpu.memory_space<hbm>>) target(%arg12 : memref<80x16xf32, #tpu.memory_space<vmem>>) offsets(%dma_start3A_39 : memref<80xi32, #tpu.memory_space<vmem>>) semaphore(%arg19 : memref<!tpu.dma_semaphore, #tpu.memory_space<semaphore_mem>>)
      %scan3A_43 = arith.constant 0 : i32
      %scan3A_44 = arith.constant 0 : i32
      %scan3A_45 = arith.constant 12 : i32
      %scan3A_46 = arith.addi %scan3A_44, %scan3A_45 : i32
      %scan3A_47 = arith.constant 1 : i32
      scf.for %scan3A_92 = %scan3A_44 to %scan3A_46 step %scan3A_47  : i32 {
        %mul3A_93 = arith.constant 2 : i32
        %mul3A_94 = arith.muli %mul3A_93, %scan3A_92 : i32
        %add3A_95 = arith.constant 0 : i32
        %add3A_96 = arith.addi %mul3A_94, %add3A_95 : i32
        %dma_wait3A_97 = arith.constant 0 : i32
        %dma_wait3A_98 = tpu.memref_slice %arg8[%add3A_96, %dma_wait3A_97] : memref<25x80xi32, #tpu.memory_space<vmem>> -> memref<1x80xi32, #tpu.memory_space<vmem>>
        %dma_wait3A_99 = tpu.memref_squeeze %dma_wait3A_98 : memref<1x80xi32, #tpu.memory_space<vmem>> -> memref<80xi32, #tpu.memory_space<vmem>>
        %dma_wait3A_100 = arith.constant 0 : i32
        %dma_wait3A_101 = arith.constant 0 : i32
        %dma_wait3A_102 = tpu.memref_slice %arg2[%dma_wait3A_100, %dma_wait3A_101] : memref<10000x160xbf16, #tpu.memory_space<hbm>> -> memref<10000x160xbf16, #tpu.memory_space<hbm>>
        tpu.wait_indirect_dma semaphore(%arg16 : memref<!tpu.dma_semaphore, #tpu.memory_space<semaphore_mem>>) src(%dma_wait3A_102 : memref<10000x160xbf16, #tpu.memory_space<hbm>>) dst(%arg9 : memref<80x160xbf16, #tpu.memory_space<vmem>>)
        %dma_wait3A_103 = arith.constant 0 : i32
        %dma_wait3A_104 = tpu.memref_slice %arg7[%add3A_96, %dma_wait3A_103] : memref<25x80xi32, #tpu.memory_space<vmem>> -> memref<1x80xi32, #tpu.memory_space<vmem>>
        %dma_wait3A_105 = tpu.memref_squeeze %dma_wait3A_104 : memref<1x80xi32, #tpu.memory_space<vmem>> -> memref<80xi32, #tpu.memory_space<vmem>>
        %dma_wait3A_106 = arith.constant 0 : i32
        %dma_wait3A_107 = arith.constant 0 : i32
        %dma_wait3A_108 = tpu.memref_slice %arg3[%dma_wait3A_106, %dma_wait3A_107] : memref<10000x16xf32, #tpu.memory_space<hbm>> -> memref<10000x16xf32, #tpu.memory_space<hbm>>
        tpu.wait_indirect_dma semaphore(%arg18 : memref<!tpu.dma_semaphore, #tpu.memory_space<semaphore_mem>>) src(%dma_wait3A_108 : memref<10000x16xf32, #tpu.memory_space<hbm>>) dst(%arg11 : memref<80x16xf32, #tpu.memory_space<vmem>>)
        %ge3A = arith.constant 2 : i32
        %ge3A_109 = arith.cmpi sge, %add3A_96, %ge3A : i32
        %convert_element_type3A = arith.extui %ge3A_109 : i1 to i32
        %cond3A = arith.constant 0 : i32
        %cond3A_110 = arith.cmpi ne, %convert_element_type3A, %cond3A : i32
        scf.if %cond3A_110 {
          %sub3A = arith.constant 2 : i32
          %sub3A_163 = arith.subi %add3A_96, %sub3A : i32
          %dma_wait3A_164 = arith.constant 0 : i32
          %dma_wait3A_165 = tpu.memref_slice %arg7[%sub3A_163, %dma_wait3A_164] : memref<25x80xi32, #tpu.memory_space<vmem>> -> memref<1x80xi32, #tpu.memory_space<vmem>>
          %dma_wait3A_166 = tpu.memref_squeeze %dma_wait3A_165 : memref<1x80xi32, #tpu.memory_space<vmem>> -> memref<80xi32, #tpu.memory_space<vmem>>
          %dma_wait3A_167 = arith.constant 0 : i32
          %dma_wait3A_168 = arith.constant 0 : i32
          %dma_wait3A_169 = tpu.memref_slice %arg15[%dma_wait3A_167, %dma_wait3A_168] : memref<10112x136xf32, #tpu.memory_space<vmem_shared>> -> memref<10112x136xf32, #tpu.memory_space<vmem_shared>>
          tpu.wait_indirect_dma semaphore(%arg20 : memref<!tpu.dma_semaphore, #tpu.memory_space<semaphore_mem>>) src(%arg13 : memref<80x136xf32, #tpu.memory_space<vmem>>) dst(%dma_wait3A_169 : memref<10112x136xf32, #tpu.memory_space<vmem_shared>>)
        } else {
        }
        %parallel_loop3A_111 = arith.constant 0 : i32
        %parallel_loop3A_112 = arith.constant 80 : i32
        %parallel_loop3A_113 = arith.constant 1 : i32
        scf.for %parallel_loop3A_163 = %parallel_loop3A_111 to %parallel_loop3A_112 step %parallel_loop3A_113  : i32 {
          %parallel_loop3A_164 = arith.index_cast %parallel_loop3A_163 : i32 to index
          %parallel_loop3A_165 = arith.constant 0 : index
          %parallel_loop3A_166 = tpu.vector_load %arg11[%parallel_loop3A_164, %parallel_loop3A_165] {strides = array<i32>} : memref<80x16xf32, #tpu.memory_space<vmem>>, vector<16xf32>,
          %parallel_loop3A_167 = arith.index_cast %parallel_loop3A_163 : i32 to index
          %parallel_loop3A_168 = arith.constant 128 : index
          %parallel_loop3A_169 = tpu.vector_load %arg9[%parallel_loop3A_167, %parallel_loop3A_168] {strides = array<i32>} : memref<80x160xbf16, #tpu.memory_space<vmem>>, vector<32xbf16>,
          %parallel_loop3A_170 = tpu.unpack_subelements %parallel_loop3A_169, 0 {pack_format = #tpu.pack_format<interleaved>} : vector<32xbf16> -> vector<16xf32>
          %parallel_loop3A_171 = tpu.unpack_subelements %parallel_loop3A_169, 1 {pack_format = #tpu.pack_format<interleaved>} : vector<32xbf16> -> vector<16xf32>
          %parallel_loop3A_172 = arith.addf %parallel_loop3A_166, %parallel_loop3A_170 : vector<16xf32>
          %parallel_loop3A_173 = arith.constant 2.000000e-01 : f32
          %parallel_loop3A_174 = vector.broadcast %parallel_loop3A_173 : f32 to vector<16xf32>
          %parallel_loop3A_175 = arith.mulf %parallel_loop3A_174, %parallel_loop3A_172 : vector<16xf32>
          %parallel_loop3A_176 = arith.maximumf %parallel_loop3A_172, %parallel_loop3A_175 : vector<16xf32>
          %parallel_loop3A_177 = arith.constant 0.000000e+00 : f32
          %parallel_loop3A_178 = vector.broadcast %parallel_loop3A_177 : f32 to vector<16xf32>
          %parallel_loop3A_179 = arith.subf %parallel_loop3A_178, %parallel_loop3A_176 : vector<16xf32>
          %parallel_loop3A_180 = math.exp %parallel_loop3A_179 : vector<16xf32>
          %parallel_loop3A_181 = tpu.iota {dimensions = array<i32: 0>} : vector<16xi32>
          %parallel_loop3A_182 = arith.constant 8 : i32
          %parallel_loop3A_183 = vector.broadcast %parallel_loop3A_182 : i32 to vector<16xi32>
          %parallel_loop3A_184 = arith.subi %parallel_loop3A_181, %parallel_loop3A_183 : vector<16xi32>
          %parallel_loop3A_185 = arith.constant 0 : i32
          %parallel_loop3A_186 = vector.broadcast %parallel_loop3A_185 : i32 to vector<16xi32>
          %parallel_loop3A_187 = arith.maxsi %parallel_loop3A_184, %parallel_loop3A_186 : vector<16xi32>
          %parallel_loop3A_188 = vector.shape_cast %parallel_loop3A_187 : vector<16xi32> to vector<16x1xi32>
          %parallel_loop3A_189 = vector.shape_cast %parallel_loop3A_188 : vector<16x1xi32> to vector<16xi32>
          %parallel_loop3A_190 = tpu.dynamic_gather %parallel_loop3A_180[%parallel_loop3A_189] in [0] : vector<16xf32>, vector<16xi32> -> vector<16xf32>
          %parallel_loop3A_191 = arith.index_cast %parallel_loop3A_163 : i32 to index
          %parallel_loop3A_192 = arith.constant 112 : index
          %parallel_loop3A_193 = tpu.vector_load %arg13[%parallel_loop3A_191, %parallel_loop3A_192] {strides = array<i32>} : memref<80x136xf32, #tpu.memory_space<vmem>>, vector<16xf32>,
          tpu.vector_store %arg13[%parallel_loop3A_191, %parallel_loop3A_192], %parallel_loop3A_190 {strides = array<i32>} : memref<80x136xf32, #tpu.memory_space<vmem>>, vector<16xf32>,
          %parallel_loop3A_194 = arith.index_cast %parallel_loop3A_163 : i32 to index
          %parallel_loop3A_195 = arith.constant 0 : index
          %parallel_loop3A_196 = tpu.vector_load %arg9[%parallel_loop3A_194, %parallel_loop3A_195] {strides = array<i32>} : memref<80x160xbf16, #tpu.memory_space<vmem>>, vector<32xbf16>,
          %parallel_loop3A_197 = tpu.unpack_subelements %parallel_loop3A_196, 0 {pack_format = #tpu.pack_format<interleaved>} : vector<32xbf16> -> vector<16xf32>
          %parallel_loop3A_198 = tpu.unpack_subelements %parallel_loop3A_196, 1 {pack_format = #tpu.pack_format<interleaved>} : vector<32xbf16> -> vector<16xf32>
          %parallel_loop3A_199 = arith.constant 0 : i32
          %parallel_loop3A_200 = vector.broadcast %parallel_loop3A_199 : i32 to vector<16xi32>
          %parallel_loop3A_201 = vector.shape_cast %parallel_loop3A_200 : vector<16xi32> to vector<16x1xi32>
          %parallel_loop3A_202 = vector.shape_cast %parallel_loop3A_201 : vector<16x1xi32> to vector<16xi32>
          %parallel_loop3A_203 = tpu.dynamic_gather %parallel_loop3A_180[%parallel_loop3A_202] in [0] : vector<16xf32>, vector<16xi32> -> vector<16xf32>
          %parallel_loop3A_204 = arith.mulf %parallel_loop3A_203, %parallel_loop3A_197 : vector<16xf32>
          %parallel_loop3A_205 = arith.index_cast %parallel_loop3A_163 : i32 to index
          %parallel_loop3A_206 = arith.constant 0 : index
          %parallel_loop3A_207 = tpu.vector_load %arg13[%parallel_loop3A_205, %parallel_loop3A_206] {strides = array<i32>} : memref<80x136xf32, #tpu.memory_space<vmem>>, vector<16xf32>,
          tpu.vector_store %arg13[%parallel_loop3A_205, %parallel_loop3A_206], %parallel_loop3A_204 {strides = array<i32>} : memref<80x136xf32, #tpu.memory_space<vmem>>, vector<16xf32>,
          %parallel_loop3A_208 = arith.constant 1 : i32
          %parallel_loop3A_209 = vector.broadcast %parallel_loop3A_208 : i32 to vector<16xi32>
          %parallel_loop3A_210 = vector.shape_cast %parallel_loop3A_209 : vector<16xi32> to vector<16x1xi32>
          %parallel_loop3A_211 = vector.shape_cast %parallel_loop3A_210 : vector<16x1xi32> to vector<16xi32>
          %parallel_loop3A_212 = tpu.dynamic_gather %parallel_loop3A_180[%parallel_loop3A_211] in [0] : vector<16xf32>, vector<16xi32> -> vector<16xf32>
          %parallel_loop3A_213 = arith.mulf %parallel_loop3A_212, %parallel_loop3A_198 : vector<16xf32>
          %parallel_loop3A_214 = arith.index_cast %parallel_loop3A_163 : i32 to index
          %parallel_loop3A_215 = arith.constant 16 : index
          %parallel_loop3A_216 = tpu.vector_load %arg13[%parallel_loop3A_214, %parallel_loop3A_215] {strides = array<i32>} : memref<80x136xf32, #tpu.memory_space<vmem>>, vector<16xf32>,
          tpu.vector_store %arg13[%parallel_loop3A_214, %parallel_loop3A_215], %parallel_loop3A_213 {strides = array<i32>} : memref<80x136xf32, #tpu.memory_space<vmem>>, vector<16xf32>,
          %parallel_loop3A_217 = arith.index_cast %parallel_loop3A_163 : i32 to index
          %parallel_loop3A_218 = arith.constant 32 : index
          %parallel_loop3A_219 = tpu.vector_load %arg9[%parallel_loop3A_217, %parallel_loop3A_218] {strides = array<i32>} : memref<80x160xbf16, #tpu.memory_space<vmem>>, vector<32xbf16>,
          %parallel_loop3A_220 = tpu.unpack_subelements %parallel_loop3A_219, 0 {pack_format = #tpu.pack_format<interleaved>} : vector<32xbf16> -> vector<16xf32>
          %parallel_loop3A_221 = tpu.unpack_subelements %parallel_loop3A_219, 1 {pack_format = #tpu.pack_format<interleaved>} : vector<32xbf16> -> vector<16xf32>
          %parallel_loop3A_222 = arith.constant 2 : i32
          %parallel_loop3A_223 = vector.broadcast %parallel_loop3A_222 : i32 to vector<16xi32>
          %parallel_loop3A_224 = vector.shape_cast %parallel_loop3A_223 : vector<16xi32> to vector<16x1xi32>
          %parallel_loop3A_225 = vector.shape_cast %parallel_loop3A_224 : vector<16x1xi32> to vector<16xi32>
          %parallel_loop3A_226 = tpu.dynamic_gather %parallel_loop3A_180[%parallel_loop3A_225] in [0] : vector<16xf32>, vector<16xi32> -> vector<16xf32>
          %parallel_loop3A_227 = arith.mulf %parallel_loop3A_226, %parallel_loop3A_220 : vector<16xf32>
          %parallel_loop3A_228 = arith.index_cast %parallel_loop3A_163 : i32 to index
          %parallel_loop3A_229 = arith.constant 32 : index
          %parallel_loop3A_230 = tpu.vector_load %arg13[%parallel_loop3A_228, %parallel_loop3A_229] {strides = array<i32>} : memref<80x136xf32, #tpu.memory_space<vmem>>, vector<16xf32>,
          tpu.vector_store %arg13[%parallel_loop3A_228, %parallel_loop3A_229], %parallel_loop3A_227 {strides = array<i32>} : memref<80x136xf32, #tpu.memory_space<vmem>>, vector<16xf32>,
          %parallel_loop3A_231 = arith.constant 3 : i32
          %parallel_loop3A_232 = vector.broadcast %parallel_loop3A_231 : i32 to vector<16xi32>
          %parallel_loop3A_233 = vector.shape_cast %parallel_loop3A_232 : vector<16xi32> to vector<16x1xi32>
          %parallel_loop3A_234 = vector.shape_cast %parallel_loop3A_233 : vector<16x1xi32> to vector<16xi32>
          %parallel_loop3A_235 = tpu.dynamic_gather %parallel_loop3A_180[%parallel_loop3A_234] in [0] : vector<16xf32>, vector<16xi32> -> vector<16xf32>
          %parallel_loop3A_236 = arith.mulf %parallel_loop3A_235, %parallel_loop3A_221 : vector<16xf32>
          %parallel_loop3A_237 = arith.index_cast %parallel_loop3A_163 : i32 to index
          %parallel_loop3A_238 = arith.constant 48 : index
          %parallel_loop3A_239 = tpu.vector_load %arg13[%parallel_loop3A_237, %parallel_loop3A_238] {strides = array<i32>} : memref<80x136xf32, #tpu.memory_space<vmem>>, vector<16xf32>,
          tpu.vector_store %arg13[%parallel_loop3A_237, %parallel_loop3A_238], %parallel_loop3A_236 {strides = array<i32>} : memref<80x136xf32, #tpu.memory_space<vmem>>, vector<16xf32>,
          %parallel_loop3A_240 = arith.index_cast %parallel_loop3A_163 : i32 to index
          %parallel_loop3A_241 = arith.constant 64 : index
          %parallel_loop3A_242 = tpu.vector_load %arg9[%parallel_loop3A_240, %parallel_loop3A_241] {strides = array<i32>} : memref<80x160xbf16, #tpu.memory_space<vmem>>, vector<32xbf16>,
          %parallel_loop3A_243 = tpu.unpack_subelements %parallel_loop3A_242, 0 {pack_format = #tpu.pack_format<interleaved>} : vector<32xbf16> -> vector<16xf32>
          %parallel_loop3A_244 = tpu.unpack_subelements %parallel_loop3A_242, 1 {pack_format = #tpu.pack_format<interleaved>} : vector<32xbf16> -> vector<16xf32>
          %parallel_loop3A_245 = arith.constant 4 : i32
          %parallel_loop3A_246 = vector.broadcast %parallel_loop3A_245 : i32 to vector<16xi32>
          %parallel_loop3A_247 = vector.shape_cast %parallel_loop3A_246 : vector<16xi32> to vector<16x1xi32>
          %parallel_loop3A_248 = vector.shape_cast %parallel_loop3A_247 : vector<16x1xi32> to vector<16xi32>
          %parallel_loop3A_249 = tpu.dynamic_gather %parallel_loop3A_180[%parallel_loop3A_248] in [0] : vector<16xf32>, vector<16xi32> -> vector<16xf32>
          %parallel_loop3A_250 = arith.mulf %parallel_loop3A_249, %parallel_loop3A_243 : vector<16xf32>
          %parallel_loop3A_251 = arith.index_cast %parallel_loop3A_163 : i32 to index
          %parallel_loop3A_252 = arith.constant 64 : index
          %parallel_loop3A_253 = tpu.vector_load %arg13[%parallel_loop3A_251, %parallel_loop3A_252] {strides = array<i32>} : memref<80x136xf32, #tpu.memory_space<vmem>>, vector<16xf32>,
          tpu.vector_store %arg13[%parallel_loop3A_251, %parallel_loop3A_252], %parallel_loop3A_250 {strides = array<i32>} : memref<80x136xf32, #tpu.memory_space<vmem>>, vector<16xf32>,
          %parallel_loop3A_254 = arith.constant 5 : i32
          %parallel_loop3A_255 = vector.broadcast %parallel_loop3A_254 : i32 to vector<16xi32>
          %parallel_loop3A_256 = vector.shape_cast %parallel_loop3A_255 : vector<16xi32> to vector<16x1xi32>
          %parallel_loop3A_257 = vector.shape_cast %parallel_loop3A_256 : vector<16x1xi32> to vector<16xi32>
          %parallel_loop3A_258 = tpu.dynamic_gather %parallel_loop3A_180[%parallel_loop3A_257] in [0] : vector<16xf32>, vector<16xi32> -> vector<16xf32>
          %parallel_loop3A_259 = arith.mulf %parallel_loop3A_258, %parallel_loop3A_244 : vector<16xf32>
          %parallel_loop3A_260 = arith.index_cast %parallel_loop3A_163 : i32 to index
          %parallel_loop3A_261 = arith.constant 80 : index
          %parallel_loop3A_262 = tpu.vector_load %arg13[%parallel_loop3A_260, %parallel_loop3A_261] {strides = array<i32>} : memref<80x136xf32, #tpu.memory_space<vmem>>, vector<16xf32>,
          tpu.vector_store %arg13[%parallel_loop3A_260, %parallel_loop3A_261], %parallel_loop3A_259 {strides = array<i32>} : memref<80x136xf32, #tpu.memory_space<vmem>>, vector<16xf32>,
          %parallel_loop3A_263 = arith.index_cast %parallel_loop3A_163 : i32 to index
          %parallel_loop3A_264 = arith.constant 96 : index
          %parallel_loop3A_265 = tpu.vector_load %arg9[%parallel_loop3A_263, %parallel_loop3A_264] {strides = array<i32>} : memref<80x160xbf16, #tpu.memory_space<vmem>>, vector<32xbf16>,
          %parallel_loop3A_266 = tpu.unpack_subelements %parallel_loop3A_265, 0 {pack_format = #tpu.pack_format<interleaved>} : vector<32xbf16> -> vector<16xf32>
          %parallel_loop3A_267 = tpu.unpack_subelements %parallel_loop3A_265, 1 {pack_format = #tpu.pack_format<interleaved>} : vector<32xbf16> -> vector<16xf32>
          %parallel_loop3A_268 = arith.constant 6 : i32
          %parallel_loop3A_269 = vector.broadcast %parallel_loop3A_268 : i32 to vector<16xi32>
          %parallel_loop3A_270 = vector.shape_cast %parallel_loop3A_269 : vector<16xi32> to vector<16x1xi32>
          %parallel_loop3A_271 = vector.shape_cast %parallel_loop3A_270 : vector<16x1xi32> to vector<16xi32>
          %parallel_loop3A_272 = tpu.dynamic_gather %parallel_loop3A_180[%parallel_loop3A_271] in [0] : vector<16xf32>, vector<16xi32> -> vector<16xf32>
          %parallel_loop3A_273 = arith.mulf %parallel_loop3A_272, %parallel_loop3A_266 : vector<16xf32>
          %parallel_loop3A_274 = arith.index_cast %parallel_loop3A_163 : i32 to index
          %parallel_loop3A_275 = arith.constant 96 : index
          %parallel_loop3A_276 = tpu.vector_load %arg13[%parallel_loop3A_274, %parallel_loop3A_275] {strides = array<i32>} : memref<80x136xf32, #tpu.memory_space<vmem>>, vector<16xf32>,
          tpu.vector_store %arg13[%parallel_loop3A_274, %parallel_loop3A_275], %parallel_loop3A_273 {strides = array<i32>} : memref<80x136xf32, #tpu.memory_space<vmem>>, vector<16xf32>,
          %parallel_loop3A_277 = arith.constant 7 : i32
          %parallel_loop3A_278 = vector.broadcast %parallel_loop3A_277 : i32 to vector<16xi32>
          %parallel_loop3A_279 = vector.shape_cast %parallel_loop3A_278 : vector<16xi32> to vector<16x1xi32>
          %parallel_loop3A_280 = vector.shape_cast %parallel_loop3A_279 : vector<16x1xi32> to vector<16xi32>
          %parallel_loop3A_281 = tpu.dynamic_gather %parallel_loop3A_180[%parallel_loop3A_280] in [0] : vector<16xf32>, vector<16xi32> -> vector<16xf32>
          %parallel_loop3A_282 = arith.mulf %parallel_loop3A_281, %parallel_loop3A_267 : vector<16xf32>
          %parallel_loop3A_283 = arith.index_cast %parallel_loop3A_163 : i32 to index
          %parallel_loop3A_284 = arith.constant 112 : index
          %parallel_loop3A_285 = tpu.vector_load %arg13[%parallel_loop3A_283, %parallel_loop3A_284] {strides = array<i32>} : memref<80x136xf32, #tpu.memory_space<vmem>>, vector<16xf32>,
          tpu.vector_store %arg13[%parallel_loop3A_283, %parallel_loop3A_284], %parallel_loop3A_282 {strides = array<i32>} : memref<80x136xf32, #tpu.memory_space<vmem>>, vector<16xf32>,
        } {sc.loop_unroll_factor = 4 : i64, sc.parallel_access}
        %dma_start3A_114 = arith.constant 0 : i32
        %dma_start3A_115 = tpu.memref_slice %arg7[%add3A_96, %dma_start3A_114] : memref<25x80xi32, #tpu.memory_space<vmem>> -> memref<1x80xi32, #tpu.memory_space<vmem>>
        %dma_start3A_116 = tpu.memref_squeeze %dma_start3A_115 : memref<1x80xi32, #tpu.memory_space<vmem>> -> memref<80xi32, #tpu.memory_space<vmem>>
        %dma_start3A_117 = arith.constant 0 : i32
        %dma_start3A_118 = arith.constant 0 : i32
        %dma_start3A_119 = tpu.memref_slice %arg15[%dma_start3A_117, %dma_start3A_118] : memref<10112x136xf32, #tpu.memory_space<vmem_shared>> -> memref<10112x136xf32, #tpu.memory_space<vmem_shared>>
        tpu.enqueue_indirect_dma source(%arg13 : memref<80x136xf32, #tpu.memory_space<vmem>>) target(%dma_start3A_119 : memref<10112x136xf32, #tpu.memory_space<vmem_shared>>) offsets(%dma_start3A_116 : memref<80xi32, #tpu.memory_space<vmem>>) semaphore(%arg20 : memref<!tpu.dma_semaphore, #tpu.memory_space<semaphore_mem>>) {add = true}
        %add3A_120 = arith.constant 2 : i32
        %add3A_121 = arith.addi %add3A_96, %add3A_120 : i32
        %lt3A = arith.constant 25 : i32
        %lt3A_122 = arith.cmpi slt, %add3A_121, %lt3A : i32
        %convert_element_type3A_123 = arith.extui %lt3A_122 : i1 to i32
        %cond3A_124 = arith.constant 0 : i32
        %cond3A_125 = arith.cmpi ne, %convert_element_type3A_123, %cond3A_124 : i32
        scf.if %cond3A_125 {
          %add3A_163 = arith.constant 2 : i32
          %add3A_164 = arith.addi %add3A_96, %add3A_163 : i32
          %dma_start3A_165 = arith.constant 0 : i32
          %dma_start3A_166 = tpu.memref_slice %arg8[%add3A_164, %dma_start3A_165] : memref<25x80xi32, #tpu.memory_space<vmem>> -> memref<1x80xi32, #tpu.memory_space<vmem>>
          %dma_start3A_167 = tpu.memref_squeeze %dma_start3A_166 : memref<1x80xi32, #tpu.memory_space<vmem>> -> memref<80xi32, #tpu.memory_space<vmem>>
          %dma_start3A_168 = arith.constant 0 : i32
          %dma_start3A_169 = arith.constant 0 : i32
          %dma_start3A_170 = tpu.memref_slice %arg2[%dma_start3A_168, %dma_start3A_169] : memref<10000x160xbf16, #tpu.memory_space<hbm>> -> memref<10000x160xbf16, #tpu.memory_space<hbm>>
          tpu.enqueue_indirect_dma source(%dma_start3A_170 : memref<10000x160xbf16, #tpu.memory_space<hbm>>) target(%arg9 : memref<80x160xbf16, #tpu.memory_space<vmem>>) offsets(%dma_start3A_167 : memref<80xi32, #tpu.memory_space<vmem>>) semaphore(%arg16 : memref<!tpu.dma_semaphore, #tpu.memory_space<semaphore_mem>>)
          %dma_start3A_171 = arith.constant 0 : i32
          %dma_start3A_172 = tpu.memref_slice %arg7[%add3A_164, %dma_start3A_171] : memref<25x80xi32, #tpu.memory_space<vmem>> -> memref<1x80xi32, #tpu.memory_space<vmem>>
          %dma_start3A_173 = tpu.memref_squeeze %dma_start3A_172 : memref<1x80xi32, #tpu.memory_space<vmem>> -> memref<80xi32, #tpu.memory_space<vmem>>
          %dma_start3A_174 = arith.constant 0 : i32
          %dma_start3A_175 = arith.constant 0 : i32
          %dma_start3A_176 = tpu.memref_slice %arg3[%dma_start3A_174, %dma_start3A_175] : memref<10000x16xf32, #tpu.memory_space<hbm>> -> memref<10000x16xf32, #tpu.memory_space<hbm>>
          tpu.enqueue_indirect_dma source(%dma_start3A_176 : memref<10000x16xf32, #tpu.memory_space<hbm>>) target(%arg11 : memref<80x16xf32, #tpu.memory_space<vmem>>) offsets(%dma_start3A_173 : memref<80xi32, #tpu.memory_space<vmem>>) semaphore(%arg18 : memref<!tpu.dma_semaphore, #tpu.memory_space<semaphore_mem>>)
        } else {
        }
        %mul3A_126 = arith.constant 2 : i32
        %mul3A_127 = arith.muli %mul3A_126, %scan3A_92 : i32
        %add3A_128 = arith.constant 1 : i32
        %add3A_129 = arith.addi %mul3A_127, %add3A_128 : i32
        %dma_wait3A_130 = arith.constant 0 : i32
        %dma_wait3A_131 = tpu.memref_slice %arg8[%add3A_129, %dma_wait3A_130] : memref<25x80xi32, #tpu.memory_space<vmem>> -> memref<1x80xi32, #tpu.memory_space<vmem>>
        %dma_wait3A_132 = tpu.memref_squeeze %dma_wait3A_131 : memref<1x80xi32, #tpu.memory_space<vmem>> -> memref<80xi32, #tpu.memory_space<vmem>>
        %dma_wait3A_133 = arith.constant 0 : i32
        %dma_wait3A_134 = arith.constant 0 : i32
        %dma_wait3A_135 = tpu.memref_slice %arg2[%dma_wait3A_133, %dma_wait3A_134] : memref<10000x160xbf16, #tpu.memory_space<hbm>> -> memref<10000x160xbf16, #tpu.memory_space<hbm>>
        tpu.wait_indirect_dma semaphore(%arg17 : memref<!tpu.dma_semaphore, #tpu.memory_space<semaphore_mem>>) src(%dma_wait3A_135 : memref<10000x160xbf16, #tpu.memory_space<hbm>>) dst(%arg10 : memref<80x160xbf16, #tpu.memory_space<vmem>>)
        %dma_wait3A_136 = arith.constant 0 : i32
        %dma_wait3A_137 = tpu.memref_slice %arg7[%add3A_129, %dma_wait3A_136] : memref<25x80xi32, #tpu.memory_space<vmem>> -> memref<1x80xi32, #tpu.memory_space<vmem>>
        %dma_wait3A_138 = tpu.memref_squeeze %dma_wait3A_137 : memref<1x80xi32, #tpu.memory_space<vmem>> -> memref<80xi32, #tpu.memory_space<vmem>>
        %dma_wait3A_139 = arith.constant 0 : i32
        %dma_wait3A_140 = arith.constant 0 : i32
        %dma_wait3A_141 = tpu.memref_slice %arg3[%dma_wait3A_139, %dma_wait3A_140] : memref<10000x16xf32, #tpu.memory_space<hbm>> -> memref<10000x16xf32, #tpu.memory_space<hbm>>
        tpu.wait_indirect_dma semaphore(%arg19 : memref<!tpu.dma_semaphore, #tpu.memory_space<semaphore_mem>>) src(%dma_wait3A_141 : memref<10000x16xf32, #tpu.memory_space<hbm>>) dst(%arg12 : memref<80x16xf32, #tpu.memory_space<vmem>>)
        %ge3A_142 = arith.constant 2 : i32
        %ge3A_143 = arith.cmpi sge, %add3A_129, %ge3A_142 : i32
        %convert_element_type3A_144 = arith.extui %ge3A_143 : i1 to i32
        %cond3A_145 = arith.constant 0 : i32
        %cond3A_146 = arith.cmpi ne, %convert_element_type3A_144, %cond3A_145 : i32
        scf.if %cond3A_146 {
          %sub3A = arith.constant 2 : i32
          %sub3A_163 = arith.subi %add3A_129, %sub3A : i32
          %dma_wait3A_164 = arith.constant 0 : i32
          %dma_wait3A_165 = tpu.memref_slice %arg7[%sub3A_163, %dma_wait3A_164] : memref<25x80xi32, #tpu.memory_space<vmem>> -> memref<1x80xi32, #tpu.memory_space<vmem>>
          %dma_wait3A_166 = tpu.memref_squeeze %dma_wait3A_165 : memref<1x80xi32, #tpu.memory_space<vmem>> -> memref<80xi32, #tpu.memory_space<vmem>>
          %dma_wait3A_167 = arith.constant 0 : i32
          %dma_wait3A_168 = arith.constant 0 : i32
          %dma_wait3A_169 = tpu.memref_slice %arg15[%dma_wait3A_167, %dma_wait3A_168] : memref<10112x136xf32, #tpu.memory_space<vmem_shared>> -> memref<10112x136xf32, #tpu.memory_space<vmem_shared>>
          tpu.wait_indirect_dma semaphore(%arg21 : memref<!tpu.dma_semaphore, #tpu.memory_space<semaphore_mem>>) src(%arg14 : memref<80x136xf32, #tpu.memory_space<vmem>>) dst(%dma_wait3A_169 : memref<10112x136xf32, #tpu.memory_space<vmem_shared>>)
        } else {
        }
        %parallel_loop3A_147 = arith.constant 0 : i32
        %parallel_loop3A_148 = arith.constant 80 : i32
        %parallel_loop3A_149 = arith.constant 1 : i32
        scf.for %parallel_loop3A_163 = %parallel_loop3A_147 to %parallel_loop3A_148 step %parallel_loop3A_149  : i32 {
          %parallel_loop3A_164 = arith.index_cast %parallel_loop3A_163 : i32 to index
          %parallel_loop3A_165 = arith.constant 0 : index
          %parallel_loop3A_166 = tpu.vector_load %arg12[%parallel_loop3A_164, %parallel_loop3A_165] {strides = array<i32>} : memref<80x16xf32, #tpu.memory_space<vmem>>, vector<16xf32>,
          %parallel_loop3A_167 = arith.index_cast %parallel_loop3A_163 : i32 to index
          %parallel_loop3A_168 = arith.constant 128 : index
          %parallel_loop3A_169 = tpu.vector_load %arg10[%parallel_loop3A_167, %parallel_loop3A_168] {strides = array<i32>} : memref<80x160xbf16, #tpu.memory_space<vmem>>, vector<32xbf16>,
          %parallel_loop3A_170 = tpu.unpack_subelements %parallel_loop3A_169, 0 {pack_format = #tpu.pack_format<interleaved>} : vector<32xbf16> -> vector<16xf32>
          %parallel_loop3A_171 = tpu.unpack_subelements %parallel_loop3A_169, 1 {pack_format = #tpu.pack_format<interleaved>} : vector<32xbf16> -> vector<16xf32>
          %parallel_loop3A_172 = arith.addf %parallel_loop3A_166, %parallel_loop3A_170 : vector<16xf32>
          %parallel_loop3A_173 = arith.constant 2.000000e-01 : f32
          %parallel_loop3A_174 = vector.broadcast %parallel_loop3A_173 : f32 to vector<16xf32>
          %parallel_loop3A_175 = arith.mulf %parallel_loop3A_174, %parallel_loop3A_172 : vector<16xf32>
          %parallel_loop3A_176 = arith.maximumf %parallel_loop3A_172, %parallel_loop3A_175 : vector<16xf32>
          %parallel_loop3A_177 = arith.constant 0.000000e+00 : f32
          %parallel_loop3A_178 = vector.broadcast %parallel_loop3A_177 : f32 to vector<16xf32>
          %parallel_loop3A_179 = arith.subf %parallel_loop3A_178, %parallel_loop3A_176 : vector<16xf32>
          %parallel_loop3A_180 = math.exp %parallel_loop3A_179 : vector<16xf32>
          %parallel_loop3A_181 = tpu.iota {dimensions = array<i32: 0>} : vector<16xi32>
          %parallel_loop3A_182 = arith.constant 8 : i32
          %parallel_loop3A_183 = vector.broadcast %parallel_loop3A_182 : i32 to vector<16xi32>
          %parallel_loop3A_184 = arith.subi %parallel_loop3A_181, %parallel_loop3A_183 : vector<16xi32>
          %parallel_loop3A_185 = arith.constant 0 : i32
          %parallel_loop3A_186 = vector.broadcast %parallel_loop3A_185 : i32 to vector<16xi32>
          %parallel_loop3A_187 = arith.maxsi %parallel_loop3A_184, %parallel_loop3A_186 : vector<16xi32>
          %parallel_loop3A_188 = vector.shape_cast %parallel_loop3A_187 : vector<16xi32> to vector<16x1xi32>
          %parallel_loop3A_189 = vector.shape_cast %parallel_loop3A_188 : vector<16x1xi32> to vector<16xi32>
          %parallel_loop3A_190 = tpu.dynamic_gather %parallel_loop3A_180[%parallel_loop3A_189] in [0] : vector<16xf32>, vector<16xi32> -> vector<16xf32>
          %parallel_loop3A_191 = arith.index_cast %parallel_loop3A_163 : i32 to index
          %parallel_loop3A_192 = arith.constant 112 : index
          %parallel_loop3A_193 = tpu.vector_load %arg14[%parallel_loop3A_191, %parallel_loop3A_192] {strides = array<i32>} : memref<80x136xf32, #tpu.memory_space<vmem>>, vector<16xf32>,
          tpu.vector_store %arg14[%parallel_loop3A_191, %parallel_loop3A_192], %parallel_loop3A_190 {strides = array<i32>} : memref<80x136xf32, #tpu.memory_space<vmem>>, vector<16xf32>,
          %parallel_loop3A_194 = arith.index_cast %parallel_loop3A_163 : i32 to index
          %parallel_loop3A_195 = arith.constant 0 : index
          %parallel_loop3A_196 = tpu.vector_load %arg10[%parallel_loop3A_194, %parallel_loop3A_195] {strides = array<i32>} : memref<80x160xbf16, #tpu.memory_space<vmem>>, vector<32xbf16>,
          %parallel_loop3A_197 = tpu.unpack_subelements %parallel_loop3A_196, 0 {pack_format = #tpu.pack_format<interleaved>} : vector<32xbf16> -> vector<16xf32>
          %parallel_loop3A_198 = tpu.unpack_subelements %parallel_loop3A_196, 1 {pack_format = #tpu.pack_format<interleaved>} : vector<32xbf16> -> vector<16xf32>
          %parallel_loop3A_199 = arith.constant 0 : i32
          %parallel_loop3A_200 = vector.broadcast %parallel_loop3A_199 : i32 to vector<16xi32>
          %parallel_loop3A_201 = vector.shape_cast %parallel_loop3A_200 : vector<16xi32> to vector<16x1xi32>
          %parallel_loop3A_202 = vector.shape_cast %parallel_loop3A_201 : vector<16x1xi32> to vector<16xi32>
          %parallel_loop3A_203 = tpu.dynamic_gather %parallel_loop3A_180[%parallel_loop3A_202] in [0] : vector<16xf32>, vector<16xi32> -> vector<16xf32>
          %parallel_loop3A_204 = arith.mulf %parallel_loop3A_203, %parallel_loop3A_197 : vector<16xf32>
          %parallel_loop3A_205 = arith.index_cast %parallel_loop3A_163 : i32 to index
          %parallel_loop3A_206 = arith.constant 0 : index
          %parallel_loop3A_207 = tpu.vector_load %arg14[%parallel_loop3A_205, %parallel_loop3A_206] {strides = array<i32>} : memref<80x136xf32, #tpu.memory_space<vmem>>, vector<16xf32>,
          tpu.vector_store %arg14[%parallel_loop3A_205, %parallel_loop3A_206], %parallel_loop3A_204 {strides = array<i32>} : memref<80x136xf32, #tpu.memory_space<vmem>>, vector<16xf32>,
          %parallel_loop3A_208 = arith.constant 1 : i32
          %parallel_loop3A_209 = vector.broadcast %parallel_loop3A_208 : i32 to vector<16xi32>
          %parallel_loop3A_210 = vector.shape_cast %parallel_loop3A_209 : vector<16xi32> to vector<16x1xi32>
          %parallel_loop3A_211 = vector.shape_cast %parallel_loop3A_210 : vector<16x1xi32> to vector<16xi32>
          %parallel_loop3A_212 = tpu.dynamic_gather %parallel_loop3A_180[%parallel_loop3A_211] in [0] : vector<16xf32>, vector<16xi32> -> vector<16xf32>
          %parallel_loop3A_213 = arith.mulf %parallel_loop3A_212, %parallel_loop3A_198 : vector<16xf32>
          %parallel_loop3A_214 = arith.index_cast %parallel_loop3A_163 : i32 to index
          %parallel_loop3A_215 = arith.constant 16 : index
          %parallel_loop3A_216 = tpu.vector_load %arg14[%parallel_loop3A_214, %parallel_loop3A_215] {strides = array<i32>} : memref<80x136xf32, #tpu.memory_space<vmem>>, vector<16xf32>,
          tpu.vector_store %arg14[%parallel_loop3A_214, %parallel_loop3A_215], %parallel_loop3A_213 {strides = array<i32>} : memref<80x136xf32, #tpu.memory_space<vmem>>, vector<16xf32>,
          %parallel_loop3A_217 = arith.index_cast %parallel_loop3A_163 : i32 to index
          %parallel_loop3A_218 = arith.constant 32 : index
          %parallel_loop3A_219 = tpu.vector_load %arg10[%parallel_loop3A_217, %parallel_loop3A_218] {strides = array<i32>} : memref<80x160xbf16, #tpu.memory_space<vmem>>, vector<32xbf16>,
          %parallel_loop3A_220 = tpu.unpack_subelements %parallel_loop3A_219, 0 {pack_format = #tpu.pack_format<interleaved>} : vector<32xbf16> -> vector<16xf32>
          %parallel_loop3A_221 = tpu.unpack_subelements %parallel_loop3A_219, 1 {pack_format = #tpu.pack_format<interleaved>} : vector<32xbf16> -> vector<16xf32>
          %parallel_loop3A_222 = arith.constant 2 : i32
          %parallel_loop3A_223 = vector.broadcast %parallel_loop3A_222 : i32 to vector<16xi32>
          %parallel_loop3A_224 = vector.shape_cast %parallel_loop3A_223 : vector<16xi32> to vector<16x1xi32>
          %parallel_loop3A_225 = vector.shape_cast %parallel_loop3A_224 : vector<16x1xi32> to vector<16xi32>
          %parallel_loop3A_226 = tpu.dynamic_gather %parallel_loop3A_180[%parallel_loop3A_225] in [0] : vector<16xf32>, vector<16xi32> -> vector<16xf32>
          %parallel_loop3A_227 = arith.mulf %parallel_loop3A_226, %parallel_loop3A_220 : vector<16xf32>
          %parallel_loop3A_228 = arith.index_cast %parallel_loop3A_163 : i32 to index
          %parallel_loop3A_229 = arith.constant 32 : index
          %parallel_loop3A_230 = tpu.vector_load %arg14[%parallel_loop3A_228, %parallel_loop3A_229] {strides = array<i32>} : memref<80x136xf32, #tpu.memory_space<vmem>>, vector<16xf32>,
          tpu.vector_store %arg14[%parallel_loop3A_228, %parallel_loop3A_229], %parallel_loop3A_227 {strides = array<i32>} : memref<80x136xf32, #tpu.memory_space<vmem>>, vector<16xf32>,
          %parallel_loop3A_231 = arith.constant 3 : i32
          %parallel_loop3A_232 = vector.broadcast %parallel_loop3A_231 : i32 to vector<16xi32>
          %parallel_loop3A_233 = vector.shape_cast %parallel_loop3A_232 : vector<16xi32> to vector<16x1xi32>
          %parallel_loop3A_234 = vector.shape_cast %parallel_loop3A_233 : vector<16x1xi32> to vector<16xi32>
          %parallel_loop3A_235 = tpu.dynamic_gather %parallel_loop3A_180[%parallel_loop3A_234] in [0] : vector<16xf32>, vector<16xi32> -> vector<16xf32>
          %parallel_loop3A_236 = arith.mulf %parallel_loop3A_235, %parallel_loop3A_221 : vector<16xf32>
          %parallel_loop3A_237 = arith.index_cast %parallel_loop3A_163 : i32 to index
          %parallel_loop3A_238 = arith.constant 48 : index
          %parallel_loop3A_239 = tpu.vector_load %arg14[%parallel_loop3A_237, %parallel_loop3A_238] {strides = array<i32>} : memref<80x136xf32, #tpu.memory_space<vmem>>, vector<16xf32>,
          tpu.vector_store %arg14[%parallel_loop3A_237, %parallel_loop3A_238], %parallel_loop3A_236 {strides = array<i32>} : memref<80x136xf32, #tpu.memory_space<vmem>>, vector<16xf32>,
          %parallel_loop3A_240 = arith.index_cast %parallel_loop3A_163 : i32 to index
          %parallel_loop3A_241 = arith.constant 64 : index
          %parallel_loop3A_242 = tpu.vector_load %arg10[%parallel_loop3A_240, %parallel_loop3A_241] {strides = array<i32>} : memref<80x160xbf16, #tpu.memory_space<vmem>>, vector<32xbf16>,
          %parallel_loop3A_243 = tpu.unpack_subelements %parallel_loop3A_242, 0 {pack_format = #tpu.pack_format<interleaved>} : vector<32xbf16> -> vector<16xf32>
          %parallel_loop3A_244 = tpu.unpack_subelements %parallel_loop3A_242, 1 {pack_format = #tpu.pack_format<interleaved>} : vector<32xbf16> -> vector<16xf32>
          %parallel_loop3A_245 = arith.constant 4 : i32
          %parallel_loop3A_246 = vector.broadcast %parallel_loop3A_245 : i32 to vector<16xi32>
          %parallel_loop3A_247 = vector.shape_cast %parallel_loop3A_246 : vector<16xi32> to vector<16x1xi32>
          %parallel_loop3A_248 = vector.shape_cast %parallel_loop3A_247 : vector<16x1xi32> to vector<16xi32>
          %parallel_loop3A_249 = tpu.dynamic_gather %parallel_loop3A_180[%parallel_loop3A_248] in [0] : vector<16xf32>, vector<16xi32> -> vector<16xf32>
          %parallel_loop3A_250 = arith.mulf %parallel_loop3A_249, %parallel_loop3A_243 : vector<16xf32>
          %parallel_loop3A_251 = arith.index_cast %parallel_loop3A_163 : i32 to index
          %parallel_loop3A_252 = arith.constant 64 : index
          %parallel_loop3A_253 = tpu.vector_load %arg14[%parallel_loop3A_251, %parallel_loop3A_252] {strides = array<i32>} : memref<80x136xf32, #tpu.memory_space<vmem>>, vector<16xf32>,
          tpu.vector_store %arg14[%parallel_loop3A_251, %parallel_loop3A_252], %parallel_loop3A_250 {strides = array<i32>} : memref<80x136xf32, #tpu.memory_space<vmem>>, vector<16xf32>,
          %parallel_loop3A_254 = arith.constant 5 : i32
          %parallel_loop3A_255 = vector.broadcast %parallel_loop3A_254 : i32 to vector<16xi32>
          %parallel_loop3A_256 = vector.shape_cast %parallel_loop3A_255 : vector<16xi32> to vector<16x1xi32>
          %parallel_loop3A_257 = vector.shape_cast %parallel_loop3A_256 : vector<16x1xi32> to vector<16xi32>
          %parallel_loop3A_258 = tpu.dynamic_gather %parallel_loop3A_180[%parallel_loop3A_257] in [0] : vector<16xf32>, vector<16xi32> -> vector<16xf32>
          %parallel_loop3A_259 = arith.mulf %parallel_loop3A_258, %parallel_loop3A_244 : vector<16xf32>
          %parallel_loop3A_260 = arith.index_cast %parallel_loop3A_163 : i32 to index
          %parallel_loop3A_261 = arith.constant 80 : index
          %parallel_loop3A_262 = tpu.vector_load %arg14[%parallel_loop3A_260, %parallel_loop3A_261] {strides = array<i32>} : memref<80x136xf32, #tpu.memory_space<vmem>>, vector<16xf32>,
          tpu.vector_store %arg14[%parallel_loop3A_260, %parallel_loop3A_261], %parallel_loop3A_259 {strides = array<i32>} : memref<80x136xf32, #tpu.memory_space<vmem>>, vector<16xf32>,
          %parallel_loop3A_263 = arith.index_cast %parallel_loop3A_163 : i32 to index
          %parallel_loop3A_264 = arith.constant 96 : index
          %parallel_loop3A_265 = tpu.vector_load %arg10[%parallel_loop3A_263, %parallel_loop3A_264] {strides = array<i32>} : memref<80x160xbf16, #tpu.memory_space<vmem>>, vector<32xbf16>,
          %parallel_loop3A_266 = tpu.unpack_subelements %parallel_loop3A_265, 0 {pack_format = #tpu.pack_format<interleaved>} : vector<32xbf16> -> vector<16xf32>
          %parallel_loop3A_267 = tpu.unpack_subelements %parallel_loop3A_265, 1 {pack_format = #tpu.pack_format<interleaved>} : vector<32xbf16> -> vector<16xf32>
          %parallel_loop3A_268 = arith.constant 6 : i32
          %parallel_loop3A_269 = vector.broadcast %parallel_loop3A_268 : i32 to vector<16xi32>
          %parallel_loop3A_270 = vector.shape_cast %parallel_loop3A_269 : vector<16xi32> to vector<16x1xi32>
          %parallel_loop3A_271 = vector.shape_cast %parallel_loop3A_270 : vector<16x1xi32> to vector<16xi32>
          %parallel_loop3A_272 = tpu.dynamic_gather %parallel_loop3A_180[%parallel_loop3A_271] in [0] : vector<16xf32>, vector<16xi32> -> vector<16xf32>
          %parallel_loop3A_273 = arith.mulf %parallel_loop3A_272, %parallel_loop3A_266 : vector<16xf32>
          %parallel_loop3A_274 = arith.index_cast %parallel_loop3A_163 : i32 to index
          %parallel_loop3A_275 = arith.constant 96 : index
          %parallel_loop3A_276 = tpu.vector_load %arg14[%parallel_loop3A_274, %parallel_loop3A_275] {strides = array<i32>} : memref<80x136xf32, #tpu.memory_space<vmem>>, vector<16xf32>,
          tpu.vector_store %arg14[%parallel_loop3A_274, %parallel_loop3A_275], %parallel_loop3A_273 {strides = array<i32>} : memref<80x136xf32, #tpu.memory_space<vmem>>, vector<16xf32>,
          %parallel_loop3A_277 = arith.constant 7 : i32
          %parallel_loop3A_278 = vector.broadcast %parallel_loop3A_277 : i32 to vector<16xi32>
          %parallel_loop3A_279 = vector.shape_cast %parallel_loop3A_278 : vector<16xi32> to vector<16x1xi32>
          %parallel_loop3A_280 = vector.shape_cast %parallel_loop3A_279 : vector<16x1xi32> to vector<16xi32>
          %parallel_loop3A_281 = tpu.dynamic_gather %parallel_loop3A_180[%parallel_loop3A_280] in [0] : vector<16xf32>, vector<16xi32> -> vector<16xf32>
          %parallel_loop3A_282 = arith.mulf %parallel_loop3A_281, %parallel_loop3A_267 : vector<16xf32>
          %parallel_loop3A_283 = arith.index_cast %parallel_loop3A_163 : i32 to index
          %parallel_loop3A_284 = arith.constant 112 : index
          %parallel_loop3A_285 = tpu.vector_load %arg14[%parallel_loop3A_283, %parallel_loop3A_284] {strides = array<i32>} : memref<80x136xf32, #tpu.memory_space<vmem>>, vector<16xf32>,
          tpu.vector_store %arg14[%parallel_loop3A_283, %parallel_loop3A_284], %parallel_loop3A_282 {strides = array<i32>} : memref<80x136xf32, #tpu.memory_space<vmem>>, vector<16xf32>,
        } {sc.loop_unroll_factor = 4 : i64, sc.parallel_access}
        %dma_start3A_150 = arith.constant 0 : i32
        %dma_start3A_151 = tpu.memref_slice %arg7[%add3A_129, %dma_start3A_150] : memref<25x80xi32, #tpu.memory_space<vmem>> -> memref<1x80xi32, #tpu.memory_space<vmem>>
        %dma_start3A_152 = tpu.memref_squeeze %dma_start3A_151 : memref<1x80xi32, #tpu.memory_space<vmem>> -> memref<80xi32, #tpu.memory_space<vmem>>
        %dma_start3A_153 = arith.constant 0 : i32
        %dma_start3A_154 = arith.constant 0 : i32
        %dma_start3A_155 = tpu.memref_slice %arg15[%dma_start3A_153, %dma_start3A_154] : memref<10112x136xf32, #tpu.memory_space<vmem_shared>> -> memref<10112x136xf32, #tpu.memory_space<vmem_shared>>
        tpu.enqueue_indirect_dma source(%arg14 : memref<80x136xf32, #tpu.memory_space<vmem>>) target(%dma_start3A_155 : memref<10112x136xf32, #tpu.memory_space<vmem_shared>>) offsets(%dma_start3A_152 : memref<80xi32, #tpu.memory_space<vmem>>) semaphore(%arg21 : memref<!tpu.dma_semaphore, #tpu.memory_space<semaphore_mem>>) {add = true}
        %add3A_156 = arith.constant 2 : i32
        %add3A_157 = arith.addi %add3A_129, %add3A_156 : i32
        %lt3A_158 = arith.constant 25 : i32
        %lt3A_159 = arith.cmpi slt, %add3A_157, %lt3A_158 : i32
        %convert_element_type3A_160 = arith.extui %lt3A_159 : i1 to i32
        %cond3A_161 = arith.constant 0 : i32
        %cond3A_162 = arith.cmpi ne, %convert_element_type3A_160, %cond3A_161 : i32
        scf.if %cond3A_162 {
          %add3A_163 = arith.constant 2 : i32
          %add3A_164 = arith.addi %add3A_129, %add3A_163 : i32
          %dma_start3A_165 = arith.constant 0 : i32
          %dma_start3A_166 = tpu.memref_slice %arg8[%add3A_164, %dma_start3A_165] : memref<25x80xi32, #tpu.memory_space<vmem>> -> memref<1x80xi32, #tpu.memory_space<vmem>>
          %dma_start3A_167 = tpu.memref_squeeze %dma_start3A_166 : memref<1x80xi32, #tpu.memory_space<vmem>> -> memref<80xi32, #tpu.memory_space<vmem>>
          %dma_start3A_168 = arith.constant 0 : i32
          %dma_start3A_169 = arith.constant 0 : i32
          %dma_start3A_170 = tpu.memref_slice %arg2[%dma_start3A_168, %dma_start3A_169] : memref<10000x160xbf16, #tpu.memory_space<hbm>> -> memref<10000x160xbf16, #tpu.memory_space<hbm>>
          tpu.enqueue_indirect_dma source(%dma_start3A_170 : memref<10000x160xbf16, #tpu.memory_space<hbm>>) target(%arg10 : memref<80x160xbf16, #tpu.memory_space<vmem>>) offsets(%dma_start3A_167 : memref<80xi32, #tpu.memory_space<vmem>>) semaphore(%arg17 : memref<!tpu.dma_semaphore, #tpu.memory_space<semaphore_mem>>)
          %dma_start3A_171 = arith.constant 0 : i32
          %dma_start3A_172 = tpu.memref_slice %arg7[%add3A_164, %dma_start3A_171] : memref<25x80xi32, #tpu.memory_space<vmem>> -> memref<1x80xi32, #tpu.memory_space<vmem>>
          %dma_start3A_173 = tpu.memref_squeeze %dma_start3A_172 : memref<1x80xi32, #tpu.memory_space<vmem>> -> memref<80xi32, #tpu.memory_space<vmem>>
          %dma_start3A_174 = arith.constant 0 : i32
          %dma_start3A_175 = arith.constant 0 : i32
          %dma_start3A_176 = tpu.memref_slice %arg3[%dma_start3A_174, %dma_start3A_175] : memref<10000x16xf32, #tpu.memory_space<hbm>> -> memref<10000x16xf32, #tpu.memory_space<hbm>>
          tpu.enqueue_indirect_dma source(%dma_start3A_176 : memref<10000x16xf32, #tpu.memory_space<hbm>>) target(%arg12 : memref<80x16xf32, #tpu.memory_space<vmem>>) offsets(%dma_start3A_173 : memref<80xi32, #tpu.memory_space<vmem>>) semaphore(%arg19 : memref<!tpu.dma_semaphore, #tpu.memory_space<semaphore_mem>>)
        } else {
        }
      }
      %scan3A_48 = arith.constant 12 : i32
      %dma_wait3A = arith.constant 24 : i32
      %dma_wait3A_49 = arith.constant 0 : i32
      %dma_wait3A_50 = tpu.memref_slice %arg8[%dma_wait3A, %dma_wait3A_49] : memref<25x80xi32, #tpu.memory_space<vmem>> -> memref<1x80xi32, #tpu.memory_space<vmem>>
      %dma_wait3A_51 = tpu.memref_squeeze %dma_wait3A_50 : memref<1x80xi32, #tpu.memory_space<vmem>> -> memref<80xi32, #tpu.memory_space<vmem>>
      %dma_wait3A_52 = arith.constant 0 : i32
      %dma_wait3A_53 = arith.constant 0 : i32
      %dma_wait3A_54 = tpu.memref_slice %arg2[%dma_wait3A_52, %dma_wait3A_53] : memref<10000x160xbf16, #tpu.memory_space<hbm>> -> memref<10000x160xbf16, #tpu.memory_space<hbm>>
      tpu.wait_indirect_dma semaphore(%arg16 : memref<!tpu.dma_semaphore, #tpu.memory_space<semaphore_mem>>) src(%dma_wait3A_54 : memref<10000x160xbf16, #tpu.memory_space<hbm>>) dst(%arg9 : memref<80x160xbf16, #tpu.memory_space<vmem>>)
      %dma_wait3A_55 = arith.constant 24 : i32
      %dma_wait3A_56 = arith.constant 0 : i32
      %dma_wait3A_57 = tpu.memref_slice %arg7[%dma_wait3A_55, %dma_wait3A_56] : memref<25x80xi32, #tpu.memory_space<vmem>> -> memref<1x80xi32, #tpu.memory_space<vmem>>
      %dma_wait3A_58 = tpu.memref_squeeze %dma_wait3A_57 : memref<1x80xi32, #tpu.memory_space<vmem>> -> memref<80xi32, #tpu.memory_space<vmem>>
      %dma_wait3A_59 = arith.constant 0 : i32
      %dma_wait3A_60 = arith.constant 0 : i32
      %dma_wait3A_61 = tpu.memref_slice %arg3[%dma_wait3A_59, %dma_wait3A_60] : memref<10000x16xf32, #tpu.memory_space<hbm>> -> memref<10000x16xf32, #tpu.memory_space<hbm>>
      tpu.wait_indirect_dma semaphore(%arg18 : memref<!tpu.dma_semaphore, #tpu.memory_space<semaphore_mem>>) src(%dma_wait3A_61 : memref<10000x16xf32, #tpu.memory_space<hbm>>) dst(%arg11 : memref<80x16xf32, #tpu.memory_space<vmem>>)
      %dma_wait3A_62 = arith.constant 22 : i32
      %dma_wait3A_63 = arith.constant 0 : i32
      %dma_wait3A_64 = tpu.memref_slice %arg7[%dma_wait3A_62, %dma_wait3A_63] : memref<25x80xi32, #tpu.memory_space<vmem>> -> memref<1x80xi32, #tpu.memory_space<vmem>>
      %dma_wait3A_65 = tpu.memref_squeeze %dma_wait3A_64 : memref<1x80xi32, #tpu.memory_space<vmem>> -> memref<80xi32, #tpu.memory_space<vmem>>
      %dma_wait3A_66 = arith.constant 0 : i32
      %dma_wait3A_67 = arith.constant 0 : i32
      %dma_wait3A_68 = tpu.memref_slice %arg15[%dma_wait3A_66, %dma_wait3A_67] : memref<10112x136xf32, #tpu.memory_space<vmem_shared>> -> memref<10112x136xf32, #tpu.memory_space<vmem_shared>>
      tpu.wait_indirect_dma semaphore(%arg20 : memref<!tpu.dma_semaphore, #tpu.memory_space<semaphore_mem>>) src(%arg13 : memref<80x136xf32, #tpu.memory_space<vmem>>) dst(%dma_wait3A_68 : memref<10112x136xf32, #tpu.memory_space<vmem_shared>>)
      %parallel_loop3A = arith.constant 0 : i32
      %parallel_loop3A_69 = arith.constant 80 : i32
      %parallel_loop3A_70 = arith.constant 1 : i32
      scf.for %parallel_loop3A_92 = %parallel_loop3A to %parallel_loop3A_69 step %parallel_loop3A_70  : i32 {
        %parallel_loop3A_93 = arith.index_cast %parallel_loop3A_92 : i32 to index
        %parallel_loop3A_94 = arith.constant 0 : index
        %parallel_loop3A_95 = tpu.vector_load %arg11[%parallel_loop3A_93, %parallel_loop3A_94] {strides = array<i32>} : memref<80x16xf32, #tpu.memory_space<vmem>>, vector<16xf32>,
        %parallel_loop3A_96 = arith.index_cast %parallel_loop3A_92 : i32 to index
        %parallel_loop3A_97 = arith.constant 128 : index
        %parallel_loop3A_98 = tpu.vector_load %arg9[%parallel_loop3A_96, %parallel_loop3A_97] {strides = array<i32>} : memref<80x160xbf16, #tpu.memory_space<vmem>>, vector<32xbf16>,
        %parallel_loop3A_99 = tpu.unpack_subelements %parallel_loop3A_98, 0 {pack_format = #tpu.pack_format<interleaved>} : vector<32xbf16> -> vector<16xf32>
        %parallel_loop3A_100 = tpu.unpack_subelements %parallel_loop3A_98, 1 {pack_format = #tpu.pack_format<interleaved>} : vector<32xbf16> -> vector<16xf32>
        %parallel_loop3A_101 = arith.addf %parallel_loop3A_95, %parallel_loop3A_99 : vector<16xf32>
        %parallel_loop3A_102 = arith.constant 2.000000e-01 : f32
        %parallel_loop3A_103 = vector.broadcast %parallel_loop3A_102 : f32 to vector<16xf32>
        %parallel_loop3A_104 = arith.mulf %parallel_loop3A_103, %parallel_loop3A_101 : vector<16xf32>
        %parallel_loop3A_105 = arith.maximumf %parallel_loop3A_101, %parallel_loop3A_104 : vector<16xf32>
        %parallel_loop3A_106 = arith.constant 0.000000e+00 : f32
        %parallel_loop3A_107 = vector.broadcast %parallel_loop3A_106 : f32 to vector<16xf32>
        %parallel_loop3A_108 = arith.subf %parallel_loop3A_107, %parallel_loop3A_105 : vector<16xf32>
        %parallel_loop3A_109 = math.exp %parallel_loop3A_108 : vector<16xf32>
        %parallel_loop3A_110 = tpu.iota {dimensions = array<i32: 0>} : vector<16xi32>
        %parallel_loop3A_111 = arith.constant 8 : i32
        %parallel_loop3A_112 = vector.broadcast %parallel_loop3A_111 : i32 to vector<16xi32>
        %parallel_loop3A_113 = arith.subi %parallel_loop3A_110, %parallel_loop3A_112 : vector<16xi32>
        %parallel_loop3A_114 = arith.constant 0 : i32
        %parallel_loop3A_115 = vector.broadcast %parallel_loop3A_114 : i32 to vector<16xi32>
        %parallel_loop3A_116 = arith.maxsi %parallel_loop3A_113, %parallel_loop3A_115 : vector<16xi32>
        %parallel_loop3A_117 = vector.shape_cast %parallel_loop3A_116 : vector<16xi32> to vector<16x1xi32>
        %parallel_loop3A_118 = vector.shape_cast %parallel_loop3A_117 : vector<16x1xi32> to vector<16xi32>
        %parallel_loop3A_119 = tpu.dynamic_gather %parallel_loop3A_109[%parallel_loop3A_118] in [0] : vector<16xf32>, vector<16xi32> -> vector<16xf32>
        %parallel_loop3A_120 = arith.index_cast %parallel_loop3A_92 : i32 to index
        %parallel_loop3A_121 = arith.constant 112 : index
        %parallel_loop3A_122 = tpu.vector_load %arg13[%parallel_loop3A_120, %parallel_loop3A_121] {strides = array<i32>} : memref<80x136xf32, #tpu.memory_space<vmem>>, vector<16xf32>,
        tpu.vector_store %arg13[%parallel_loop3A_120, %parallel_loop3A_121], %parallel_loop3A_119 {strides = array<i32>} : memref<80x136xf32, #tpu.memory_space<vmem>>, vector<16xf32>,
        %parallel_loop3A_123 = arith.index_cast %parallel_loop3A_92 : i32 to index
        %parallel_loop3A_124 = arith.constant 0 : index
        %parallel_loop3A_125 = tpu.vector_load %arg9[%parallel_loop3A_123, %parallel_loop3A_124] {strides = array<i32>} : memref<80x160xbf16, #tpu.memory_space<vmem>>, vector<32xbf16>,
        %parallel_loop3A_126 = tpu.unpack_subelements %parallel_loop3A_125, 0 {pack_format = #tpu.pack_format<interleaved>} : vector<32xbf16> -> vector<16xf32>
        %parallel_loop3A_127 = tpu.unpack_subelements %parallel_loop3A_125, 1 {pack_format = #tpu.pack_format<interleaved>} : vector<32xbf16> -> vector<16xf32>
        %parallel_loop3A_128 = arith.constant 0 : i32
        %parallel_loop3A_129 = vector.broadcast %parallel_loop3A_128 : i32 to vector<16xi32>
        %parallel_loop3A_130 = vector.shape_cast %parallel_loop3A_129 : vector<16xi32> to vector<16x1xi32>
        %parallel_loop3A_131 = vector.shape_cast %parallel_loop3A_130 : vector<16x1xi32> to vector<16xi32>
        %parallel_loop3A_132 = tpu.dynamic_gather %parallel_loop3A_109[%parallel_loop3A_131] in [0] : vector<16xf32>, vector<16xi32> -> vector<16xf32>
        %parallel_loop3A_133 = arith.mulf %parallel_loop3A_132, %parallel_loop3A_126 : vector<16xf32>
        %parallel_loop3A_134 = arith.index_cast %parallel_loop3A_92 : i32 to index
        %parallel_loop3A_135 = arith.constant 0 : index
        %parallel_loop3A_136 = tpu.vector_load %arg13[%parallel_loop3A_134, %parallel_loop3A_135] {strides = array<i32>} : memref<80x136xf32, #tpu.memory_space<vmem>>, vector<16xf32>,
        tpu.vector_store %arg13[%parallel_loop3A_134, %parallel_loop3A_135], %parallel_loop3A_133 {strides = array<i32>} : memref<80x136xf32, #tpu.memory_space<vmem>>, vector<16xf32>,
        %parallel_loop3A_137 = arith.constant 1 : i32
        %parallel_loop3A_138 = vector.broadcast %parallel_loop3A_137 : i32 to vector<16xi32>
        %parallel_loop3A_139 = vector.shape_cast %parallel_loop3A_138 : vector<16xi32> to vector<16x1xi32>
        %parallel_loop3A_140 = vector.shape_cast %parallel_loop3A_139 : vector<16x1xi32> to vector<16xi32>
        %parallel_loop3A_141 = tpu.dynamic_gather %parallel_loop3A_109[%parallel_loop3A_140] in [0] : vector<16xf32>, vector<16xi32> -> vector<16xf32>
        %parallel_loop3A_142 = arith.mulf %parallel_loop3A_141, %parallel_loop3A_127 : vector<16xf32>
        %parallel_loop3A_143 = arith.index_cast %parallel_loop3A_92 : i32 to index
        %parallel_loop3A_144 = arith.constant 16 : index
        %parallel_loop3A_145 = tpu.vector_load %arg13[%parallel_loop3A_143, %parallel_loop3A_144] {strides = array<i32>} : memref<80x136xf32, #tpu.memory_space<vmem>>, vector<16xf32>,
        tpu.vector_store %arg13[%parallel_loop3A_143, %parallel_loop3A_144], %parallel_loop3A_142 {strides = array<i32>} : memref<80x136xf32, #tpu.memory_space<vmem>>, vector<16xf32>,
        %parallel_loop3A_146 = arith.index_cast %parallel_loop3A_92 : i32 to index
        %parallel_loop3A_147 = arith.constant 32 : index
        %parallel_loop3A_148 = tpu.vector_load %arg9[%parallel_loop3A_146, %parallel_loop3A_147] {strides = array<i32>} : memref<80x160xbf16, #tpu.memory_space<vmem>>, vector<32xbf16>,
        %parallel_loop3A_149 = tpu.unpack_subelements %parallel_loop3A_148, 0 {pack_format = #tpu.pack_format<interleaved>} : vector<32xbf16> -> vector<16xf32>
        %parallel_loop3A_150 = tpu.unpack_subelements %parallel_loop3A_148, 1 {pack_format = #tpu.pack_format<interleaved>} : vector<32xbf16> -> vector<16xf32>
        %parallel_loop3A_151 = arith.constant 2 : i32
        %parallel_loop3A_152 = vector.broadcast %parallel_loop3A_151 : i32 to vector<16xi32>
        %parallel_loop3A_153 = vector.shape_cast %parallel_loop3A_152 : vector<16xi32> to vector<16x1xi32>
        %parallel_loop3A_154 = vector.shape_cast %parallel_loop3A_153 : vector<16x1xi32> to vector<16xi32>
        %parallel_loop3A_155 = tpu.dynamic_gather %parallel_loop3A_109[%parallel_loop3A_154] in [0] : vector<16xf32>, vector<16xi32> -> vector<16xf32>
        %parallel_loop3A_156 = arith.mulf %parallel_loop3A_155, %parallel_loop3A_149 : vector<16xf32>
        %parallel_loop3A_157 = arith.index_cast %parallel_loop3A_92 : i32 to index
        %parallel_loop3A_158 = arith.constant 32 : index
        %parallel_loop3A_159 = tpu.vector_load %arg13[%parallel_loop3A_157, %parallel_loop3A_158] {strides = array<i32>} : memref<80x136xf32, #tpu.memory_space<vmem>>, vector<16xf32>,
        tpu.vector_store %arg13[%parallel_loop3A_157, %parallel_loop3A_158], %parallel_loop3A_156 {strides = array<i32>} : memref<80x136xf32, #tpu.memory_space<vmem>>, vector<16xf32>,
        %parallel_loop3A_160 = arith.constant 3 : i32
        %parallel_loop3A_161 = vector.broadcast %parallel_loop3A_160 : i32 to vector<16xi32>
        %parallel_loop3A_162 = vector.shape_cast %parallel_loop3A_161 : vector<16xi32> to vector<16x1xi32>
        %parallel_loop3A_163 = vector.shape_cast %parallel_loop3A_162 : vector<16x1xi32> to vector<16xi32>
        %parallel_loop3A_164 = tpu.dynamic_gather %parallel_loop3A_109[%parallel_loop3A_163] in [0] : vector<16xf32>, vector<16xi32> -> vector<16xf32>
        %parallel_loop3A_165 = arith.mulf %parallel_loop3A_164, %parallel_loop3A_150 : vector<16xf32>
        %parallel_loop3A_166 = arith.index_cast %parallel_loop3A_92 : i32 to index
        %parallel_loop3A_167 = arith.constant 48 : index
        %parallel_loop3A_168 = tpu.vector_load %arg13[%parallel_loop3A_166, %parallel_loop3A_167] {strides = array<i32>} : memref<80x136xf32, #tpu.memory_space<vmem>>, vector<16xf32>,
        tpu.vector_store %arg13[%parallel_loop3A_166, %parallel_loop3A_167], %parallel_loop3A_165 {strides = array<i32>} : memref<80x136xf32, #tpu.memory_space<vmem>>, vector<16xf32>,
        %parallel_loop3A_169 = arith.index_cast %parallel_loop3A_92 : i32 to index
        %parallel_loop3A_170 = arith.constant 64 : index
        %parallel_loop3A_171 = tpu.vector_load %arg9[%parallel_loop3A_169, %parallel_loop3A_170] {strides = array<i32>} : memref<80x160xbf16, #tpu.memory_space<vmem>>, vector<32xbf16>,
        %parallel_loop3A_172 = tpu.unpack_subelements %parallel_loop3A_171, 0 {pack_format = #tpu.pack_format<interleaved>} : vector<32xbf16> -> vector<16xf32>
        %parallel_loop3A_173 = tpu.unpack_subelements %parallel_loop3A_171, 1 {pack_format = #tpu.pack_format<interleaved>} : vector<32xbf16> -> vector<16xf32>
        %parallel_loop3A_174 = arith.constant 4 : i32
        %parallel_loop3A_175 = vector.broadcast %parallel_loop3A_174 : i32 to vector<16xi32>
        %parallel_loop3A_176 = vector.shape_cast %parallel_loop3A_175 : vector<16xi32> to vector<16x1xi32>
        %parallel_loop3A_177 = vector.shape_cast %parallel_loop3A_176 : vector<16x1xi32> to vector<16xi32>
        %parallel_loop3A_178 = tpu.dynamic_gather %parallel_loop3A_109[%parallel_loop3A_177] in [0] : vector<16xf32>, vector<16xi32> -> vector<16xf32>
        %parallel_loop3A_179 = arith.mulf %parallel_loop3A_178, %parallel_loop3A_172 : vector<16xf32>
        %parallel_loop3A_180 = arith.index_cast %parallel_loop3A_92 : i32 to index
        %parallel_loop3A_181 = arith.constant 64 : index
        %parallel_loop3A_182 = tpu.vector_load %arg13[%parallel_loop3A_180, %parallel_loop3A_181] {strides = array<i32>} : memref<80x136xf32, #tpu.memory_space<vmem>>, vector<16xf32>,
        tpu.vector_store %arg13[%parallel_loop3A_180, %parallel_loop3A_181], %parallel_loop3A_179 {strides = array<i32>} : memref<80x136xf32, #tpu.memory_space<vmem>>, vector<16xf32>,
        %parallel_loop3A_183 = arith.constant 5 : i32
        %parallel_loop3A_184 = vector.broadcast %parallel_loop3A_183 : i32 to vector<16xi32>
        %parallel_loop3A_185 = vector.shape_cast %parallel_loop3A_184 : vector<16xi32> to vector<16x1xi32>
        %parallel_loop3A_186 = vector.shape_cast %parallel_loop3A_185 : vector<16x1xi32> to vector<16xi32>
        %parallel_loop3A_187 = tpu.dynamic_gather %parallel_loop3A_109[%parallel_loop3A_186] in [0] : vector<16xf32>, vector<16xi32> -> vector<16xf32>
        %parallel_loop3A_188 = arith.mulf %parallel_loop3A_187, %parallel_loop3A_173 : vector<16xf32>
        %parallel_loop3A_189 = arith.index_cast %parallel_loop3A_92 : i32 to index
        %parallel_loop3A_190 = arith.constant 80 : index
        %parallel_loop3A_191 = tpu.vector_load %arg13[%parallel_loop3A_189, %parallel_loop3A_190] {strides = array<i32>} : memref<80x136xf32, #tpu.memory_space<vmem>>, vector<16xf32>,
        tpu.vector_store %arg13[%parallel_loop3A_189, %parallel_loop3A_190], %parallel_loop3A_188 {strides = array<i32>} : memref<80x136xf32, #tpu.memory_space<vmem>>, vector<16xf32>,
        %parallel_loop3A_192 = arith.index_cast %parallel_loop3A_92 : i32 to index
        %parallel_loop3A_193 = arith.constant 96 : index
        %parallel_loop3A_194 = tpu.vector_load %arg9[%parallel_loop3A_192, %parallel_loop3A_193] {strides = array<i32>} : memref<80x160xbf16, #tpu.memory_space<vmem>>, vector<32xbf16>,
        %parallel_loop3A_195 = tpu.unpack_subelements %parallel_loop3A_194, 0 {pack_format = #tpu.pack_format<interleaved>} : vector<32xbf16> -> vector<16xf32>
        %parallel_loop3A_196 = tpu.unpack_subelements %parallel_loop3A_194, 1 {pack_format = #tpu.pack_format<interleaved>} : vector<32xbf16> -> vector<16xf32>
        %parallel_loop3A_197 = arith.constant 6 : i32
        %parallel_loop3A_198 = vector.broadcast %parallel_loop3A_197 : i32 to vector<16xi32>
        %parallel_loop3A_199 = vector.shape_cast %parallel_loop3A_198 : vector<16xi32> to vector<16x1xi32>
        %parallel_loop3A_200 = vector.shape_cast %parallel_loop3A_199 : vector<16x1xi32> to vector<16xi32>
        %parallel_loop3A_201 = tpu.dynamic_gather %parallel_loop3A_109[%parallel_loop3A_200] in [0] : vector<16xf32>, vector<16xi32> -> vector<16xf32>
        %parallel_loop3A_202 = arith.mulf %parallel_loop3A_201, %parallel_loop3A_195 : vector<16xf32>
        %parallel_loop3A_203 = arith.index_cast %parallel_loop3A_92 : i32 to index
        %parallel_loop3A_204 = arith.constant 96 : index
        %parallel_loop3A_205 = tpu.vector_load %arg13[%parallel_loop3A_203, %parallel_loop3A_204] {strides = array<i32>} : memref<80x136xf32, #tpu.memory_space<vmem>>, vector<16xf32>,
        tpu.vector_store %arg13[%parallel_loop3A_203, %parallel_loop3A_204], %parallel_loop3A_202 {strides = array<i32>} : memref<80x136xf32, #tpu.memory_space<vmem>>, vector<16xf32>,
        %parallel_loop3A_206 = arith.constant 7 : i32
        %parallel_loop3A_207 = vector.broadcast %parallel_loop3A_206 : i32 to vector<16xi32>
        %parallel_loop3A_208 = vector.shape_cast %parallel_loop3A_207 : vector<16xi32> to vector<16x1xi32>
        %parallel_loop3A_209 = vector.shape_cast %parallel_loop3A_208 : vector<16x1xi32> to vector<16xi32>
        %parallel_loop3A_210 = tpu.dynamic_gather %parallel_loop3A_109[%parallel_loop3A_209] in [0] : vector<16xf32>, vector<16xi32> -> vector<16xf32>
        %parallel_loop3A_211 = arith.mulf %parallel_loop3A_210, %parallel_loop3A_196 : vector<16xf32>
        %parallel_loop3A_212 = arith.index_cast %parallel_loop3A_92 : i32 to index
        %parallel_loop3A_213 = arith.constant 112 : index
        %parallel_loop3A_214 = tpu.vector_load %arg13[%parallel_loop3A_212, %parallel_loop3A_213] {strides = array<i32>} : memref<80x136xf32, #tpu.memory_space<vmem>>, vector<16xf32>,
        tpu.vector_store %arg13[%parallel_loop3A_212, %parallel_loop3A_213], %parallel_loop3A_211 {strides = array<i32>} : memref<80x136xf32, #tpu.memory_space<vmem>>, vector<16xf32>,
      } {sc.loop_unroll_factor = 4 : i64, sc.parallel_access}
      %dma_start3A_71 = arith.constant 24 : i32
      %dma_start3A_72 = arith.constant 0 : i32
      %dma_start3A_73 = tpu.memref_slice %arg7[%dma_start3A_71, %dma_start3A_72] : memref<25x80xi32, #tpu.memory_space<vmem>> -> memref<1x80xi32, #tpu.memory_space<vmem>>
      %dma_start3A_74 = tpu.memref_squeeze %dma_start3A_73 : memref<1x80xi32, #tpu.memory_space<vmem>> -> memref<80xi32, #tpu.memory_space<vmem>>
      %dma_start3A_75 = arith.constant 0 : i32
      %dma_start3A_76 = arith.constant 0 : i32
      %dma_start3A_77 = tpu.memref_slice %arg15[%dma_start3A_75, %dma_start3A_76] : memref<10112x136xf32, #tpu.memory_space<vmem_shared>> -> memref<10112x136xf32, #tpu.memory_space<vmem_shared>>
      tpu.enqueue_indirect_dma source(%arg13 : memref<80x136xf32, #tpu.memory_space<vmem>>) target(%dma_start3A_77 : memref<10112x136xf32, #tpu.memory_space<vmem_shared>>) offsets(%dma_start3A_74 : memref<80xi32, #tpu.memory_space<vmem>>) semaphore(%arg20 : memref<!tpu.dma_semaphore, #tpu.memory_space<semaphore_mem>>) {add = true}
      %dma_wait3A_78 = arith.constant 23 : i32
      %dma_wait3A_79 = arith.constant 0 : i32
      %dma_wait3A_80 = tpu.memref_slice %arg7[%dma_wait3A_78, %dma_wait3A_79] : memref<25x80xi32, #tpu.memory_space<vmem>> -> memref<1x80xi32, #tpu.memory_space<vmem>>
      %dma_wait3A_81 = tpu.memref_squeeze %dma_wait3A_80 : memref<1x80xi32, #tpu.memory_space<vmem>> -> memref<80xi32, #tpu.memory_space<vmem>>
      %dma_wait3A_82 = arith.constant 0 : i32
      %dma_wait3A_83 = arith.constant 0 : i32
      %dma_wait3A_84 = tpu.memref_slice %arg15[%dma_wait3A_82, %dma_wait3A_83] : memref<10112x136xf32, #tpu.memory_space<vmem_shared>> -> memref<10112x136xf32, #tpu.memory_space<vmem_shared>>
      tpu.wait_indirect_dma semaphore(%arg21 : memref<!tpu.dma_semaphore, #tpu.memory_space<semaphore_mem>>) src(%arg14 : memref<80x136xf32, #tpu.memory_space<vmem>>) dst(%dma_wait3A_84 : memref<10112x136xf32, #tpu.memory_space<vmem_shared>>)
      %dma_wait3A_85 = arith.constant 24 : i32
      %dma_wait3A_86 = arith.constant 0 : i32
      %dma_wait3A_87 = tpu.memref_slice %arg7[%dma_wait3A_85, %dma_wait3A_86] : memref<25x80xi32, #tpu.memory_space<vmem>> -> memref<1x80xi32, #tpu.memory_space<vmem>>
      %dma_wait3A_88 = tpu.memref_squeeze %dma_wait3A_87 : memref<1x80xi32, #tpu.memory_space<vmem>> -> memref<80xi32, #tpu.memory_space<vmem>>
      %dma_wait3A_89 = arith.constant 0 : i32
      %dma_wait3A_90 = arith.constant 0 : i32
      %dma_wait3A_91 = tpu.memref_slice %arg15[%dma_wait3A_89, %dma_wait3A_90] : memref<10112x136xf32, #tpu.memory_space<vmem_shared>> -> memref<10112x136xf32, #tpu.memory_space<vmem_shared>>
      tpu.wait_indirect_dma semaphore(%arg20 : memref<!tpu.dma_semaphore, #tpu.memory_space<semaphore_mem>>) src(%arg13 : memref<80x136xf32, #tpu.memory_space<vmem>>) dst(%dma_wait3A_91 : memref<10112x136xf32, #tpu.memory_space<vmem_shared>>)
    }
    %scan3A_9 = arith.constant 5 : i32
    %barrier3A_10 = arith.constant 0 : index
    tpu.barrier barrier_id(%barrier3A_10)
    "tpu.region"() ({
      %run_scoped3A = tpu.sem_alloc : memref<!tpu.dma_semaphore, #tpu.memory_space<semaphore_mem>>
      %dma_start3A = arith.constant 0 : i32
      %dma_start3A_11 = tpu.memref_slice %arg6[%arg0, %multiple_of3A, %dma_start3A] : memref<2x10112x136xf32, #tpu.memory_space<hbm>> -> memref<1x632x136xf32, #tpu.memory_space<hbm>>
      %dma_start3A_12 = tpu.memref_squeeze %dma_start3A_11 : memref<1x632x136xf32, #tpu.memory_space<hbm>> -> memref<632x136xf32, #tpu.memory_space<hbm>>
      %dma_start3A_13 = arith.constant 0 : i32
      %dma_start3A_14 = tpu.memref_slice %arg15[%multiple_of3A, %dma_start3A_13] : memref<10112x136xf32, #tpu.memory_space<vmem_shared>> -> memref<632x136xf32, #tpu.memory_space<vmem_shared>>
      tpu.enqueue_dma source(%dma_start3A_14 : memref<632x136xf32, #tpu.memory_space<vmem_shared>>) target(%dma_start3A_12 : memref<632x136xf32, #tpu.memory_space<hbm>>) target_semaphore(%run_scoped3A : memref<!tpu.dma_semaphore, #tpu.memory_space<semaphore_mem>>)
      %dma_wait3A = arith.constant 0 : i32
      %dma_wait3A_15 = tpu.memref_slice %arg6[%arg0, %multiple_of3A, %dma_wait3A] : memref<2x10112x136xf32, #tpu.memory_space<hbm>> -> memref<1x632x136xf32, #tpu.memory_space<hbm>>
      %dma_wait3A_16 = tpu.memref_squeeze %dma_wait3A_15 : memref<1x632x136xf32, #tpu.memory_space<hbm>> -> memref<632x136xf32, #tpu.memory_space<hbm>>
      %dma_wait3A_17 = arith.constant 0 : i32
      %dma_wait3A_18 = tpu.memref_slice %arg15[%multiple_of3A, %dma_wait3A_17] : memref<10112x136xf32, #tpu.memory_space<vmem_shared>> -> memref<632x136xf32, #tpu.memory_space<vmem_shared>>
      tpu.wait_dma2 semaphore(%run_scoped3A : memref<!tpu.dma_semaphore, #tpu.memory_space<semaphore_mem>>) src(%dma_wait3A_18 : memref<632x136xf32, #tpu.memory_space<vmem_shared>>) dst(%dma_wait3A_16 : memref<632x136xf32, #tpu.memory_space<hbm>>)
      tpu.yield
    }) : () -> ()
    return
  }
}

#map = affine_map<(d0, d1) -> (0, 0)>
#map1 = affine_map<(d0, d1) -> (0, 0, 0)>
module attributes {stable_mosaic.version = 14 : i64} {
  func.func @_edge_pass_body(%arg0: i32, %arg1: i32, %arg2: memref<10000x160xbf16, #tpu.memory_space<hbm>>, %arg3: memref<10000x16xf32, #tpu.memory_space<hbm>>, %arg4: memref<2x4000x80xi32, #tpu.memory_space<hbm>>, %arg5: memref<632x136xf32, #tpu.memory_space<hbm>>, %arg6: memref<2x10112x136xf32, #tpu.memory_space<hbm>>, %arg7: memref<25x80xi32, #tpu.memory_space<vmem>>, %arg8: memref<25x80xi32, #tpu.memory_space<vmem>>, %arg9: memref<80x160xbf16, #tpu.memory_space<vmem>>, %arg10: memref<80x160xbf16, #tpu.memory_space<vmem>>, %arg11: memref<80x16xf32, #tpu.memory_space<vmem>>, %arg12: memref<80x16xf32, #tpu.memory_space<vmem>>, %arg13: memref<80x136xf32, #tpu.memory_space<vmem>>, %arg14: memref<80x136xf32, #tpu.memory_space<vmem>>, %arg15: memref<10112x136xf32, #tpu.memory_space<vmem_shared>>, %arg16: memref<!tpu.dma_semaphore, #tpu.memory_space<semaphore_mem>>, %arg17: memref<!tpu.dma_semaphore, #tpu.memory_space<semaphore_mem>>, %arg18: memref<!tpu.dma_semaphore, #tpu.memory_space<semaphore_mem>>, %arg19: memref<!tpu.dma_semaphore, #tpu.memory_space<semaphore_mem>>, %arg20: memref<!tpu.dma_semaphore, #tpu.memory_space<semaphore_mem>>, %arg21: memref<!tpu.dma_semaphore, #tpu.memory_space<semaphore_mem>>) attributes {dimension_semantics = [#tpu.dimension_semantics<core_parallel>, #tpu.dimension_semantics<subcore_parallel>], iteration_bounds = array<i64: 2, 16>, scalar_prefetch = 0 : i64, scratch_operands = 15 : i64, tpu.core_type = #tpu.core_type<sc_vector_subcore>, window_params = [{transform_indices = #map}, {transform_indices = #map}, {transform_indices = #map1}, {transform_indices = #map}, {transform_indices = #map1}]} {
    %mul3A = arith.constant 16 : i32
    %mul3A_0 = arith.muli %arg0, %mul3A : i32
    %add3A = arith.addi %mul3A_0, %arg1 : i32
    %mul3A_1 = arith.constant 125 : i32
    %mul3A_2 = arith.muli %add3A, %mul3A_1 : i32
    %mul3A_3 = arith.constant 632 : i32
    %mul3A_4 = arith.muli %arg1, %mul3A_3 : i32
    %multiple_of3A = tpu.assume_multiple %mul3A_4, 632 : i32
    "tpu.region"() ({
      %run_scoped3A = tpu.sem_alloc : memref<!tpu.dma_semaphore, #tpu.memory_space<semaphore_mem>>
      %dma_start3A = arith.constant 0 : i32
      %dma_start3A_11 = tpu.memref_slice %arg15[%multiple_of3A, %dma_start3A] : memref<10112x136xf32, #tpu.memory_space<vmem_shared>> -> memref<632x136xf32, #tpu.memory_space<vmem_shared>>
      tpu.enqueue_dma source(%arg5 : memref<632x136xf32, #tpu.memory_space<hbm>>) target(%dma_start3A_11 : memref<632x136xf32, #tpu.memory_space<vmem_shared>>) target_semaphore(%run_scoped3A : memref<!tpu.dma_semaphore, #tpu.memory_space<semaphore_mem>>)
      %dma_wait3A = arith.constant 0 : i32
      %dma_wait3A_12 = tpu.memref_slice %arg15[%multiple_of3A, %dma_wait3A] : memref<10112x136xf32, #tpu.memory_space<vmem_shared>> -> memref<632x136xf32, #tpu.memory_space<vmem_shared>>
      tpu.wait_dma2 semaphore(%run_scoped3A : memref<!tpu.dma_semaphore, #tpu.memory_space<semaphore_mem>>) src(%arg5 : memref<632x136xf32, #tpu.memory_space<hbm>>) dst(%dma_wait3A_12 : memref<632x136xf32, #tpu.memory_space<vmem_shared>>)
      tpu.yield
    }) : () -> ()
    %barrier3A = arith.constant 0 : index
    tpu.barrier barrier_id(%barrier3A)
    %scan3A = arith.constant 0 : i32
    %scan3A_5 = arith.constant 0 : i32
    %scan3A_6 = arith.constant 5 : i32
    %scan3A_7 = arith.addi %scan3A_5, %scan3A_6 : i32
    %scan3A_8 = arith.constant 1 : i32
    scf.for %scan3A_11 = %scan3A_5 to %scan3A_7 step %scan3A_8  : i32 {
      %mul3A_12 = arith.constant 25 : i32
      %mul3A_13 = arith.muli %scan3A_11, %mul3A_12 : i32
      %add3A_14 = arith.addi %mul3A_2, %mul3A_13 : i32
      %run_scoped3A = arith.constant 0 : i32
      "tpu.region"() ({
        %run_scoped3A_92 = tpu.sem_alloc : memref<!tpu.dma_semaphore, #tpu.memory_space<semaphore_mem>>
        %dma_start3A_93 = arith.constant 0 : i32
        %dma_start3A_94 = tpu.memref_slice %arg4[%run_scoped3A, %add3A_14, %dma_start3A_93] : memref<2x4000x80xi32, #tpu.memory_space<hbm>> -> memref<1x25x80xi32, #tpu.memory_space<hbm>>
        %dma_start3A_95 = tpu.memref_squeeze %dma_start3A_94 : memref<1x25x80xi32, #tpu.memory_space<hbm>> -> memref<25x80xi32, #tpu.memory_space<hbm>>
        %dma_start3A_96 = arith.constant 0 : i32
        %dma_start3A_97 = tpu.memref_slice %arg4[%run_scoped3A, %add3A_14, %dma_start3A_96] : memref<2x4000x80xi32, #tpu.memory_space<hbm>> -> memref<1x25x80xi32, #tpu.memory_space<hbm>>
        %dma_start3A_98 = tpu.memref_squeeze %dma_start3A_97 : memref<1x25x80xi32, #tpu.memory_space<hbm>> -> memref<25x80xi32, #tpu.memory_space<hbm>>
        tpu.enqueue_dma source(%dma_start3A_98 : memref<25x80xi32, #tpu.memory_space<hbm>>) target(%arg7 : memref<25x80xi32, #tpu.memory_space<vmem>>) target_semaphore(%run_scoped3A_92 : memref<!tpu.dma_semaphore, #tpu.memory_space<semaphore_mem>>)
        %dma_wait3A_99 = arith.constant 0 : i32
        %dma_wait3A_100 = tpu.memref_slice %arg4[%run_scoped3A, %add3A_14, %dma_wait3A_99] : memref<2x4000x80xi32, #tpu.memory_space<hbm>> -> memref<1x25x80xi32, #tpu.memory_space<hbm>>
        %dma_wait3A_101 = tpu.memref_squeeze %dma_wait3A_100 : memref<1x25x80xi32, #tpu.memory_space<hbm>> -> memref<25x80xi32, #tpu.memory_space<hbm>>
        %dma_wait3A_102 = arith.constant 0 : i32
        %dma_wait3A_103 = tpu.memref_slice %arg4[%run_scoped3A, %add3A_14, %dma_wait3A_102] : memref<2x4000x80xi32, #tpu.memory_space<hbm>> -> memref<1x25x80xi32, #tpu.memory_space<hbm>>
        %dma_wait3A_104 = tpu.memref_squeeze %dma_wait3A_103 : memref<1x25x80xi32, #tpu.memory_space<hbm>> -> memref<25x80xi32, #tpu.memory_space<hbm>>
        tpu.wait_dma2 semaphore(%run_scoped3A_92 : memref<!tpu.dma_semaphore, #tpu.memory_space<semaphore_mem>>) src(%dma_wait3A_104 : memref<25x80xi32, #tpu.memory_space<hbm>>) dst(%arg7 : memref<25x80xi32, #tpu.memory_space<vmem>>)
        tpu.yield
      }) : () -> ()
      %run_scoped3A_15 = arith.constant 1 : i32
      "tpu.region"() ({
        %run_scoped3A_92 = tpu.sem_alloc : memref<!tpu.dma_semaphore, #tpu.memory_space<semaphore_mem>>
        %dma_start3A_93 = arith.constant 0 : i32
        %dma_start3A_94 = tpu.memref_slice %arg4[%run_scoped3A_15, %add3A_14, %dma_start3A_93] : memref<2x4000x80xi32, #tpu.memory_space<hbm>> -> memref<1x25x80xi32, #tpu.memory_space<hbm>>
        %dma_start3A_95 = tpu.memref_squeeze %dma_start3A_94 : memref<1x25x80xi32, #tpu.memory_space<hbm>> -> memref<25x80xi32, #tpu.memory_space<hbm>>
        %dma_start3A_96 = arith.constant 0 : i32
        %dma_start3A_97 = tpu.memref_slice %arg4[%run_scoped3A_15, %add3A_14, %dma_start3A_96] : memref<2x4000x80xi32, #tpu.memory_space<hbm>> -> memref<1x25x80xi32, #tpu.memory_space<hbm>>
        %dma_start3A_98 = tpu.memref_squeeze %dma_start3A_97 : memref<1x25x80xi32, #tpu.memory_space<hbm>> -> memref<25x80xi32, #tpu.memory_space<hbm>>
        tpu.enqueue_dma source(%dma_start3A_98 : memref<25x80xi32, #tpu.memory_space<hbm>>) target(%arg8 : memref<25x80xi32, #tpu.memory_space<vmem>>) target_semaphore(%run_scoped3A_92 : memref<!tpu.dma_semaphore, #tpu.memory_space<semaphore_mem>>)
        %dma_wait3A_99 = arith.constant 0 : i32
        %dma_wait3A_100 = tpu.memref_slice %arg4[%run_scoped3A_15, %add3A_14, %dma_wait3A_99] : memref<2x4000x80xi32, #tpu.memory_space<hbm>> -> memref<1x25x80xi32, #tpu.memory_space<hbm>>
        %dma_wait3A_101 = tpu.memref_squeeze %dma_wait3A_100 : memref<1x25x80xi32, #tpu.memory_space<hbm>> -> memref<25x80xi32, #tpu.memory_space<hbm>>
        %dma_wait3A_102 = arith.constant 0 : i32
        %dma_wait3A_103 = tpu.memref_slice %arg4[%run_scoped3A_15, %add3A_14, %dma_wait3A_102] : memref<2x4000x80xi32, #tpu.memory_space<hbm>> -> memref<1x25x80xi32, #tpu.memory_space<hbm>>
        %dma_wait3A_104 = tpu.memref_squeeze %dma_wait3A_103 : memref<1x25x80xi32, #tpu.memory_space<hbm>> -> memref<25x80xi32, #tpu.memory_space<hbm>>
        tpu.wait_dma2 semaphore(%run_scoped3A_92 : memref<!tpu.dma_semaphore, #tpu.memory_space<semaphore_mem>>) src(%dma_wait3A_104 : memref<25x80xi32, #tpu.memory_space<hbm>>) dst(%arg8 : memref<25x80xi32, #tpu.memory_space<vmem>>)
        tpu.yield
      }) : () -> ()
      %dma_start3A = arith.constant 0 : i32
      %dma_start3A_16 = arith.constant 0 : i32
      %dma_start3A_17 = tpu.memref_slice %arg8[%dma_start3A, %dma_start3A_16] : memref<25x80xi32, #tpu.memory_space<vmem>> -> memref<1x80xi32, #tpu.memory_space<vmem>>
      %dma_start3A_18 = tpu.memref_squeeze %dma_start3A_17 : memref<1x80xi32, #tpu.memory_space<vmem>> -> memref<80xi32, #tpu.memory_space<vmem>>
      %dma_start3A_19 = arith.constant 0 : i32
      %dma_start3A_20 = arith.constant 0 : i32
      %dma_start3A_21 = tpu.memref_slice %arg2[%dma_start3A_19, %dma_start3A_20] : memref<10000x160xbf16, #tpu.memory_space<hbm>> -> memref<10000x160xbf16, #tpu.memory_space<hbm>>
      tpu.enqueue_indirect_dma source(%dma_start3A_21 : memref<10000x160xbf16, #tpu.memory_space<hbm>>) target(%arg9 : memref<80x160xbf16, #tpu.memory_space<vmem>>) offsets(%dma_start3A_18 : memref<80xi32, #tpu.memory_space<vmem>>) semaphore(%arg16 : memref<!tpu.dma_semaphore, #tpu.memory_space<semaphore_mem>>)
      %dma_start3A_22 = arith.constant 0 : i32
      %dma_start3A_23 = arith.constant 0 : i32
      %dma_start3A_24 = tpu.memref_slice %arg7[%dma_start3A_22, %dma_start3A_23] : memref<25x80xi32, #tpu.memory_space<vmem>> -> memref<1x80xi32, #tpu.memory_space<vmem>>
      %dma_start3A_25 = tpu.memref_squeeze %dma_start3A_24 : memref<1x80xi32, #tpu.memory_space<vmem>> -> memref<80xi32, #tpu.memory_space<vmem>>
      %dma_start3A_26 = arith.constant 0 : i32
      %dma_start3A_27 = arith.constant 0 : i32
      %dma_start3A_28 = tpu.memref_slice %arg3[%dma_start3A_26, %dma_start3A_27] : memref<10000x16xf32, #tpu.memory_space<hbm>> -> memref<10000x16xf32, #tpu.memory_space<hbm>>
      tpu.enqueue_indirect_dma source(%dma_start3A_28 : memref<10000x16xf32, #tpu.memory_space<hbm>>) target(%arg11 : memref<80x16xf32, #tpu.memory_space<vmem>>) offsets(%dma_start3A_25 : memref<80xi32, #tpu.memory_space<vmem>>) semaphore(%arg18 : memref<!tpu.dma_semaphore, #tpu.memory_space<semaphore_mem>>)
      %dma_start3A_29 = arith.constant 1 : i32
      %dma_start3A_30 = arith.constant 0 : i32
      %dma_start3A_31 = tpu.memref_slice %arg8[%dma_start3A_29, %dma_start3A_30] : memref<25x80xi32, #tpu.memory_space<vmem>> -> memref<1x80xi32, #tpu.memory_space<vmem>>
      %dma_start3A_32 = tpu.memref_squeeze %dma_start3A_31 : memref<1x80xi32, #tpu.memory_space<vmem>> -> memref<80xi32, #tpu.memory_space<vmem>>
      %dma_start3A_33 = arith.constant 0 : i32
      %dma_start3A_34 = arith.constant 0 : i32
      %dma_start3A_35 = tpu.memref_slice %arg2[%dma_start3A_33, %dma_start3A_34] : memref<10000x160xbf16, #tpu.memory_space<hbm>> -> memref<10000x160xbf16, #tpu.memory_space<hbm>>
      tpu.enqueue_indirect_dma source(%dma_start3A_35 : memref<10000x160xbf16, #tpu.memory_space<hbm>>) target(%arg10 : memref<80x160xbf16, #tpu.memory_space<vmem>>) offsets(%dma_start3A_32 : memref<80xi32, #tpu.memory_space<vmem>>) semaphore(%arg17 : memref<!tpu.dma_semaphore, #tpu.memory_space<semaphore_mem>>)
      %dma_start3A_36 = arith.constant 1 : i32
      %dma_start3A_37 = arith.constant 0 : i32
      %dma_start3A_38 = tpu.memref_slice %arg7[%dma_start3A_36, %dma_start3A_37] : memref<25x80xi32, #tpu.memory_space<vmem>> -> memref<1x80xi32, #tpu.memory_space<vmem>>
      %dma_start3A_39 = tpu.memref_squeeze %dma_start3A_38 : memref<1x80xi32, #tpu.memory_space<vmem>> -> memref<80xi32, #tpu.memory_space<vmem>>
      %dma_start3A_40 = arith.constant 0 : i32
      %dma_start3A_41 = arith.constant 0 : i32
      %dma_start3A_42 = tpu.memref_slice %arg3[%dma_start3A_40, %dma_start3A_41] : memref<10000x16xf32, #tpu.memory_space<hbm>> -> memref<10000x16xf32, #tpu.memory_space<hbm>>
      tpu.enqueue_indirect_dma source(%dma_start3A_42 : memref<10000x16xf32, #tpu.memory_space<hbm>>) target(%arg12 : memref<80x16xf32, #tpu.memory_space<vmem>>) offsets(%dma_start3A_39 : memref<80xi32, #tpu.memory_space<vmem>>) semaphore(%arg19 : memref<!tpu.dma_semaphore, #tpu.memory_space<semaphore_mem>>)
      %scan3A_43 = arith.constant 0 : i32
      %scan3A_44 = arith.constant 0 : i32
      %scan3A_45 = arith.constant 12 : i32
      %scan3A_46 = arith.addi %scan3A_44, %scan3A_45 : i32
      %scan3A_47 = arith.constant 1 : i32
      scf.for %scan3A_92 = %scan3A_44 to %scan3A_46 step %scan3A_47  : i32 {
        %mul3A_93 = arith.constant 2 : i32
        %mul3A_94 = arith.muli %mul3A_93, %scan3A_92 : i32
        %add3A_95 = arith.constant 0 : i32
        %add3A_96 = arith.addi %mul3A_94, %add3A_95 : i32
        %dma_wait3A_97 = arith.constant 0 : i32
        %dma_wait3A_98 = tpu.memref_slice %arg8[%add3A_96, %dma_wait3A_97] : memref<25x80xi32, #tpu.memory_space<vmem>> -> memref<1x80xi32, #tpu.memory_space<vmem>>
        %dma_wait3A_99 = tpu.memref_squeeze %dma_wait3A_98 : memref<1x80xi32, #tpu.memory_space<vmem>> -> memref<80xi32, #tpu.memory_space<vmem>>
        %dma_wait3A_100 = arith.constant 0 : i32
        %dma_wait3A_101 = arith.constant 0 : i32
        %dma_wait3A_102 = tpu.memref_slice %arg2[%dma_wait3A_100, %dma_wait3A_101] : memref<10000x160xbf16, #tpu.memory_space<hbm>> -> memref<10000x160xbf16, #tpu.memory_space<hbm>>
        tpu.wait_indirect_dma semaphore(%arg16 : memref<!tpu.dma_semaphore, #tpu.memory_space<semaphore_mem>>) src(%dma_wait3A_102 : memref<10000x160xbf16, #tpu.memory_space<hbm>>) dst(%arg9 : memref<80x160xbf16, #tpu.memory_space<vmem>>)
        %dma_wait3A_103 = arith.constant 0 : i32
        %dma_wait3A_104 = tpu.memref_slice %arg7[%add3A_96, %dma_wait3A_103] : memref<25x80xi32, #tpu.memory_space<vmem>> -> memref<1x80xi32, #tpu.memory_space<vmem>>
        %dma_wait3A_105 = tpu.memref_squeeze %dma_wait3A_104 : memref<1x80xi32, #tpu.memory_space<vmem>> -> memref<80xi32, #tpu.memory_space<vmem>>
        %dma_wait3A_106 = arith.constant 0 : i32
        %dma_wait3A_107 = arith.constant 0 : i32
        %dma_wait3A_108 = tpu.memref_slice %arg3[%dma_wait3A_106, %dma_wait3A_107] : memref<10000x16xf32, #tpu.memory_space<hbm>> -> memref<10000x16xf32, #tpu.memory_space<hbm>>
        tpu.wait_indirect_dma semaphore(%arg18 : memref<!tpu.dma_semaphore, #tpu.memory_space<semaphore_mem>>) src(%dma_wait3A_108 : memref<10000x16xf32, #tpu.memory_space<hbm>>) dst(%arg11 : memref<80x16xf32, #tpu.memory_space<vmem>>)
        %ge3A = arith.constant 2 : i32
        %ge3A_109 = arith.cmpi sge, %add3A_96, %ge3A : i32
        %convert_element_type3A = arith.extui %ge3A_109 : i1 to i32
        %cond3A = arith.constant 0 : i32
        %cond3A_110 = arith.cmpi ne, %convert_element_type3A, %cond3A : i32
        scf.if %cond3A_110 {
          %sub3A = arith.constant 2 : i32
          %sub3A_163 = arith.subi %add3A_96, %sub3A : i32
          %dma_wait3A_164 = arith.constant 0 : i32
          %dma_wait3A_165 = tpu.memref_slice %arg7[%sub3A_163, %dma_wait3A_164] : memref<25x80xi32, #tpu.memory_space<vmem>> -> memref<1x80xi32, #tpu.memory_space<vmem>>
          %dma_wait3A_166 = tpu.memref_squeeze %dma_wait3A_165 : memref<1x80xi32, #tpu.memory_space<vmem>> -> memref<80xi32, #tpu.memory_space<vmem>>
          %dma_wait3A_167 = arith.constant 0 : i32
          %dma_wait3A_168 = arith.constant 0 : i32
          %dma_wait3A_169 = tpu.memref_slice %arg15[%dma_wait3A_167, %dma_wait3A_168] : memref<10112x136xf32, #tpu.memory_space<vmem_shared>> -> memref<10112x136xf32, #tpu.memory_space<vmem_shared>>
          tpu.wait_indirect_dma semaphore(%arg20 : memref<!tpu.dma_semaphore, #tpu.memory_space<semaphore_mem>>) src(%arg13 : memref<80x136xf32, #tpu.memory_space<vmem>>) dst(%dma_wait3A_169 : memref<10112x136xf32, #tpu.memory_space<vmem_shared>>)
        } else {
        }
        %parallel_loop3A_111 = arith.constant 0 : i32
        %parallel_loop3A_112 = arith.constant 80 : i32
        %parallel_loop3A_113 = arith.constant 1 : i32
        scf.for %parallel_loop3A_163 = %parallel_loop3A_111 to %parallel_loop3A_112 step %parallel_loop3A_113  : i32 {
          %parallel_loop3A_164 = arith.index_cast %parallel_loop3A_163 : i32 to index
          %parallel_loop3A_165 = arith.constant 0 : index
          %parallel_loop3A_166 = tpu.vector_load %arg11[%parallel_loop3A_164, %parallel_loop3A_165] {strides = array<i32>} : memref<80x16xf32, #tpu.memory_space<vmem>>, vector<16xf32>,
          %parallel_loop3A_167 = arith.index_cast %parallel_loop3A_163 : i32 to index
          %parallel_loop3A_168 = arith.constant 128 : index
          %parallel_loop3A_169 = tpu.vector_load %arg9[%parallel_loop3A_167, %parallel_loop3A_168] {strides = array<i32>} : memref<80x160xbf16, #tpu.memory_space<vmem>>, vector<32xbf16>,
          %parallel_loop3A_170 = tpu.unpack_subelements %parallel_loop3A_169, 0 {pack_format = #tpu.pack_format<interleaved>} : vector<32xbf16> -> vector<16xf32>
          %parallel_loop3A_171 = tpu.unpack_subelements %parallel_loop3A_169, 1 {pack_format = #tpu.pack_format<interleaved>} : vector<32xbf16> -> vector<16xf32>
          %parallel_loop3A_172 = arith.addf %parallel_loop3A_166, %parallel_loop3A_170 : vector<16xf32>
          %parallel_loop3A_173 = arith.constant 2.000000e-01 : f32
          %parallel_loop3A_174 = vector.broadcast %parallel_loop3A_173 : f32 to vector<16xf32>
          %parallel_loop3A_175 = arith.mulf %parallel_loop3A_174, %parallel_loop3A_172 : vector<16xf32>
          %parallel_loop3A_176 = arith.maximumf %parallel_loop3A_172, %parallel_loop3A_175 : vector<16xf32>
          %parallel_loop3A_177 = arith.constant 0.000000e+00 : f32
          %parallel_loop3A_178 = vector.broadcast %parallel_loop3A_177 : f32 to vector<16xf32>
          %parallel_loop3A_179 = arith.subf %parallel_loop3A_178, %parallel_loop3A_176 : vector<16xf32>
          %parallel_loop3A_180 = math.exp %parallel_loop3A_179 : vector<16xf32>
          %parallel_loop3A_181 = tpu.iota {dimensions = array<i32: 0>} : vector<16xi32>
          %parallel_loop3A_182 = arith.constant 8 : i32
          %parallel_loop3A_183 = vector.broadcast %parallel_loop3A_182 : i32 to vector<16xi32>
          %parallel_loop3A_184 = arith.subi %parallel_loop3A_181, %parallel_loop3A_183 : vector<16xi32>
          %parallel_loop3A_185 = arith.constant 0 : i32
          %parallel_loop3A_186 = vector.broadcast %parallel_loop3A_185 : i32 to vector<16xi32>
          %parallel_loop3A_187 = arith.maxsi %parallel_loop3A_184, %parallel_loop3A_186 : vector<16xi32>
          %parallel_loop3A_188 = vector.shape_cast %parallel_loop3A_187 : vector<16xi32> to vector<16x1xi32>
          %parallel_loop3A_189 = vector.shape_cast %parallel_loop3A_188 : vector<16x1xi32> to vector<16xi32>
          %parallel_loop3A_190 = tpu.dynamic_gather %parallel_loop3A_180[%parallel_loop3A_189] in [0] : vector<16xf32>, vector<16xi32> -> vector<16xf32>
          %parallel_loop3A_191 = arith.index_cast %parallel_loop3A_163 : i32 to index
          %parallel_loop3A_192 = arith.constant 112 : index
          %parallel_loop3A_193 = tpu.vector_load %arg13[%parallel_loop3A_191, %parallel_loop3A_192] {strides = array<i32>} : memref<80x136xf32, #tpu.memory_space<vmem>>, vector<16xf32>,
          tpu.vector_store %arg13[%parallel_loop3A_191, %parallel_loop3A_192], %parallel_loop3A_190 {strides = array<i32>} : memref<80x136xf32, #tpu.memory_space<vmem>>, vector<16xf32>,
          %parallel_loop3A_194 = arith.index_cast %parallel_loop3A_163 : i32 to index
          %parallel_loop3A_195 = arith.constant 0 : index
          %parallel_loop3A_196 = tpu.vector_load %arg9[%parallel_loop3A_194, %parallel_loop3A_195] {strides = array<i32>} : memref<80x160xbf16, #tpu.memory_space<vmem>>, vector<32xbf16>,
          %parallel_loop3A_197 = tpu.unpack_subelements %parallel_loop3A_196, 0 {pack_format = #tpu.pack_format<interleaved>} : vector<32xbf16> -> vector<16xf32>
          %parallel_loop3A_198 = tpu.unpack_subelements %parallel_loop3A_196, 1 {pack_format = #tpu.pack_format<interleaved>} : vector<32xbf16> -> vector<16xf32>
          %parallel_loop3A_199 = arith.constant 0 : i32
          %parallel_loop3A_200 = vector.broadcast %parallel_loop3A_199 : i32 to vector<16xi32>
          %parallel_loop3A_201 = vector.shape_cast %parallel_loop3A_200 : vector<16xi32> to vector<16x1xi32>
          %parallel_loop3A_202 = vector.shape_cast %parallel_loop3A_201 : vector<16x1xi32> to vector<16xi32>
          %parallel_loop3A_203 = tpu.dynamic_gather %parallel_loop3A_180[%parallel_loop3A_202] in [0] : vector<16xf32>, vector<16xi32> -> vector<16xf32>
          %parallel_loop3A_204 = arith.mulf %parallel_loop3A_203, %parallel_loop3A_197 : vector<16xf32>
          %parallel_loop3A_205 = arith.index_cast %parallel_loop3A_163 : i32 to index
          %parallel_loop3A_206 = arith.constant 0 : index
          %parallel_loop3A_207 = tpu.vector_load %arg13[%parallel_loop3A_205, %parallel_loop3A_206] {strides = array<i32>} : memref<80x136xf32, #tpu.memory_space<vmem>>, vector<16xf32>,
          tpu.vector_store %arg13[%parallel_loop3A_205, %parallel_loop3A_206], %parallel_loop3A_204 {strides = array<i32>} : memref<80x136xf32, #tpu.memory_space<vmem>>, vector<16xf32>,
          %parallel_loop3A_208 = arith.constant 1 : i32
          %parallel_loop3A_209 = vector.broadcast %parallel_loop3A_208 : i32 to vector<16xi32>
          %parallel_loop3A_210 = vector.shape_cast %parallel_loop3A_209 : vector<16xi32> to vector<16x1xi32>
          %parallel_loop3A_211 = vector.shape_cast %parallel_loop3A_210 : vector<16x1xi32> to vector<16xi32>
          %parallel_loop3A_212 = tpu.dynamic_gather %parallel_loop3A_180[%parallel_loop3A_211] in [0] : vector<16xf32>, vector<16xi32> -> vector<16xf32>
          %parallel_loop3A_213 = arith.mulf %parallel_loop3A_212, %parallel_loop3A_198 : vector<16xf32>
          %parallel_loop3A_214 = arith.index_cast %parallel_loop3A_163 : i32 to index
          %parallel_loop3A_215 = arith.constant 16 : index
          %parallel_loop3A_216 = tpu.vector_load %arg13[%parallel_loop3A_214, %parallel_loop3A_215] {strides = array<i32>} : memref<80x136xf32, #tpu.memory_space<vmem>>, vector<16xf32>,
          tpu.vector_store %arg13[%parallel_loop3A_214, %parallel_loop3A_215], %parallel_loop3A_213 {strides = array<i32>} : memref<80x136xf32, #tpu.memory_space<vmem>>, vector<16xf32>,
          %parallel_loop3A_217 = arith.index_cast %parallel_loop3A_163 : i32 to index
          %parallel_loop3A_218 = arith.constant 32 : index
          %parallel_loop3A_219 = tpu.vector_load %arg9[%parallel_loop3A_217, %parallel_loop3A_218] {strides = array<i32>} : memref<80x160xbf16, #tpu.memory_space<vmem>>, vector<32xbf16>,
          %parallel_loop3A_220 = tpu.unpack_subelements %parallel_loop3A_219, 0 {pack_format = #tpu.pack_format<interleaved>} : vector<32xbf16> -> vector<16xf32>
          %parallel_loop3A_221 = tpu.unpack_subelements %parallel_loop3A_219, 1 {pack_format = #tpu.pack_format<interleaved>} : vector<32xbf16> -> vector<16xf32>
          %parallel_loop3A_222 = arith.constant 2 : i32
          %parallel_loop3A_223 = vector.broadcast %parallel_loop3A_222 : i32 to vector<16xi32>
          %parallel_loop3A_224 = vector.shape_cast %parallel_loop3A_223 : vector<16xi32> to vector<16x1xi32>
          %parallel_loop3A_225 = vector.shape_cast %parallel_loop3A_224 : vector<16x1xi32> to vector<16xi32>
          %parallel_loop3A_226 = tpu.dynamic_gather %parallel_loop3A_180[%parallel_loop3A_225] in [0] : vector<16xf32>, vector<16xi32> -> vector<16xf32>
          %parallel_loop3A_227 = arith.mulf %parallel_loop3A_226, %parallel_loop3A_220 : vector<16xf32>
          %parallel_loop3A_228 = arith.index_cast %parallel_loop3A_163 : i32 to index
          %parallel_loop3A_229 = arith.constant 32 : index
          %parallel_loop3A_230 = tpu.vector_load %arg13[%parallel_loop3A_228, %parallel_loop3A_229] {strides = array<i32>} : memref<80x136xf32, #tpu.memory_space<vmem>>, vector<16xf32>,
          tpu.vector_store %arg13[%parallel_loop3A_228, %parallel_loop3A_229], %parallel_loop3A_227 {strides = array<i32>} : memref<80x136xf32, #tpu.memory_space<vmem>>, vector<16xf32>,
          %parallel_loop3A_231 = arith.constant 3 : i32
          %parallel_loop3A_232 = vector.broadcast %parallel_loop3A_231 : i32 to vector<16xi32>
          %parallel_loop3A_233 = vector.shape_cast %parallel_loop3A_232 : vector<16xi32> to vector<16x1xi32>
          %parallel_loop3A_234 = vector.shape_cast %parallel_loop3A_233 : vector<16x1xi32> to vector<16xi32>
          %parallel_loop3A_235 = tpu.dynamic_gather %parallel_loop3A_180[%parallel_loop3A_234] in [0] : vector<16xf32>, vector<16xi32> -> vector<16xf32>
          %parallel_loop3A_236 = arith.mulf %parallel_loop3A_235, %parallel_loop3A_221 : vector<16xf32>
          %parallel_loop3A_237 = arith.index_cast %parallel_loop3A_163 : i32 to index
          %parallel_loop3A_238 = arith.constant 48 : index
          %parallel_loop3A_239 = tpu.vector_load %arg13[%parallel_loop3A_237, %parallel_loop3A_238] {strides = array<i32>} : memref<80x136xf32, #tpu.memory_space<vmem>>, vector<16xf32>,
          tpu.vector_store %arg13[%parallel_loop3A_237, %parallel_loop3A_238], %parallel_loop3A_236 {strides = array<i32>} : memref<80x136xf32, #tpu.memory_space<vmem>>, vector<16xf32>,
          %parallel_loop3A_240 = arith.index_cast %parallel_loop3A_163 : i32 to index
          %parallel_loop3A_241 = arith.constant 64 : index
          %parallel_loop3A_242 = tpu.vector_load %arg9[%parallel_loop3A_240, %parallel_loop3A_241] {strides = array<i32>} : memref<80x160xbf16, #tpu.memory_space<vmem>>, vector<32xbf16>,
          %parallel_loop3A_243 = tpu.unpack_subelements %parallel_loop3A_242, 0 {pack_format = #tpu.pack_format<interleaved>} : vector<32xbf16> -> vector<16xf32>
          %parallel_loop3A_244 = tpu.unpack_subelements %parallel_loop3A_242, 1 {pack_format = #tpu.pack_format<interleaved>} : vector<32xbf16> -> vector<16xf32>
          %parallel_loop3A_245 = arith.constant 4 : i32
          %parallel_loop3A_246 = vector.broadcast %parallel_loop3A_245 : i32 to vector<16xi32>
          %parallel_loop3A_247 = vector.shape_cast %parallel_loop3A_246 : vector<16xi32> to vector<16x1xi32>
          %parallel_loop3A_248 = vector.shape_cast %parallel_loop3A_247 : vector<16x1xi32> to vector<16xi32>
          %parallel_loop3A_249 = tpu.dynamic_gather %parallel_loop3A_180[%parallel_loop3A_248] in [0] : vector<16xf32>, vector<16xi32> -> vector<16xf32>
          %parallel_loop3A_250 = arith.mulf %parallel_loop3A_249, %parallel_loop3A_243 : vector<16xf32>
          %parallel_loop3A_251 = arith.index_cast %parallel_loop3A_163 : i32 to index
          %parallel_loop3A_252 = arith.constant 64 : index
          %parallel_loop3A_253 = tpu.vector_load %arg13[%parallel_loop3A_251, %parallel_loop3A_252] {strides = array<i32>} : memref<80x136xf32, #tpu.memory_space<vmem>>, vector<16xf32>,
          tpu.vector_store %arg13[%parallel_loop3A_251, %parallel_loop3A_252], %parallel_loop3A_250 {strides = array<i32>} : memref<80x136xf32, #tpu.memory_space<vmem>>, vector<16xf32>,
          %parallel_loop3A_254 = arith.constant 5 : i32
          %parallel_loop3A_255 = vector.broadcast %parallel_loop3A_254 : i32 to vector<16xi32>
          %parallel_loop3A_256 = vector.shape_cast %parallel_loop3A_255 : vector<16xi32> to vector<16x1xi32>
          %parallel_loop3A_257 = vector.shape_cast %parallel_loop3A_256 : vector<16x1xi32> to vector<16xi32>
          %parallel_loop3A_258 = tpu.dynamic_gather %parallel_loop3A_180[%parallel_loop3A_257] in [0] : vector<16xf32>, vector<16xi32> -> vector<16xf32>
          %parallel_loop3A_259 = arith.mulf %parallel_loop3A_258, %parallel_loop3A_244 : vector<16xf32>
          %parallel_loop3A_260 = arith.index_cast %parallel_loop3A_163 : i32 to index
          %parallel_loop3A_261 = arith.constant 80 : index
          %parallel_loop3A_262 = tpu.vector_load %arg13[%parallel_loop3A_260, %parallel_loop3A_261] {strides = array<i32>} : memref<80x136xf32, #tpu.memory_space<vmem>>, vector<16xf32>,
          tpu.vector_store %arg13[%parallel_loop3A_260, %parallel_loop3A_261], %parallel_loop3A_259 {strides = array<i32>} : memref<80x136xf32, #tpu.memory_space<vmem>>, vector<16xf32>,
          %parallel_loop3A_263 = arith.index_cast %parallel_loop3A_163 : i32 to index
          %parallel_loop3A_264 = arith.constant 96 : index
          %parallel_loop3A_265 = tpu.vector_load %arg9[%parallel_loop3A_263, %parallel_loop3A_264] {strides = array<i32>} : memref<80x160xbf16, #tpu.memory_space<vmem>>, vector<32xbf16>,
          %parallel_loop3A_266 = tpu.unpack_subelements %parallel_loop3A_265, 0 {pack_format = #tpu.pack_format<interleaved>} : vector<32xbf16> -> vector<16xf32>
          %parallel_loop3A_267 = tpu.unpack_subelements %parallel_loop3A_265, 1 {pack_format = #tpu.pack_format<interleaved>} : vector<32xbf16> -> vector<16xf32>
          %parallel_loop3A_268 = arith.constant 6 : i32
          %parallel_loop3A_269 = vector.broadcast %parallel_loop3A_268 : i32 to vector<16xi32>
          %parallel_loop3A_270 = vector.shape_cast %parallel_loop3A_269 : vector<16xi32> to vector<16x1xi32>
          %parallel_loop3A_271 = vector.shape_cast %parallel_loop3A_270 : vector<16x1xi32> to vector<16xi32>
          %parallel_loop3A_272 = tpu.dynamic_gather %parallel_loop3A_180[%parallel_loop3A_271] in [0] : vector<16xf32>, vector<16xi32> -> vector<16xf32>
          %parallel_loop3A_273 = arith.mulf %parallel_loop3A_272, %parallel_loop3A_266 : vector<16xf32>
          %parallel_loop3A_274 = arith.index_cast %parallel_loop3A_163 : i32 to index
          %parallel_loop3A_275 = arith.constant 96 : index
          %parallel_loop3A_276 = tpu.vector_load %arg13[%parallel_loop3A_274, %parallel_loop3A_275] {strides = array<i32>} : memref<80x136xf32, #tpu.memory_space<vmem>>, vector<16xf32>,
          tpu.vector_store %arg13[%parallel_loop3A_274, %parallel_loop3A_275], %parallel_loop3A_273 {strides = array<i32>} : memref<80x136xf32, #tpu.memory_space<vmem>>, vector<16xf32>,
          %parallel_loop3A_277 = arith.constant 7 : i32
          %parallel_loop3A_278 = vector.broadcast %parallel_loop3A_277 : i32 to vector<16xi32>
          %parallel_loop3A_279 = vector.shape_cast %parallel_loop3A_278 : vector<16xi32> to vector<16x1xi32>
          %parallel_loop3A_280 = vector.shape_cast %parallel_loop3A_279 : vector<16x1xi32> to vector<16xi32>
          %parallel_loop3A_281 = tpu.dynamic_gather %parallel_loop3A_180[%parallel_loop3A_280] in [0] : vector<16xf32>, vector<16xi32> -> vector<16xf32>
          %parallel_loop3A_282 = arith.mulf %parallel_loop3A_281, %parallel_loop3A_267 : vector<16xf32>
          %parallel_loop3A_283 = arith.index_cast %parallel_loop3A_163 : i32 to index
          %parallel_loop3A_284 = arith.constant 112 : index
          %parallel_loop3A_285 = tpu.vector_load %arg13[%parallel_loop3A_283, %parallel_loop3A_284] {strides = array<i32>} : memref<80x136xf32, #tpu.memory_space<vmem>>, vector<16xf32>,
          tpu.vector_store %arg13[%parallel_loop3A_283, %parallel_loop3A_284], %parallel_loop3A_282 {strides = array<i32>} : memref<80x136xf32, #tpu.memory_space<vmem>>, vector<16xf32>,
        } {sc.loop_unroll_factor = 4 : i64, sc.parallel_access}
        %dma_start3A_114 = arith.constant 0 : i32
        %dma_start3A_115 = tpu.memref_slice %arg7[%add3A_96, %dma_start3A_114] : memref<25x80xi32, #tpu.memory_space<vmem>> -> memref<1x80xi32, #tpu.memory_space<vmem>>
        %dma_start3A_116 = tpu.memref_squeeze %dma_start3A_115 : memref<1x80xi32, #tpu.memory_space<vmem>> -> memref<80xi32, #tpu.memory_space<vmem>>
        %dma_start3A_117 = arith.constant 0 : i32
        %dma_start3A_118 = arith.constant 0 : i32
        %dma_start3A_119 = tpu.memref_slice %arg15[%dma_start3A_117, %dma_start3A_118] : memref<10112x136xf32, #tpu.memory_space<vmem_shared>> -> memref<10112x136xf32, #tpu.memory_space<vmem_shared>>
        tpu.enqueue_indirect_dma source(%arg13 : memref<80x136xf32, #tpu.memory_space<vmem>>) target(%dma_start3A_119 : memref<10112x136xf32, #tpu.memory_space<vmem_shared>>) offsets(%dma_start3A_116 : memref<80xi32, #tpu.memory_space<vmem>>) semaphore(%arg20 : memref<!tpu.dma_semaphore, #tpu.memory_space<semaphore_mem>>) {add = true}
        %add3A_120 = arith.constant 2 : i32
        %add3A_121 = arith.addi %add3A_96, %add3A_120 : i32
        %lt3A = arith.constant 25 : i32
        %lt3A_122 = arith.cmpi slt, %add3A_121, %lt3A : i32
        %convert_element_type3A_123 = arith.extui %lt3A_122 : i1 to i32
        %cond3A_124 = arith.constant 0 : i32
        %cond3A_125 = arith.cmpi ne, %convert_element_type3A_123, %cond3A_124 : i32
        scf.if %cond3A_125 {
          %add3A_163 = arith.constant 2 : i32
          %add3A_164 = arith.addi %add3A_96, %add3A_163 : i32
          %dma_start3A_165 = arith.constant 0 : i32
          %dma_start3A_166 = tpu.memref_slice %arg8[%add3A_164, %dma_start3A_165] : memref<25x80xi32, #tpu.memory_space<vmem>> -> memref<1x80xi32, #tpu.memory_space<vmem>>
          %dma_start3A_167 = tpu.memref_squeeze %dma_start3A_166 : memref<1x80xi32, #tpu.memory_space<vmem>> -> memref<80xi32, #tpu.memory_space<vmem>>
          %dma_start3A_168 = arith.constant 0 : i32
          %dma_start3A_169 = arith.constant 0 : i32
          %dma_start3A_170 = tpu.memref_slice %arg2[%dma_start3A_168, %dma_start3A_169] : memref<10000x160xbf16, #tpu.memory_space<hbm>> -> memref<10000x160xbf16, #tpu.memory_space<hbm>>
          tpu.enqueue_indirect_dma source(%dma_start3A_170 : memref<10000x160xbf16, #tpu.memory_space<hbm>>) target(%arg9 : memref<80x160xbf16, #tpu.memory_space<vmem>>) offsets(%dma_start3A_167 : memref<80xi32, #tpu.memory_space<vmem>>) semaphore(%arg16 : memref<!tpu.dma_semaphore, #tpu.memory_space<semaphore_mem>>)
          %dma_start3A_171 = arith.constant 0 : i32
          %dma_start3A_172 = tpu.memref_slice %arg7[%add3A_164, %dma_start3A_171] : memref<25x80xi32, #tpu.memory_space<vmem>> -> memref<1x80xi32, #tpu.memory_space<vmem>>
          %dma_start3A_173 = tpu.memref_squeeze %dma_start3A_172 : memref<1x80xi32, #tpu.memory_space<vmem>> -> memref<80xi32, #tpu.memory_space<vmem>>
          %dma_start3A_174 = arith.constant 0 : i32
          %dma_start3A_175 = arith.constant 0 : i32
          %dma_start3A_176 = tpu.memref_slice %arg3[%dma_start3A_174, %dma_start3A_175] : memref<10000x16xf32, #tpu.memory_space<hbm>> -> memref<10000x16xf32, #tpu.memory_space<hbm>>
          tpu.enqueue_indirect_dma source(%dma_start3A_176 : memref<10000x16xf32, #tpu.memory_space<hbm>>) target(%arg11 : memref<80x16xf32, #tpu.memory_space<vmem>>) offsets(%dma_start3A_173 : memref<80xi32, #tpu.memory_space<vmem>>) semaphore(%arg18 : memref<!tpu.dma_semaphore, #tpu.memory_space<semaphore_mem>>)
        } else {
        }
        %mul3A_126 = arith.constant 2 : i32
        %mul3A_127 = arith.muli %mul3A_126, %scan3A_92 : i32
        %add3A_128 = arith.constant 1 : i32
        %add3A_129 = arith.addi %mul3A_127, %add3A_128 : i32
        %dma_wait3A_130 = arith.constant 0 : i32
        %dma_wait3A_131 = tpu.memref_slice %arg8[%add3A_129, %dma_wait3A_130] : memref<25x80xi32, #tpu.memory_space<vmem>> -> memref<1x80xi32, #tpu.memory_space<vmem>>
        %dma_wait3A_132 = tpu.memref_squeeze %dma_wait3A_131 : memref<1x80xi32, #tpu.memory_space<vmem>> -> memref<80xi32, #tpu.memory_space<vmem>>
        %dma_wait3A_133 = arith.constant 0 : i32
        %dma_wait3A_134 = arith.constant 0 : i32
        %dma_wait3A_135 = tpu.memref_slice %arg2[%dma_wait3A_133, %dma_wait3A_134] : memref<10000x160xbf16, #tpu.memory_space<hbm>> -> memref<10000x160xbf16, #tpu.memory_space<hbm>>
        tpu.wait_indirect_dma semaphore(%arg17 : memref<!tpu.dma_semaphore, #tpu.memory_space<semaphore_mem>>) src(%dma_wait3A_135 : memref<10000x160xbf16, #tpu.memory_space<hbm>>) dst(%arg10 : memref<80x160xbf16, #tpu.memory_space<vmem>>)
        %dma_wait3A_136 = arith.constant 0 : i32
        %dma_wait3A_137 = tpu.memref_slice %arg7[%add3A_129, %dma_wait3A_136] : memref<25x80xi32, #tpu.memory_space<vmem>> -> memref<1x80xi32, #tpu.memory_space<vmem>>
        %dma_wait3A_138 = tpu.memref_squeeze %dma_wait3A_137 : memref<1x80xi32, #tpu.memory_space<vmem>> -> memref<80xi32, #tpu.memory_space<vmem>>
        %dma_wait3A_139 = arith.constant 0 : i32
        %dma_wait3A_140 = arith.constant 0 : i32
        %dma_wait3A_141 = tpu.memref_slice %arg3[%dma_wait3A_139, %dma_wait3A_140] : memref<10000x16xf32, #tpu.memory_space<hbm>> -> memref<10000x16xf32, #tpu.memory_space<hbm>>
        tpu.wait_indirect_dma semaphore(%arg19 : memref<!tpu.dma_semaphore, #tpu.memory_space<semaphore_mem>>) src(%dma_wait3A_141 : memref<10000x16xf32, #tpu.memory_space<hbm>>) dst(%arg12 : memref<80x16xf32, #tpu.memory_space<vmem>>)
        %ge3A_142 = arith.constant 2 : i32
        %ge3A_143 = arith.cmpi sge, %add3A_129, %ge3A_142 : i32
        %convert_element_type3A_144 = arith.extui %ge3A_143 : i1 to i32
        %cond3A_145 = arith.constant 0 : i32
        %cond3A_146 = arith.cmpi ne, %convert_element_type3A_144, %cond3A_145 : i32
        scf.if %cond3A_146 {
          %sub3A = arith.constant 2 : i32
          %sub3A_163 = arith.subi %add3A_129, %sub3A : i32
          %dma_wait3A_164 = arith.constant 0 : i32
          %dma_wait3A_165 = tpu.memref_slice %arg7[%sub3A_163, %dma_wait3A_164] : memref<25x80xi32, #tpu.memory_space<vmem>> -> memref<1x80xi32, #tpu.memory_space<vmem>>
          %dma_wait3A_166 = tpu.memref_squeeze %dma_wait3A_165 : memref<1x80xi32, #tpu.memory_space<vmem>> -> memref<80xi32, #tpu.memory_space<vmem>>
          %dma_wait3A_167 = arith.constant 0 : i32
          %dma_wait3A_168 = arith.constant 0 : i32
          %dma_wait3A_169 = tpu.memref_slice %arg15[%dma_wait3A_167, %dma_wait3A_168] : memref<10112x136xf32, #tpu.memory_space<vmem_shared>> -> memref<10112x136xf32, #tpu.memory_space<vmem_shared>>
          tpu.wait_indirect_dma semaphore(%arg21 : memref<!tpu.dma_semaphore, #tpu.memory_space<semaphore_mem>>) src(%arg14 : memref<80x136xf32, #tpu.memory_space<vmem>>) dst(%dma_wait3A_169 : memref<10112x136xf32, #tpu.memory_space<vmem_shared>>)
        } else {
        }
        %parallel_loop3A_147 = arith.constant 0 : i32
        %parallel_loop3A_148 = arith.constant 80 : i32
        %parallel_loop3A_149 = arith.constant 1 : i32
        scf.for %parallel_loop3A_163 = %parallel_loop3A_147 to %parallel_loop3A_148 step %parallel_loop3A_149  : i32 {
          %parallel_loop3A_164 = arith.index_cast %parallel_loop3A_163 : i32 to index
          %parallel_loop3A_165 = arith.constant 0 : index
          %parallel_loop3A_166 = tpu.vector_load %arg12[%parallel_loop3A_164, %parallel_loop3A_165] {strides = array<i32>} : memref<80x16xf32, #tpu.memory_space<vmem>>, vector<16xf32>,
          %parallel_loop3A_167 = arith.index_cast %parallel_loop3A_163 : i32 to index
          %parallel_loop3A_168 = arith.constant 128 : index
          %parallel_loop3A_169 = tpu.vector_load %arg10[%parallel_loop3A_167, %parallel_loop3A_168] {strides = array<i32>} : memref<80x160xbf16, #tpu.memory_space<vmem>>, vector<32xbf16>,
          %parallel_loop3A_170 = tpu.unpack_subelements %parallel_loop3A_169, 0 {pack_format = #tpu.pack_format<interleaved>} : vector<32xbf16> -> vector<16xf32>
          %parallel_loop3A_171 = tpu.unpack_subelements %parallel_loop3A_169, 1 {pack_format = #tpu.pack_format<interleaved>} : vector<32xbf16> -> vector<16xf32>
          %parallel_loop3A_172 = arith.addf %parallel_loop3A_166, %parallel_loop3A_170 : vector<16xf32>
          %parallel_loop3A_173 = arith.constant 2.000000e-01 : f32
          %parallel_loop3A_174 = vector.broadcast %parallel_loop3A_173 : f32 to vector<16xf32>
          %parallel_loop3A_175 = arith.mulf %parallel_loop3A_174, %parallel_loop3A_172 : vector<16xf32>
          %parallel_loop3A_176 = arith.maximumf %parallel_loop3A_172, %parallel_loop3A_175 : vector<16xf32>
          %parallel_loop3A_177 = arith.constant 0.000000e+00 : f32
          %parallel_loop3A_178 = vector.broadcast %parallel_loop3A_177 : f32 to vector<16xf32>
          %parallel_loop3A_179 = arith.subf %parallel_loop3A_178, %parallel_loop3A_176 : vector<16xf32>
          %parallel_loop3A_180 = math.exp %parallel_loop3A_179 : vector<16xf32>
          %parallel_loop3A_181 = tpu.iota {dimensions = array<i32: 0>} : vector<16xi32>
          %parallel_loop3A_182 = arith.constant 8 : i32
          %parallel_loop3A_183 = vector.broadcast %parallel_loop3A_182 : i32 to vector<16xi32>
          %parallel_loop3A_184 = arith.subi %parallel_loop3A_181, %parallel_loop3A_183 : vector<16xi32>
          %parallel_loop3A_185 = arith.constant 0 : i32
          %parallel_loop3A_186 = vector.broadcast %parallel_loop3A_185 : i32 to vector<16xi32>
          %parallel_loop3A_187 = arith.maxsi %parallel_loop3A_184, %parallel_loop3A_186 : vector<16xi32>
          %parallel_loop3A_188 = vector.shape_cast %parallel_loop3A_187 : vector<16xi32> to vector<16x1xi32>
          %parallel_loop3A_189 = vector.shape_cast %parallel_loop3A_188 : vector<16x1xi32> to vector<16xi32>
          %parallel_loop3A_190 = tpu.dynamic_gather %parallel_loop3A_180[%parallel_loop3A_189] in [0] : vector<16xf32>, vector<16xi32> -> vector<16xf32>
          %parallel_loop3A_191 = arith.index_cast %parallel_loop3A_163 : i32 to index
          %parallel_loop3A_192 = arith.constant 112 : index
          %parallel_loop3A_193 = tpu.vector_load %arg14[%parallel_loop3A_191, %parallel_loop3A_192] {strides = array<i32>} : memref<80x136xf32, #tpu.memory_space<vmem>>, vector<16xf32>,
          tpu.vector_store %arg14[%parallel_loop3A_191, %parallel_loop3A_192], %parallel_loop3A_190 {strides = array<i32>} : memref<80x136xf32, #tpu.memory_space<vmem>>, vector<16xf32>,
          %parallel_loop3A_194 = arith.index_cast %parallel_loop3A_163 : i32 to index
          %parallel_loop3A_195 = arith.constant 0 : index
          %parallel_loop3A_196 = tpu.vector_load %arg10[%parallel_loop3A_194, %parallel_loop3A_195] {strides = array<i32>} : memref<80x160xbf16, #tpu.memory_space<vmem>>, vector<32xbf16>,
          %parallel_loop3A_197 = tpu.unpack_subelements %parallel_loop3A_196, 0 {pack_format = #tpu.pack_format<interleaved>} : vector<32xbf16> -> vector<16xf32>
          %parallel_loop3A_198 = tpu.unpack_subelements %parallel_loop3A_196, 1 {pack_format = #tpu.pack_format<interleaved>} : vector<32xbf16> -> vector<16xf32>
          %parallel_loop3A_199 = arith.constant 0 : i32
          %parallel_loop3A_200 = vector.broadcast %parallel_loop3A_199 : i32 to vector<16xi32>
          %parallel_loop3A_201 = vector.shape_cast %parallel_loop3A_200 : vector<16xi32> to vector<16x1xi32>
          %parallel_loop3A_202 = vector.shape_cast %parallel_loop3A_201 : vector<16x1xi32> to vector<16xi32>
          %parallel_loop3A_203 = tpu.dynamic_gather %parallel_loop3A_180[%parallel_loop3A_202] in [0] : vector<16xf32>, vector<16xi32> -> vector<16xf32>
          %parallel_loop3A_204 = arith.mulf %parallel_loop3A_203, %parallel_loop3A_197 : vector<16xf32>
          %parallel_loop3A_205 = arith.index_cast %parallel_loop3A_163 : i32 to index
          %parallel_loop3A_206 = arith.constant 0 : index
          %parallel_loop3A_207 = tpu.vector_load %arg14[%parallel_loop3A_205, %parallel_loop3A_206] {strides = array<i32>} : memref<80x136xf32, #tpu.memory_space<vmem>>, vector<16xf32>,
          tpu.vector_store %arg14[%parallel_loop3A_205, %parallel_loop3A_206], %parallel_loop3A_204 {strides = array<i32>} : memref<80x136xf32, #tpu.memory_space<vmem>>, vector<16xf32>,
          %parallel_loop3A_208 = arith.constant 1 : i32
          %parallel_loop3A_209 = vector.broadcast %parallel_loop3A_208 : i32 to vector<16xi32>
          %parallel_loop3A_210 = vector.shape_cast %parallel_loop3A_209 : vector<16xi32> to vector<16x1xi32>
          %parallel_loop3A_211 = vector.shape_cast %parallel_loop3A_210 : vector<16x1xi32> to vector<16xi32>
          %parallel_loop3A_212 = tpu.dynamic_gather %parallel_loop3A_180[%parallel_loop3A_211] in [0] : vector<16xf32>, vector<16xi32> -> vector<16xf32>
          %parallel_loop3A_213 = arith.mulf %parallel_loop3A_212, %parallel_loop3A_198 : vector<16xf32>
          %parallel_loop3A_214 = arith.index_cast %parallel_loop3A_163 : i32 to index
          %parallel_loop3A_215 = arith.constant 16 : index
          %parallel_loop3A_216 = tpu.vector_load %arg14[%parallel_loop3A_214, %parallel_loop3A_215] {strides = array<i32>} : memref<80x136xf32, #tpu.memory_space<vmem>>, vector<16xf32>,
          tpu.vector_store %arg14[%parallel_loop3A_214, %parallel_loop3A_215], %parallel_loop3A_213 {strides = array<i32>} : memref<80x136xf32, #tpu.memory_space<vmem>>, vector<16xf32>,
          %parallel_loop3A_217 = arith.index_cast %parallel_loop3A_163 : i32 to index
          %parallel_loop3A_218 = arith.constant 32 : index
          %parallel_loop3A_219 = tpu.vector_load %arg10[%parallel_loop3A_217, %parallel_loop3A_218] {strides = array<i32>} : memref<80x160xbf16, #tpu.memory_space<vmem>>, vector<32xbf16>,
          %parallel_loop3A_220 = tpu.unpack_subelements %parallel_loop3A_219, 0 {pack_format = #tpu.pack_format<interleaved>} : vector<32xbf16> -> vector<16xf32>
          %parallel_loop3A_221 = tpu.unpack_subelements %parallel_loop3A_219, 1 {pack_format = #tpu.pack_format<interleaved>} : vector<32xbf16> -> vector<16xf32>
          %parallel_loop3A_222 = arith.constant 2 : i32
          %parallel_loop3A_223 = vector.broadcast %parallel_loop3A_222 : i32 to vector<16xi32>
          %parallel_loop3A_224 = vector.shape_cast %parallel_loop3A_223 : vector<16xi32> to vector<16x1xi32>
          %parallel_loop3A_225 = vector.shape_cast %parallel_loop3A_224 : vector<16x1xi32> to vector<16xi32>
          %parallel_loop3A_226 = tpu.dynamic_gather %parallel_loop3A_180[%parallel_loop3A_225] in [0] : vector<16xf32>, vector<16xi32> -> vector<16xf32>
          %parallel_loop3A_227 = arith.mulf %parallel_loop3A_226, %parallel_loop3A_220 : vector<16xf32>
          %parallel_loop3A_228 = arith.index_cast %parallel_loop3A_163 : i32 to index
          %parallel_loop3A_229 = arith.constant 32 : index
          %parallel_loop3A_230 = tpu.vector_load %arg14[%parallel_loop3A_228, %parallel_loop3A_229] {strides = array<i32>} : memref<80x136xf32, #tpu.memory_space<vmem>>, vector<16xf32>,
          tpu.vector_store %arg14[%parallel_loop3A_228, %parallel_loop3A_229], %parallel_loop3A_227 {strides = array<i32>} : memref<80x136xf32, #tpu.memory_space<vmem>>, vector<16xf32>,
          %parallel_loop3A_231 = arith.constant 3 : i32
          %parallel_loop3A_232 = vector.broadcast %parallel_loop3A_231 : i32 to vector<16xi32>
          %parallel_loop3A_233 = vector.shape_cast %parallel_loop3A_232 : vector<16xi32> to vector<16x1xi32>
          %parallel_loop3A_234 = vector.shape_cast %parallel_loop3A_233 : vector<16x1xi32> to vector<16xi32>
          %parallel_loop3A_235 = tpu.dynamic_gather %parallel_loop3A_180[%parallel_loop3A_234] in [0] : vector<16xf32>, vector<16xi32> -> vector<16xf32>
          %parallel_loop3A_236 = arith.mulf %parallel_loop3A_235, %parallel_loop3A_221 : vector<16xf32>
          %parallel_loop3A_237 = arith.index_cast %parallel_loop3A_163 : i32 to index
          %parallel_loop3A_238 = arith.constant 48 : index
          %parallel_loop3A_239 = tpu.vector_load %arg14[%parallel_loop3A_237, %parallel_loop3A_238] {strides = array<i32>} : memref<80x136xf32, #tpu.memory_space<vmem>>, vector<16xf32>,
          tpu.vector_store %arg14[%parallel_loop3A_237, %parallel_loop3A_238], %parallel_loop3A_236 {strides = array<i32>} : memref<80x136xf32, #tpu.memory_space<vmem>>, vector<16xf32>,
          %parallel_loop3A_240 = arith.index_cast %parallel_loop3A_163 : i32 to index
          %parallel_loop3A_241 = arith.constant 64 : index
          %parallel_loop3A_242 = tpu.vector_load %arg10[%parallel_loop3A_240, %parallel_loop3A_241] {strides = array<i32>} : memref<80x160xbf16, #tpu.memory_space<vmem>>, vector<32xbf16>,
          %parallel_loop3A_243 = tpu.unpack_subelements %parallel_loop3A_242, 0 {pack_format = #tpu.pack_format<interleaved>} : vector<32xbf16> -> vector<16xf32>
          %parallel_loop3A_244 = tpu.unpack_subelements %parallel_loop3A_242, 1 {pack_format = #tpu.pack_format<interleaved>} : vector<32xbf16> -> vector<16xf32>
          %parallel_loop3A_245 = arith.constant 4 : i32
          %parallel_loop3A_246 = vector.broadcast %parallel_loop3A_245 : i32 to vector<16xi32>
          %parallel_loop3A_247 = vector.shape_cast %parallel_loop3A_246 : vector<16xi32> to vector<16x1xi32>
          %parallel_loop3A_248 = vector.shape_cast %parallel_loop3A_247 : vector<16x1xi32> to vector<16xi32>
          %parallel_loop3A_249 = tpu.dynamic_gather %parallel_loop3A_180[%parallel_loop3A_248] in [0] : vector<16xf32>, vector<16xi32> -> vector<16xf32>
          %parallel_loop3A_250 = arith.mulf %parallel_loop3A_249, %parallel_loop3A_243 : vector<16xf32>
          %parallel_loop3A_251 = arith.index_cast %parallel_loop3A_163 : i32 to index
          %parallel_loop3A_252 = arith.constant 64 : index
          %parallel_loop3A_253 = tpu.vector_load %arg14[%parallel_loop3A_251, %parallel_loop3A_252] {strides = array<i32>} : memref<80x136xf32, #tpu.memory_space<vmem>>, vector<16xf32>,
          tpu.vector_store %arg14[%parallel_loop3A_251, %parallel_loop3A_252], %parallel_loop3A_250 {strides = array<i32>} : memref<80x136xf32, #tpu.memory_space<vmem>>, vector<16xf32>,
          %parallel_loop3A_254 = arith.constant 5 : i32
          %parallel_loop3A_255 = vector.broadcast %parallel_loop3A_254 : i32 to vector<16xi32>
          %parallel_loop3A_256 = vector.shape_cast %parallel_loop3A_255 : vector<16xi32> to vector<16x1xi32>
          %parallel_loop3A_257 = vector.shape_cast %parallel_loop3A_256 : vector<16x1xi32> to vector<16xi32>
          %parallel_loop3A_258 = tpu.dynamic_gather %parallel_loop3A_180[%parallel_loop3A_257] in [0] : vector<16xf32>, vector<16xi32> -> vector<16xf32>
          %parallel_loop3A_259 = arith.mulf %parallel_loop3A_258, %parallel_loop3A_244 : vector<16xf32>
          %parallel_loop3A_260 = arith.index_cast %parallel_loop3A_163 : i32 to index
          %parallel_loop3A_261 = arith.constant 80 : index
          %parallel_loop3A_262 = tpu.vector_load %arg14[%parallel_loop3A_260, %parallel_loop3A_261] {strides = array<i32>} : memref<80x136xf32, #tpu.memory_space<vmem>>, vector<16xf32>,
          tpu.vector_store %arg14[%parallel_loop3A_260, %parallel_loop3A_261], %parallel_loop3A_259 {strides = array<i32>} : memref<80x136xf32, #tpu.memory_space<vmem>>, vector<16xf32>,
          %parallel_loop3A_263 = arith.index_cast %parallel_loop3A_163 : i32 to index
          %parallel_loop3A_264 = arith.constant 96 : index
          %parallel_loop3A_265 = tpu.vector_load %arg10[%parallel_loop3A_263, %parallel_loop3A_264] {strides = array<i32>} : memref<80x160xbf16, #tpu.memory_space<vmem>>, vector<32xbf16>,
          %parallel_loop3A_266 = tpu.unpack_subelements %parallel_loop3A_265, 0 {pack_format = #tpu.pack_format<interleaved>} : vector<32xbf16> -> vector<16xf32>
          %parallel_loop3A_267 = tpu.unpack_subelements %parallel_loop3A_265, 1 {pack_format = #tpu.pack_format<interleaved>} : vector<32xbf16> -> vector<16xf32>
          %parallel_loop3A_268 = arith.constant 6 : i32
          %parallel_loop3A_269 = vector.broadcast %parallel_loop3A_268 : i32 to vector<16xi32>
          %parallel_loop3A_270 = vector.shape_cast %parallel_loop3A_269 : vector<16xi32> to vector<16x1xi32>
          %parallel_loop3A_271 = vector.shape_cast %parallel_loop3A_270 : vector<16x1xi32> to vector<16xi32>
          %parallel_loop3A_272 = tpu.dynamic_gather %parallel_loop3A_180[%parallel_loop3A_271] in [0] : vector<16xf32>, vector<16xi32> -> vector<16xf32>
          %parallel_loop3A_273 = arith.mulf %parallel_loop3A_272, %parallel_loop3A_266 : vector<16xf32>
          %parallel_loop3A_274 = arith.index_cast %parallel_loop3A_163 : i32 to index
          %parallel_loop3A_275 = arith.constant 96 : index
          %parallel_loop3A_276 = tpu.vector_load %arg14[%parallel_loop3A_274, %parallel_loop3A_275] {strides = array<i32>} : memref<80x136xf32, #tpu.memory_space<vmem>>, vector<16xf32>,
          tpu.vector_store %arg14[%parallel_loop3A_274, %parallel_loop3A_275], %parallel_loop3A_273 {strides = array<i32>} : memref<80x136xf32, #tpu.memory_space<vmem>>, vector<16xf32>,
          %parallel_loop3A_277 = arith.constant 7 : i32
          %parallel_loop3A_278 = vector.broadcast %parallel_loop3A_277 : i32 to vector<16xi32>
          %parallel_loop3A_279 = vector.shape_cast %parallel_loop3A_278 : vector<16xi32> to vector<16x1xi32>
          %parallel_loop3A_280 = vector.shape_cast %parallel_loop3A_279 : vector<16x1xi32> to vector<16xi32>
          %parallel_loop3A_281 = tpu.dynamic_gather %parallel_loop3A_180[%parallel_loop3A_280] in [0] : vector<16xf32>, vector<16xi32> -> vector<16xf32>
          %parallel_loop3A_282 = arith.mulf %parallel_loop3A_281, %parallel_loop3A_267 : vector<16xf32>
          %parallel_loop3A_283 = arith.index_cast %parallel_loop3A_163 : i32 to index
          %parallel_loop3A_284 = arith.constant 112 : index
          %parallel_loop3A_285 = tpu.vector_load %arg14[%parallel_loop3A_283, %parallel_loop3A_284] {strides = array<i32>} : memref<80x136xf32, #tpu.memory_space<vmem>>, vector<16xf32>,
          tpu.vector_store %arg14[%parallel_loop3A_283, %parallel_loop3A_284], %parallel_loop3A_282 {strides = array<i32>} : memref<80x136xf32, #tpu.memory_space<vmem>>, vector<16xf32>,
        } {sc.loop_unroll_factor = 4 : i64, sc.parallel_access}
        %dma_start3A_150 = arith.constant 0 : i32
        %dma_start3A_151 = tpu.memref_slice %arg7[%add3A_129, %dma_start3A_150] : memref<25x80xi32, #tpu.memory_space<vmem>> -> memref<1x80xi32, #tpu.memory_space<vmem>>
        %dma_start3A_152 = tpu.memref_squeeze %dma_start3A_151 : memref<1x80xi32, #tpu.memory_space<vmem>> -> memref<80xi32, #tpu.memory_space<vmem>>
        %dma_start3A_153 = arith.constant 0 : i32
        %dma_start3A_154 = arith.constant 0 : i32
        %dma_start3A_155 = tpu.memref_slice %arg15[%dma_start3A_153, %dma_start3A_154] : memref<10112x136xf32, #tpu.memory_space<vmem_shared>> -> memref<10112x136xf32, #tpu.memory_space<vmem_shared>>
        tpu.enqueue_indirect_dma source(%arg14 : memref<80x136xf32, #tpu.memory_space<vmem>>) target(%dma_start3A_155 : memref<10112x136xf32, #tpu.memory_space<vmem_shared>>) offsets(%dma_start3A_152 : memref<80xi32, #tpu.memory_space<vmem>>) semaphore(%arg21 : memref<!tpu.dma_semaphore, #tpu.memory_space<semaphore_mem>>) {add = true}
        %add3A_156 = arith.constant 2 : i32
        %add3A_157 = arith.addi %add3A_129, %add3A_156 : i32
        %lt3A_158 = arith.constant 25 : i32
        %lt3A_159 = arith.cmpi slt, %add3A_157, %lt3A_158 : i32
        %convert_element_type3A_160 = arith.extui %lt3A_159 : i1 to i32
        %cond3A_161 = arith.constant 0 : i32
        %cond3A_162 = arith.cmpi ne, %convert_element_type3A_160, %cond3A_161 : i32
        scf.if %cond3A_162 {
          %add3A_163 = arith.constant 2 : i32
          %add3A_164 = arith.addi %add3A_129, %add3A_163 : i32
          %dma_start3A_165 = arith.constant 0 : i32
          %dma_start3A_166 = tpu.memref_slice %arg8[%add3A_164, %dma_start3A_165] : memref<25x80xi32, #tpu.memory_space<vmem>> -> memref<1x80xi32, #tpu.memory_space<vmem>>
          %dma_start3A_167 = tpu.memref_squeeze %dma_start3A_166 : memref<1x80xi32, #tpu.memory_space<vmem>> -> memref<80xi32, #tpu.memory_space<vmem>>
          %dma_start3A_168 = arith.constant 0 : i32
          %dma_start3A_169 = arith.constant 0 : i32
          %dma_start3A_170 = tpu.memref_slice %arg2[%dma_start3A_168, %dma_start3A_169] : memref<10000x160xbf16, #tpu.memory_space<hbm>> -> memref<10000x160xbf16, #tpu.memory_space<hbm>>
          tpu.enqueue_indirect_dma source(%dma_start3A_170 : memref<10000x160xbf16, #tpu.memory_space<hbm>>) target(%arg10 : memref<80x160xbf16, #tpu.memory_space<vmem>>) offsets(%dma_start3A_167 : memref<80xi32, #tpu.memory_space<vmem>>) semaphore(%arg17 : memref<!tpu.dma_semaphore, #tpu.memory_space<semaphore_mem>>)
          %dma_start3A_171 = arith.constant 0 : i32
          %dma_start3A_172 = tpu.memref_slice %arg7[%add3A_164, %dma_start3A_171] : memref<25x80xi32, #tpu.memory_space<vmem>> -> memref<1x80xi32, #tpu.memory_space<vmem>>
          %dma_start3A_173 = tpu.memref_squeeze %dma_start3A_172 : memref<1x80xi32, #tpu.memory_space<vmem>> -> memref<80xi32, #tpu.memory_space<vmem>>
          %dma_start3A_174 = arith.constant 0 : i32
          %dma_start3A_175 = arith.constant 0 : i32
          %dma_start3A_176 = tpu.memref_slice %arg3[%dma_start3A_174, %dma_start3A_175] : memref<10000x16xf32, #tpu.memory_space<hbm>> -> memref<10000x16xf32, #tpu.memory_space<hbm>>
          tpu.enqueue_indirect_dma source(%dma_start3A_176 : memref<10000x16xf32, #tpu.memory_space<hbm>>) target(%arg12 : memref<80x16xf32, #tpu.memory_space<vmem>>) offsets(%dma_start3A_173 : memref<80xi32, #tpu.memory_space<vmem>>) semaphore(%arg19 : memref<!tpu.dma_semaphore, #tpu.memory_space<semaphore_mem>>)
        } else {
        }
      }
      %scan3A_48 = arith.constant 12 : i32
      %dma_wait3A = arith.constant 24 : i32
      %dma_wait3A_49 = arith.constant 0 : i32
      %dma_wait3A_50 = tpu.memref_slice %arg8[%dma_wait3A, %dma_wait3A_49] : memref<25x80xi32, #tpu.memory_space<vmem>> -> memref<1x80xi32, #tpu.memory_space<vmem>>
      %dma_wait3A_51 = tpu.memref_squeeze %dma_wait3A_50 : memref<1x80xi32, #tpu.memory_space<vmem>> -> memref<80xi32, #tpu.memory_space<vmem>>
      %dma_wait3A_52 = arith.constant 0 : i32
      %dma_wait3A_53 = arith.constant 0 : i32
      %dma_wait3A_54 = tpu.memref_slice %arg2[%dma_wait3A_52, %dma_wait3A_53] : memref<10000x160xbf16, #tpu.memory_space<hbm>> -> memref<10000x160xbf16, #tpu.memory_space<hbm>>
      tpu.wait_indirect_dma semaphore(%arg16 : memref<!tpu.dma_semaphore, #tpu.memory_space<semaphore_mem>>) src(%dma_wait3A_54 : memref<10000x160xbf16, #tpu.memory_space<hbm>>) dst(%arg9 : memref<80x160xbf16, #tpu.memory_space<vmem>>)
      %dma_wait3A_55 = arith.constant 24 : i32
      %dma_wait3A_56 = arith.constant 0 : i32
      %dma_wait3A_57 = tpu.memref_slice %arg7[%dma_wait3A_55, %dma_wait3A_56] : memref<25x80xi32, #tpu.memory_space<vmem>> -> memref<1x80xi32, #tpu.memory_space<vmem>>
      %dma_wait3A_58 = tpu.memref_squeeze %dma_wait3A_57 : memref<1x80xi32, #tpu.memory_space<vmem>> -> memref<80xi32, #tpu.memory_space<vmem>>
      %dma_wait3A_59 = arith.constant 0 : i32
      %dma_wait3A_60 = arith.constant 0 : i32
      %dma_wait3A_61 = tpu.memref_slice %arg3[%dma_wait3A_59, %dma_wait3A_60] : memref<10000x16xf32, #tpu.memory_space<hbm>> -> memref<10000x16xf32, #tpu.memory_space<hbm>>
      tpu.wait_indirect_dma semaphore(%arg18 : memref<!tpu.dma_semaphore, #tpu.memory_space<semaphore_mem>>) src(%dma_wait3A_61 : memref<10000x16xf32, #tpu.memory_space<hbm>>) dst(%arg11 : memref<80x16xf32, #tpu.memory_space<vmem>>)
      %dma_wait3A_62 = arith.constant 22 : i32
      %dma_wait3A_63 = arith.constant 0 : i32
      %dma_wait3A_64 = tpu.memref_slice %arg7[%dma_wait3A_62, %dma_wait3A_63] : memref<25x80xi32, #tpu.memory_space<vmem>> -> memref<1x80xi32, #tpu.memory_space<vmem>>
      %dma_wait3A_65 = tpu.memref_squeeze %dma_wait3A_64 : memref<1x80xi32, #tpu.memory_space<vmem>> -> memref<80xi32, #tpu.memory_space<vmem>>
      %dma_wait3A_66 = arith.constant 0 : i32
      %dma_wait3A_67 = arith.constant 0 : i32
      %dma_wait3A_68 = tpu.memref_slice %arg15[%dma_wait3A_66, %dma_wait3A_67] : memref<10112x136xf32, #tpu.memory_space<vmem_shared>> -> memref<10112x136xf32, #tpu.memory_space<vmem_shared>>
      tpu.wait_indirect_dma semaphore(%arg20 : memref<!tpu.dma_semaphore, #tpu.memory_space<semaphore_mem>>) src(%arg13 : memref<80x136xf32, #tpu.memory_space<vmem>>) dst(%dma_wait3A_68 : memref<10112x136xf32, #tpu.memory_space<vmem_shared>>)
      %parallel_loop3A = arith.constant 0 : i32
      %parallel_loop3A_69 = arith.constant 80 : i32
      %parallel_loop3A_70 = arith.constant 1 : i32
      scf.for %parallel_loop3A_92 = %parallel_loop3A to %parallel_loop3A_69 step %parallel_loop3A_70  : i32 {
        %parallel_loop3A_93 = arith.index_cast %parallel_loop3A_92 : i32 to index
        %parallel_loop3A_94 = arith.constant 0 : index
        %parallel_loop3A_95 = tpu.vector_load %arg11[%parallel_loop3A_93, %parallel_loop3A_94] {strides = array<i32>} : memref<80x16xf32, #tpu.memory_space<vmem>>, vector<16xf32>,
        %parallel_loop3A_96 = arith.index_cast %parallel_loop3A_92 : i32 to index
        %parallel_loop3A_97 = arith.constant 128 : index
        %parallel_loop3A_98 = tpu.vector_load %arg9[%parallel_loop3A_96, %parallel_loop3A_97] {strides = array<i32>} : memref<80x160xbf16, #tpu.memory_space<vmem>>, vector<32xbf16>,
        %parallel_loop3A_99 = tpu.unpack_subelements %parallel_loop3A_98, 0 {pack_format = #tpu.pack_format<interleaved>} : vector<32xbf16> -> vector<16xf32>
        %parallel_loop3A_100 = tpu.unpack_subelements %parallel_loop3A_98, 1 {pack_format = #tpu.pack_format<interleaved>} : vector<32xbf16> -> vector<16xf32>
        %parallel_loop3A_101 = arith.addf %parallel_loop3A_95, %parallel_loop3A_99 : vector<16xf32>
        %parallel_loop3A_102 = arith.constant 2.000000e-01 : f32
        %parallel_loop3A_103 = vector.broadcast %parallel_loop3A_102 : f32 to vector<16xf32>
        %parallel_loop3A_104 = arith.mulf %parallel_loop3A_103, %parallel_loop3A_101 : vector<16xf32>
        %parallel_loop3A_105 = arith.maximumf %parallel_loop3A_101, %parallel_loop3A_104 : vector<16xf32>
        %parallel_loop3A_106 = arith.constant 0.000000e+00 : f32
        %parallel_loop3A_107 = vector.broadcast %parallel_loop3A_106 : f32 to vector<16xf32>
        %parallel_loop3A_108 = arith.subf %parallel_loop3A_107, %parallel_loop3A_105 : vector<16xf32>
        %parallel_loop3A_109 = math.exp %parallel_loop3A_108 : vector<16xf32>
        %parallel_loop3A_110 = tpu.iota {dimensions = array<i32: 0>} : vector<16xi32>
        %parallel_loop3A_111 = arith.constant 8 : i32
        %parallel_loop3A_112 = vector.broadcast %parallel_loop3A_111 : i32 to vector<16xi32>
        %parallel_loop3A_113 = arith.subi %parallel_loop3A_110, %parallel_loop3A_112 : vector<16xi32>
        %parallel_loop3A_114 = arith.constant 0 : i32
        %parallel_loop3A_115 = vector.broadcast %parallel_loop3A_114 : i32 to vector<16xi32>
        %parallel_loop3A_116 = arith.maxsi %parallel_loop3A_113, %parallel_loop3A_115 : vector<16xi32>
        %parallel_loop3A_117 = vector.shape_cast %parallel_loop3A_116 : vector<16xi32> to vector<16x1xi32>
        %parallel_loop3A_118 = vector.shape_cast %parallel_loop3A_117 : vector<16x1xi32> to vector<16xi32>
        %parallel_loop3A_119 = tpu.dynamic_gather %parallel_loop3A_109[%parallel_loop3A_118] in [0] : vector<16xf32>, vector<16xi32> -> vector<16xf32>
        %parallel_loop3A_120 = arith.index_cast %parallel_loop3A_92 : i32 to index
        %parallel_loop3A_121 = arith.constant 112 : index
        %parallel_loop3A_122 = tpu.vector_load %arg13[%parallel_loop3A_120, %parallel_loop3A_121] {strides = array<i32>} : memref<80x136xf32, #tpu.memory_space<vmem>>, vector<16xf32>,
        tpu.vector_store %arg13[%parallel_loop3A_120, %parallel_loop3A_121], %parallel_loop3A_119 {strides = array<i32>} : memref<80x136xf32, #tpu.memory_space<vmem>>, vector<16xf32>,
        %parallel_loop3A_123 = arith.index_cast %parallel_loop3A_92 : i32 to index
        %parallel_loop3A_124 = arith.constant 0 : index
        %parallel_loop3A_125 = tpu.vector_load %arg9[%parallel_loop3A_123, %parallel_loop3A_124] {strides = array<i32>} : memref<80x160xbf16, #tpu.memory_space<vmem>>, vector<32xbf16>,
        %parallel_loop3A_126 = tpu.unpack_subelements %parallel_loop3A_125, 0 {pack_format = #tpu.pack_format<interleaved>} : vector<32xbf16> -> vector<16xf32>
        %parallel_loop3A_127 = tpu.unpack_subelements %parallel_loop3A_125, 1 {pack_format = #tpu.pack_format<interleaved>} : vector<32xbf16> -> vector<16xf32>
        %parallel_loop3A_128 = arith.constant 0 : i32
        %parallel_loop3A_129 = vector.broadcast %parallel_loop3A_128 : i32 to vector<16xi32>
        %parallel_loop3A_130 = vector.shape_cast %parallel_loop3A_129 : vector<16xi32> to vector<16x1xi32>
        %parallel_loop3A_131 = vector.shape_cast %parallel_loop3A_130 : vector<16x1xi32> to vector<16xi32>
        %parallel_loop3A_132 = tpu.dynamic_gather %parallel_loop3A_109[%parallel_loop3A_131] in [0] : vector<16xf32>, vector<16xi32> -> vector<16xf32>
        %parallel_loop3A_133 = arith.mulf %parallel_loop3A_132, %parallel_loop3A_126 : vector<16xf32>
        %parallel_loop3A_134 = arith.index_cast %parallel_loop3A_92 : i32 to index
        %parallel_loop3A_135 = arith.constant 0 : index
        %parallel_loop3A_136 = tpu.vector_load %arg13[%parallel_loop3A_134, %parallel_loop3A_135] {strides = array<i32>} : memref<80x136xf32, #tpu.memory_space<vmem>>, vector<16xf32>,
        tpu.vector_store %arg13[%parallel_loop3A_134, %parallel_loop3A_135], %parallel_loop3A_133 {strides = array<i32>} : memref<80x136xf32, #tpu.memory_space<vmem>>, vector<16xf32>,
        %parallel_loop3A_137 = arith.constant 1 : i32
        %parallel_loop3A_138 = vector.broadcast %parallel_loop3A_137 : i32 to vector<16xi32>
        %parallel_loop3A_139 = vector.shape_cast %parallel_loop3A_138 : vector<16xi32> to vector<16x1xi32>
        %parallel_loop3A_140 = vector.shape_cast %parallel_loop3A_139 : vector<16x1xi32> to vector<16xi32>
        %parallel_loop3A_141 = tpu.dynamic_gather %parallel_loop3A_109[%parallel_loop3A_140] in [0] : vector<16xf32>, vector<16xi32> -> vector<16xf32>
        %parallel_loop3A_142 = arith.mulf %parallel_loop3A_141, %parallel_loop3A_127 : vector<16xf32>
        %parallel_loop3A_143 = arith.index_cast %parallel_loop3A_92 : i32 to index
        %parallel_loop3A_144 = arith.constant 16 : index
        %parallel_loop3A_145 = tpu.vector_load %arg13[%parallel_loop3A_143, %parallel_loop3A_144] {strides = array<i32>} : memref<80x136xf32, #tpu.memory_space<vmem>>, vector<16xf32>,
        tpu.vector_store %arg13[%parallel_loop3A_143, %parallel_loop3A_144], %parallel_loop3A_142 {strides = array<i32>} : memref<80x136xf32, #tpu.memory_space<vmem>>, vector<16xf32>,
        %parallel_loop3A_146 = arith.index_cast %parallel_loop3A_92 : i32 to index
        %parallel_loop3A_147 = arith.constant 32 : index
        %parallel_loop3A_148 = tpu.vector_load %arg9[%parallel_loop3A_146, %parallel_loop3A_147] {strides = array<i32>} : memref<80x160xbf16, #tpu.memory_space<vmem>>, vector<32xbf16>,
        %parallel_loop3A_149 = tpu.unpack_subelements %parallel_loop3A_148, 0 {pack_format = #tpu.pack_format<interleaved>} : vector<32xbf16> -> vector<16xf32>
        %parallel_loop3A_150 = tpu.unpack_subelements %parallel_loop3A_148, 1 {pack_format = #tpu.pack_format<interleaved>} : vector<32xbf16> -> vector<16xf32>
        %parallel_loop3A_151 = arith.constant 2 : i32
        %parallel_loop3A_152 = vector.broadcast %parallel_loop3A_151 : i32 to vector<16xi32>
        %parallel_loop3A_153 = vector.shape_cast %parallel_loop3A_152 : vector<16xi32> to vector<16x1xi32>
        %parallel_loop3A_154 = vector.shape_cast %parallel_loop3A_153 : vector<16x1xi32> to vector<16xi32>
        %parallel_loop3A_155 = tpu.dynamic_gather %parallel_loop3A_109[%parallel_loop3A_154] in [0] : vector<16xf32>, vector<16xi32> -> vector<16xf32>
        %parallel_loop3A_156 = arith.mulf %parallel_loop3A_155, %parallel_loop3A_149 : vector<16xf32>
        %parallel_loop3A_157 = arith.index_cast %parallel_loop3A_92 : i32 to index
        %parallel_loop3A_158 = arith.constant 32 : index
        %parallel_loop3A_159 = tpu.vector_load %arg13[%parallel_loop3A_157, %parallel_loop3A_158] {strides = array<i32>} : memref<80x136xf32, #tpu.memory_space<vmem>>, vector<16xf32>,
        tpu.vector_store %arg13[%parallel_loop3A_157, %parallel_loop3A_158], %parallel_loop3A_156 {strides = array<i32>} : memref<80x136xf32, #tpu.memory_space<vmem>>, vector<16xf32>,
        %parallel_loop3A_160 = arith.constant 3 : i32
        %parallel_loop3A_161 = vector.broadcast %parallel_loop3A_160 : i32 to vector<16xi32>
        %parallel_loop3A_162 = vector.shape_cast %parallel_loop3A_161 : vector<16xi32> to vector<16x1xi32>
        %parallel_loop3A_163 = vector.shape_cast %parallel_loop3A_162 : vector<16x1xi32> to vector<16xi32>
        %parallel_loop3A_164 = tpu.dynamic_gather %parallel_loop3A_109[%parallel_loop3A_163] in [0] : vector<16xf32>, vector<16xi32> -> vector<16xf32>
        %parallel_loop3A_165 = arith.mulf %parallel_loop3A_164, %parallel_loop3A_150 : vector<16xf32>
        %parallel_loop3A_166 = arith.index_cast %parallel_loop3A_92 : i32 to index
        %parallel_loop3A_167 = arith.constant 48 : index
        %parallel_loop3A_168 = tpu.vector_load %arg13[%parallel_loop3A_166, %parallel_loop3A_167] {strides = array<i32>} : memref<80x136xf32, #tpu.memory_space<vmem>>, vector<16xf32>,
        tpu.vector_store %arg13[%parallel_loop3A_166, %parallel_loop3A_167], %parallel_loop3A_165 {strides = array<i32>} : memref<80x136xf32, #tpu.memory_space<vmem>>, vector<16xf32>,
        %parallel_loop3A_169 = arith.index_cast %parallel_loop3A_92 : i32 to index
        %parallel_loop3A_170 = arith.constant 64 : index
        %parallel_loop3A_171 = tpu.vector_load %arg9[%parallel_loop3A_169, %parallel_loop3A_170] {strides = array<i32>} : memref<80x160xbf16, #tpu.memory_space<vmem>>, vector<32xbf16>,
        %parallel_loop3A_172 = tpu.unpack_subelements %parallel_loop3A_171, 0 {pack_format = #tpu.pack_format<interleaved>} : vector<32xbf16> -> vector<16xf32>
        %parallel_loop3A_173 = tpu.unpack_subelements %parallel_loop3A_171, 1 {pack_format = #tpu.pack_format<interleaved>} : vector<32xbf16> -> vector<16xf32>
        %parallel_loop3A_174 = arith.constant 4 : i32
        %parallel_loop3A_175 = vector.broadcast %parallel_loop3A_174 : i32 to vector<16xi32>
        %parallel_loop3A_176 = vector.shape_cast %parallel_loop3A_175 : vector<16xi32> to vector<16x1xi32>
        %parallel_loop3A_177 = vector.shape_cast %parallel_loop3A_176 : vector<16x1xi32> to vector<16xi32>
        %parallel_loop3A_178 = tpu.dynamic_gather %parallel_loop3A_109[%parallel_loop3A_177] in [0] : vector<16xf32>, vector<16xi32> -> vector<16xf32>
        %parallel_loop3A_179 = arith.mulf %parallel_loop3A_178, %parallel_loop3A_172 : vector<16xf32>
        %parallel_loop3A_180 = arith.index_cast %parallel_loop3A_92 : i32 to index
        %parallel_loop3A_181 = arith.constant 64 : index
        %parallel_loop3A_182 = tpu.vector_load %arg13[%parallel_loop3A_180, %parallel_loop3A_181] {strides = array<i32>} : memref<80x136xf32, #tpu.memory_space<vmem>>, vector<16xf32>,
        tpu.vector_store %arg13[%parallel_loop3A_180, %parallel_loop3A_181], %parallel_loop3A_179 {strides = array<i32>} : memref<80x136xf32, #tpu.memory_space<vmem>>, vector<16xf32>,
        %parallel_loop3A_183 = arith.constant 5 : i32
        %parallel_loop3A_184 = vector.broadcast %parallel_loop3A_183 : i32 to vector<16xi32>
        %parallel_loop3A_185 = vector.shape_cast %parallel_loop3A_184 : vector<16xi32> to vector<16x1xi32>
        %parallel_loop3A_186 = vector.shape_cast %parallel_loop3A_185 : vector<16x1xi32> to vector<16xi32>
        %parallel_loop3A_187 = tpu.dynamic_gather %parallel_loop3A_109[%parallel_loop3A_186] in [0] : vector<16xf32>, vector<16xi32> -> vector<16xf32>
        %parallel_loop3A_188 = arith.mulf %parallel_loop3A_187, %parallel_loop3A_173 : vector<16xf32>
        %parallel_loop3A_189 = arith.index_cast %parallel_loop3A_92 : i32 to index
        %parallel_loop3A_190 = arith.constant 80 : index
        %parallel_loop3A_191 = tpu.vector_load %arg13[%parallel_loop3A_189, %parallel_loop3A_190] {strides = array<i32>} : memref<80x136xf32, #tpu.memory_space<vmem>>, vector<16xf32>,
        tpu.vector_store %arg13[%parallel_loop3A_189, %parallel_loop3A_190], %parallel_loop3A_188 {strides = array<i32>} : memref<80x136xf32, #tpu.memory_space<vmem>>, vector<16xf32>,
        %parallel_loop3A_192 = arith.index_cast %parallel_loop3A_92 : i32 to index
        %parallel_loop3A_193 = arith.constant 96 : index
        %parallel_loop3A_194 = tpu.vector_load %arg9[%parallel_loop3A_192, %parallel_loop3A_193] {strides = array<i32>} : memref<80x160xbf16, #tpu.memory_space<vmem>>, vector<32xbf16>,
        %parallel_loop3A_195 = tpu.unpack_subelements %parallel_loop3A_194, 0 {pack_format = #tpu.pack_format<interleaved>} : vector<32xbf16> -> vector<16xf32>
        %parallel_loop3A_196 = tpu.unpack_subelements %parallel_loop3A_194, 1 {pack_format = #tpu.pack_format<interleaved>} : vector<32xbf16> -> vector<16xf32>
        %parallel_loop3A_197 = arith.constant 6 : i32
        %parallel_loop3A_198 = vector.broadcast %parallel_loop3A_197 : i32 to vector<16xi32>
        %parallel_loop3A_199 = vector.shape_cast %parallel_loop3A_198 : vector<16xi32> to vector<16x1xi32>
        %parallel_loop3A_200 = vector.shape_cast %parallel_loop3A_199 : vector<16x1xi32> to vector<16xi32>
        %parallel_loop3A_201 = tpu.dynamic_gather %parallel_loop3A_109[%parallel_loop3A_200] in [0] : vector<16xf32>, vector<16xi32> -> vector<16xf32>
        %parallel_loop3A_202 = arith.mulf %parallel_loop3A_201, %parallel_loop3A_195 : vector<16xf32>
        %parallel_loop3A_203 = arith.index_cast %parallel_loop3A_92 : i32 to index
        %parallel_loop3A_204 = arith.constant 96 : index
        %parallel_loop3A_205 = tpu.vector_load %arg13[%parallel_loop3A_203, %parallel_loop3A_204] {strides = array<i32>} : memref<80x136xf32, #tpu.memory_space<vmem>>, vector<16xf32>,
        tpu.vector_store %arg13[%parallel_loop3A_203, %parallel_loop3A_204], %parallel_loop3A_202 {strides = array<i32>} : memref<80x136xf32, #tpu.memory_space<vmem>>, vector<16xf32>,
        %parallel_loop3A_206 = arith.constant 7 : i32
        %parallel_loop3A_207 = vector.broadcast %parallel_loop3A_206 : i32 to vector<16xi32>
        %parallel_loop3A_208 = vector.shape_cast %parallel_loop3A_207 : vector<16xi32> to vector<16x1xi32>
        %parallel_loop3A_209 = vector.shape_cast %parallel_loop3A_208 : vector<16x1xi32> to vector<16xi32>
        %parallel_loop3A_210 = tpu.dynamic_gather %parallel_loop3A_109[%parallel_loop3A_209] in [0] : vector<16xf32>, vector<16xi32> -> vector<16xf32>
        %parallel_loop3A_211 = arith.mulf %parallel_loop3A_210, %parallel_loop3A_196 : vector<16xf32>
        %parallel_loop3A_212 = arith.index_cast %parallel_loop3A_92 : i32 to index
        %parallel_loop3A_213 = arith.constant 112 : index
        %parallel_loop3A_214 = tpu.vector_load %arg13[%parallel_loop3A_212, %parallel_loop3A_213] {strides = array<i32>} : memref<80x136xf32, #tpu.memory_space<vmem>>, vector<16xf32>,
        tpu.vector_store %arg13[%parallel_loop3A_212, %parallel_loop3A_213], %parallel_loop3A_211 {strides = array<i32>} : memref<80x136xf32, #tpu.memory_space<vmem>>, vector<16xf32>,
      } {sc.loop_unroll_factor = 4 : i64, sc.parallel_access}
      %dma_start3A_71 = arith.constant 24 : i32
      %dma_start3A_72 = arith.constant 0 : i32
      %dma_start3A_73 = tpu.memref_slice %arg7[%dma_start3A_71, %dma_start3A_72] : memref<25x80xi32, #tpu.memory_space<vmem>> -> memref<1x80xi32, #tpu.memory_space<vmem>>
      %dma_start3A_74 = tpu.memref_squeeze %dma_start3A_73 : memref<1x80xi32, #tpu.memory_space<vmem>> -> memref<80xi32, #tpu.memory_space<vmem>>
      %dma_start3A_75 = arith.constant 0 : i32
      %dma_start3A_76 = arith.constant 0 : i32
      %dma_start3A_77 = tpu.memref_slice %arg15[%dma_start3A_75, %dma_start3A_76] : memref<10112x136xf32, #tpu.memory_space<vmem_shared>> -> memref<10112x136xf32, #tpu.memory_space<vmem_shared>>
      tpu.enqueue_indirect_dma source(%arg13 : memref<80x136xf32, #tpu.memory_space<vmem>>) target(%dma_start3A_77 : memref<10112x136xf32, #tpu.memory_space<vmem_shared>>) offsets(%dma_start3A_74 : memref<80xi32, #tpu.memory_space<vmem>>) semaphore(%arg20 : memref<!tpu.dma_semaphore, #tpu.memory_space<semaphore_mem>>) {add = true}
      %dma_wait3A_78 = arith.constant 23 : i32
      %dma_wait3A_79 = arith.constant 0 : i32
      %dma_wait3A_80 = tpu.memref_slice %arg7[%dma_wait3A_78, %dma_wait3A_79] : memref<25x80xi32, #tpu.memory_space<vmem>> -> memref<1x80xi32, #tpu.memory_space<vmem>>
      %dma_wait3A_81 = tpu.memref_squeeze %dma_wait3A_80 : memref<1x80xi32, #tpu.memory_space<vmem>> -> memref<80xi32, #tpu.memory_space<vmem>>
      %dma_wait3A_82 = arith.constant 0 : i32
      %dma_wait3A_83 = arith.constant 0 : i32
      %dma_wait3A_84 = tpu.memref_slice %arg15[%dma_wait3A_82, %dma_wait3A_83] : memref<10112x136xf32, #tpu.memory_space<vmem_shared>> -> memref<10112x136xf32, #tpu.memory_space<vmem_shared>>
      tpu.wait_indirect_dma semaphore(%arg21 : memref<!tpu.dma_semaphore, #tpu.memory_space<semaphore_mem>>) src(%arg14 : memref<80x136xf32, #tpu.memory_space<vmem>>) dst(%dma_wait3A_84 : memref<10112x136xf32, #tpu.memory_space<vmem_shared>>)
      %dma_wait3A_85 = arith.constant 24 : i32
      %dma_wait3A_86 = arith.constant 0 : i32
      %dma_wait3A_87 = tpu.memref_slice %arg7[%dma_wait3A_85, %dma_wait3A_86] : memref<25x80xi32, #tpu.memory_space<vmem>> -> memref<1x80xi32, #tpu.memory_space<vmem>>
      %dma_wait3A_88 = tpu.memref_squeeze %dma_wait3A_87 : memref<1x80xi32, #tpu.memory_space<vmem>> -> memref<80xi32, #tpu.memory_space<vmem>>
      %dma_wait3A_89 = arith.constant 0 : i32
      %dma_wait3A_90 = arith.constant 0 : i32
      %dma_wait3A_91 = tpu.memref_slice %arg15[%dma_wait3A_89, %dma_wait3A_90] : memref<10112x136xf32, #tpu.memory_space<vmem_shared>> -> memref<10112x136xf32, #tpu.memory_space<vmem_shared>>
      tpu.wait_indirect_dma semaphore(%arg20 : memref<!tpu.dma_semaphore, #tpu.memory_space<semaphore_mem>>) src(%arg13 : memref<80x136xf32, #tpu.memory_space<vmem>>) dst(%dma_wait3A_91 : memref<10112x136xf32, #tpu.memory_space<vmem_shared>>)
    }
    %scan3A_9 = arith.constant 5 : i32
    %barrier3A_10 = arith.constant 0 : index
    tpu.barrier barrier_id(%barrier3A_10)
    "tpu.region"() ({
      %run_scoped3A = tpu.sem_alloc : memref<!tpu.dma_semaphore, #tpu.memory_space<semaphore_mem>>
      %dma_start3A = arith.constant 0 : i32
      %dma_start3A_11 = tpu.memref_slice %arg6[%arg0, %multiple_of3A, %dma_start3A] : memref<2x10112x136xf32, #tpu.memory_space<hbm>> -> memref<1x632x136xf32, #tpu.memory_space<hbm>>
      %dma_start3A_12 = tpu.memref_squeeze %dma_start3A_11 : memref<1x632x136xf32, #tpu.memory_space<hbm>> -> memref<632x136xf32, #tpu.memory_space<hbm>>
      %dma_start3A_13 = arith.constant 0 : i32
      %dma_start3A_14 = tpu.memref_slice %arg15[%multiple_of3A, %dma_start3A_13] : memref<10112x136xf32, #tpu.memory_space<vmem_shared>> -> memref<632x136xf32, #tpu.memory_space<vmem_shared>>
      tpu.enqueue_dma source(%dma_start3A_14 : memref<632x136xf32, #tpu.memory_space<vmem_shared>>) target(%dma_start3A_12 : memref<632x136xf32, #tpu.memory_space<hbm>>) target_semaphore(%run_scoped3A : memref<!tpu.dma_semaphore, #tpu.memory_space<semaphore_mem>>)
      %dma_wait3A = arith.constant 0 : i32
      %dma_wait3A_15 = tpu.memref_slice %arg6[%arg0, %multiple_of3A, %dma_wait3A] : memref<2x10112x136xf32, #tpu.memory_space<hbm>> -> memref<1x632x136xf32, #tpu.memory_space<hbm>>
      %dma_wait3A_16 = tpu.memref_squeeze %dma_wait3A_15 : memref<1x632x136xf32, #tpu.memory_space<hbm>> -> memref<632x136xf32, #tpu.memory_space<hbm>>
      %dma_wait3A_17 = arith.constant 0 : i32
      %dma_wait3A_18 = tpu.memref_slice %arg15[%multiple_of3A, %dma_wait3A_17] : memref<10112x136xf32, #tpu.memory_space<vmem_shared>> -> memref<632x136xf32, #tpu.memory_space<vmem_shared>>
      tpu.wait_dma2 semaphore(%run_scoped3A : memref<!tpu.dma_semaphore, #tpu.memory_space<semaphore_mem>>) src(%dma_wait3A_18 : memref<632x136xf32, #tpu.memory_space<vmem_shared>>) dst(%dma_wait3A_16 : memref<632x136xf32, #tpu.memory_space<hbm>>)
      tpu.yield
    }) : () -> ()
    return
  }
}

module attributes {stable_mosaic.version = 14 : i64} {
  func.func @_pre_body(%arg0: i32, %arg1: memref<1000x128xf32, #tpu.memory_space<vmem>>, %arg2: memref<128x128xf32, #tpu.memory_space<vmem>>, %arg3: memref<128x16xf32, #tpu.memory_space<vmem>>, %arg4: memref<128x16xf32, #tpu.memory_space<vmem>>, %arg5: memref<128x128xf32, #tpu.memory_space<vmem>>, %arg6: memref<16x32xf32, #tpu.memory_space<vmem>>, %arg7: memref<1000x160xbf16, #tpu.memory_space<vmem>>, %arg8: memref<1000x16xf32, #tpu.memory_space<vmem>>) attributes {dimension_semantics = [#tpu.dimension_semantics<arbitrary>], iteration_bounds = array<i64: 10>, scalar_prefetch = 0 : i64, scratch_operands = 0 : i64, tpu.core_type = #tpu.core_type<tc>, window_params = [{transform_indices = @transform_0, window_bounds = array<i64: 1000, 128>}, {pipeline_mode = #tpu.pipeline_mode<synchronous>, transform_indices = @transform_1, window_bounds = array<i64: 128, 128>}, {pipeline_mode = #tpu.pipeline_mode<synchronous>, transform_indices = @transform_2, window_bounds = array<i64: 128, 16>}, {pipeline_mode = #tpu.pipeline_mode<synchronous>, transform_indices = @transform_3, window_bounds = array<i64: 128, 16>}, {pipeline_mode = #tpu.pipeline_mode<synchronous>, transform_indices = @transform_4, window_bounds = array<i64: 128, 128>}, {pipeline_mode = #tpu.pipeline_mode<synchronous>, transform_indices = @transform_5, window_bounds = array<i64: 16, 32>}, {transform_indices = @transform_6, window_bounds = array<i64: 1000, 160>}, {transform_indices = @transform_7, window_bounds = array<i64: 1000, 16>}]} {
    %get3A = arith.constant 0 : index
    %get3A_0 = arith.constant 0 : index
    %get3A_1 = vector.load %arg1[%get3A, %get3A_0] : memref<1000x128xf32, #tpu.memory_space<vmem>>, vector<1000x128xf32>
    %get3A_2 = arith.constant 0 : index
    %get3A_3 = arith.constant 0 : index
    %get3A_4 = vector.load %arg2[%get3A_2, %get3A_3] : memref<128x128xf32, #tpu.memory_space<vmem>>, vector<128x128xf32>
    %dot_general3A = arith.constant dense<0.000000e+00> : vector<1000x128xf32>
    %dot_general3A_5 = tpu.matmul %get3A_1, %get3A_4, %dot_general3A {dimension_numbers = #tpu.dot_dimension_numbers<[1], [0], [0], [1], [0, 0, 1, 1], [], []>, transpose_lhs_hint = false} : vector<1000x128xf32>, vector<128x128xf32>, vector<1000x128xf32> -> vector<1000x128xf32>
    %get3A_6 = arith.constant 0 : index
    %get3A_7 = arith.constant 0 : index
    %get3A_8 = vector.load %arg3[%get3A_6, %get3A_7] : memref<128x16xf32, #tpu.memory_space<vmem>>, vector<128x16xf32>
    %dot_general3A_9 = arith.constant dense<0.000000e+00> : vector<1000x16xf32>
    %dot_general3A_10 = tpu.matmul %dot_general3A_5, %get3A_8, %dot_general3A_9 {dimension_numbers = #tpu.dot_dimension_numbers<[1], [0], [0], [1], [0, 0, 1, 1], [], []>, transpose_lhs_hint = false} : vector<1000x128xf32>, vector<128x16xf32>, vector<1000x16xf32> -> vector<1000x16xf32>
    %swap3A = arith.constant 0 : index
    %swap3A_11 = arith.constant 0 : index
    %swap3A_12 = vector.load %arg8[%swap3A, %swap3A_11] : memref<1000x16xf32, #tpu.memory_space<vmem>>, vector<1000x16xf32>
    tpu.vector_store %arg8[%swap3A, %swap3A_11], %dot_general3A_10 {strides = array<i32>} : memref<1000x16xf32, #tpu.memory_space<vmem>>, vector<1000x16xf32>,
    %get3A_13 = arith.constant 0 : index
    %get3A_14 = arith.constant 0 : index
    %get3A_15 = vector.load %arg4[%get3A_13, %get3A_14] : memref<128x16xf32, #tpu.memory_space<vmem>>, vector<128x16xf32>
    %dot_general3A_16 = arith.constant dense<0.000000e+00> : vector<1000x16xf32>
    %dot_general3A_17 = tpu.matmul %dot_general3A_5, %get3A_15, %dot_general3A_16 {dimension_numbers = #tpu.dot_dimension_numbers<[1], [0], [0], [1], [0, 0, 1, 1], [], []>, transpose_lhs_hint = false} : vector<1000x128xf32>, vector<128x16xf32>, vector<1000x16xf32> -> vector<1000x16xf32>
    %get3A_18 = arith.constant 0 : index
    %get3A_19 = arith.constant 0 : index
    %get3A_20 = vector.load %arg5[%get3A_18, %get3A_19] : memref<128x128xf32, #tpu.memory_space<vmem>>, vector<128x128xf32>
    %dot_general3A_21 = arith.constant dense<0.000000e+00> : vector<1000x128xf32>
    %dot_general3A_22 = tpu.matmul %dot_general3A_5, %get3A_20, %dot_general3A_21 {dimension_numbers = #tpu.dot_dimension_numbers<[1], [0], [0], [1], [0, 0, 1, 1], [], []>, transpose_lhs_hint = false} : vector<1000x128xf32>, vector<128x128xf32>, vector<1000x128xf32> -> vector<1000x128xf32>
    %convert_element_type3A = arith.truncf %dot_general3A_22 : vector<1000x128xf32> to vector<1000x128xbf16>
    %swap3A_23 = arith.constant 0 : index
    %swap3A_24 = arith.constant 0 : index
    %swap3A_25 = vector.load %arg7[%swap3A_23, %swap3A_24] : memref<1000x160xbf16, #tpu.memory_space<vmem>>, vector<1000x128xbf16>
    tpu.vector_store %arg7[%swap3A_23, %swap3A_24], %convert_element_type3A {strides = array<i32>} : memref<1000x160xbf16, #tpu.memory_space<vmem>>, vector<1000x128xbf16>,
    %get3A_26 = arith.constant 0 : index
    %get3A_27 = arith.constant 0 : index
    %get3A_28 = vector.load %arg6[%get3A_26, %get3A_27] : memref<16x32xf32, #tpu.memory_space<vmem>>, vector<16x32xf32>
    %dot_general3A_29 = arith.constant dense<0.000000e+00> : vector<1000x32xf32>
    %dot_general3A_30 = tpu.matmul %dot_general3A_17, %get3A_28, %dot_general3A_29 {dimension_numbers = #tpu.dot_dimension_numbers<[1], [0], [0], [1], [0, 0, 1, 1], [], []>, transpose_lhs_hint = false} : vector<1000x16xf32>, vector<16x32xf32>, vector<1000x32xf32> -> vector<1000x32xf32>
    %convert_element_type3A_31 = arith.truncf %dot_general3A_30 : vector<1000x32xf32> to vector<1000x32xbf16>
    %swap3A_32 = arith.constant 0 : index
    %swap3A_33 = arith.constant 128 : index
    %swap3A_34 = vector.load %arg7[%swap3A_32, %swap3A_33] : memref<1000x160xbf16, #tpu.memory_space<vmem>>, vector<1000x32xbf16>
    tpu.vector_store %arg7[%swap3A_32, %swap3A_33], %convert_element_type3A_31 {strides = array<i32>} : memref<1000x160xbf16, #tpu.memory_space<vmem>>, vector<1000x32xbf16>,
    return
  }
  func.func @transform_0(%arg0: i32) -> (i32, i32) {
    %c0_i32 = arith.constant 0 : i32
    %c0_i32_0 = arith.constant 0 : i32
    return %arg0, %c0_i32 : i32, i32
  }
  func.func @transform_1(%arg0: i32) -> (i32, i32) {
    %c0_i32 = arith.constant 0 : i32
    %c0_i32_0 = arith.constant 0 : i32
    %c0_i32_1 = arith.constant 0 : i32
    return %c0_i32, %c0_i32_0 : i32, i32
  }
  func.func @transform_2(%arg0: i32) -> (i32, i32) {
    %c0_i32 = arith.constant 0 : i32
    %c0_i32_0 = arith.constant 0 : i32
    %c0_i32_1 = arith.constant 0 : i32
    return %c0_i32, %c0_i32_0 : i32, i32
  }
  func.func @transform_3(%arg0: i32) -> (i32, i32) {
    %c0_i32 = arith.constant 0 : i32
    %c0_i32_0 = arith.constant 0 : i32
    %c0_i32_1 = arith.constant 0 : i32
    return %c0_i32, %c0_i32_0 : i32, i32
  }
  func.func @transform_4(%arg0: i32) -> (i32, i32) {
    %c0_i32 = arith.constant 0 : i32
    %c0_i32_0 = arith.constant 0 : i32
    %c0_i32_1 = arith.constant 0 : i32
    return %c0_i32, %c0_i32_0 : i32, i32
  }
  func.func @transform_5(%arg0: i32) -> (i32, i32) {
    %c0_i32 = arith.constant 0 : i32
    %c0_i32_0 = arith.constant 0 : i32
    %c0_i32_1 = arith.constant 0 : i32
    return %c0_i32, %c0_i32_0 : i32, i32
  }
  func.func @transform_6(%arg0: i32) -> (i32, i32) {
    %c0_i32 = arith.constant 0 : i32
    %c0_i32_0 = arith.constant 0 : i32
    return %arg0, %c0_i32 : i32, i32
  }
  func.func @transform_7(%arg0: i32) -> (i32, i32) {
    %c0_i32 = arith.constant 0 : i32
    %c0_i32_0 = arith.constant 0 : i32
    return %arg0, %c0_i32 : i32, i32
  }
}

module attributes {stable_mosaic.version = 14 : i64} {
  func.func @_mid_body(%arg0: i32, %arg1: memref<2x1000x136xf32, #tpu.memory_space<vmem>>, %arg2: memref<128x128xf32, #tpu.memory_space<vmem>>, %arg3: memref<128x16xf32, #tpu.memory_space<vmem>>, %arg4: memref<128x16xf32, #tpu.memory_space<vmem>>, %arg5: memref<128x128xf32, #tpu.memory_space<vmem>>, %arg6: memref<16x32xf32, #tpu.memory_space<vmem>>, %arg7: memref<1000x160xbf16, #tpu.memory_space<vmem>>, %arg8: memref<1000x16xf32, #tpu.memory_space<vmem>>) attributes {dimension_semantics = [#tpu.dimension_semantics<arbitrary>], iteration_bounds = array<i64: 10>, scalar_prefetch = 0 : i64, scratch_operands = 0 : i64, tpu.core_type = #tpu.core_type<tc>, window_params = [{transform_indices = @transform_0, window_bounds = array<i64: 2, 1000, 136>}, {pipeline_mode = #tpu.pipeline_mode<synchronous>, transform_indices = @transform_1, window_bounds = array<i64: 128, 128>}, {pipeline_mode = #tpu.pipeline_mode<synchronous>, transform_indices = @transform_2, window_bounds = array<i64: 128, 16>}, {pipeline_mode = #tpu.pipeline_mode<synchronous>, transform_indices = @transform_3, window_bounds = array<i64: 128, 16>}, {pipeline_mode = #tpu.pipeline_mode<synchronous>, transform_indices = @transform_4, window_bounds = array<i64: 128, 128>}, {pipeline_mode = #tpu.pipeline_mode<synchronous>, transform_indices = @transform_5, window_bounds = array<i64: 16, 32>}, {transform_indices = @transform_6, window_bounds = array<i64: 1000, 160>}, {transform_indices = @transform_7, window_bounds = array<i64: 1000, 16>}]} {
    %get3A = arith.constant 0 : index
    %get3A_0 = arith.constant 0 : index
    %get3A_1 = arith.constant 0 : index
    %get3A_2 = vector.load %arg1[%get3A, %get3A_0, %get3A_1] : memref<2x1000x136xf32, #tpu.memory_space<vmem>>, vector<1x1000x136xf32>
    %get3A_3 = vector.shape_cast %get3A_2 : vector<1x1000x136xf32> to vector<1000x136xf32>
    %get3A_4 = arith.constant 1 : index
    %get3A_5 = arith.constant 0 : index
    %get3A_6 = arith.constant 0 : index
    %get3A_7 = vector.load %arg1[%get3A_4, %get3A_5, %get3A_6] : memref<2x1000x136xf32, #tpu.memory_space<vmem>>, vector<1x1000x136xf32>
    %get3A_8 = vector.shape_cast %get3A_7 : vector<1x1000x136xf32> to vector<1000x136xf32>
    %add3A = arith.addf %get3A_3, %get3A_8 : vector<1000x136xf32>
    %slice3A = vector.extract_strided_slice %add3A {offsets = [0, 0], sizes = [1000, 16], strides = [1, 1]} : vector<1000x136xf32> to vector<1000x16xf32>
    %slice3A_9 = vector.extract_strided_slice %add3A {offsets = [0, 128], sizes = [1000, 1], strides = [1, 1]} : vector<1000x136xf32> to vector<1000x1xf32>
    %add3A_10 = arith.constant 1.000000e-16 : f32
    %add3A_11 = vector.broadcast %add3A_10 : f32 to vector<1000x1xf32>
    %add3A_12 = arith.addf %slice3A_9, %add3A_11 : vector<1000x1xf32>
    %div3A = vector.broadcast %add3A_12 : vector<1000x1xf32> to vector<1000x16xf32>
    %div3A_13 = arith.divf %slice3A, %div3A : vector<1000x16xf32>
    %slice3A_14 = vector.extract_strided_slice %add3A {offsets = [0, 16], sizes = [1000, 16], strides = [1, 1]} : vector<1000x136xf32> to vector<1000x16xf32>
    %slice3A_15 = vector.extract_strided_slice %add3A {offsets = [0, 129], sizes = [1000, 1], strides = [1, 1]} : vector<1000x136xf32> to vector<1000x1xf32>
    %add3A_16 = arith.constant 1.000000e-16 : f32
    %add3A_17 = vector.broadcast %add3A_16 : f32 to vector<1000x1xf32>
    %add3A_18 = arith.addf %slice3A_15, %add3A_17 : vector<1000x1xf32>
    %div3A_19 = vector.broadcast %add3A_18 : vector<1000x1xf32> to vector<1000x16xf32>
    %div3A_20 = arith.divf %slice3A_14, %div3A_19 : vector<1000x16xf32>
    %slice3A_21 = vector.extract_strided_slice %add3A {offsets = [0, 32], sizes = [1000, 16], strides = [1, 1]} : vector<1000x136xf32> to vector<1000x16xf32>
    %slice3A_22 = vector.extract_strided_slice %add3A {offsets = [0, 130], sizes = [1000, 1], strides = [1, 1]} : vector<1000x136xf32> to vector<1000x1xf32>
    %add3A_23 = arith.constant 1.000000e-16 : f32
    %add3A_24 = vector.broadcast %add3A_23 : f32 to vector<1000x1xf32>
    %add3A_25 = arith.addf %slice3A_22, %add3A_24 : vector<1000x1xf32>
    %div3A_26 = vector.broadcast %add3A_25 : vector<1000x1xf32> to vector<1000x16xf32>
    %div3A_27 = arith.divf %slice3A_21, %div3A_26 : vector<1000x16xf32>
    %slice3A_28 = vector.extract_strided_slice %add3A {offsets = [0, 48], sizes = [1000, 16], strides = [1, 1]} : vector<1000x136xf32> to vector<1000x16xf32>
    %slice3A_29 = vector.extract_strided_slice %add3A {offsets = [0, 131], sizes = [1000, 1], strides = [1, 1]} : vector<1000x136xf32> to vector<1000x1xf32>
    %add3A_30 = arith.constant 1.000000e-16 : f32
    %add3A_31 = vector.broadcast %add3A_30 : f32 to vector<1000x1xf32>
    %add3A_32 = arith.addf %slice3A_29, %add3A_31 : vector<1000x1xf32>
    %div3A_33 = vector.broadcast %add3A_32 : vector<1000x1xf32> to vector<1000x16xf32>
    %div3A_34 = arith.divf %slice3A_28, %div3A_33 : vector<1000x16xf32>
    %slice3A_35 = vector.extract_strided_slice %add3A {offsets = [0, 64], sizes = [1000, 16], strides = [1, 1]} : vector<1000x136xf32> to vector<1000x16xf32>
    %slice3A_36 = vector.extract_strided_slice %add3A {offsets = [0, 132], sizes = [1000, 1], strides = [1, 1]} : vector<1000x136xf32> to vector<1000x1xf32>
    %add3A_37 = arith.constant 1.000000e-16 : f32
    %add3A_38 = vector.broadcast %add3A_37 : f32 to vector<1000x1xf32>
    %add3A_39 = arith.addf %slice3A_36, %add3A_38 : vector<1000x1xf32>
    %div3A_40 = vector.broadcast %add3A_39 : vector<1000x1xf32> to vector<1000x16xf32>
    %div3A_41 = arith.divf %slice3A_35, %div3A_40 : vector<1000x16xf32>
    %slice3A_42 = vector.extract_strided_slice %add3A {offsets = [0, 80], sizes = [1000, 16], strides = [1, 1]} : vector<1000x136xf32> to vector<1000x16xf32>
    %slice3A_43 = vector.extract_strided_slice %add3A {offsets = [0, 133], sizes = [1000, 1], strides = [1, 1]} : vector<1000x136xf32> to vector<1000x1xf32>
    %add3A_44 = arith.constant 1.000000e-16 : f32
    %add3A_45 = vector.broadcast %add3A_44 : f32 to vector<1000x1xf32>
    %add3A_46 = arith.addf %slice3A_43, %add3A_45 : vector<1000x1xf32>
    %div3A_47 = vector.broadcast %add3A_46 : vector<1000x1xf32> to vector<1000x16xf32>
    %div3A_48 = arith.divf %slice3A_42, %div3A_47 : vector<1000x16xf32>
    %slice3A_49 = vector.extract_strided_slice %add3A {offsets = [0, 96], sizes = [1000, 16], strides = [1, 1]} : vector<1000x136xf32> to vector<1000x16xf32>
    %slice3A_50 = vector.extract_strided_slice %add3A {offsets = [0, 134], sizes = [1000, 1], strides = [1, 1]} : vector<1000x136xf32> to vector<1000x1xf32>
    %add3A_51 = arith.constant 1.000000e-16 : f32
    %add3A_52 = vector.broadcast %add3A_51 : f32 to vector<1000x1xf32>
    %add3A_53 = arith.addf %slice3A_50, %add3A_52 : vector<1000x1xf32>
    %div3A_54 = vector.broadcast %add3A_53 : vector<1000x1xf32> to vector<1000x16xf32>
    %div3A_55 = arith.divf %slice3A_49, %div3A_54 : vector<1000x16xf32>
    %slice3A_56 = vector.extract_strided_slice %add3A {offsets = [0, 112], sizes = [1000, 16], strides = [1, 1]} : vector<1000x136xf32> to vector<1000x16xf32>
    %slice3A_57 = vector.extract_strided_slice %add3A {offsets = [0, 135], sizes = [1000, 1], strides = [1, 1]} : vector<1000x136xf32> to vector<1000x1xf32>
    %add3A_58 = arith.constant 1.000000e-16 : f32
    %add3A_59 = vector.broadcast %add3A_58 : f32 to vector<1000x1xf32>
    %add3A_60 = arith.addf %slice3A_57, %add3A_59 : vector<1000x1xf32>
    %div3A_61 = vector.broadcast %add3A_60 : vector<1000x1xf32> to vector<1000x16xf32>
    %div3A_62 = arith.divf %slice3A_56, %div3A_61 : vector<1000x16xf32>
    %concatenate3A = tpu.concatenate %div3A_13, %div3A_20, %div3A_27, %div3A_34, %div3A_41, %div3A_48, %div3A_55, %div3A_62 in 1 : vector<1000x16xf32>, vector<1000x16xf32>, vector<1000x16xf32>, vector<1000x16xf32>, vector<1000x16xf32>, vector<1000x16xf32>, vector<1000x16xf32>, vector<1000x16xf32> -> vector<1000x128xf32>
    %gt3A = arith.constant 0.000000e+00 : f32
    %gt3A_63 = vector.broadcast %gt3A : f32 to vector<1000x128xf32>
    %gt3A_64 = arith.cmpf ogt, %concatenate3A, %gt3A_63 : vector<1000x128xf32>
    %exp3A = math.exp %concatenate3A : vector<1000x128xf32>
    %sub3A = arith.constant 1.000000e+00 : f32
    %sub3A_65 = vector.broadcast %sub3A : f32 to vector<1000x128xf32>
    %sub3A_66 = arith.subf %exp3A, %sub3A_65 : vector<1000x128xf32>
    %select_n3A = arith.select %gt3A_64, %concatenate3A, %sub3A_66 : vector<1000x128xi1>, vector<1000x128xf32>
    %get3A_67 = arith.constant 0 : index
    %get3A_68 = arith.constant 0 : index
    %get3A_69 = vector.load %arg2[%get3A_67, %get3A_68] : memref<128x128xf32, #tpu.memory_space<vmem>>, vector<128x128xf32>
    %dot_general3A = arith.constant dense<0.000000e+00> : vector<1000x128xf32>
    %dot_general3A_70 = tpu.matmul %select_n3A, %get3A_69, %dot_general3A {dimension_numbers = #tpu.dot_dimension_numbers<[1], [0], [0], [1], [0, 0, 1, 1], [], []>, transpose_lhs_hint = false} : vector<1000x128xf32>, vector<128x128xf32>, vector<1000x128xf32> -> vector<1000x128xf32>
    %get3A_71 = arith.constant 0 : index
    %get3A_72 = arith.constant 0 : index
    %get3A_73 = vector.load %arg3[%get3A_71, %get3A_72] : memref<128x16xf32, #tpu.memory_space<vmem>>, vector<128x16xf32>
    %dot_general3A_74 = arith.constant dense<0.000000e+00> : vector<1000x16xf32>
    %dot_general3A_75 = tpu.matmul %dot_general3A_70, %get3A_73, %dot_general3A_74 {dimension_numbers = #tpu.dot_dimension_numbers<[1], [0], [0], [1], [0, 0, 1, 1], [], []>, transpose_lhs_hint = false} : vector<1000x128xf32>, vector<128x16xf32>, vector<1000x16xf32> -> vector<1000x16xf32>
    %swap3A = arith.constant 0 : index
    %swap3A_76 = arith.constant 0 : index
    %swap3A_77 = vector.load %arg8[%swap3A, %swap3A_76] : memref<1000x16xf32, #tpu.memory_space<vmem>>, vector<1000x16xf32>
    tpu.vector_store %arg8[%swap3A, %swap3A_76], %dot_general3A_75 {strides = array<i32>} : memref<1000x16xf32, #tpu.memory_space<vmem>>, vector<1000x16xf32>,
    %get3A_78 = arith.constant 0 : index
    %get3A_79 = arith.constant 0 : index
    %get3A_80 = vector.load %arg4[%get3A_78, %get3A_79] : memref<128x16xf32, #tpu.memory_space<vmem>>, vector<128x16xf32>
    %dot_general3A_81 = arith.constant dense<0.000000e+00> : vector<1000x16xf32>
    %dot_general3A_82 = tpu.matmul %dot_general3A_70, %get3A_80, %dot_general3A_81 {dimension_numbers = #tpu.dot_dimension_numbers<[1], [0], [0], [1], [0, 0, 1, 1], [], []>, transpose_lhs_hint = false} : vector<1000x128xf32>, vector<128x16xf32>, vector<1000x16xf32> -> vector<1000x16xf32>
    %get3A_83 = arith.constant 0 : index
    %get3A_84 = arith.constant 0 : index
    %get3A_85 = vector.load %arg5[%get3A_83, %get3A_84] : memref<128x128xf32, #tpu.memory_space<vmem>>, vector<128x128xf32>
    %dot_general3A_86 = arith.constant dense<0.000000e+00> : vector<1000x128xf32>
    %dot_general3A_87 = tpu.matmul %dot_general3A_70, %get3A_85, %dot_general3A_86 {dimension_numbers = #tpu.dot_dimension_numbers<[1], [0], [0], [1], [0, 0, 1, 1], [], []>, transpose_lhs_hint = false} : vector<1000x128xf32>, vector<128x128xf32>, vector<1000x128xf32> -> vector<1000x128xf32>
    %convert_element_type3A = arith.truncf %dot_general3A_87 : vector<1000x128xf32> to vector<1000x128xbf16>
    %swap3A_88 = arith.constant 0 : index
    %swap3A_89 = arith.constant 0 : index
    %swap3A_90 = vector.load %arg7[%swap3A_88, %swap3A_89] : memref<1000x160xbf16, #tpu.memory_space<vmem>>, vector<1000x128xbf16>
    tpu.vector_store %arg7[%swap3A_88, %swap3A_89], %convert_element_type3A {strides = array<i32>} : memref<1000x160xbf16, #tpu.memory_space<vmem>>, vector<1000x128xbf16>,
    %get3A_91 = arith.constant 0 : index
    %get3A_92 = arith.constant 0 : index
    %get3A_93 = vector.load %arg6[%get3A_91, %get3A_92] : memref<16x32xf32, #tpu.memory_space<vmem>>, vector<16x32xf32>
    %dot_general3A_94 = arith.constant dense<0.000000e+00> : vector<1000x32xf32>
    %dot_general3A_95 = tpu.matmul %dot_general3A_82, %get3A_93, %dot_general3A_94 {dimension_numbers = #tpu.dot_dimension_numbers<[1], [0], [0], [1], [0, 0, 1, 1], [], []>, transpose_lhs_hint = false} : vector<1000x16xf32>, vector<16x32xf32>, vector<1000x32xf32> -> vector<1000x32xf32>
    %convert_element_type3A_96 = arith.truncf %dot_general3A_95 : vector<1000x32xf32> to vector<1000x32xbf16>
    %swap3A_97 = arith.constant 0 : index
    %swap3A_98 = arith.constant 128 : index
    %swap3A_99 = vector.load %arg7[%swap3A_97, %swap3A_98] : memref<1000x160xbf16, #tpu.memory_space<vmem>>, vector<1000x32xbf16>
    tpu.vector_store %arg7[%swap3A_97, %swap3A_98], %convert_element_type3A_96 {strides = array<i32>} : memref<1000x160xbf16, #tpu.memory_space<vmem>>, vector<1000x32xbf16>,
    return
  }
  func.func @transform_0(%arg0: i32) -> (i32, i32, i32) {
    %c0_i32 = arith.constant 0 : i32
    %c0_i32_0 = arith.constant 0 : i32
    %c0_i32_1 = arith.constant 0 : i32
    return %c0_i32, %arg0, %c0_i32_0 : i32, i32, i32
  }
  func.func @transform_1(%arg0: i32) -> (i32, i32) {
    %c0_i32 = arith.constant 0 : i32
    %c0_i32_0 = arith.constant 0 : i32
    %c0_i32_1 = arith.constant 0 : i32
    return %c0_i32, %c0_i32_0 : i32, i32
  }
  func.func @transform_2(%arg0: i32) -> (i32, i32) {
    %c0_i32 = arith.constant 0 : i32
    %c0_i32_0 = arith.constant 0 : i32
    %c0_i32_1 = arith.constant 0 : i32
    return %c0_i32, %c0_i32_0 : i32, i32
  }
  func.func @transform_3(%arg0: i32) -> (i32, i32) {
    %c0_i32 = arith.constant 0 : i32
    %c0_i32_0 = arith.constant 0 : i32
    %c0_i32_1 = arith.constant 0 : i32
    return %c0_i32, %c0_i32_0 : i32, i32
  }
  func.func @transform_4(%arg0: i32) -> (i32, i32) {
    %c0_i32 = arith.constant 0 : i32
    %c0_i32_0 = arith.constant 0 : i32
    %c0_i32_1 = arith.constant 0 : i32
    return %c0_i32, %c0_i32_0 : i32, i32
  }
  func.func @transform_5(%arg0: i32) -> (i32, i32) {
    %c0_i32 = arith.constant 0 : i32
    %c0_i32_0 = arith.constant 0 : i32
    %c0_i32_1 = arith.constant 0 : i32
    return %c0_i32, %c0_i32_0 : i32, i32
  }
  func.func @transform_6(%arg0: i32) -> (i32, i32) {
    %c0_i32 = arith.constant 0 : i32
    %c0_i32_0 = arith.constant 0 : i32
    return %arg0, %c0_i32 : i32, i32
  }
  func.func @transform_7(%arg0: i32) -> (i32, i32) {
    %c0_i32 = arith.constant 0 : i32
    %c0_i32_0 = arith.constant 0 : i32
    return %arg0, %c0_i32 : i32, i32
  }
}

module attributes {stable_mosaic.version = 14 : i64} {
  func.func @_post_body(%arg0: i32, %arg1: memref<2x1000x136xf32, #tpu.memory_space<vmem>>, %arg2: memref<1000x128xf32, #tpu.memory_space<vmem>>) attributes {dimension_semantics = [#tpu.dimension_semantics<arbitrary>], iteration_bounds = array<i64: 10>, scalar_prefetch = 0 : i64, scratch_operands = 0 : i64, tpu.core_type = #tpu.core_type<tc>, window_params = [{transform_indices = @transform_0, window_bounds = array<i64: 2, 1000, 136>}, {transform_indices = @transform_1, window_bounds = array<i64: 1000, 128>}]} {
    %get3A = arith.constant 0 : index
    %get3A_0 = arith.constant 0 : index
    %get3A_1 = arith.constant 0 : index
    %get3A_2 = vector.load %arg1[%get3A, %get3A_0, %get3A_1] : memref<2x1000x136xf32, #tpu.memory_space<vmem>>, vector<1x1000x136xf32>
    %get3A_3 = vector.shape_cast %get3A_2 : vector<1x1000x136xf32> to vector<1000x136xf32>
    %get3A_4 = arith.constant 1 : index
    %get3A_5 = arith.constant 0 : index
    %get3A_6 = arith.constant 0 : index
    %get3A_7 = vector.load %arg1[%get3A_4, %get3A_5, %get3A_6] : memref<2x1000x136xf32, #tpu.memory_space<vmem>>, vector<1x1000x136xf32>
    %get3A_8 = vector.shape_cast %get3A_7 : vector<1x1000x136xf32> to vector<1000x136xf32>
    %add3A = arith.addf %get3A_3, %get3A_8 : vector<1000x136xf32>
    %slice3A = vector.extract_strided_slice %add3A {offsets = [0, 0], sizes = [1000, 128], strides = [1, 1]} : vector<1000x136xf32> to vector<1000x128xf32>
    %slice3A_9 = vector.extract_strided_slice %add3A {offsets = [0, 128], sizes = [1000, 1], strides = [1, 1]} : vector<1000x136xf32> to vector<1000x1xf32>
    %add3A_10 = arith.constant 1.000000e-16 : f32
    %add3A_11 = vector.broadcast %add3A_10 : f32 to vector<1000x1xf32>
    %add3A_12 = arith.addf %slice3A_9, %add3A_11 : vector<1000x1xf32>
    %div3A = vector.broadcast %add3A_12 : vector<1000x1xf32> to vector<1000x128xf32>
    %div3A_13 = arith.divf %slice3A, %div3A : vector<1000x128xf32>
    %gt3A = arith.constant 0.000000e+00 : f32
    %gt3A_14 = vector.broadcast %gt3A : f32 to vector<1000x128xf32>
    %gt3A_15 = arith.cmpf ogt, %div3A_13, %gt3A_14 : vector<1000x128xf32>
    %exp3A = math.exp %div3A_13 : vector<1000x128xf32>
    %sub3A = arith.constant 1.000000e+00 : f32
    %sub3A_16 = vector.broadcast %sub3A : f32 to vector<1000x128xf32>
    %sub3A_17 = arith.subf %exp3A, %sub3A_16 : vector<1000x128xf32>
    %select_n3A = arith.select %gt3A_15, %div3A_13, %sub3A_17 : vector<1000x128xi1>, vector<1000x128xf32>
    %swap3A = arith.constant 0 : index
    %swap3A_18 = arith.constant 0 : index
    %swap3A_19 = vector.load %arg2[%swap3A, %swap3A_18] : memref<1000x128xf32, #tpu.memory_space<vmem>>, vector<1000x128xf32>
    tpu.vector_store %arg2[%swap3A, %swap3A_18], %select_n3A {strides = array<i32>} : memref<1000x128xf32, #tpu.memory_space<vmem>>, vector<1000x128xf32>,
    return
  }
  func.func @transform_0(%arg0: i32) -> (i32, i32, i32) {
    %c0_i32 = arith.constant 0 : i32
    %c0_i32_0 = arith.constant 0 : i32
    %c0_i32_1 = arith.constant 0 : i32
    return %c0_i32, %arg0, %c0_i32_0 : i32, i32, i32
  }
  func.func @transform_1(%arg0: i32) -> (i32, i32) {
    %c0_i32 = arith.constant 0 : i32
    %c0_i32_0 = arith.constant 0 : i32
    return %arg0, %c0_i32 : i32, i32
  }
}

</mosaic_0001>

<sc_bundles>
// kernel: kernel.10.cloned.1.call-start
scs
__scs_entry_jumppad:
0x0: {  	(pc) =	sbr.rel $0x88, $3  }
0x1: {  	(tag) =	ssettag $0x0;
	lr =	simm.s32 $0x1  }
0x2: {  	[smem:$0x3F9B] =	sst lr;
	_ =	strace $0xD0000000  }
0x3: {  	_ = 	snop  }
0x4: {  	_ = 	snop  }
0x5: {  	_ = 	snop  }
0x6: {  	_ = 	snop  }
0x7: {  	_ = 	snop  }
__scs_overlays_trampoline_lowered:
0x8: {  	[smem:$0x3FAA] =	sst s0  }
0x9: {  	[smem:$0x3FAB] =	sst s1  }
0xa: {  	[smem:$0x3FAC] =	sst s2  }
0xb: {  	[smem:$0x3FAD] =	sst s3  }
0xc: {  	[smem:$0x3FAE] =	sst s4  }
0xd: {  	[smem:$0x3FAF] =	sst s5  }
0xe: {  	[smem:$0x3FB0] =	sst s6  }
0xf: {  	[smem:$0x3FB1] =	sst s7  }
0x10: {  	[smem:$0x3FB2] =	sst s8  }
0x11: {  	[smem:$0x3FB3] =	sst s9;
	s0 =	simm.s32 @!p0 $0x0  }
0x12: {  	s1 =	sld [smem:$0x3F99];
	s0 =	simm.s32 @p0 $0x1  }
0x13: {  	[smem:$0x3FB4] =	sst s0;
	s0 =	simm.s32 @!p1 $0x0  }
0x14: {  	s2 =	sld [smem:$0x3F98];
	s0 =	simm.s32 @p1 $0x1  }
0x15: {  	[smem:$0x3FB5] =	sst s0;
	s0 =	simm.s32 @!p2 $0x0  }
0x16: {  	s3 =	sld [smem:$0x3FDB];
	s0 =	simm.s32 @p2 $0x1  }
0x17: {  	s4 =	simm.s32 $0x1BF5;
	[smem:$0x3FB7] =	sst s0  }
0x18: {  	s0 =	sld [smem:$0x3F9A];
	_ =	swait.ge [sflag:s4], $0x0  }
0x19: {  	s7 =	sld [smem:$0x3F9B]  }
0x1a: {  	s8 =	sadd.s32 $0xFFFFE003, lr  }
0x1b: {  	s9 =	sadd.s32 $0xFFFFFEF7, lr;
	s5 =	simm.s32 $0xFFFFFFFF;
	p2 =	slt.u32 s8, $0xFFFFF086  }
0x1c: {  	p1 =	slt.u32 s9, $0xF7A;
	s5 =	simm.s32 @!p2 $0x0  }
0x1d: {  	s5 =	simm.s32 @p1 $0x1;
	p0 =	seq.s32 s7, s2  }
0x1e: {  	s7 =	smul.u32 @!p0 $0xF7A, s2;
	p2 =	seq.s32 @!p0 s5, $0x0  }
0x1f: {  	s9 =	smul.u32 $0xF7A, s1;
	s8 =	simm.s32 @!p0 $0x1BF5;
	p2 =	por !p2, p0  }
0x20: {  	[sflag:s8] =	ssyncset.s32 @!p0 $0xFFFFF086;
	s6 =	sadd.s32 @!p0 s3, s7;
	s7 =	simm.s32 @!p0 $0x108  }
0x21: {  	s3 =	sadd.s32 s3, s9;
	s6 =	sadd.s32 @!p0 $0x88, s6;
	s7 =	simm.s32 @p2 $0x1082  }
0x22: {  	[simem:s7], [sflag:s8] =	dma.local @!p0 [hbm:s6], $0xF7A  }
0x23: {  	s9 =	sor.u32 $0xD0000000, s2;
	s6 =	simm.s32 $0x108;
	_ =	swait.ge @!p0 [sflag:s8], $0x0  }
0x24: {  	s3 =	sadd.s32 $0x88, s3;
	s6 =	simm.s32 @!p1 $0x1082;
	[sflag:s4] =	ssyncset.s32 $0xFFFFF086  }
0x25: {  	[simem:s6], [sflag:s4] =	dma.local [hbm:s3], $0xF7A  }
0x26: {  	[smem:$0x3F9B] =	sst s1;
	(tag) =	ssettag s2;
	_ =	strace s9  }
0x27: {  	s1 =	sld [smem:$0x3FAB]  }
0x28: {  	s2 =	sld [smem:$0x3FAC]  }
0x29: {  	s4 =	sld [smem:$0x3FAE]  }
0x2a: {  	p0 =	seq.s32 s5, $0x0;
	s5 =	sld [smem:$0x3FAF]  }
0x2b: {  	s6 =	sld [smem:$0x3FB0]  }
0x2c: {  	s7 =	sld [smem:$0x3FB1]  }
0x2d: {  	s3 =	simm.s32 $0x108;
	s8 =	sld [smem:$0x3FB2]  }
0x2e: {  	s3 =	simm.s32 @!p0 $0x1082;
	s9 =	sld [smem:$0x3FB3]  }
0x2f: {  	lr =	sadd.s32 s0, s3;
	s0 =	sld [smem:$0x3FAA]  }
0x30: {  	s3 =	sld [smem:$0x3FAD]  }
0x31: {  	[smem:$0x3FB6] =	sst s10  }
0x32: {  	s10 =	sld [smem:$0x3FB4];
	_ =	sdelay $0x3  }
0x33: {  	p0 =	seq.s32 s10, $0x1;
	s10 =	sld [smem:$0x3FB6];
	_ =	sdelay $0x3  }
0x34: {  	[smem:$0x3FB6] =	sst s10  }
0x35: {  	s10 =	sld [smem:$0x3FB5];
	_ =	sdelay $0x3  }
0x36: {  	p1 =	seq.s32 s10, $0x1;
	s10 =	sld [smem:$0x3FB6];
	_ =	sdelay $0x3  }
0x37: {  	[smem:$0x3FB6] =	sst s10  }
0x38: {  	s10 =	sld [smem:$0x3FB7]  }
0x39: {  	_ = 	snop;
	(pc) =	sbr.ind lr, $3  }
0x3a: {  	_ = 	snop  }
0x3b: {  	_ = 	snop  }
0x3c: {  	p2 =	seq.s32 s10, $0x1;
	s10 =	sld [smem:$0x3FB6]  }
0x3d: {  	_ =	shalt  }
0x3e: {  	_ =	shalt  }
0x3f: {  	_ =	shalt  }
0x40: {  	_ =	shalt  }
0x41: {  	_ =	shalt  }
0x42: {  	_ =	shalt  }
0x43: {  	_ =	shalt  }
0x44: {  	_ =	shalt  }
0x45: {  	_ =	shalt  }
0x46: {  	_ =	shalt  }
0x47: {  	_ =	shalt  }
0x48: {  	_ =	shalt  }
0x49: {  	_ =	shalt  }
0x4a: {  	_ =	shalt  }
0x4b: {  	_ =	shalt  }
0x4c: {  	_ =	shalt  }
0x4d: {  	_ =	shalt  }
0x4e: {  	_ =	shalt  }
0x4f: {  	_ =	shalt  }
0x50: {  	_ =	shalt  }
0x51: {  	_ =	shalt  }
0x52: {  	_ =	shalt  }
0x53: {  	_ =	shalt  }
0x54: {  	_ =	shalt  }
0x55: {  	_ =	shalt  }
0x56: {  	_ =	shalt  }
0x57: {  	_ =	shalt  }
0x58: {  	_ =	shalt  }
0x59: {  	_ =	shalt  }
0x5a: {  	_ =	shalt  }
0x5b: {  	_ =	shalt  }
0x5c: {  	_ =	shalt  }
0x5d: {  	_ =	shalt  }
0x5e: {  	_ =	shalt  }
0x5f: {  	_ =	shalt  }
0x60: {  	_ =	shalt  }
0x61: {  	_ =	shalt  }
0x62: {  	_ =	shalt  }
0x63: {  	_ =	shalt  }
0x64: {  	_ =	shalt  }
0x65: {  	_ =	shalt  }
0x66: {  	_ =	shalt  }
0x67: {  	_ =	shalt  }
0x68: {  	_ =	shalt  }
0x69: {  	_ =	shalt  }
0x6a: {  	_ =	shalt  }
0x6b: {  	_ =	shalt  }
0x6c: {  	_ =	shalt  }
0x6d: {  	_ =	shalt  }
0x6e: {  	_ =	shalt  }
0x6f: {  	_ =	shalt  }
0x70: {  	_ =	shalt  }
0x71: {  	_ =	shalt  }
0x72: {  	_ =	shalt  }
0x73: {  	_ =	shalt  }
0x74: {  	_ =	shalt  }
0x75: {  	_ =	shalt  }
0x76: {  	_ =	shalt  }
0x77: {  	_ =	shalt  }
0x78: {  	_ =	shalt  }
0x79: {  	_ =	shalt  }
0x7a: {  	_ =	shalt  }
0x7b: {  	_ =	shalt  }
0x7c: {  	_ =	shalt  }
0x7d: {  	_ =	shalt  }
0x7e: {  	_ =	shalt  }
0x7f: {  	_ =	shalt  }
0x80: {  	_ =	shalt  }
0x81: {  	_ =	shalt  }
0x82: {  	_ =	shalt  }
0x83: {  	_ =	shalt  }
0x84: {  	_ =	shalt  }
0x85: {  	_ =	shalt  }
0x86: {  	_ =	shalt  }
0x87: {  	_ =	shalt  }
.Lfunc_end0:
.L_simem_size_0:
called_computation.1_lowered:
.L_overlay_start_0:
0x88: {  	s2 =	sld [smem:$0x3FD9]  }
0x89: {  	s3 =	sld [smem:$0x3FFE];
	_ =	sdelay $0x1  }
0x8a: {  	s1 =	srdreg.scid  }
0x8b: {  	s0 =	sand.u32 $0x1, s1  }
0x8c: {  	s17 =	sshll.u32 s0, $0xA;
	s2 =	sadd.s32 s3, s2  }
0x8d: {  	s2 =	sadd.s32 s2, s17  }
0x8e: {  	[smem:$0x3FC2] =	sst s2  }
0x8f: {  	_ = 	snop  }
0x90: {  	s2 =	sld [smem:$0x3FD0];
	(tm) =	ssettm $0x1  }
0x91: {  	s18 =	sld [smem:$0x3FFB];
	_ =	sdelay $0x3  }
0x92: {  	_ =	strace s18  }
0x93: {  	s3 =	sld [smem:$0x3FFC];
	_ =	sdelay $0x3  }
0x94: {  	_ =	strace s3  }
0x95: {  	s3 =	sld [smem:$0x3FFD];
	_ =	sdelay $0x3  }
0x96: {  	_ =	strace s3  }
0x97: {  	_ =	strace $0x8FFFFFFF  }
0x98: {  	s19 =	sld [smem:$0x3FDB];
	_ =	sdelay $0x1  }
0x99: {  	s4 =	simm.s32 $_scs_section_size  }
0x9a: {  	s5 =	simm.s32 $_size__tile_overlayer_lowered;
	s6 =	simm.s32 $_tile_overlayer_lowered  }
0x9b: {  	s22 =	simm.s32 $0x1BFF;
	s21 =	sshll.u32 s6, $0x1;
	s3 =	sadd.s32 s4, s19  }
0x9c: {  	s7 =	simm.s32 $0x0;
	s20 =	sshll.u32 s5, $0x1;
	s5 =	sadd.s32 s21, s3  }
0x9d: {  	[timem:s7], [sflag:s22] =	dma.local [hbm:s5], s20  }
0x9e: {  	_ =	swait.ge [sflag:s22], s20  }
0x9f: {  	s4 =	ssub.s32 $0x0, s20;
	[sflag:s22] =	ssyncset.done $0x0  }
0xa0: {  	[sflag:s22] =	ssyncadd.s32 s4;
	_ =	sdelay $0x1  }
0xa1: {  	s23 =	simm.s32 $0x1B8B  }
0xa2: {  	_ =	swait.ge [sflag:s23], $0x1  }
0xa3: {  	[sflag:s23] =	ssyncset.done $0x0  }
0xa4: {  	s25 =	simm.s32 $0x1B8E;
	s24 =	sld [smem:$0x3FFE];
	[sflag:s23] =	ssyncadd.s32 $0xFFFFFFFF  }
0xa5: {  	s26 =	simm.s32 $execute0_lowered;
	[smem:$0x3FD2] =	sst s25  }
0xa6: {  	s5 =	sshll.u32 s26, $0x1;
	_ =	strace $0x80000049;
	[dreg:$0x1] =	wrdreg $0xFFFFFFFF  }
0xa7: {  	s28 =	simm.s32 $_size_execute0_lowered;
	s3 =	sadd.s32 s3, s5;
	[dreg:$0x0] =	wrdreg $0x0  }
0xa8: {  	s5 =	sshll.u32 s28, $0x1;
	[dreg:$0x2] =	wrdreg s3  }
0xa9: {  	[dreg:$0x3] =	wrdreg s5  }
0xaa: {  	[dreg:$0x4] =	wrdreg $0xC0  }
0xab: {  	_ =	task [dreg:s7], $0x5FFFF  }
0xac: {  	[dreg:$0x1] =	wrdreg $0xFFFFFFFF  }
0xad: {  	[dreg:$0x0] =	wrdreg $0x60  }
0xae: {  	[dreg:$0x2] =	wrdreg s2  }
0xaf: {  	[dreg:$0x3] =	wrdreg s24  }
0xb0: {  	[dreg:$0x4] =	wrdreg $0xA0A00  }
0xb1: {  	[dreg:$0x5] =	wrdreg $0x9  }
0xb2: {  	_ =	task.clear_ibuf [dreg:s7], $0x6FFFF;
	_ =	strace $0x90000049  }
0xb3: {  	s29 =	simm.s32 $0x9;
	_ =	strace $0x8000004B  }
0xb4: {  	_ =	swait.ge [sflag:s29], $0x1  }
0xb5: {  	[sflag:s29] =	ssyncadd.s32 $0xFFFFFFFF  }
0xb6: {  	_ =	strace $0x9000004B  }
0xb7: {  	_ =	sfence  }
0xb8: {  	s30 =	sld [smem:$0x0];
	_ =	sdelay $0x2  }
0xb9: {  	s31 =	sshll.u32 s1, $0xD;
	s1 =	sshrl.u32 s1, $0x2  }
0xba: {  	s3 =	sand.u32 $0x4000, s31;
	s1 =	sadd.s32 s1, s30  }
0xbb: {  	s0 =	sor.u32 s3, s0;
	s1 =	sshll.u32 s1, $0x11  }
0xbc: {  	s0 =	sor.u32 s1, s0  }
0xbd: {  	s0 =	sadd.s32 $0x8F2B, s0  }
0xbe: {  	[sflag:s0] =	ssyncadd.remote.s32 $0x1  }
0xbf: {  	_ =	sfence.sel $0xFFFF  }
0xc0: {  	[dreg:$0x0] =	wrdreg $0xFFFFFFFF;
	(pc) =	sbr.abs _section_cstart, $3  }
0xc1: {  	[dreg:$0x1] =	wrdreg $0xFFFFFFFF  }
0xc2: {  	_ =	task.clear_ibuf [dreg:s7], $0x2FFFF;
	_ =	strace $0x9FFFFFFF  }
0xc3: {  	(tm) =	ssettm $0x7FFFFFFF  }
tec
execute0_lowered:
.L_overlay_start_1:
0x0: {  	(tag) =	ssettag $0x1  }
0x1: {  	s1 =	rddreg [dreg:$0x0]  }
0x2: {  	s0 =	rddreg [dreg:$0x1]  }
0x3: {  	s3 =	rddreg [dreg:$0x2]  }
0x4: {  	s2 =	srdreg.scid;
	s9 =	stileid.u32;
	s10 =	simm.s32 $0x0  }
0x5: {  	s13 =	simm.s32 $0x7;
	s14 =	simm.s32 $0x7D0;
	s15 =	simm.s32 $0x50  }
0x6: {  	s16 =	simm.s32 $0xFA0;
	s17 =	simm.s32 $0x41A0;
	s19 =	simm.s32 $0x28A0  }
0x7: {  	s20 =	simm.s32 $0x46A0;
	s21 =	simm.s32 $0x1;
	s22 =	simm.s32 $0x3  }
0x8: {  	s28 =	simm.s32 $0x5;
	s30 =	simm.s32 $0x6;
	s2 =	sand.u32 $0x1, s2  }
0x9: {  	s4 =	smul.u32 $0x14FC0, s9;
	[smem:$0x7FF] =	sst s10;
	s5 =	sadd.s32 $0x1800, s0  }
0xa: {  	v0 =	vimm.s32 $0xE40000;
	s7 =	sadd.s32 $0x6800, s0;
	s23 =	sadd.s32 $0x1A200, s0;
	s29 =	sshll.u32 s9, $0x6  }
0xb: {  	v0 =	vunpack.c.l.s2.s4 v0;
	s6 =	smul.u32 $0x14FC00, s2;
	_ =	strace $0x8000004A;
	[dreg:$0x5] =	wrdreg s7  }
0xc: {  	[dreg:$0x6] =	wrdreg s23;
	s24 =	ssub.s32 $0x2, s2;
	s2 =	sshll.u32 s2, $0x4  }
0xd: {  	s8 =	sshrl.u32 s24, $0x1;
	s2 =	sor.u32 s9, s2;
	s26 =	sadd.s32 s4, s3;
	v0 =	vunpack.c.l.s4.s8 v0  }
0xe: {  	s6 =	sadd.s32 s4, s6;
	s2 =	smul.u32 $0x7D, s2;
	s4 =	sor.u32 $0x1C07, s29  }
0xf: {  	v1 =	vimm.s32 $0x7060504;
	s23 =	simm.s32 $0x4BA0;
	s25 =	ssub.s32 s24, s8;
	v0 =	vunpack.c.0.s8.s32 v0;
	[dreg:$0x8] =	wrdreg s4  }
0x10: {  	v1 =	vunpack.c.0.s8.s32 v1;
	s6 =	sshrl.u32 s6, $0x3;
	s31 =	smax.u32 s25, $0x1;
	[dreg:$0x7] =	wrdreg s2  }
0x11: {  	vm0 =	vcmask $0x3F30;
	s0 =	sadd.s32 s6, s0;
	[dreg:$0xa] =	wrdreg s31;
	s2 =	sshrl.u32 s26, $0x3;
	v0 =	vand.u32 $0x3, v0  }
0x12: {  	v62 =	vimm.s32 $0x0;
	v53 =	vimm.s32 $0x2;
	s24 =	simm.s32 $0x2;
	s0 =	sadd.s32 $0x1CC00, s0;
	[dreg:$0xb] =	wrdreg s2;
	v63 =	vsel vm0, v1, v0  }
0x13: {  	v17 =	vimm.s32 $0x4;
	v59 =	vimm.s32 $0x6;
	v57 =	vimm.s32 $0x7;
	s25 =	simm.s32 $0x4;
	s26 =	simm.s32 $0x7620;
	[dreg:$0x9] =	wrdreg s0;
	[tilespmem:$0x1FFF0] =	vst v63  }
.LBB2_1:
0x14: {  	[dreg:$0x4] =	wrdreg s10  }
0x15: {  	s0 =	rddreg [dreg:$0x6]  }
0x16: {  	[spmem:s2], [sflag:s4] =	dma.local [hbm:s0], $0x29F8  }
0x17: {  	_ =	swait.ge [sflag:s13], $0x29F8  }
0x18: {  	[sflag:s13] =	ssyncset.done $0x0  }
0x19: {  	[sflag:s13] =	ssyncadd.s32 $0xFFFFD608  }
0x1a: {  	s31 =	simm.s32 $0x0;
	[bflag:$0x0] =	sbarrier.arrive $0xFFFF  }
.LBB2_2:
0x1b: {  	s0 =	smul.u32 $0x19, s31  }
0x1c: {  	s2 =	rddreg [dreg:$0x7]  }
0x1d: {  	s0 =	sadd.s32 s2, s0  }
0x1e: {  	s0 =	smul.u32 $0x50, s0;
	_ =	sdelay $0x1  }
0x1f: {  	s18 =	rddreg [dreg:$0x5];
	s0 =	sshrl.u32 s0, $0x3  }
0x20: {  	s2 =	sadd.s32 s18, s0;
	s0 =	simm.s32 $0x0  }
0x21: {  	[tilespmem:s0], [sflag:$0x7] =	stream.linear.gather [hbm4b:s2+s0], $0x7D0, $0x38;
	[tilespmem:$0x1F060] =	vst v63  }
0x22: {  	_ =	swait.ge [sflag:s13], $0x7D0  }
0x23: {  	[sflag:s13] =	ssyncset.done $0x0  }
0x24: {  	s2 =	sadd.s32 $0x9C40, s2;
	[sflag:s13] =	ssyncadd.s32 $0xFFFFF830  }
0x25: {  	[tilespmem:s14], [sflag:$0x7] =	stream.linear.gather [hbm4b:s2+s0], $0x7D0, $0x38;
	[tilespmem:$0x1F060] =	vst v63  }
0x26: {  	_ =	swait.ge [sflag:s13], $0x7D0  }
0x27: {  	[sflag:s13] =	ssyncset.done $0x0  }
0x28: {  	[sflag:s13] =	ssyncadd.s32 $0xFFFFF830  }
0x29: {  	[tilespmem:s16], [sflag:$0x1] =	stream.indirect.gather [hbm4b:s1+s15], $0x50, s14, s15, $0xb8;
	[tilespmem:$0x1F060] =	vst v63  }
0x2a: {  	_ = 	snop  }
0x2b: {  	[tilespmem:s17], [sflag:$0x3] =	stream.indirect.gather [hbm4b:s5+s15], $0x10, s0, s15, $0xb8;
	[tilespmem:$0x1F060] =	vst v63  }
0x2c: {  	s29 =	simm.s32 $0x820  }
0x2d: {  	[tilespmem:s19], [sflag:$0x2] =	stream.indirect.gather [hbm4b:s1+s15], $0x50, s29, s15, $0xb8;
	[tilespmem:$0x1F060] =	vst v63  }
0x2e: {  	_ = 	snop  }
0x2f: {  	[tilespmem:s20], [sflag:$0x4] =	stream.indirect.gather [hbm4b:s5+s15], $0x10, s15, s15, $0xb8;
	[tilespmem:$0x1F060] =	vst v63  }
.LBB2_3:
0x30: {  	_ =	swait.ge [sflag:s21], $0x1900  }
0x31: {  	[sflag:s21] =	ssyncset.done $0x0  }
0x32: {  	[sflag:s21] =	ssyncadd.s32 $0xFFFFE700  }
0x33: {  	_ =	swait.ge [sflag:s22], $0x500  }
0x34: {  	p0 =	seq.s32 s0, $0x0;
	[sflag:s22] =	ssyncset.done $0x0  }
0x35: {  	s2 =	simm.s32 @!p0 $0x5;
	[sflag:s22] =	ssyncadd.s32 $0xFFFFFB00  }
0x36: {  	_ =	swait.ge @!p0 [sflag:s2], $0x2A80  }
0x37: {  	[sflag:s2] =	ssyncset.done @!p0 $0x0  }
0x38: {  	s9 =	simm.s32 $0x1040;
	[sflag:s2] =	ssyncadd.s32 @!p0 $0xFFFFD580  }
0x39: {  	s18 =	simm.s32 $0x41C0;
	v10 =	vld [tilespmem:s9+$0x40]  }
0x3a: {  	v11 =	vld [tilespmem:s18+$0x0]  }
0x3b: {  	v13 =	vld [tilespmem:s9+$0x90]  }
0x3c: {  	v12 =	vld [tilespmem:s18+$0x10];
	_ =	sdelay $0x1  }
0x3d: {  	v10 =	vunpack.i.l.bf16.f32 v10  }
0x3e: {  	v9 =	vld [tilespmem:s9+$0xFFFFFFF0];
	v10 =	vadd.f32 v10, v11  }
0x3f: {  	v14 =	vld [tilespmem:s9+$0xFFFFFFA0];
	v11 =	vunpack.i.l.bf16.f32 v13  }
0x40: {  	v15 =	vld [tilespmem:s18+$0xFFFFFFE0];
	v11 =	vadd.f32 v11, v12;
	v13 =	vmul.f32 $2.000000030e-01, v10  }
0x41: {  	v16 =	vld [tilespmem:s18+$0xFFFFFFF0]  }
0x42: {  	v10 =	vmax.f32 v10, v13;
	v13 =	vmul.f32 $2.000000030e-01, v11  }
0x43: {  	v10 =	vsub.f32 $0.0e+00, v10  }
0x44: {  	v14 =	vunpack.i.l.bf16.f32 v14;
	v11 =	vmax.f32 v11, v13  }
0x45: {  	v9 =	vunpack.i.l.bf16.f32 v9;
	v10 =	vmul.f32 $1.442695020e+00, v10;
	v11 =	vsub.f32 $0.0e+00, v11  }
0x46: {  	v9 =	vadd.f32 v9, v16;
	v12 =	vadd.f32 v14, v15  }
0x47: {  	(erf) = vpow2.f32 v10;
	v10 =	vmul.f32 $1.442695020e+00, v11  }
0x48: {  	v15 =	vmul.f32 $2.000000030e-01, v9;
	v14 =	vmul.f32 $2.000000030e-01, v12  }
0x49: {  	(erf) = vpow2.f32 v10  }
0x4a: {  	v9 =	vmax.f32 v9, v15;
	v12 =	vmax.f32 v12, v14  }
0x4b: {  	v9 =	vsub.f32 $0.0e+00, v9;
	v12 =	vsub.f32 $0.0e+00, v12;
	_ =	sdelay $0x1  }
0x4c: {  	v9 =	vmul.f32 $1.442695020e+00, v9;
	v11 =	vmul.f32 $1.442695020e+00, v12;
	_ =	sdelay $0x1  }
0x4d: {  	(erf) = vpow2.f32 v11;
	_ =	sdelay $0x1  }
0x4e: {  	(erf) = vpow2.f32 v9;
	v9 =	vpop (erf)  }
0x4f: {  	v36 =	vpop (erf)  }
0x50: {  	v0 =	vperm.xlane v36, v17  }
0x51: {  	v43 =	vperm.xlane v36, v57  }
0x52: {  	v34 =	vperm.xlane v9, v59;
	v44 =	vperm.xlane v36, v59;
	[tilespmem:$0x1FF50] =	vst v0  }
0x53: {  	v2 =	vimm.s32 $0x5;
	s2 =	simm.s32 $0x1180;
	v28 =	vperm.xlane v9, v57;
	v13 =	vperm.xlane v9, v63;
	[tilespmem:$0x1FF60] =	vst v43  }
0x54: {  	s11 =	simm.s32 $0x4CB0;
	v12 =	vimm.s32 $0x1;
	v10 =	vperm.xlane v9, v17;
	v45 =	vperm.xlane v36, v2;
	v16 =	vld [tilespmem:s2+$0xFFFFFFF0];
	[tilespmem:$0x1FF70] =	vst v44  }
0x55: {  	v21 =	vperm.xlane v9, v62;
	v39 =	vperm.xlane v9, v12;
	v14 =	vpop (erf);
	[tilespmem:s11+$0x70] =	vst v13  }
0x56: {  	v33 =	vperm.xlane v36, v53;
	v46 =	vperm.xlane v14, v59;
	v22 =	vld [tilespmem:s2+$0x40];
	[tilespmem:$0x1FF80] =	vst v45  }
0x57: {  	s4 =	simm.s32 $0x4200;
	v11 =	vimm.s32 $0x3;
	v35 =	vperm.xlane v36, v62;
	v15 =	vperm.xlane v14, v63;
	v24 =	vld [tilespmem:s9+$0x0]  }
0x58: {  	v3 =	vperm.xlane v36, v11;
	v47 =	vperm.xlane v14, v57;
	v25 =	vld [tilespmem:s4+$0x0];
	[tilespmem:$0x1FF90] =	vst v46  }
0x59: {  	v19 =	vpop (erf);
	v27 =	vperm.xlane v14, v62;
	v31 =	vperm.xlane v14, v17;
	[tilespmem:s11+$0xFFFFFF60] =	vst v15;
	v26 =	vld [tilespmem:s4+$0x10]  }
0x5a: {  	v23 =	vperm.xlane v19, v63;
	v29 =	vperm.xlane v19, v59;
	v30 =	vld [tilespmem:s9+$0xFFFFFF60];
	[tilespmem:$0x1FFA0] =	vst v47  }
0x5b: {  	v32 =	vperm.xlane v19, v57;
	v38 =	vperm.xlane v19, v2;
	v37 =	vld [tilespmem:s2+$0x90]  }
0x5c: {  	v41 =	vperm.xlane v19, v17;
	v54 =	vperm.xlane v19, v62;
	v43 =	vld [tilespmem:s4+$0xFFFFFFF0]  }
0x5d: {  	v13 =	vperm.xlane v9, v2;
	v40 =	vld [tilespmem:s2+$0xFFFFFFA0];
	v22 =	vunpack.i.l.bf16.f32 v22;
	v42 =	vunpack.i.u.bf16.f32 v24  }
0x5e: {  	v48 =	vld [tilespmem:s4+$0xFFFFFFE0];
	v22 =	vadd.f32 v22, v25;
	v24 =	vunpack.i.l.bf16.f32 v24;
	v25 =	vmul.f32 v39, v42  }
0x5f: {  	v45 =	vperm.xlane v19, v12;
	[tilespmem:s11+$0xFFFFFFE8] =	vst v23;
	v21 =	vmul.f32 v21, v24  }
0x60: {  	v16 =	vunpack.i.l.bf16.f32 v16;
	v23 =	vperm.xlane v9, v11;
	v49 =	vmul.f32 $2.000000030e-01, v22;
	[tilespmem:s11+$0x10] =	vst v25  }
0x61: {  	v9 =	vperm.xlane v9, v53;
	v25 =	vld [tilespmem:s9+$0xFFFFFFB0];
	v37 =	vunpack.i.l.bf16.f32 v37;
	[tilespmem:s11+$0x0] =	vst v21;
	v16 =	vadd.f32 v16, v43  }
0x62: {  	v50 =	vunpack.i.l.bf16.f32 v40;
	v21 =	vmax.f32 v22, v49;
	v22 =	vadd.f32 v37, v26;
	v26 =	vld [tilespmem:s9+$0x10]  }
0x63: {  	v37 =	vadd.f32 v50, v48;
	v21 =	vsub.f32 $0.0e+00, v21;
	v43 =	vmul.f32 $2.000000030e-01, v16  }
0x64: {  	v24 =	vperm.xlane v14, v12;
	v51 =	vmul.f32 $2.000000030e-01, v22  }
0x65: {  	v46 =	vmul.f32 $2.000000030e-01, v37;
	v21 =	vmul.f32 $1.442695020e+00, v21;
	v16 =	vmax.f32 v16, v43  }
0x66: {  	v43 =	vperm.xlane v14, v53;
	v52 =	vunpack.i.l.bf16.f32 v25;
	v25 =	vunpack.i.u.bf16.f32 v25  }
0x67: {  	v47 =	vunpack.i.l.bf16.f32 v26;
	(erf) = vpow2.f32 v21;
	v21 =	vmax.f32 v22, v51  }
0x68: {  	v22 =	vmul.f32 v45, v25;
	v25 =	vmax.f32 v37, v46;
	v21 =	vsub.f32 $0.0e+00, v21  }
0x69: {  	v26 =	vunpack.i.u.bf16.f32 v26;
	v55 =	vmul.f32 v54, v52;
	v25 =	vsub.f32 $0.0e+00, v25  }
0x6a: {  	v23 =	vmul.f32 v23, v26;
	[tilespmem:s11+$0xFFFFFF88] =	vst v22;
	v21 =	vmul.f32 $1.442695020e+00, v21  }
0x6b: {  	v16 =	vsub.f32 $0.0e+00, v16;
	v37 =	vperm.xlane v14, v2;
	[tilespmem:s11+$0xFFFFFF78] =	vst v55;
	v22 =	vmul.f32 $1.442695020e+00, v25  }
0x6c: {  	v9 =	vmul.f32 v9, v47;
	[tilespmem:s11+$0x30] =	vst v23;
	v23 =	vld [tilespmem:s9+$0xFFFFFFC0];
	(erf) = vpow2.f32 v21  }
0x6d: {  	v16 =	vmul.f32 $1.442695020e+00, v16;
	(erf) = vpow2.f32 v22  }
0x6e: {  	v44 =	vunpack.i.l.bf16.f32 v30;
	v47 =	vperm.xlane v36, v12;
	v36 =	vperm.xlane v36, v63;
	[tilespmem:s11+$0x20] =	vst v9  }
0x6f: {  	v25 =	vmul.f32 v27, v44;
	v9 =	vperm.xlane v19, v11;
	v21 =	vld [tilespmem:s9+$0x20]  }
0x70: {  	v44 =	vperm.xlane v14, v11;
	v22 =	vunpack.i.u.bf16.f32 v30;
	(erf) = vpow2.f32 v16;
	v45 =	vpop (erf)  }
0x71: {  	v16 =	vperm.xlane v19, v53;
	v19 =	vunpack.i.u.bf16.f32 v23;
	v56 =	vperm.xlane v45, v59  }
0x72: {  	v14 =	vmul.f32 v24, v22;
	v23 =	vunpack.i.l.bf16.f32 v23;
	v9 =	vmul.f32 v9, v19  }
0x73: {  	v16 =	vmul.f32 v16, v23;
	v22 =	vperm.xlane v45, v57;
	[tilespmem:$0x1FFB0] =	vst v56  }
0x74: {  	s7 =	simm.s32 $0x12C0;
	v39 =	vperm.xlane v45, v17;
	v26 =	vperm.xlane v45, v63;
	v19 =	vunpack.i.l.bf16.f32 v21;
	[tilespmem:s11+$0xFFFFFEF0] =	vst v25  }
0x75: {  	v21 =	vunpack.i.u.bf16.f32 v21;
	v51 =	vperm.xlane v45, v62;
	v42 =	vperm.xlane v45, v2;
	[tilespmem:s11+$0xFFFFFF00] =	vst v14;
	v49 =	vld [tilespmem:s7+$0xFFFFFFF0];
	v30 =	vpop (erf)  }
0x76: {  	s10 =	simm.s32 $0x4ED0;
	s29 =	simm.s32 $0x4240;
	v19 =	vmul.f32 v10, v19;
	v23 =	vmul.f32 v13, v21;
	[tilespmem:s11+$0xFFFFFFA8] =	vst v9;
	v52 =	vld [tilespmem:s7+$0x40];
	v48 =	vpop (erf)  }
0x77: {  	v54 =	vld [tilespmem:s29+$0x0];
	[tilespmem:s10+$0x70] =	vst v26;
	v40 =	vperm.xlane v30, v53;
	v14 =	vperm.xlane v48, v63  }
0x78: {  	[tilespmem:s11+$0xFFFFFF98] =	vst v16;
	v46 =	vld [tilespmem:s9+$0xFFFFFF70];
	v13 =	vperm.xlane v30, v17;
	v1 =	vperm.xlane v30, v2  }
0x79: {  	v55 =	vld [tilespmem:s2+$0x0];
	v20 =	vperm.xlane v30, v57;
	v58 =	vperm.xlane v48, v59;
	[tilespmem:s10+$0xFFFFFF60] =	vst v14  }
0x7a: {  	v60 =	vimm.s32 $0x7;
	v56 =	vld [tilespmem:s9+$0xFFFFFFD0];
	v18 =	vperm.xlane v30, v59;
	v27 =	vperm.xlane v30, v62;
	v50 =	vpop (erf);
	[tilespmem:$0x1FFC0] =	vst v1  }
0x7b: {  	v21 =	vperm.xlane v48, v60;
	v4 =	vperm.xlane v50, v60;
	[tilespmem:$0x1FFD0] =	vst v58  }
0x7c: {  	v25 =	vperm.xlane v48, v17;
	v53 =	vperm.xlane v50, v63;
	[tilespmem:s11+$0x50] =	vst v23  }
0x7d: {  	v0 =	vimm.s32 $0x2;
	v26 =	vperm.xlane v50, v59;
	v60 =	vperm.xlane v45, v12;
	v58 =	vld [tilespmem:s2+$0xFFFFFF60];
	[tilespmem:$0x1FFE0] =	vst v4  }
0x7e: {  	v52 =	vunpack.i.l.bf16.f32 v52;
	v61 =	vunpack.i.u.bf16.f32 v46;
	v7 =	vunpack.i.u.bf16.f32 v55;
	v57 =	vld [tilespmem:s7+$0xFFFFFFA0]  }
0x7f: {  	v52 =	vadd.f32 v52, v54;
	v55 =	vunpack.i.l.bf16.f32 v55;
	v44 =	vmul.f32 v44, v61;
	v61 =	vld [tilespmem:s29+$0xFFFFFFF0]  }
0x80: {  	v49 =	vunpack.i.l.bf16.f32 v49;
	v1 =	vmul.f32 v60, v7;
	v51 =	vmul.f32 v51, v55;
	[tilespmem:s11+$0x40] =	vst v19;
	v60 =	vld [tilespmem:s29+$0xFFFFFFE0]  }
0x81: {  	v23 =	vunpack.i.l.bf16.f32 v46;
	v46 =	vperm.xlane v48, v62;
	v7 =	vmul.f32 $2.000000030e-01, v52;
	[tilespmem:s10+$0xFFFFFFE8] =	vst v53;
	v5 =	vld [tilespmem:s7+$0x90]  }
0x82: {  	v62 =	vimm.s32 $0x0;
	v43 =	vmul.f32 v43, v23;
	v4 =	vunpack.i.u.bf16.f32 v56;
	[tilespmem:s10+$0x0] =	vst v51;
	v59 =	vld [tilespmem:s9+$0x30]  }
0x83: {  	v56 =	vunpack.i.l.bf16.f32 v56;
	v38 =	vmul.f32 v38, v4;
	[tilespmem:s11+$0xF8] =	vst v36;
	v54 =	vld [tilespmem:s2+$0xFFFFFFB0];
	v51 =	vmax.f32 v52, v7  }
0x84: {  	v41 =	vmul.f32 v41, v56;
	v56 =	vld [tilespmem:s29+$0x10];
	v4 =	vperm.xlane v50, v12;
	[tilespmem:s11+$0xFFFFFF10] =	vst v43;
	v51 =	vsub.f32 $0.0e+00, v51  }
0x85: {  	v55 =	vld [tilespmem:s9+$0x50];
	v43 =	vperm.xlane v48, v12;
	[tilespmem:s11+$0xFFFFFFC8] =	vst v38;
	v38 =	vperm.xlane v48, v0;
	v6 =	vunpack.i.l.bf16.f32 v58  }
0x86: {  	[tilespmem:s10+$0x10] =	vst v1;
	v46 =	vmul.f32 v46, v6;
	v51 =	vmul.f32 $1.442695020e+00, v51;
	v1 =	vunpack.i.l.bf16.f32 v57  }
0x87: {  	v49 =	vadd.f32 v49, v61;
	v5 =	vunpack.i.l.bf16.f32 v5;
	v53 =	vadd.f32 v1, v60  }
0x88: {  	v57 =	vld [tilespmem:s2+$0x10];
	v6 =	vunpack.i.l.bf16.f32 v59;
	v1 =	vunpack.i.u.bf16.f32 v54;
	(erf) = vpow2.f32 v51  }
0x89: {  	v36 =	vadd.f32 v5, v56;
	v34 =	vmul.f32 v34, v6;
	v7 =	vmul.f32 $2.000000030e-01, v49  }
0x8a: {  	v61 =	vunpack.i.l.bf16.f32 v55;
	v56 =	vmul.f32 v4, v1;
	v4 =	vperm.xlane v45, v11  }
0x8b: {  	v54 =	vunpack.i.l.bf16.f32 v54;
	v51 =	vmul.f32 v35, v61;
	v35 =	vperm.xlane v50, v2  }
0x8c: {  	[tilespmem:s11+$0xFFFFFFB8] =	vst v41;
	v6 =	vmul.f32 $2.000000030e-01, v36;
	v1 =	vmul.f32 $2.000000030e-01, v53;
	v49 =	vmax.f32 v49, v7  }
0x8d: {  	v7 =	vperm.xlane v50, v62;
	[tilespmem:s11+$0x60] =	vst v34;
	v34 =	vperm.xlane v30, v11;
	v5 =	vunpack.i.u.bf16.f32 v57  }
0x8e: {  	v61 =	vld [tilespmem:s9+$0xFFFFFFE0];
	v60 =	vmax.f32 v36, v6;
	v41 =	vmax.f32 v53, v1;
	v36 =	vperm.xlane v50, v17  }
0x8f: {  	v6 =	vperm.xlane v45, v0;
	v45 =	vperm.xlane v50, v11;
	v53 =	vimm.s32 $0x2  }
0x90: {  	[tilespmem:s11+$0xFFFFFF20] =	vst v44;
	v52 =	vmul.f32 v4, v5;
	v54 =	vmul.f32 v7, v54;
	v4 =	vunpack.i.u.bf16.f32 v55  }
0x91: {  	[tilespmem:s10+$0xFFFFFEF0] =	vst v46;
	v5 =	vunpack.i.u.bf16.f32 v58;
	v7 =	vunpack.i.l.bf16.f32 v57;
	v60 =	vsub.f32 $0.0e+00, v60  }
0x92: {  	[tilespmem:s10+$0xFFFFFF88] =	vst v56;
	v1 =	vsub.f32 $0.0e+00, v41;
	v41 =	vperm.xlane v48, v11;
	v44 =	vmul.f32 v47, v4  }
0x93: {  	[tilespmem:s11+$0x88] =	vst v51;
	v55 =	vld [tilespmem:s9+$0xFFFFFF80];
	v46 =	vmul.f32 v6, v7;
	v43 =	vmul.f32 v43, v5;
	v5 =	vunpack.i.u.bf16.f32 v61  }
0x94: {  	v6 =	vsub.f32 $0.0e+00, v49;
	[tilespmem:s10+$0x30] =	vst v52;
	v4 =	vmul.f32 $1.442695020e+00, v60;
	v47 =	vmul.f32 v32, v5  }
0x95: {  	[tilespmem:s10+$0xFFFFFF78] =	vst v54;
	v7 =	vmul.f32 $1.442695020e+00, v1;
	v60 =	vunpack.i.u.bf16.f32 v59;
	v32 =	vperm.xlane v48, v2  }
0x96: {  	v59 =	vimm.s32 $0x6;
	v2 =	vperm.xlane v50, v53;
	v49 =	vld [tilespmem:s2+$0xFFFFFFC0];
	[tilespmem:s11+$0x98] =	vst v44;
	v0 =	vmul.f32 $1.442695020e+00, v6  }
0x97: {  	v5 =	vunpack.i.l.bf16.f32 v61;
	[tilespmem:s10+$0x20] =	vst v46;
	v28 =	vmul.f32 v28, v60;
	(erf) = vpow2.f32 v4;
	v46 =	vld [tilespmem:s9+$0x60]  }
0x98: {  	v50 =	vmul.f32 v29, v5;
	v4 =	vld [tilespmem:s2+$0x20];
	v1 =	vunpack.i.u.bf16.f32 v55;
	(erf) = vpow2.f32 v7  }
0x99: {  	[tilespmem:s10+$0xFFFFFF00] =	vst v43;
	v6 =	vunpack.i.l.bf16.f32 v55;
	v44 =	vmul.f32 v37, v1;
	(erf) = vpow2.f32 v0;
	v37 =	vpop (erf)  }
0x9a: {  	v57 =	vimm.s32 $0x7;
	v7 =	vld [tilespmem:s2+$0xFFFFFF70];
	[tilespmem:s11+$0x70] =	vst v28;
	v43 =	vmul.f32 v31, v6;
	v31 =	vperm.xlane v37, v59  }
0x9b: {  	v28 =	vperm.xlane v37, v57;
	v29 =	vunpack.i.u.bf16.f32 v49;
	[tilespmem:s11+$0xFFFFFF40] =	vst v44;
	v44 =	vperm.xlane v37, v63  }
0x9c: {  	[tilespmem:s11+$0xFFFFFFE8] =	vst v47;
	v54 =	vunpack.i.l.bf16.f32 v49;
	v45 =	vmul.f32 v45, v29;
	v29 =	vperm.xlane v37, v17  }
0x9d: {  	[tilespmem:s11+$0xFFFFFFD8] =	vst v50;
	v47 =	vmul.f32 v2, v54;
	v55 =	vunpack.i.u.bf16.f32 v46;
	v58 =	vunpack.i.l.bf16.f32 v4  }
0x9e: {  	[tilespmem:s11+$0xFFFFFF30] =	vst v43;
	v60 =	vunpack.i.u.bf16.f32 v4;
	v61 =	vunpack.i.l.bf16.f32 v46;
	v56 =	vmul.f32 v3, v55  }
0x9f: {  	s12 =	simm.s32 $0x8;
	v43 =	vmul.f32 v39, v58;
	v50 =	vunpack.i.u.bf16.f32 v7;
	v42 =	vmul.f32 v42, v60;
	[tilespmem:s10+$0xFFFFFFA8] =	vst v45  }
0xa0: {  	s6 =	simm.s32 $0x1400;
	s18 =	simm.s32 $0x4280;
	s4 =	simm.s32 $0x50F0;
	v48 =	vld [tilespmem:s9+$0xFFFFFF90];
	v51 =	vunpack.i.l.bf16.f32 v7;
	v39 =	vperm.xlane v30, v12;
	v45 =	vmul.f32 v33, v61;
	[tilespmem:s11+$0xB8] =	vst v56;
	v33 =	vpop (erf)  }
.LBB2_4:
0xa1: {  	v54 =	vld [tilespmem:s6+$0xFFFFFFF0]  }
0xa2: {  	v38 =	vmul.f32 v38, v51;
	v51 =	vld [tilespmem:$0x1FFC0];
	[tilespmem:s11+$0xA8] =	vst v45  }
0xa3: {  	v0 =	vperm.xlane v33, v53;
	v53 =	vperm.xlane v33, v57;
	v57 =	vld [tilespmem:s9+$0x70];
	v46 =	vpop (erf)  }
0xa4: {  	[tilespmem:s10+$0xFFFFFF98] =	vst v47;
	v41 =	vmul.f32 v41, v50;
	v50 =	vperm.xlane v46, v12;
	v12 =	vld [tilespmem:$0x1FF50]  }
0xa5: {  	v52 =	vperm.xlane v33, v59;
	[tilespmem:s10+$0x50] =	vst v42;
	v59 =	vld [tilespmem:s2+$0xFFFFFFD0]  }
0xa6: {  	v55 =	vperm.xlane v33, v17;
	v9 =	vimm.s32 $0x4;
	v58 =	vperm.xlane v37, v62;
	v60 =	vld [tilespmem:s6+$0x40]  }
0xa7: {  	v17 =	vimm.s32 $0x2;
	v49 =	vperm.xlane v33, v62;
	[tilespmem:$0x1FF40] =	vst v0;
	v62 =	vld [tilespmem:s18+$0x10];
	v56 =	vperm.xlane v46, v63  }
0xa8: {  	v4 =	vimm.s32 $0x7;
	[tilespmem:s10+$0x40] =	vst v43;
	v15 =	vld [tilespmem:s6+$0x90];
	v2 =	vunpack.i.u.bf16.f32 v57;
	v57 =	vunpack.i.l.bf16.f32 v57;
	v45 =	vpop (erf)  }
0xa9: {  	v1 =	vimm.s32 $0x6;
	v61 =	vld [tilespmem:s18+$0x0];
	[tilespmem:s4+$0xFFFFFF60] =	vst v56;
	v6 =	vperm.xlane v45, v63;
	v57 =	vmul.f32 v12, v57  }
0xaa: {  	v19 =	vimm.s32 $0x5;
	[tilespmem:s4+$0x70] =	vst v44;
	v63 =	vperm.xlane v46, v1;
	v43 =	vperm.xlane v45, v1;
	v1 =	vld [tilespmem:s7+$0xFFFFFF60]  }
0xab: {  	v7 =	vimm.s32 $0x0;
	v23 =	vimm.s32 $0x3;
	v42 =	vperm.xlane v37, v19;
	[tilespmem:s11+$0xC8] =	vst v57;
	v57 =	vld [tilespmem:$0x1FF80]  }
0xac: {  	v16 =	vimm.s32 $0x1;
	v3 =	vperm.xlane v46, v7;
	v5 =	vld [tilespmem:s7+$0x0];
	v44 =	vperm.xlane v46, v9;
	[tilespmem:s4+$0xFFFFFFE8] =	vst v6  }
0xad: {  	v14 =	vunpack.i.l.bf16.f32 v54;
	v56 =	vperm.xlane v33, v19;
	v12 =	vmovc v13;
	v6 =	vld [tilespmem:s6+$0xFFFFFFA0];
	[tilespmem:s10+$0xFFFFFF20] =	vst v41;
	v41 =	vunpack.i.l.bf16.f32 v59  }
0xae: {  	v24 =	vmovc v22;
	v8 =	vunpack.i.u.bf16.f32 v59;
	v47 =	vperm.xlane v45, v4;
	[tilespmem:$0x1FF50] =	vst v12;
	v10 =	vld [tilespmem:s18+$0xFFFFFFF0];
	v41 =	vmul.f32 v36, v41  }
0xaf: {  	v22 =	vmovc v55;
	v4 =	vperm.xlane v46, v4;
	v7 =	vperm.xlane v45, v19;
	v55 =	vld [tilespmem:s18+$0xFFFFFFE0];
	[tilespmem:s10+$0xFFFFFF10] =	vst v38;
	v12 =	vunpack.i.l.bf16.f32 v1  }
0xb0: {  	v54 =	vunpack.i.u.bf16.f32 v1;
	[tilespmem:s10+$0xFFFFFFB8] =	vst v41;
	v3 =	vmul.f32 v3, v12;
	v1 =	vmul.f32 v57, v2;
	v57 =	vmovc v51  }
0xb1: {  	v0 =	vperm.xlane v45, v9;
	v13 =	vperm.xlane v45, v16;
	v12 =	vld [tilespmem:$0x1FFF0];
	v51 =	vunpack.i.l.bf16.f32 v60;
	[tilespmem:$0x1FF80] =	vst v57  }
0xb2: {  	v60 =	vperm.xlane v37, v16;
	v16 =	vmul.f32 v35, v8;
	v2 =	vadd.f32 v51, v61;
	v51 =	vld [tilespmem:s2+$0xFFFFFF80];
	[tilespmem:s4+$0xFFFFFEF0] =	vst v3  }
0xb3: {  	v9 =	vperm.xlane v37, v11;
	v11 =	vunpack.i.l.bf16.f32 v48;
	v59 =	vld [tilespmem:s2+$0x30];
	v38 =	vperm.xlane v46, v17;
	[tilespmem:s11+$0xD8] =	vst v1  }
0xb4: {  	v36 =	vmovc v0;
	v6 =	vunpack.i.l.bf16.f32 v6;
	v0 =	vadd.f32 v14, v10;
	v14 =	vld [tilespmem:$0x1FFD0];
	[tilespmem:s10+$0xFFFFFFC8] =	vst v16;
	v57 =	vmovc v56;
	v56 =	vunpack.i.u.bf16.f32 v5  }
0xb5: {  	v8 =	vmovc v21;
	v5 =	vunpack.i.l.bf16.f32 v5;
	v10 =	vmul.f32 $2.000000030e-01, v2;
	[tilespmem:$0x1FFC0] =	vst v57;
	v61 =	vmul.f32 v60, v56;
	v60 =	vld [tilespmem:$0x1FFA0]  }
0xb6: {  	v6 =	vadd.f32 v6, v55;
	v56 =	vunpack.i.u.bf16.f32 v48;
	v5 =	vmul.f32 v58, v5;
	[tilespmem:$0x1FFA0] =	vst v8;
	v8 =	vld [tilespmem:$0x1FF90];
	v16 =	vmovc v63  }
0xb7: {  	v48 =	vld [tilespmem:s9+$0x80];
	v12 =	vperm.xlane v30, v12;
	v2 =	vmax.f32 v2, v10;
	v10 =	vunpack.i.l.bf16.f32 v15;
	[tilespmem:$0x1FFD0] =	vst v16  }
0xb8: {  	v3 =	vperm.xlane v45, v23;
	v16 =	vld [tilespmem:$0x1FF70];
	[tilespmem:s4+$0x0] =	vst v5;
	v10 =	vadd.f32 v10, v62;
	v2 =	vsub.f32 $0.0e+00, v2  }
0xb9: {  	v35 =	vmovc v7;
	v55 =	vperm.xlane v46, v19;
	v57 =	vimm.s32 $0x7;
	v5 =	vperm.xlane v37, v17;
	[tilespmem:s10+$0xF8] =	vst v12;
	v12 =	vld [tilespmem:$0x1FF60]  }
0xba: {  	v21 =	vmovc v4;
	s9 =	smov.u32 s2;
	s2 =	smov.u32 s7;
	v30 =	vunpack.i.l.bf16.f32 v59;
	v15 =	vmovc v20;
	[tilespmem:s4+$0x10] =	vst v61;
	v4 =	vmul.f32 $2.000000030e-01, v10;
	v2 =	vmul.f32 $1.442695020e+00, v2  }
0xbb: {  	v20 =	vmovc v53;
	v53 =	vimm.s32 $0x2;
	[tilespmem:$0x1FF60] =	vst v15;
	v61 =	vmovc v14;
	v14 =	vld [tilespmem:s2+$0x10];
	v7 =	vmul.f32 v60, v56;
	v8 =	vmul.f32 v8, v11  }
0xbc: {  	v11 =	vld [tilespmem:s2+$0xFFFFFFB0];
	[tilespmem:$0x1FF90] =	vst v61;
	v41 =	vunpack.i.u.bf16.f32 v48;
	v60 =	vmul.f32 $2.000000030e-01, v0;
	(erf) = vpow2.f32 v2  }
0xbd: {  	v37 =	vld [tilespmem:s9+$0x50];
	v4 =	vmax.f32 v10, v4;
	v10 =	vperm.xlane v45, v53;
	[tilespmem:s11+$0xFFFFFF50] =	vst v8;
	v8 =	vunpack.i.l.bf16.f32 v48  }
0xbe: {  	v58 =	vmovc v31;
	v62 =	vimm.s32 $0x0;
	v61 =	vmul.f32 v12, v41;
	v12 =	vmovc v18;
	[tilespmem:s11+$0xFFFFFF60] =	vst v7;
	v8 =	vmul.f32 v16, v8;
	v16 =	vld [tilespmem:$0x1FFB0]  }
0xbf: {  	v41 =	vperm.xlane v46, v23;
	v48 =	vperm.xlane v45, v62;
	v0 =	vmax.f32 v0, v60;
	[tilespmem:$0x1FF70] =	vst v12  }
0xc0: {  	v4 =	vsub.f32 $0.0e+00, v4;
	[tilespmem:$0x1FFB0] =	vst v58;
	v0 =	vsub.f32 $0.0e+00, v0;
	v31 =	vunpack.i.l.bf16.f32 v14  }
0xc1: {  	v1 =	vld [tilespmem:s9+$0xFFFFFFE0];
	[tilespmem:s11+$0xF8] =	vst v61;
	v12 =	vunpack.i.l.bf16.f32 v11;
	v11 =	vunpack.i.u.bf16.f32 v11;
	v5 =	vmul.f32 v5, v31  }
0xc2: {  	v4 =	vmul.f32 $1.442695020e+00, v4;
	[tilespmem:s11+$0xE8] =	vst v8;
	s11 =	smov.u32 s10;
	s10 =	smov.u32 s4;
	v8 =	vmul.f32 v13, v11;
	v11 =	vunpack.i.u.bf16.f32 v14  }
0xc3: {  	v61 =	vmul.f32 v9, v11;
	v9 =	vunpack.i.l.bf16.f32 v37;
	[tilespmem:s10+$0x20] =	vst v5;
	v56 =	vmul.f32 v16, v30  }
0xc4: {  	v15 =	vunpack.i.u.bf16.f32 v59;
	v58 =	vld [tilespmem:$0x1FFE0];
	v0 =	vmul.f32 $1.442695020e+00, v0;
	v30 =	vmovc v33;
	[tilespmem:s10+$0xFFFFFF88] =	vst v8;
	v33 =	vmul.f32 v27, v9  }
0xc5: {  	v27 =	vmovc v49;
	v8 =	vmul.f32 $2.000000030e-01, v6;
	v9 =	vmul.f32 v48, v12;
	v49 =	vunpack.i.u.bf16.f32 v37;
	[tilespmem:s11+$0x60] =	vst v56  }
0xc6: {  	v11 =	vunpack.i.u.bf16.f32 v1;
	v1 =	vunpack.i.l.bf16.f32 v1;
	v7 =	vmul.f32 v39, v49;
	[tilespmem:s11+$0x88] =	vst v33  }
0xc7: {  	v63 =	vld [tilespmem:$0x1FFF0];
	v18 =	vmovc v52;
	(erf) = vpow2.f32 v4;
	v1 =	vmul.f32 v26, v1;
	v52 =	vmax.f32 v6, v8;
	[tilespmem:s10+$0xFFFFFF78] =	vst v9  }
0xc8: {  	v9 =	vmul.f32 v50, v54;
	v56 =	vunpack.i.u.bf16.f32 v51;
	v2 =	vsub.f32 $0.0e+00, v52;
	v8 =	vld [tilespmem:s2+$0xFFFFFFC0];
	[tilespmem:s11+$0x98] =	vst v7  }
0xc9: {  	v59 =	vimm.s32 $0x6;
	v37 =	vpop (erf);
	[tilespmem:s10+$0x30] =	vst v61;
	v7 =	vmul.f32 v58, v11;
	v5 =	vmul.f32 v32, v56;
	v11 =	vld [tilespmem:s9+$0x60]  }
0xca: {  	v17 =	vimm.s32 $0x4;
	v13 =	vmovc v22;
	v14 =	vmovc v47;
	v31 =	vperm.xlane v37, v59;
	v60 =	vld [tilespmem:s2+$0x20];
	v2 =	vmul.f32 $1.442695020e+00, v2  }
0xcb: {  	v22 =	vmovc v28;
	[tilespmem:$0x1FFE0] =	vst v14;
	v32 =	vmov v55;
	v28 =	vperm.xlane v37, v57;
	v55 =	vperm.xlane v37, v17  }
0xcc: {  	v61 =	vunpack.i.l.bf16.f32 v51;
	[tilespmem:s10+$0xFFFFFF00] =	vst v9;
	v9 =	vmul.f32 v24, v15;
	(erf) = vpow2.f32 v2  }
0xcd: {  	s12 =	sadd.s32 $0x4, s12;
	v12 =	vimm.s32 $0x1;
	[tilespmem:s11+$0xFFFFFFD8] =	vst v1;
	v39 =	vld [tilespmem:s2+$0xFFFFFF70];
	v2 =	vmul.f32 v25, v61;
	v25 =	vmovc v44;
	v44 =	vperm.xlane v37, v63  }
0xce: {  	p1 =	slt.u32 s12, $0x4C;
	[tilespmem:s11+$0xFFFFFFE8] =	vst v7;
	v61 =	vld [tilespmem:$0x1FF40];
	(erf) = vpow2.f32 v0;
	v52 =	vunpack.i.u.bf16.f32 v8;
	v54 =	vunpack.i.l.bf16.f32 v8  }
.Ltmp0:
0xcf: {  	[tilespmem:s11+$0xFFFFFF40] =	vst v5;
	v56 =	vunpack.i.u.bf16.f32 v11;
	v3 =	vmul.f32 v3, v52;
	v58 =	vunpack.i.u.bf16.f32 v60;
	(pc) =	sbr.rel @p1 .LBB2_4-.Ltmp0, $4  }
0xd0: {  	v26 =	vmovc v43;
	[tilespmem:s11+$0x70] =	vst v9;
	v47 =	vmul.f32 v10, v54;
	v4 =	vunpack.i.l.bf16.f32 v60;
	v60 =	vunpack.i.l.bf16.f32 v11  }
0xd1: {  	v33 =	vpop (erf);
	[tilespmem:s11+$0xFFFFFF30] =	vst v2;
	v11 =	vimm.s32 $0x3;
	v1 =	vmul.f32 v34, v56;
	v43 =	vmul.f32 v29, v4  }
0xd2: {  	s18 =	sadd.s32 $0x40, s18;
	v50 =	vunpack.i.u.bf16.f32 v39;
	v29 =	vmovc v55;
	v34 =	vperm.xlane v30, v11;
	v45 =	vmul.f32 v40, v60;
	[tilespmem:s10+$0xFFFFFFA8] =	vst v3  }
0xd3: {  	s7 =	smov.u32 s6;
	s6 =	sadd.s32 $0x140, s6;
	s4 =	sadd.s32 $0x220, s4;
	v48 =	vld [tilespmem:s9+$0xFFFFFF90];
	v51 =	vunpack.i.l.bf16.f32 v39;
	v42 =	vmul.f32 v42, v58;
	v39 =	vperm.xlane v30, v12;
	[tilespmem:s11+$0xB8] =	vst v1;
	v40 =	vmovc v61  }
0xd4: {  	[tilespmem:s11+$0xA8] =	vst v45  }
0xd5: {  	[tilespmem:s10+$0xFFFFFF98] =	vst v47  }
0xd6: {  	[tilespmem:s10+$0x40] =	vst v43;
	v14 =	vpop (erf)  }
0xd7: {  	[tilespmem:s10+$0x50] =	vst v42;
	v1 =	vperm.xlane v14, v63;
	v42 =	vpop (erf)  }
0xd8: {  	[tilespmem:s4+$0x70] =	vst v44;
	v3 =	vperm.xlane v42, v63  }
0xd9: {  	v2 =	vld [tilespmem:s2+$0xFFFFFFD0];
	[tilespmem:s4+$0xFFFFFF60] =	vst v1  }
0xda: {  	v60 =	vmul.f32 v41, v50;
	v0 =	vld [tilespmem:s9+$0x70];
	[tilespmem:s4+$0xFFFFFFE8] =	vst v3  }
0xdb: {  	v3 =	vld [tilespmem:$0x1FF50]  }
0xdc: {  	v4 =	vld [tilespmem:s7+$0x0];
	[tilespmem:s10+$0xFFFFFF20] =	vst v60  }
0xdd: {  	v1 =	vld [tilespmem:$0x1FF80]  }
0xde: {  	v6 =	vmul.f32 v38, v51;
	v61 =	vunpack.i.u.bf16.f32 v2;
	v2 =	vunpack.i.l.bf16.f32 v2  }
0xdf: {  	v5 =	vunpack.i.l.bf16.f32 v0;
	v2 =	vmul.f32 v36, v2  }
0xe0: {  	[tilespmem:s10+$0xFFFFFF10] =	vst v6;
	v3 =	vmul.f32 v3, v5  }
0xe1: {  	v38 =	vperm.xlane v37, v12;
	v0 =	vunpack.i.u.bf16.f32 v0;
	[tilespmem:s10+$0xFFFFFFB8] =	vst v2;
	v5 =	vmul.f32 v35, v61  }
0xe2: {  	v41 =	vperm.xlane v37, v62;
	v7 =	vunpack.i.u.bf16.f32 v4;
	v0 =	vmul.f32 v1, v0;
	[tilespmem:s11+$0xC8] =	vst v3  }
0xe3: {  	v4 =	vunpack.i.l.bf16.f32 v4;
	v1 =	vld [tilespmem:s7+$0xFFFFFF60];
	v3 =	vmul.f32 v38, v7;
	[tilespmem:s10+$0xFFFFFFC8] =	vst v5  }
0xe4: {  	[tilespmem:s11+$0xD8] =	vst v0;
	v0 =	vmul.f32 v41, v4  }
0xe5: {  	[tilespmem:s4+$0x10] =	vst v3  }
0xe6: {  	[tilespmem:s4+$0x0] =	vst v0  }
0xe7: {  	v44 =	vperm.xlane v14, v62;
	v0 =	vld [tilespmem:$0x1FF90]  }
0xe8: {  	v46 =	vperm.xlane v30, v63;
	v45 =	vunpack.i.l.bf16.f32 v1  }
0xe9: {  	v4 =	vmul.f32 v44, v45  }
0xea: {  	[tilespmem:s10+$0xF8] =	vst v46  }
0xeb: {  	v47 =	vunpack.i.l.bf16.f32 v48;
	v43 =	vld [tilespmem:s9+$0x80];
	[tilespmem:s4+$0xFFFFFEF0] =	vst v4  }
0xec: {  	v4 =	vld [tilespmem:$0x1FF60];
	v0 =	vmul.f32 v0, v47  }
0xed: {  	v49 =	vld [tilespmem:s7+$0xFFFFFFB0]  }
0xee: {  	v9 =	vld [tilespmem:$0x1FFA0];
	[tilespmem:s11+$0xFFFFFF50] =	vst v0  }
0xef: {  	v10 =	vld [tilespmem:$0x1FF70]  }
0xf0: {  	v8 =	vunpack.i.u.bf16.f32 v43  }
0xf1: {  	v2 =	vld [tilespmem:s2+$0x30];
	v4 =	vmul.f32 v4, v8  }
0xf2: {  	v50 =	vld [tilespmem:s7+$0x10]  }
0xf3: {  	v51 =	vunpack.i.u.bf16.f32 v48;
	v54 =	vperm.xlane v42, v12;
	v52 =	vunpack.i.l.bf16.f32 v43;
	v8 =	vld [tilespmem:s2+$0x50];
	[tilespmem:s11+$0xF8] =	vst v4  }
0xf4: {  	v56 =	vunpack.i.u.bf16.f32 v49;
	v3 =	vmul.f32 v9, v51;
	v0 =	vmul.f32 v10, v52;
	v10 =	vld [tilespmem:$0x1FFB0]  }
0xf5: {  	v58 =	vmul.f32 v54, v56  }
0xf6: {  	v55 =	vperm.xlane v37, v11;
	v41 =	vperm.xlane v33, v63;
	[tilespmem:s11+$0xFFFFFF60] =	vst v3  }
0xf7: {  	v60 =	vunpack.i.u.bf16.f32 v50;
	[tilespmem:s4+$0xFFFFFF88] =	vst v58  }
0xf8: {  	v9 =	vunpack.i.l.bf16.f32 v2;
	v3 =	vmul.f32 v55, v60;
	[tilespmem:s4+$0xF8] =	vst v41  }
0xf9: {  	v61 =	vunpack.i.l.bf16.f32 v8;
	[tilespmem:s11+$0xE8] =	vst v0;
	v9 =	vmul.f32 v10, v9  }
0xfa: {  	v43 =	vld [tilespmem:s2+$0xFFFFFF80];
	v8 =	vunpack.i.u.bf16.f32 v8;
	v36 =	vmul.f32 v27, v61;
	[tilespmem:s4+$0x30] =	vst v3;
	v10 =	vperm.xlane v37, v53  }
0xfb: {  	v35 =	vld [tilespmem:s2+$0xFFFFFFE0];
	v7 =	vunpack.i.l.bf16.f32 v50;
	v8 =	vmul.f32 v39, v8;
	[tilespmem:s10+$0x60] =	vst v9;
	v9 =	vperm.xlane v42, v62  }
0xfc: {  	v38 =	vunpack.i.l.bf16.f32 v49;
	v44 =	vperm.xlane v14, v12;
	v46 =	vld [tilespmem:s7+$0x50];
	[tilespmem:s10+$0x88] =	vst v36;
	v45 =	vmul.f32 v10, v7  }
0xfd: {  	v1 =	vunpack.i.u.bf16.f32 v1;
	[tilespmem:s10+$0x98] =	vst v8;
	v4 =	vmul.f32 v9, v38  }
0xfe: {  	v2 =	vunpack.i.u.bf16.f32 v2;
	v0 =	vmul.f32 v44, v1;
	[tilespmem:s4+$0x20] =	vst v45  }
0xff: {  	v49 =	vunpack.i.u.bf16.f32 v43;
	v50 =	vmul.f32 v22, v2;
	v48 =	vld [tilespmem:s2+$0x60];
	[tilespmem:s4+$0xFFFFFF78] =	vst v4  }
0x100: {  	v6 =	vunpack.i.l.bf16.f32 v35;
	v51 =	vperm.xlane v33, v62;
	v7 =	vmul.f32 v32, v49;
	v3 =	vld [tilespmem:$0x1FFE0];
	[tilespmem:s4+$0xFFFFFF00] =	vst v0  }
0x101: {  	v6 =	vmul.f32 v26, v6;
	v8 =	vunpack.i.l.bf16.f32 v46;
	[tilespmem:s10+$0x70] =	vst v50  }
0x102: {  	v54 =	vperm.xlane v33, v12;
	v5 =	vunpack.i.l.bf16.f32 v43;
	v2 =	vmul.f32 v51, v8;
	v52 =	vld [tilespmem:s7+$0xFFFFFFC0];
	[tilespmem:s10+$0xFFFFFF40] =	vst v7  }
0x103: {  	v5 =	vmul.f32 v25, v5;
	v55 =	vld [tilespmem:s7+$0x20];
	v4 =	vunpack.i.u.bf16.f32 v46;
	[tilespmem:s10+$0xFFFFFFD8] =	vst v6  }
0x104: {  	v56 =	vunpack.i.u.bf16.f32 v48;
	v0 =	vmul.f32 v54, v4;
	[tilespmem:s4+$0x88] =	vst v2;
	v58 =	vld [tilespmem:s7+$0xFFFFFF70]  }
0x105: {  	v15 =	vimm.s32 $0x5;
	v47 =	vunpack.i.u.bf16.f32 v35;
	v6 =	vmul.f32 v34, v56;
	[tilespmem:s10+$0xFFFFFF30] =	vst v5  }
0x106: {  	v60 =	vperm.xlane v42, v11;
	[tilespmem:s4+$0x98] =	vst v0;
	v1 =	vmul.f32 v3, v47;
	v3 =	vunpack.i.l.bf16.f32 v48  }
0x107: {  	v9 =	vperm.xlane v37, v15;
	[tilespmem:s10+$0xB8] =	vst v6;
	v32 =	vld [tilespmem:s7+$0x60];
	v8 =	vunpack.i.u.bf16.f32 v52;
	v3 =	vmul.f32 v40, v3  }
0x108: {  	v34 =	vperm.xlane v14, v11;
	v2 =	vmul.f32 v60, v8;
	v8 =	vunpack.i.u.bf16.f32 v55;
	[tilespmem:s10+$0xFFFFFFE8] =	vst v1  }
0x109: {  	v36 =	vperm.xlane v14, v53;
	v10 =	vunpack.i.u.bf16.f32 v58;
	v37 =	vmul.f32 v9, v8;
	[tilespmem:s10+$0xA8] =	vst v3  }
0x10a: {  	v61 =	vperm.xlane v42, v53;
	v4 =	vunpack.i.l.bf16.f32 v58;
	v38 =	vmul.f32 v34, v10;
	[tilespmem:s4+$0xFFFFFFA8] =	vst v2  }
0x10b: {  	v1 =	vunpack.i.l.bf16.f32 v52;
	v8 =	vperm.xlane v33, v11;
	v40 =	vmul.f32 v36, v4;
	[tilespmem:s4+$0x50] =	vst v37  }
0x10c: {  	v0 =	vmul.f32 v61, v1;
	v41 =	vunpack.i.u.bf16.f32 v32;
	[tilespmem:s4+$0xFFFFFF20] =	vst v38  }
0x10d: {  	v43 =	vmul.f32 v8, v41;
	[tilespmem:s4+$0xFFFFFF10] =	vst v40  }
0x10e: {  	v35 =	vld [tilespmem:s2+$0x70];
	[tilespmem:s4+$0xFFFFFF98] =	vst v0  }
0x10f: {  	v39 =	vperm.xlane v33, v53;
	v9 =	vld [tilespmem:s7+$0xFFFFFFD0];
	[tilespmem:s4+$0xB8] =	vst v43  }
0x110: {  	v44 =	vunpack.i.l.bf16.f32 v32;
	v52 =	vld [tilespmem:$0x1FFC0]  }
0x111: {  	v51 =	vunpack.i.l.bf16.f32 v55;
	v47 =	vmul.f32 v39, v44  }
0x112: {  	v6 =	vmul.f32 v29, v51;
	v49 =	vld [tilespmem:s7+$0xFFFFFF80]  }
0x113: {  	[tilespmem:s4+$0xA8] =	vst v47;
	v46 =	vunpack.i.l.bf16.f32 v35  }
0x114: {  	v50 =	vperm.xlane v42, v15;
	[tilespmem:s4+$0x40] =	vst v6;
	v56 =	vld [tilespmem:s7+$0x70];
	v1 =	vunpack.i.u.bf16.f32 v35;
	v48 =	vmul.f32 v13, v46  }
0x115: {  	v54 =	vperm.xlane v42, v17;
	v36 =	vld [tilespmem:s7+$0x30];
	v55 =	vunpack.i.u.bf16.f32 v9;
	v1 =	vmul.f32 v52, v1  }
0x116: {  	v58 =	vperm.xlane v14, v15;
	v8 =	vunpack.i.l.bf16.f32 v9;
	[tilespmem:s10+$0xC8] =	vst v48;
	v0 =	vmul.f32 v50, v55  }
0x117: {  	v32 =	vunpack.i.u.bf16.f32 v49;
	v2 =	vmul.f32 v54, v8;
	v8 =	vperm.xlane v14, v17;
	[tilespmem:s10+$0xD8] =	vst v1  }
0x118: {  	v45 =	vld [tilespmem:s2+$0xFFFFFF90];
	v35 =	vperm.xlane v33, v15;
	v34 =	vunpack.i.l.bf16.f32 v49;
	[tilespmem:s4+$0xFFFFFFC8] =	vst v0;
	v1 =	vmul.f32 v58, v32  }
0x119: {  	v39 =	vunpack.i.u.bf16.f32 v56;
	v37 =	vmul.f32 v8, v34;
	v0 =	vld [tilespmem:$0x1FFD0];
	[tilespmem:s4+$0xFFFFFFB8] =	vst v2  }
0x11a: {  	v9 =	vperm.xlane v33, v17;
	v47 =	vunpack.i.l.bf16.f32 v36;
	v41 =	vmul.f32 v35, v39;
	v61 =	vld [tilespmem:s2+$0x80];
	[tilespmem:s4+$0xFFFFFF40] =	vst v1  }
0x11b: {  	v38 =	vunpack.i.l.bf16.f32 v56;
	v5 =	vmul.f32 v31, v47;
	[tilespmem:s4+$0xFFFFFF30] =	vst v37  }
0x11c: {  	v6 =	vunpack.i.u.bf16.f32 v36;
	v2 =	vmul.f32 v9, v38;
	v8 =	vld [tilespmem:s7+$0xFFFFFFE0];
	[tilespmem:s4+$0xD8] =	vst v41  }
0x11d: {  	v43 =	vunpack.i.u.bf16.f32 v45;
	v54 =	vmul.f32 v28, v6;
	[tilespmem:s4+$0x60] =	vst v5  }
0x11e: {  	v60 =	vunpack.i.l.bf16.f32 v45;
	v1 =	vmul.f32 v21, v43;
	[tilespmem:s4+$0xC8] =	vst v2;
	v45 =	vld [tilespmem:s7+$0xFFFFFF90]  }
0x11f: {  	[tilespmem:s4+$0x70] =	vst v54;
	v48 =	vld [tilespmem:s7+$0x80];
	v0 =	vmul.f32 v0, v60;
	v40 =	vunpack.i.u.bf16.f32 v61  }
0x120: {  	v46 =	vperm.xlane v42, v57;
	[tilespmem:s10+$0xFFFFFF60] =	vst v1;
	v44 =	vunpack.i.l.bf16.f32 v61;
	v3 =	vmul.f32 v20, v40  }
0x121: {  	v50 =	vperm.xlane v42, v59;
	v2 =	vmul.f32 v18, v44;
	v49 =	vunpack.i.u.bf16.f32 v8;
	[tilespmem:s10+$0xFFFFFF50] =	vst v0  }
0x122: {  	v51 =	vperm.xlane v14, v59;
	v52 =	vunpack.i.l.bf16.f32 v8;
	v0 =	vmul.f32 v46, v49;
	[tilespmem:s10+$0xF8] =	vst v3  }
0x123: {  	v55 =	vperm.xlane v33, v57;
	v56 =	vmul.f32 v50, v52;
	v58 =	vunpack.i.l.bf16.f32 v45;
	[tilespmem:s10+$0xE8] =	vst v2  }
0x124: {  	v60 =	vperm.xlane v14, v57;
	v1 =	vmul.f32 v51, v58;
	v61 =	vunpack.i.u.bf16.f32 v48;
	[tilespmem:s4+$0xFFFFFFE8] =	vst v0  }
0x125: {  	v32 =	vperm.xlane v33, v59;
	v33 =	vunpack.i.u.bf16.f32 v45;
	[tilespmem:s4+$0xFFFFFFD8] =	vst v56;
	v2 =	vmul.f32 v55, v61  }
0x126: {  	v34 =	vunpack.i.l.bf16.f32 v48;
	v0 =	vmul.f32 v60, v33;
	[tilespmem:s4+$0xFFFFFF50] =	vst v1  }
0x127: {  	s8 =	smul.u32 $0x280, s0;
	v1 =	vmul.f32 v32, v34;
	[tilespmem:s4+$0xF8] =	vst v2  }
0x128: {  	[tilespmem:s4+$0xFFFFFF60] =	vst v0  }
0x129: {  	s2 =	smul.u32 $0xA0, s0;
	s7 =	sshra.s32 s8, $0x2;
	[tilespmem:s4+$0xE8] =	vst v1  }
0x12a: {  	[spmem:s3] =	stream.indirect.scatter.add.f32 [tilespmem:s23], [sflag:$0x5], $0x88, s7, s15, $0xb8;
	[tilespmem:$0x1F060] =	vst v63  }
0x12b: {  	s9 =	sadd.s32 $0x870, s2  }
0x12c: {  	[tilespmem:s16], [sflag:$0x1] =	stream.indirect.gather [hbm4b:s1+s15], $0x50, s9, s15, $0xb8;
	[tilespmem:$0x1F060] =	vst v63  }
0x12d: {  	s10 =	sadd.s32 $0xA0, s2  }
0x12e: {  	[tilespmem:s17], [sflag:$0x3] =	stream.indirect.gather [hbm4b:s5+s15], $0x10, s10, s15, $0xb8;
	[tilespmem:$0x1F060] =	vst v63  }
0x12f: {  	_ =	swait.ge [sflag:s24], $0x1900  }
0x130: {  	[sflag:s24] =	ssyncset.done $0x0  }
0x131: {  	[sflag:s24] =	ssyncadd.s32 $0xFFFFE700  }
0x132: {  	_ =	swait.ge [sflag:s25], $0x500  }
0x133: {  	[sflag:s25] =	ssyncset.done $0x0  }
0x134: {  	s4 =	simm.s32 @!p0 $0x6;
	[sflag:s25] =	ssyncadd.s32 $0xFFFFFB00  }
0x135: {  	_ =	swait.ge @!p0 [sflag:s4], $0x2A80  }
0x136: {  	[sflag:s4] =	ssyncset.done @!p0 $0x0  }
0x137: {  	s12 =	simm.s32 $0x2940;
	[sflag:s4] =	ssyncadd.s32 @!p0 $0xFFFFD580  }
0x138: {  	s11 =	simm.s32 $0x46C0;
	v36 =	vld [tilespmem:s12+$0x40]  }
0x139: {  	v37 =	vld [tilespmem:s11+$0x0];
	_ =	sdelay $0x1  }
0x13a: {  	v39 =	vld [tilespmem:s12+$0x90]  }
0x13b: {  	v38 =	vld [tilespmem:s11+$0x10]  }
0x13c: {  	v1 =	vunpack.i.l.bf16.f32 v36  }
0x13d: {  	v1 =	vadd.f32 v1, v37  }
0x13e: {  	v40 =	vld [tilespmem:s12+$0xFFFFFFA0]  }
0x13f: {  	v41 =	vld [tilespmem:s11+$0xFFFFFFE0];
	v43 =	vunpack.i.l.bf16.f32 v39;
	v44 =	vmul.f32 $2.000000030e-01, v1  }
0x140: {  	v2 =	vadd.f32 v43, v38  }
0x141: {  	v35 =	vld [tilespmem:s12+$0xFFFFFFF0];
	v1 =	vmax.f32 v1, v44  }
0x142: {  	v42 =	vld [tilespmem:s11+$0xFFFFFFF0];
	v46 =	vmul.f32 $2.000000030e-01, v2;
	v1 =	vsub.f32 $0.0e+00, v1  }
0x143: {  	v5 =	vunpack.i.l.bf16.f32 v40  }
0x144: {  	v45 =	vadd.f32 v5, v41;
	v2 =	vmax.f32 v2, v46;
	v1 =	vmul.f32 $1.442695020e+00, v1  }
0x145: {  	v2 =	vsub.f32 $0.0e+00, v2  }
0x146: {  	v0 =	vunpack.i.l.bf16.f32 v35;
	v5 =	vmul.f32 $2.000000030e-01, v45;
	(erf) = vpow2.f32 v1  }
0x147: {  	v0 =	vadd.f32 v0, v42;
	v48 =	vmul.f32 $1.442695020e+00, v2  }
0x148: {  	v3 =	vmax.f32 v45, v5  }
0x149: {  	v47 =	vmul.f32 $2.000000030e-01, v0;
	v3 =	vsub.f32 $0.0e+00, v3;
	(erf) = vpow2.f32 v48;
	_ =	sdelay $0x1  }
0x14a: {  	v0 =	vmax.f32 v0, v47;
	v49 =	vmul.f32 $1.442695020e+00, v3  }
0x14b: {  	v0 =	vsub.f32 $0.0e+00, v0  }
0x14c: {  	(erf) = vpow2.f32 v49  }
0x14d: {  	v0 =	vmul.f32 $1.442695020e+00, v0  }
0x14e: {  	v50 =	vpop (erf)  }
0x14f: {  	(erf) = vpow2.f32 v0;
	v34 =	vperm.xlane v50, v59  }
0x150: {  	v19 =	vperm.xlane v50, v57;
	v1 =	vperm.xlane v50, v17  }
0x151: {  	v51 =	vperm.xlane v50, v63;
	v36 =	vpop (erf);
	v45 =	vperm.xlane v50, v62  }
0x152: {  	s10 =	simm.s32 $0x2A80;
	s4 =	simm.s32 $0x7730;
	v46 =	vperm.xlane v50, v15;
	v10 =	vperm.xlane v36, v15  }
0x153: {  	v56 =	vld [tilespmem:s10+$0xFFFFFFF0];
	v21 =	vperm.xlane v50, v12;
	v0 =	vperm.xlane v50, v53;
	[tilespmem:s4+$0x70] =	vst v51  }
0x154: {  	v8 =	vld [tilespmem:s10+$0x40];
	v33 =	vperm.xlane v36, v53;
	v54 =	vperm.xlane v36, v17;
	[tilespmem:$0x1FF10] =	vst v10  }
0x155: {  	s6 =	simm.s32 $0x4700;
	v3 =	vpop (erf);
	v58 =	vperm.xlane v36, v57;
	v60 =	vperm.xlane v36, v59;
	v10 =	vld [tilespmem:s12+$0x0]  }
0x156: {  	v35 =	vperm.xlane v36, v62;
	v14 =	vperm.xlane v3, v59;
	v13 =	vld [tilespmem:s6+$0x0]  }
0x157: {  	v55 =	vperm.xlane v3, v63;
	v61 =	vperm.xlane v3, v57  }
0x158: {  	v44 =	vpop (erf);
	v31 =	vperm.xlane v3, v17;
	v37 =	vperm.xlane v3, v15;
	[tilespmem:$0x1FF20] =	vst v14  }
0x159: {  	v9 =	vperm.xlane v44, v63;
	v29 =	vperm.xlane v44, v59;
	v18 =	vld [tilespmem:s10+$0x90]  }
0x15a: {  	v8 =	vunpack.i.l.bf16.f32 v8;
	v28 =	vperm.xlane v44, v57;
	v38 =	vperm.xlane v44, v15;
	v24 =	vld [tilespmem:s6+$0xFFFFFFF0]  }
0x15b: {  	v41 =	vperm.xlane v44, v17;
	v47 =	vld [tilespmem:s6+$0x10];
	v23 =	vunpack.i.u.bf16.f32 v10;
	v8 =	vadd.f32 v8, v13  }
0x15c: {  	v26 =	vperm.xlane v44, v12;
	v22 =	vld [tilespmem:s10+$0xFFFFFFA0];
	v10 =	vunpack.i.l.bf16.f32 v10;
	v13 =	vmul.f32 v21, v23  }
0x15d: {  	[tilespmem:s4+$0xFFFFFFE8] =	vst v9;
	v21 =	vld [tilespmem:s6+$0xFFFFFFE0];
	v7 =	vmul.f32 v45, v10;
	v23 =	vmul.f32 $2.000000030e-01, v8  }
0x15e: {  	v5 =	vunpack.i.l.bf16.f32 v56;
	v52 =	vperm.xlane v44, v11;
	v6 =	vperm.xlane v44, v53;
	[tilespmem:s4+$0x10] =	vst v13;
	v13 =	vld [tilespmem:s12+$0xFFFFFFB0]  }
0x15f: {  	v18 =	vunpack.i.l.bf16.f32 v18;
	v5 =	vadd.f32 v5, v24;
	[tilespmem:s4+$0x0] =	vst v7;
	v48 =	vmax.f32 v8, v23  }
0x160: {  	v14 =	vperm.xlane v3, v62;
	v4 =	vadd.f32 v18, v47;
	v8 =	vld [tilespmem:s12+$0x10];
	v7 =	vsub.f32 $0.0e+00, v48  }
0x161: {  	v9 =	vperm.xlane v50, v11;
	v18 =	vunpack.i.l.bf16.f32 v22;
	v24 =	vmul.f32 $2.000000030e-01, v5  }
0x162: {  	v18 =	vadd.f32 v18, v21;
	v21 =	vmul.f32 $2.000000030e-01, v4;
	v7 =	vmul.f32 $1.442695020e+00, v7  }
0x163: {  	v23 =	vperm.xlane v44, v62;
	v22 =	vunpack.i.l.bf16.f32 v13;
	v13 =	vunpack.i.u.bf16.f32 v13  }
0x164: {  	[tilespmem:s4+$0xFFFFFF60] =	vst v55;
	v27 =	vmul.f32 $2.000000030e-01, v18;
	v4 =	vmax.f32 v4, v21;
	(erf) = vpow2.f32 v7  }
0x165: {  	v16 =	vld [tilespmem:s12+$0xFFFFFF60];
	v30 =	vunpack.i.l.bf16.f32 v8;
	v49 =	vmul.f32 v26, v13;
	v4 =	vsub.f32 $0.0e+00, v4  }
0x166: {  	v8 =	vunpack.i.u.bf16.f32 v8;
	v13 =	vmax.f32 v18, v27;
	v18 =	vmul.f32 v23, v22  }
0x167: {  	v5 =	vmax.f32 v5, v24;
	v8 =	vmul.f32 v9, v8;
	v13 =	vsub.f32 $0.0e+00, v13;
	[tilespmem:s4+$0xFFFFFF88] =	vst v49  }
0x168: {  	v5 =	vsub.f32 $0.0e+00, v5;
	v0 =	vmul.f32 v0, v30;
	v4 =	vmul.f32 $1.442695020e+00, v4;
	[tilespmem:s4+$0xFFFFFF78] =	vst v18  }
0x169: {  	v10 =	vperm.xlane v3, v12;
	[tilespmem:s4+$0x30] =	vst v8;
	v50 =	vmul.f32 $1.442695020e+00, v13;
	v8 =	vld [tilespmem:s12+$0xFFFFFFC0]  }
0x16a: {  	v25 =	vunpack.i.l.bf16.f32 v16;
	v51 =	vmul.f32 $1.442695020e+00, v5;
	[tilespmem:s4+$0x20] =	vst v0;
	(erf) = vpow2.f32 v4  }
0x16b: {  	v9 =	vmul.f32 v14, v25;
	v55 =	vld [tilespmem:s12+$0x20];
	(erf) = vpow2.f32 v50  }
0x16c: {  	v5 =	vperm.xlane v3, v53;
	v18 =	vperm.xlane v3, v11;
	v13 =	vunpack.i.u.bf16.f32 v16  }
0x16d: {  	[tilespmem:s4+$0xFFFFFEF0] =	vst v9;
	v9 =	vperm.xlane v36, v11;
	v56 =	vmul.f32 v10, v13;
	v4 =	vpop (erf)  }
0x16e: {  	(erf) = vpow2.f32 v51;
	v10 =	vunpack.i.u.bf16.f32 v8;
	v22 =	vperm.xlane v4, v59  }
0x16f: {  	v8 =	vunpack.i.l.bf16.f32 v8;
	v21 =	vperm.xlane v4, v57;
	v39 =	vperm.xlane v4, v17  }
0x170: {  	[tilespmem:s4+$0xFFFFFF00] =	vst v56;
	v7 =	vunpack.i.u.bf16.f32 v55;
	v14 =	vperm.xlane v4, v63;
	v0 =	vmul.f32 v52, v10  }
0x171: {  	v3 =	vld [tilespmem:s12+$0xFFFFFF70];
	v6 =	vmul.f32 v6, v8;
	v2 =	vmul.f32 v46, v7  }
0x172: {  	s11 =	simm.s32 $0x2BC0;
	v7 =	vperm.xlane v36, v12;
	v44 =	vperm.xlane v4, v62  }
0x173: {  	s18 =	simm.s32 $0x4740;
	s9 =	simm.s32 $0x7950;
	v23 =	vld [tilespmem:s11+$0x40];
	v10 =	vunpack.i.l.bf16.f32 v55;
	v42 =	vperm.xlane v4, v15;
	v40 =	vperm.xlane v4, v12;
	v30 =	vpop (erf)  }
0x174: {  	v46 =	vld [tilespmem:s18+$0x0];
	v36 =	vperm.xlane v36, v63;
	v1 =	vmul.f32 v1, v10;
	[tilespmem:s9+$0x70] =	vst v14;
	v8 =	vpop (erf)  }
0x175: {  	[tilespmem:s4+$0xFFFFFF98] =	vst v6;
	v6 =	vld [tilespmem:s10+$0x0];
	v20 =	vperm.xlane v30, v53;
	v16 =	vperm.xlane v8, v63  }
0x176: {  	[tilespmem:s4+$0xFFFFFFA8] =	vst v0;
	v32 =	vunpack.i.u.bf16.f32 v3;
	v13 =	vperm.xlane v30, v17;
	v10 =	vperm.xlane v30, v15  }
0x177: {  	v43 =	vld [tilespmem:s11+$0xFFFFFFF0];
	v3 =	vunpack.i.l.bf16.f32 v3;
	v56 =	vperm.xlane v30, v57;
	v55 =	vperm.xlane v30, v59;
	[tilespmem:s9+$0xFFFFFF60] =	vst v16  }
0x178: {  	v23 =	vunpack.i.l.bf16.f32 v23;
	v47 =	vld [tilespmem:s12+$0xFFFFFFD0];
	v27 =	vperm.xlane v30, v62;
	v3 =	vmul.f32 v5, v3;
	[tilespmem:$0x1FF30] =	vst v10  }
0x179: {  	v46 =	vadd.f32 v23, v46;
	v0 =	vpop (erf);
	v48 =	vperm.xlane v8, v62;
	v14 =	vperm.xlane v8, v17;
	[tilespmem:s4+$0x50] =	vst v2;
	v2 =	vld [tilespmem:s10+$0xFFFFFF60]  }
0x17a: {  	v45 =	vperm.xlane v0, v63;
	[tilespmem:s4+$0x40] =	vst v1;
	v1 =	vmul.f32 v18, v32;
	v49 =	vld [tilespmem:s11+$0xFFFFFFA0];
	v32 =	vunpack.i.u.bf16.f32 v6  }
0x17b: {  	v24 =	vperm.xlane v0, v59;
	v52 =	vld [tilespmem:s18+$0xFFFFFFF0];
	v6 =	vunpack.i.l.bf16.f32 v6;
	v5 =	vmul.f32 v40, v32  }
0x17c: {  	v43 =	vunpack.i.l.bf16.f32 v43;
	v51 =	vld [tilespmem:s18+$0xFFFFFFE0];
	v6 =	vmul.f32 v44, v6;
	v32 =	vmul.f32 $2.000000030e-01, v46  }
0x17d: {  	v25 =	vperm.xlane v0, v57;
	v16 =	vperm.xlane v8, v59;
	[tilespmem:s9+$0xFFFFFFE8] =	vst v45;
	v50 =	vld [tilespmem:s12+$0x30];
	v40 =	vunpack.i.u.bf16.f32 v47  }
0x17e: {  	v47 =	vunpack.i.l.bf16.f32 v47;
	v44 =	vld [tilespmem:s11+$0x90];
	v38 =	vmul.f32 v38, v40;
	[tilespmem:s9+$0x0] =	vst v6;
	v6 =	vmax.f32 v46, v32  }
0x17f: {  	v18 =	vperm.xlane v8, v57;
	v41 =	vmul.f32 v41, v47;
	v47 =	vld [tilespmem:s18+$0x10];
	[tilespmem:s9+$0x10] =	vst v5;
	v6 =	vsub.f32 $0.0e+00, v6  }
0x180: {  	v5 =	vld [tilespmem:s10+$0xFFFFFFB0];
	[tilespmem:s4+$0xFFFFFFC8] =	vst v38;
	v38 =	vperm.xlane v0, v62;
	v45 =	vunpack.i.l.bf16.f32 v2;
	v43 =	vadd.f32 v43, v52  }
0x181: {  	v40 =	vunpack.i.l.bf16.f32 v49;
	v52 =	vperm.xlane v0, v12;
	v2 =	vunpack.i.u.bf16.f32 v2  }
0x182: {  	v45 =	vmul.f32 v48, v45;
	v48 =	vadd.f32 v40, v51;
	v32 =	vunpack.i.l.bf16.f32 v50  }
0x183: {  	[tilespmem:s4+$0xF8] =	vst v36;
	v49 =	vld [tilespmem:s10+$0x10];
	v36 =	vunpack.i.l.bf16.f32 v44;
	v6 =	vmul.f32 $1.442695020e+00, v6;
	v34 =	vmul.f32 v34, v32  }
0x184: {  	v46 =	vld [tilespmem:s12+$0x50];
	v44 =	vmul.f32 $2.000000030e-01, v43;
	v36 =	vadd.f32 v36, v47;
	v32 =	vperm.xlane v4, v11  }
0x185: {  	v4 =	vperm.xlane v4, v53;
	v40 =	vunpack.i.u.bf16.f32 v5;
	(erf) = vpow2.f32 v6  }
0x186: {  	v5 =	vunpack.i.l.bf16.f32 v5;
	[tilespmem:s9+$0xFFFFFEF0] =	vst v45;
	v45 =	vperm.xlane v0, v11;
	v47 =	vmul.f32 v52, v40  }
0x187: {  	v43 =	vmax.f32 v43, v44;
	v51 =	vmul.f32 $2.000000030e-01, v36;
	v40 =	vperm.xlane v0, v15  }
0x188: {  	v5 =	vmul.f32 v38, v5;
	v38 =	vperm.xlane v8, v53;
	v52 =	vunpack.i.u.bf16.f32 v49  }
0x189: {  	[tilespmem:s4+$0xFFFFFFB8] =	vst v41;
	v49 =	vunpack.i.l.bf16.f32 v49;
	v44 =	vmul.f32 v32, v52;
	v32 =	vunpack.i.l.bf16.f32 v46  }
0x18a: {  	v51 =	vmax.f32 v36, v51;
	v52 =	vld [tilespmem:s12+$0xFFFFFFE0];
	v36 =	vperm.xlane v0, v17;
	v4 =	vmul.f32 v4, v49  }
0x18b: {  	[tilespmem:s4+$0xFFFFFF10] =	vst v3;
	v43 =	vsub.f32 $0.0e+00, v43;
	v6 =	vmul.f32 v35, v32;
	v35 =	vmul.f32 $2.000000030e-01, v48  }
0x18c: {  	[tilespmem:s9+$0xFFFFFF88] =	vst v47;
	v47 =	vunpack.i.u.bf16.f32 v50;
	v0 =	vperm.xlane v0, v53;
	v32 =	vunpack.i.u.bf16.f32 v46  }
0x18d: {  	[tilespmem:s4+$0xFFFFFF20] =	vst v1;
	v51 =	vsub.f32 $0.0e+00, v51;
	v35 =	vmax.f32 v48, v35;
	v48 =	vperm.xlane v8, v12  }
0x18e: {  	[tilespmem:s9+$0xFFFFFF78] =	vst v5;
	v5 =	vmul.f32 $1.442695020e+00, v43;
	v7 =	vmul.f32 v7, v32;
	v32 =	vld [tilespmem:s12+$0xFFFFFF80];
	v1 =	vsub.f32 $0.0e+00, v35  }
0x18f: {  	[tilespmem:s9+$0x30] =	vst v44;
	v44 =	vld [tilespmem:s10+$0xFFFFFFC0];
	v35 =	vmul.f32 $1.442695020e+00, v51;
	v2 =	vmul.f32 v48, v2;
	v41 =	vunpack.i.u.bf16.f32 v52  }
0x190: {  	v48 =	vmul.f32 v19, v47;
	v3 =	vmul.f32 v28, v41  }
0x191: {  	[tilespmem:s4+$0x88] =	vst v6;
	v41 =	vperm.xlane v8, v11;
	(erf) = vpow2.f32 v35  }
0x192: {  	[tilespmem:s4+$0x98] =	vst v7;
	v10 =	vunpack.i.l.bf16.f32 v52;
	v1 =	vmul.f32 $1.442695020e+00, v1;
	v28 =	vperm.xlane v8, v15  }
0x193: {  	[tilespmem:s4+$0x60] =	vst v34;
	v50 =	vld [tilespmem:s12+$0x60];
	v34 =	vmul.f32 v29, v10;
	v49 =	vunpack.i.u.bf16.f32 v32;
	v32 =	vunpack.i.l.bf16.f32 v32  }
0x194: {  	[tilespmem:s9+$0x20] =	vst v4;
	v10 =	vunpack.i.u.bf16.f32 v44;
	(erf) = vpow2.f32 v1;
	v7 =	vmul.f32 v37, v49  }
0x195: {  	v8 =	vld [tilespmem:s10+$0x20];
	[tilespmem:s9+$0xFFFFFF00] =	vst v2;
	v6 =	vunpack.i.l.bf16.f32 v44;
	v2 =	vmul.f32 v31, v32;
	v35 =	vmul.f32 v45, v10  }
0x196: {  	[tilespmem:s4+$0x70] =	vst v48;
	v37 =	vpop (erf);
	v47 =	vmul.f32 v0, v6;
	v32 =	vperm.xlane v30, v11  }
0x197: {  	[tilespmem:s4+$0xFFFFFFE8] =	vst v3;
	v3 =	vld [tilespmem:s10+$0xFFFFFF70];
	(erf) = vpow2.f32 v5;
	v31 =	vperm.xlane v37, v59  }
0x198: {  	[tilespmem:s4+$0xFFFFFFD8] =	vst v34;
	v15 =	vperm.xlane v37, v57;
	v23 =	vperm.xlane v37, v17;
	v51 =	vunpack.i.u.bf16.f32 v50  }
0x199: {  	v44 =	vperm.xlane v37, v63;
	[tilespmem:s4+$0xFFFFFF40] =	vst v7;
	v1 =	vunpack.i.l.bf16.f32 v50;
	v0 =	vmul.f32 v9, v51  }
0x19a: {  	[tilespmem:s4+$0xFFFFFF30] =	vst v2;
	v52 =	vunpack.i.l.bf16.f32 v8;
	v7 =	vunpack.i.u.bf16.f32 v8;
	v45 =	vmul.f32 v33, v1  }
0x19b: {  	s29 =	simm.s32 $0x8;
	v19 =	vimm.s32 $0x5;
	[tilespmem:s9+$0xFFFFFFA8] =	vst v35;
	v43 =	vmul.f32 v39, v52;
	v42 =	vmul.f32 v42, v7  }
0x19c: {  	s8 =	simm.s32 $0x2D00;
	s6 =	simm.s32 $0x4780;
	s18 =	simm.s32 $0x7B70;
	v48 =	vld [tilespmem:s12+$0xFFFFFF90];
	v39 =	vperm.xlane v30, v12;
	v50 =	vunpack.i.u.bf16.f32 v3;
	v51 =	vunpack.i.l.bf16.f32 v3;
	[tilespmem:s4+$0xB8] =	vst v0;
	v33 =	vpop (erf)  }
.LBB2_6:
0x19d: {  	_ =	sdelay $0x1  }
0x19e: {  	v46 =	vpop (erf)  }
0x19f: {  	v0 =	vld [tilespmem:s8+$0xFFFFFFF0];
	[tilespmem:s4+$0xA8] =	vst v45;
	v2 =	vperm.xlane v46, v63;
	v45 =	vpop (erf)  }
0x1a0: {  	[tilespmem:s9+$0xFFFFFF98] =	vst v47;
	v3 =	vld [tilespmem:s12+$0x70];
	v7 =	vperm.xlane v45, v63  }
0x1a1: {  	v5 =	vld [tilespmem:s10+$0xFFFFFFD0];
	[tilespmem:s18+$0xFFFFFF60] =	vst v2  }
0x1a2: {  	[tilespmem:s18+$0xFFFFFFE8] =	vst v7;
	v7 =	vld [tilespmem:s11+$0xFFFFFF60];
	_ =	sdelay $0x1  }
0x1a3: {  	v1 =	vperm.xlane v33, v53  }
0x1a4: {  	[tilespmem:$0x1FEA0] =	vst v21;
	v53 =	vperm.xlane v33, v57;
	v4 =	vperm.xlane v37, v62  }
0x1a5: {  	[tilespmem:$0x1FED0] =	vst v23;
	v47 =	vperm.xlane v45, v57;
	v57 =	vunpack.i.u.bf16.f32 v3;
	v3 =	vunpack.i.l.bf16.f32 v3  }
0x1a6: {  	[tilespmem:s9+$0x50] =	vst v42;
	v42 =	vmovc v13;
	v3 =	vmul.f32 v54, v3;
	v13 =	vunpack.i.l.bf16.f32 v7;
	v54 =	vunpack.i.u.bf16.f32 v7;
	v7 =	vld [tilespmem:$0x1FF10]  }
0x1a7: {  	[tilespmem:$0x1FEE0] =	vst v20;
	v52 =	vperm.xlane v33, v59;
	v49 =	vperm.xlane v33, v62;
	v6 =	vld [tilespmem:s8+$0x40]  }
0x1a8: {  	v34 =	vperm.xlane v37, v19;
	v20 =	vmov v55;
	v41 =	vmul.f32 v41, v50;
	[tilespmem:$0x1FEF0] =	vst v1;
	v55 =	vld [tilespmem:s6+$0x10]  }
0x1a9: {  	v9 =	vimm.s32 $0x4;
	v38 =	vmul.f32 v38, v51;
	v26 =	vmovc v28;
	v28 =	vmovc v15;
	v1 =	vperm.xlane v33, v17;
	[tilespmem:s9+$0x40] =	vst v43;
	v15 =	vld [tilespmem:s8+$0x90]  }
0x1aa: {  	v21 =	vmov v56;
	v8 =	vld [tilespmem:s6+$0x0];
	v56 =	vperm.xlane v46, v59;
	[tilespmem:s18+$0x70] =	vst v44;
	v44 =	vperm.xlane v46, v9  }
0x1ab: {  	v10 =	vimm.s32 $0x7;
	v23 =	vmovc v60;
	v29 =	vmovc v14;
	v35 =	vperm.xlane v45, v59;
	[tilespmem:s4+$0xC8] =	vst v3;
	v3 =	vmul.f32 v7, v57;
	v7 =	vld [tilespmem:$0x1FF30]  }
0x1ac: {  	v17 =	vimm.s32 $0x2;
	[tilespmem:$0x1FF00] =	vst v34;
	v43 =	vmovc v24;
	v24 =	vmovc v61;
	v50 =	vperm.xlane v46, v12;
	v59 =	vperm.xlane v46, v10  }
0x1ad: {  	[tilespmem:$0x1FEC0] =	vst v42;
	v9 =	vperm.xlane v45, v9;
	v10 =	vperm.xlane v37, v11;
	v34 =	vmovc v25;
	v25 =	vmovc v16;
	v16 =	vimm.s32 $0x1;
	v61 =	vld [tilespmem:s8+$0xFFFFFFA0]  }
0x1ae: {  	v12 =	vunpack.i.l.bf16.f32 v48;
	v42 =	vmovc v1;
	v2 =	vperm.xlane v33, v19;
	v14 =	vperm.xlane v45, v16;
	[tilespmem:s9+$0xFFFFFF20] =	vst v41;
	v41 =	vld [tilespmem:s6+$0xFFFFFFF0]  }
0x1af: {  	v60 =	vld [tilespmem:s11+$0x0];
	[tilespmem:$0x1FEB0] =	vst v35;
	v63 =	vunpack.i.u.bf16.f32 v5;
	v35 =	vmovc v27;
	v27 =	vmovc v22;
	v22 =	vmov v58;
	v58 =	vperm.xlane v46, v62  }
0x1b0: {  	v0 =	vunpack.i.l.bf16.f32 v0;
	v1 =	vld [tilespmem:s6+$0xFFFFFFE0];
	[tilespmem:s9+$0xFFFFFF10] =	vst v38;
	v62 =	vperm.xlane v45, v19;
	v38 =	vmul.f32 v40, v63;
	v51 =	vmovc v7  }
0x1b1: {  	v5 =	vunpack.i.l.bf16.f32 v5;
	v19 =	vimm.s32 $0x3;
	v13 =	vmul.f32 v58, v13;
	v58 =	vld [tilespmem:$0x1FF20]  }
0x1b2: {  	v63 =	vld [tilespmem:$0x1FFF0];
	v5 =	vmul.f32 v36, v5;
	v40 =	vmovc v62;
	v62 =	vimm.s32 $0x0;
	[tilespmem:s9+$0xFFFFFFC8] =	vst v38;
	v38 =	vperm.xlane v46, v17  }
0x1b3: {  	v11 =	vld [tilespmem:s10+$0x30];
	v0 =	vadd.f32 v0, v41;
	v41 =	vperm.xlane v46, v19;
	v57 =	vimm.s32 $0x7;
	[tilespmem:$0x1FF10] =	vst v51;
	v51 =	vmovc v2  }
0x1b4: {  	v7 =	vperm.xlane v37, v16;
	v16 =	vmovc v56;
	v56 =	vmovc v53;
	v53 =	vimm.s32 $0x2;
	[tilespmem:$0x1FF30] =	vst v51;
	v51 =	vunpack.i.l.bf16.f32 v6  }
0x1b5: {  	v6 =	vunpack.i.u.bf16.f32 v60;
	v2 =	vadd.f32 v51, v8;
	v8 =	vunpack.i.l.bf16.f32 v60  }
0x1b6: {  	[tilespmem:s4+$0xD8] =	vst v3;
	v51 =	vld [tilespmem:s10+$0xFFFFFF80];
	v3 =	vmul.f32 v7, v6;
	v60 =	vunpack.i.u.bf16.f32 v48;
	v6 =	vmul.f32 v58, v12  }
0x1b7: {  	v7 =	vld [tilespmem:s12+$0x80];
	v48 =	vunpack.i.l.bf16.f32 v61;
	v12 =	vperm.xlane v30, v63;
	[tilespmem:s18+$0xFFFFFEF0] =	vst v13;
	v13 =	vperm.xlane v45, v19  }
0x1b8: {  	v36 =	vmovc v9;
	[tilespmem:s9+$0xFFFFFFB8] =	vst v5;
	v30 =	vunpack.i.l.bf16.f32 v11;
	v4 =	vmul.f32 v4, v8;
	v9 =	vmul.f32 $2.000000030e-01, v2  }
0x1b9: {  	s12 =	smov.u32 s10;
	s10 =	smov.u32 s11;
	v19 =	vimm.s32 $0x5;
	v5 =	vmul.f32 v24, v60;
	v1 =	vadd.f32 v48, v1;
	[tilespmem:s18+$0x10] =	vst v3  }
0x1ba: {  	v8 =	vunpack.i.l.bf16.f32 v15;
	v15 =	vmovc v25;
	v48 =	vperm.xlane v45, v62;
	[tilespmem:s18+$0x0] =	vst v4;
	v2 =	vmax.f32 v2, v9;
	v9 =	vld [tilespmem:s10+$0xFFFFFFB0]  }
0x1bb: {  	v11 =	vunpack.i.u.bf16.f32 v11;
	[tilespmem:$0x1FF20] =	vst v15;
	v8 =	vadd.f32 v8, v55;
	v55 =	vmovc v52;
	v52 =	vmul.f32 v27, v30;
	v15 =	vld [tilespmem:s10+$0x10]  }
0x1bc: {  	[tilespmem:s9+$0xF8] =	vst v12;
	v4 =	vperm.xlane v37, v17;
	v24 =	vunpack.i.u.bf16.f32 v7;
	v2 =	vsub.f32 $0.0e+00, v2  }
0x1bd: {  	[tilespmem:s4+$0xFFFFFF50] =	vst v6;
	v37 =	vld [tilespmem:s12+$0x50];
	v60 =	vunpack.i.l.bf16.f32 v7;
	v7 =	vmul.f32 $2.000000030e-01, v8;
	v12 =	vmul.f32 v22, v24  }
0x1be: {  	v61 =	vmovc v18;
	v18 =	vmovc v59;
	v59 =	vimm.s32 $0x6;
	v3 =	vld [tilespmem:s12+$0xFFFFFFE0];
	[tilespmem:s4+$0xFFFFFF60] =	vst v5;
	v5 =	vmul.f32 $2.000000030e-01, v0;
	v2 =	vmul.f32 $1.442695020e+00, v2  }
0x1bf: {  	v6 =	vmul.f32 v23, v60;
	v7 =	vmax.f32 v8, v7;
	[tilespmem:s4+$0xF8] =	vst v12;
	v12 =	vunpack.i.l.bf16.f32 v9  }
0x1c0: {  	v22 =	vmovc v31;
	v9 =	vunpack.i.u.bf16.f32 v9;
	v31 =	vunpack.i.l.bf16.f32 v15;
	(erf) = vpow2.f32 v2  }
0x1c1: {  	v30 =	vmovc v33;
	[tilespmem:s4+$0xE8] =	vst v6;
	s4 =	smov.u32 s9;
	v33 =	vmul.f32 v14, v9;
	v9 =	vunpack.i.u.bf16.f32 v15;
	v8 =	vmul.f32 v48, v12  }
0x1c2: {  	s9 =	smov.u32 s18;
	[tilespmem:s4+$0x60] =	vst v52;
	v48 =	vsub.f32 $0.0e+00, v7;
	v52 =	vmul.f32 v10, v9;
	v9 =	vunpack.i.l.bf16.f32 v37  }
0x1c3: {  	v4 =	vmul.f32 v4, v31;
	v10 =	vunpack.i.u.bf16.f32 v3;
	[tilespmem:s9+$0xFFFFFF88] =	vst v33;
	v33 =	vmul.f32 v35, v9  }
0x1c4: {  	v3 =	vunpack.i.l.bf16.f32 v3;
	v35 =	vmul.f32 $2.000000030e-01, v1;
	[tilespmem:s9+$0xFFFFFF78] =	vst v8;
	v8 =	vmul.f32 v50, v54  }
0x1c5: {  	v17 =	vimm.s32 $0x4;
	v0 =	vmax.f32 v0, v5;
	[tilespmem:s9+$0x20] =	vst v4;
	v3 =	vmul.f32 v43, v3;
	v43 =	vld [tilespmem:$0x1FED0]  }
0x1c6: {  	v27 =	vmovc v49;
	v49 =	vunpack.i.u.bf16.f32 v37;
	v5 =	vmul.f32 $1.442695020e+00, v48;
	v1 =	vmax.f32 v1, v35;
	[tilespmem:s9+$0xFFFFFF00] =	vst v8;
	v8 =	vld [tilespmem:$0x1FEA0]  }
0x1c7: {  	[tilespmem:s9+$0x30] =	vst v52;
	v52 =	vperm.xlane v46, v19;
	v46 =	vmul.f32 v34, v10;
	v35 =	vld [tilespmem:s10+$0xFFFFFFC0];
	v1 =	vsub.f32 $0.0e+00, v1  }
0x1c8: {  	v0 =	vsub.f32 $0.0e+00, v0;
	v9 =	vperm.xlane v45, v53;
	[tilespmem:s4+$0x88] =	vst v33;
	v33 =	vmul.f32 v39, v49;
	v48 =	vld [tilespmem:s10+$0x20]  }
0x1c9: {  	v58 =	vmovc v21;
	v45 =	vunpack.i.u.bf16.f32 v51;
	(erf) = vpow2.f32 v5;
	[tilespmem:s4+$0xFFFFFFE8] =	vst v46;
	v46 =	vld [tilespmem:$0x1FEE0];
	v1 =	vmul.f32 $1.442695020e+00, v1  }
0x1ca: {  	v21 =	vmovc v28;
	v0 =	vmul.f32 $1.442695020e+00, v0;
	v12 =	vimm.s32 $0x1;
	v4 =	vmul.f32 v26, v45;
	v28 =	vmovc v52;
	v52 =	vld [tilespmem:$0x1FF00];
	[tilespmem:s4+$0x98] =	vst v33  }
0x1cb: {  	v49 =	vunpack.i.l.bf16.f32 v51;
	v10 =	vld [tilespmem:s12+$0x60];
	v37 =	vpop (erf);
	v8 =	vmul.f32 v8, v11;
	(erf) = vpow2.f32 v1  }
0x1cc: {  	v33 =	vld [tilespmem:$0x1FEB0];
	v11 =	vimm.s32 $0x3;
	v31 =	vperm.xlane v37, v59;
	v15 =	vperm.xlane v37, v57  }
0x1cd: {  	s29 =	sadd.s32 $0x4, s29;
	v50 =	vunpack.i.u.bf16.f32 v35;
	v34 =	vperm.xlane v37, v17;
	v1 =	vmul.f32 v29, v49;
	v49 =	vld [tilespmem:$0x1FEF0]  }
0x1ce: {  	p0 =	slt.u32 s29, $0x4C;
	v14 =	vmovc v44;
	[tilespmem:s4+$0xFFFFFFD8] =	vst v3;
	v51 =	vunpack.i.l.bf16.f32 v35;
	v44 =	vperm.xlane v37, v63;
	(erf) = vpow2.f32 v0;
	v0 =	vld [tilespmem:s10+$0xFFFFFF70]  }
.Ltmp1:
0x1cf: {  	v25 =	vmovc v47;
	v7 =	vunpack.i.u.bf16.f32 v48;
	v5 =	vunpack.i.l.bf16.f32 v48;
	[tilespmem:s4+$0xFFFFFF40] =	vst v4;
	v2 =	vmul.f32 v13, v50;
	(pc) =	sbr.rel @p0 .LBB2_6-.Ltmp1, $4  }
0x1d0: {  	v60 =	vmovc v20;
	v47 =	vmul.f32 v9, v51;
	v43 =	vmul.f32 v43, v5;
	[tilespmem:s4+$0x70] =	vst v8;
	v35 =	vunpack.i.u.bf16.f32 v10  }
0x1d1: {  	v13 =	vmovc v42;
	v42 =	vmul.f32 v52, v7;
	[tilespmem:s4+$0xFFFFFF30] =	vst v1;
	v45 =	vunpack.i.l.bf16.f32 v10;
	v39 =	vmul.f32 v32, v35  }
0x1d2: {  	s6 =	sadd.s32 $0x40, s6;
	v54 =	vld [tilespmem:$0x1FEC0];
	v24 =	vmov v33;
	[tilespmem:s9+$0xFFFFFFA8] =	vst v2;
	v32 =	vperm.xlane v30, v11;
	v45 =	vmul.f32 v46, v45;
	v33 =	vpop (erf)  }
0x1d3: {  	s11 =	smov.u32 s8;
	s8 =	sadd.s32 $0x140, s8;
	s18 =	sadd.s32 $0x220, s18;
	v23 =	vmovc v34;
	v48 =	vld [tilespmem:s12+$0xFFFFFF90];
	v20 =	vmovc v49;
	v50 =	vunpack.i.u.bf16.f32 v0;
	v51 =	vunpack.i.l.bf16.f32 v0;
	[tilespmem:s4+$0xB8] =	vst v39;
	v39 =	vperm.xlane v30, v12  }
0x1d4: {  	[tilespmem:s4+$0xA8] =	vst v45  }
0x1d5: {  	[tilespmem:s9+$0xFFFFFF98] =	vst v47  }
0x1d6: {  	[tilespmem:s9+$0x50] =	vst v42  }
0x1d7: {  	v10 =	vpop (erf);
	[tilespmem:s9+$0x40] =	vst v43;
	v50 =	vmul.f32 v41, v50;
	v0 =	vld [tilespmem:s12+$0x70]  }
0x1d8: {  	[tilespmem:s18+$0x70] =	vst v44;
	v1 =	vperm.xlane v10, v63;
	v42 =	vpop (erf)  }
0x1d9: {  	v2 =	vld [tilespmem:s10+$0xFFFFFFD0];
	[tilespmem:s9+$0xFFFFFF20] =	vst v50;
	v3 =	vperm.xlane v42, v63  }
0x1da: {  	[tilespmem:s18+$0xFFFFFF60] =	vst v1  }
0x1db: {  	v4 =	vld [tilespmem:s11+$0x0];
	[tilespmem:s18+$0xFFFFFFE8] =	vst v3  }
0x1dc: {  	v5 =	vunpack.i.l.bf16.f32 v0;
	v1 =	vld [tilespmem:$0x1FF10]  }
0x1dd: {  	v52 =	vmul.f32 v54, v5  }
0x1de: {  	v26 =	vunpack.i.u.bf16.f32 v2;
	v54 =	vmul.f32 v38, v51;
	v5 =	vld [tilespmem:s11+$0xFFFFFF60]  }
0x1df: {  	v2 =	vunpack.i.l.bf16.f32 v2;
	v3 =	vmul.f32 v40, v26;
	[tilespmem:s4+$0xC8] =	vst v52  }
0x1e0: {  	v6 =	vperm.xlane v37, v12;
	v0 =	vunpack.i.u.bf16.f32 v0;
	v2 =	vmul.f32 v36, v2;
	[tilespmem:s9+$0xFFFFFF10] =	vst v54  }
0x1e1: {  	v29 =	vperm.xlane v37, v62;
	v34 =	vunpack.i.u.bf16.f32 v4;
	v38 =	vld [tilespmem:s10+$0x30];
	[tilespmem:s9+$0xFFFFFFC8] =	vst v3;
	v0 =	vmul.f32 v1, v0  }
0x1e2: {  	v35 =	vunpack.i.l.bf16.f32 v4;
	v36 =	vperm.xlane v10, v62;
	v44 =	vld [tilespmem:s11+$0xFFFFFFB0];
	[tilespmem:s9+$0xFFFFFFB8] =	vst v2;
	v1 =	vmul.f32 v6, v34  }
0x1e3: {  	v40 =	vunpack.i.l.bf16.f32 v5;
	[tilespmem:s4+$0xD8] =	vst v0;
	v0 =	vmul.f32 v29, v35  }
0x1e4: {  	v41 =	vperm.xlane v30, v63;
	[tilespmem:s18+$0x10] =	vst v1;
	v1 =	vmul.f32 v36, v40;
	v7 =	vld [tilespmem:s12+$0x80]  }
0x1e5: {  	v43 =	vunpack.i.l.bf16.f32 v48;
	v48 =	vunpack.i.u.bf16.f32 v48;
	v50 =	vperm.xlane v42, v12;
	v26 =	vld [tilespmem:s10+$0xFFFFFF80];
	[tilespmem:s18+$0x0] =	vst v0  }
0x1e6: {  	v51 =	vunpack.i.l.bf16.f32 v38;
	v2 =	vunpack.i.u.bf16.f32 v38;
	v45 =	vld [tilespmem:$0x1FF20];
	[tilespmem:s18+$0xFFFFFEF0] =	vst v1;
	v1 =	vmul.f32 v61, v48  }
0x1e7: {  	v52 =	vunpack.i.u.bf16.f32 v44;
	v38 =	vmul.f32 v21, v2;
	[tilespmem:s9+$0xF8] =	vst v41;
	v61 =	vperm.xlane v42, v62  }
0x1e8: {  	v0 =	vunpack.i.l.bf16.f32 v44;
	[tilespmem:s4+$0xFFFFFF60] =	vst v1;
	v1 =	vmul.f32 v50, v52  }
0x1e9: {  	v29 =	vperm.xlane v10, v12;
	[tilespmem:s9+$0x70] =	vst v38;
	v0 =	vmul.f32 v61, v0;
	v47 =	vunpack.i.u.bf16.f32 v7  }
0x1ea: {  	v30 =	vunpack.i.u.bf16.f32 v5;
	v4 =	vmul.f32 v58, v47;
	[tilespmem:s18+$0xFFFFFF88] =	vst v1  }
0x1eb: {  	v8 =	vld [tilespmem:s10+$0x50];
	v49 =	vunpack.i.l.bf16.f32 v7;
	v7 =	vunpack.i.l.bf16.f32 v26;
	[tilespmem:s18+$0xFFFFFF78] =	vst v0;
	v0 =	vmul.f32 v29, v30  }
0x1ec: {  	v7 =	vmul.f32 v14, v7;
	[tilespmem:s4+$0xF8] =	vst v4  }
0x1ed: {  	v3 =	vmul.f32 v45, v43;
	[tilespmem:s18+$0xFFFFFF00] =	vst v0  }
0x1ee: {  	v46 =	vld [tilespmem:s11+$0x10];
	v4 =	vmul.f32 v22, v51;
	v22 =	vperm.xlane v33, v63;
	[tilespmem:s9+$0xFFFFFF30] =	vst v7  }
0x1ef: {  	[tilespmem:s4+$0xFFFFFF50] =	vst v3  }
0x1f0: {  	v58 =	vunpack.i.l.bf16.f32 v8;
	v8 =	vunpack.i.u.bf16.f32 v8;
	v3 =	vmul.f32 v60, v49;
	v60 =	vld [tilespmem:s10+$0xFFFFFFE0];
	[tilespmem:s18+$0xF8] =	vst v22  }
0x1f1: {  	v8 =	vmul.f32 v39, v8;
	[tilespmem:s9+$0x60] =	vst v4;
	v34 =	vld [tilespmem:s11+$0x50]  }
0x1f2: {  	v9 =	vperm.xlane v37, v11;
	v39 =	vunpack.i.u.bf16.f32 v26;
	v4 =	vmul.f32 v27, v58;
	[tilespmem:s4+$0xE8] =	vst v3  }
0x1f3: {  	v54 =	vunpack.i.u.bf16.f32 v46;
	v27 =	vperm.xlane v37, v53;
	v2 =	vmul.f32 v28, v39;
	[tilespmem:s9+$0x98] =	vst v8  }
0x1f4: {  	v6 =	vunpack.i.l.bf16.f32 v46;
	v41 =	vld [tilespmem:s11+$0xFFFFFFC0];
	v3 =	vmul.f32 v9, v54;
	[tilespmem:s9+$0x88] =	vst v4  }
0x1f5: {  	v40 =	vperm.xlane v33, v62;
	v4 =	vmul.f32 v27, v6;
	[tilespmem:s9+$0xFFFFFF40] =	vst v2;
	v36 =	vld [tilespmem:s10+$0x60];
	v35 =	vunpack.i.u.bf16.f32 v60  }
0x1f6: {  	v43 =	vperm.xlane v33, v12;
	[tilespmem:s18+$0x30] =	vst v3;
	v3 =	vmul.f32 v25, v35;
	v8 =	vunpack.i.l.bf16.f32 v34  }
0x1f7: {  	[tilespmem:s18+$0x20] =	vst v4;
	v5 =	vunpack.i.u.bf16.f32 v34;
	v44 =	vmul.f32 v40, v8  }
0x1f8: {  	v48 =	vperm.xlane v42, v11;
	v47 =	vld [tilespmem:s11+$0xFFFFFF70];
	v1 =	vunpack.i.l.bf16.f32 v60;
	[tilespmem:s9+$0xFFFFFFE8] =	vst v3;
	v0 =	vmul.f32 v43, v5  }
0x1f9: {  	v1 =	vmul.f32 v24, v1;
	v45 =	vld [tilespmem:s11+$0x20];
	v8 =	vunpack.i.u.bf16.f32 v41;
	[tilespmem:s18+$0x88] =	vst v44  }
0x1fa: {  	v46 =	vunpack.i.u.bf16.f32 v36;
	v6 =	vmul.f32 v48, v8;
	[tilespmem:s18+$0x98] =	vst v0  }
0x1fb: {  	v49 =	vperm.xlane v42, v53;
	[tilespmem:s9+$0xFFFFFFD8] =	vst v1;
	v4 =	vunpack.i.l.bf16.f32 v36;
	v5 =	vmul.f32 v32, v46;
	v50 =	vld [tilespmem:s11+$0x60]  }
0x1fc: {  	v58 =	vperm.xlane v10, v53;
	v3 =	vunpack.i.l.bf16.f32 v41;
	v4 =	vmul.f32 v20, v4;
	[tilespmem:s18+$0xFFFFFFA8] =	vst v6  }
0x1fd: {  	v2 =	vunpack.i.l.bf16.f32 v47;
	v8 =	vperm.xlane v37, v19;
	v0 =	vmul.f32 v49, v3;
	[tilespmem:s9+$0xB8] =	vst v5  }
0x1fe: {  	v51 =	vperm.xlane v10, v11;
	v2 =	vmul.f32 v58, v2;
	v24 =	vld [tilespmem:s10+$0xFFFFFF90];
	v52 =	vunpack.i.u.bf16.f32 v45;
	[tilespmem:s9+$0xA8] =	vst v4  }
0x1ff: {  	v60 =	vperm.xlane v33, v11;
	v3 =	vmul.f32 v8, v52;
	v8 =	vunpack.i.u.bf16.f32 v47;
	[tilespmem:s18+$0xFFFFFF98] =	vst v0;
	v54 =	vld [tilespmem:s10+$0x70]  }
0x200: {  	[tilespmem:s18+$0xFFFFFF10] =	vst v2;
	v4 =	vmul.f32 v51, v8;
	v8 =	vperm.xlane v33, v53;
	v61 =	vld [tilespmem:s11+$0xFFFFFFD0];
	v21 =	vunpack.i.u.bf16.f32 v50  }
0x201: {  	[tilespmem:s18+$0x50] =	vst v3;
	v22 =	vunpack.i.l.bf16.f32 v50;
	v0 =	vmul.f32 v60, v21  }
0x202: {  	v1 =	vunpack.i.l.bf16.f32 v45;
	[tilespmem:s18+$0xFFFFFF20] =	vst v4;
	v4 =	vmul.f32 v8, v22  }
0x203: {  	v2 =	vunpack.i.u.bf16.f32 v24;
	v1 =	vmul.f32 v23, v1;
	v27 =	vld [tilespmem:s11+$0xFFFFFF80];
	[tilespmem:s18+$0xB8] =	vst v0  }
0x204: {  	v29 =	vperm.xlane v42, v19;
	v2 =	vmul.f32 v18, v2;
	v25 =	vunpack.i.l.bf16.f32 v54;
	v28 =	vld [tilespmem:$0x1FF30];
	[tilespmem:s18+$0xA8] =	vst v4  }
0x205: {  	v30 =	vperm.xlane v42, v17;
	v8 =	vunpack.i.u.bf16.f32 v61;
	v5 =	vmul.f32 v13, v25;
	[tilespmem:s18+$0x40] =	vst v1  }
0x206: {  	v3 =	vunpack.i.l.bf16.f32 v61;
	v7 =	vmul.f32 v29, v8;
	[tilespmem:s9+$0xFFFFFF60] =	vst v2;
	v32 =	vld [tilespmem:s11+$0x70]  }
0x207: {  	v35 =	vunpack.i.l.bf16.f32 v24;
	v3 =	vmul.f32 v30, v3;
	[tilespmem:s9+$0xC8] =	vst v5  }
0x208: {  	v37 =	vperm.xlane v10, v17;
	v26 =	vunpack.i.u.bf16.f32 v54;
	v1 =	vmul.f32 v16, v35;
	[tilespmem:s18+$0xFFFFFFC8] =	vst v7;
	v39 =	vld [tilespmem:s11+$0x30]  }
0x209: {  	v34 =	vperm.xlane v10, v19;
	[tilespmem:s18+$0xFFFFFFB8] =	vst v3;
	v0 =	vunpack.i.l.bf16.f32 v27;
	v6 =	vmul.f32 v28, v26  }
0x20a: {  	v38 =	vperm.xlane v33, v17;
	v8 =	vunpack.i.u.bf16.f32 v27;
	[tilespmem:s9+$0xFFFFFF50] =	vst v1;
	v0 =	vmul.f32 v37, v0;
	v41 =	vld [tilespmem:s11+$0xFFFFFFE0]  }
0x20b: {  	v40 =	vunpack.i.l.bf16.f32 v32;
	[tilespmem:s9+$0xD8] =	vst v6;
	v6 =	vmul.f32 v34, v8;
	v8 =	vperm.xlane v33, v19  }
0x20c: {  	[tilespmem:s18+$0xFFFFFF30] =	vst v0;
	v5 =	vunpack.i.u.bf16.f32 v32;
	v3 =	vmul.f32 v38, v40;
	v36 =	vld [tilespmem:s10+$0x80]  }
0x20d: {  	v48 =	vunpack.i.l.bf16.f32 v39;
	[tilespmem:s18+$0xFFFFFF40] =	vst v6;
	v43 =	vmul.f32 v8, v5  }
0x20e: {  	v47 =	vperm.xlane v42, v57;
	v1 =	vunpack.i.u.bf16.f32 v39;
	v7 =	vmul.f32 v31, v48;
	[tilespmem:s18+$0xC8] =	vst v3;
	v46 =	vld [tilespmem:s11+$0xFFFFFF90]  }
0x20f: {  	v51 =	vperm.xlane v42, v59;
	v50 =	vunpack.i.u.bf16.f32 v41;
	v1 =	vmul.f32 v15, v1;
	[tilespmem:s18+$0xD8] =	vst v43  }
0x210: {  	v0 =	vmul.f32 v47, v50;
	[tilespmem:s18+$0x60] =	vst v7;
	v6 =	vunpack.i.l.bf16.f32 v41;
	v49 =	vld [tilespmem:s11+$0x80]  }
0x211: {  	[tilespmem:s18+$0x70] =	vst v1;
	v2 =	vmul.f32 v51, v6;
	v45 =	vunpack.i.l.bf16.f32 v36  }
0x212: {  	v52 =	vperm.xlane v10, v59;
	[tilespmem:s18+$0xFFFFFFE8] =	vst v0;
	v44 =	vunpack.i.u.bf16.f32 v36;
	v3 =	vmul.f32 v55, v45  }
0x213: {  	[tilespmem:s18+$0xFFFFFFD8] =	vst v2;
	v5 =	vmul.f32 v56, v44;
	v56 =	vperm.xlane v10, v57;
	v55 =	vunpack.i.l.bf16.f32 v46  }
0x214: {  	v54 =	vperm.xlane v33, v57;
	v4 =	vunpack.i.u.bf16.f32 v46;
	[tilespmem:s9+$0xE8] =	vst v3;
	v3 =	vmul.f32 v52, v55  }
0x215: {  	p0 =	seq.s32 s0, $0xB;
	v60 =	vperm.xlane v33, v59;
	[tilespmem:s9+$0xF8] =	vst v5;
	v1 =	vmul.f32 v56, v4;
	v58 =	vunpack.i.u.bf16.f32 v49  }
.Ltmp2:
0x216: {  	v61 =	vunpack.i.l.bf16.f32 v49;
	v0 =	vmul.f32 v54, v58;
	[tilespmem:s18+$0xFFFFFF50] =	vst v3;
	(pc) =	sbr.rel @p0 .LBB2_9-.Ltmp2, $4  }
0x217: {  	v2 =	vmul.f32 v60, v61;
	[tilespmem:s18+$0xFFFFFF60] =	vst v1  }
0x218: {  	[tilespmem:s18+$0xF8] =	vst v0  }
0x219: {  	s29 =	sadd.s32 $0x50, s7;
	[tilespmem:s18+$0xE8] =	vst v2  }
0x21a: {  	[spmem:s3] =	stream.indirect.scatter.add.f32 [tilespmem:s26], [sflag:$0x6], $0x88, s29, s15, $0xb8;
	[tilespmem:$0x1F060] =	vst v63  }
.Ltmp3:
0x21b: {  	(pc) =	sbr.rel .LBB2_3-.Ltmp3, $4  }
0x21c: {  	s4 =	sadd.s32 $0x8C0, s2  }
0x21d: {  	[tilespmem:s19], [sflag:$0x2] =	stream.indirect.gather [hbm4b:s1+s15], $0x50, s4, s15, $0xb8;
	[tilespmem:$0x1F060] =	vst v63  }
0x21e: {  	s29 =	sadd.s32 $0xF0, s2;
	s0 =	sadd.s32 $0x1, s0  }
0x21f: {  	[tilespmem:s20], [sflag:$0x4] =	stream.indirect.gather [hbm4b:s5+s15], $0x10, s29, s15, $0xb8;
	[tilespmem:$0x1F060] =	vst v63  }
.LBB2_9:
0x220: {  	_ =	swait.ge [sflag:s21], $0x1900  }
0x221: {  	[sflag:s21] =	ssyncset.done $0x0  }
0x222: {  	[sflag:s21] =	ssyncadd.s32 $0xFFFFE700  }
0x223: {  	_ =	swait.ge [sflag:s22], $0x500  }
0x224: {  	[sflag:s22] =	ssyncset.done $0x0  }
0x225: {  	[sflag:s22] =	ssyncadd.s32 $0xFFFFFB00  }
0x226: {  	_ =	swait.ge [sflag:s28], $0x2A80  }
0x227: {  	[sflag:s28] =	ssyncset.done $0x0  }
0x228: {  	s9 =	simm.s32 $0x1040;
	[sflag:s28] =	ssyncadd.s32 $0xFFFFD580  }
0x229: {  	s0 =	simm.s32 $0x41C0;
	v1 =	vld [tilespmem:s9+$0x40]  }
0x22a: {  	v2 =	vld [tilespmem:s0+$0x0];
	_ =	sdelay $0x1  }
0x22b: {  	v4 =	vld [tilespmem:s9+$0x90]  }
0x22c: {  	v3 =	vld [tilespmem:s0+$0x10]  }
0x22d: {  	v1 =	vunpack.i.l.bf16.f32 v1  }
0x22e: {  	v5 =	vld [tilespmem:s9+$0xFFFFFFA0];
	v1 =	vadd.f32 v1, v2  }
0x22f: {  	v6 =	vld [tilespmem:s0+$0xFFFFFFE0]  }
0x230: {  	v47 =	vunpack.i.l.bf16.f32 v4;
	v48 =	vmul.f32 $2.000000030e-01, v1  }
0x231: {  	v0 =	vld [tilespmem:s9+$0xFFFFFFF0];
	v2 =	vadd.f32 v47, v3  }
0x232: {  	v7 =	vld [tilespmem:s0+$0xFFFFFFF0];
	v1 =	vmax.f32 v1, v48  }
0x233: {  	v5 =	vunpack.i.l.bf16.f32 v5;
	v50 =	vmul.f32 $2.000000030e-01, v2;
	v1 =	vsub.f32 $0.0e+00, v1  }
0x234: {  	v49 =	vadd.f32 v5, v6  }
0x235: {  	v2 =	vmax.f32 v2, v50;
	v1 =	vmul.f32 $1.442695020e+00, v1  }
0x236: {  	v0 =	vunpack.i.l.bf16.f32 v0;
	v5 =	vmul.f32 $2.000000030e-01, v49;
	v2 =	vsub.f32 $0.0e+00, v2  }
0x237: {  	v0 =	vadd.f32 v0, v7;
	(erf) = vpow2.f32 v1  }
0x238: {  	v3 =	vmax.f32 v49, v5;
	v52 =	vmul.f32 $1.442695020e+00, v2  }
0x239: {  	v51 =	vmul.f32 $2.000000030e-01, v0;
	v3 =	vsub.f32 $0.0e+00, v3  }
0x23a: {  	(erf) = vpow2.f32 v52  }
0x23b: {  	v0 =	vmax.f32 v0, v51;
	v54 =	vmul.f32 $1.442695020e+00, v3  }
0x23c: {  	v0 =	vsub.f32 $0.0e+00, v0  }
0x23d: {  	(erf) = vpow2.f32 v54  }
0x23e: {  	v0 =	vmul.f32 $1.442695020e+00, v0;
	_ =	sdelay $0x1  }
0x23f: {  	(erf) = vpow2.f32 v0;
	v55 =	vpop (erf)  }
0x240: {  	v34 =	vperm.xlane v55, v59;
	v32 =	vperm.xlane v55, v57  }
0x241: {  	v1 =	vperm.xlane v55, v17;
	v42 =	vperm.xlane v55, v63  }
0x242: {  	v36 =	vpop (erf);
	v46 =	vperm.xlane v55, v62;
	v47 =	vperm.xlane v55, v19  }
0x243: {  	s4 =	simm.s32 $0x4CB0;
	s0 =	simm.s32 $0x1180;
	v21 =	vperm.xlane v55, v12;
	v10 =	vperm.xlane v36, v19  }
0x244: {  	v44 =	vld [tilespmem:s0+$0xFFFFFFF0];
	v0 =	vperm.xlane v55, v53;
	v33 =	vperm.xlane v36, v53;
	[tilespmem:s4+$0x70] =	vst v42  }
0x245: {  	v8 =	vld [tilespmem:s0+$0x40];
	v15 =	vperm.xlane v36, v17;
	v3 =	vpop (erf);
	v58 =	vperm.xlane v36, v57;
	[tilespmem:$0x1FE70] =	vst v10  }
0x246: {  	s2 =	simm.s32 $0x4200;
	v60 =	vperm.xlane v36, v59;
	v14 =	vperm.xlane v3, v59;
	v10 =	vld [tilespmem:s9+$0x0]  }
0x247: {  	v35 =	vperm.xlane v36, v62;
	v43 =	vperm.xlane v3, v63;
	v13 =	vld [tilespmem:s2+$0x0]  }
0x248: {  	v45 =	vpop (erf);
	v61 =	vperm.xlane v3, v57;
	v31 =	vperm.xlane v3, v17;
	[tilespmem:$0x1FE80] =	vst v14  }
0x249: {  	v37 =	vperm.xlane v3, v19;
	v9 =	vperm.xlane v45, v63;
	v48 =	vld [tilespmem:s2+$0x10]  }
0x24a: {  	v8 =	vunpack.i.l.bf16.f32 v8;
	v29 =	vperm.xlane v45, v59;
	v28 =	vperm.xlane v45, v57;
	v18 =	vld [tilespmem:s0+$0x90]  }
0x24b: {  	v38 =	vperm.xlane v45, v19;
	v41 =	vperm.xlane v45, v17;
	v24 =	vld [tilespmem:s2+$0xFFFFFFF0];
	v23 =	vunpack.i.u.bf16.f32 v10  }
0x24c: {  	v22 =	vld [tilespmem:s0+$0xFFFFFFA0];
	v8 =	vadd.f32 v8, v13;
	v10 =	vunpack.i.l.bf16.f32 v10;
	v13 =	vmul.f32 v21, v23  }
0x24d: {  	v26 =	vperm.xlane v45, v12;
	[tilespmem:s4+$0xFFFFFFE8] =	vst v9;
	v21 =	vld [tilespmem:s2+$0xFFFFFFE0];
	v7 =	vmul.f32 v46, v10  }
0x24e: {  	v54 =	vperm.xlane v45, v11;
	v23 =	vmul.f32 $2.000000030e-01, v8;
	[tilespmem:s4+$0x10] =	vst v13  }
0x24f: {  	v5 =	vunpack.i.l.bf16.f32 v44;
	v6 =	vperm.xlane v45, v53;
	v9 =	vperm.xlane v55, v11;
	v13 =	vld [tilespmem:s9+$0xFFFFFFB0];
	[tilespmem:s4+$0x0] =	vst v7  }
0x250: {  	v18 =	vunpack.i.l.bf16.f32 v18;
	v5 =	vadd.f32 v5, v24;
	v49 =	vmax.f32 v8, v23;
	v8 =	vld [tilespmem:s9+$0x10]  }
0x251: {  	v4 =	vadd.f32 v18, v48;
	v18 =	vunpack.i.l.bf16.f32 v22;
	v7 =	vsub.f32 $0.0e+00, v49  }
0x252: {  	v24 =	vmul.f32 $2.000000030e-01, v5;
	v23 =	vperm.xlane v45, v62;
	v18 =	vadd.f32 v18, v21  }
0x253: {  	v21 =	vmul.f32 $2.000000030e-01, v4;
	v7 =	vmul.f32 $1.442695020e+00, v7  }
0x254: {  	v22 =	vunpack.i.l.bf16.f32 v13;
	v13 =	vunpack.i.u.bf16.f32 v13;
	v27 =	vmul.f32 $2.000000030e-01, v18  }
0x255: {  	[tilespmem:s4+$0xFFFFFF60] =	vst v43;
	v4 =	vmax.f32 v4, v21;
	v30 =	vunpack.i.l.bf16.f32 v8;
	(erf) = vpow2.f32 v7  }
0x256: {  	v16 =	vld [tilespmem:s9+$0xFFFFFF60];
	v50 =	vmul.f32 v26, v13;
	v4 =	vsub.f32 $0.0e+00, v4;
	v13 =	vmax.f32 v18, v27  }
0x257: {  	v8 =	vunpack.i.u.bf16.f32 v8;
	v18 =	vmul.f32 v23, v22;
	v13 =	vsub.f32 $0.0e+00, v13  }
0x258: {  	v8 =	vmul.f32 v9, v8;
	[tilespmem:s4+$0xFFFFFF88] =	vst v50;
	v4 =	vmul.f32 $1.442695020e+00, v4  }
0x259: {  	v5 =	vmax.f32 v5, v24;
	v0 =	vmul.f32 v0, v30;
	[tilespmem:s4+$0xFFFFFF78] =	vst v18;
	v51 =	vmul.f32 $1.442695020e+00, v13  }
0x25a: {  	v14 =	vperm.xlane v3, v62;
	v5 =	vsub.f32 $0.0e+00, v5;
	[tilespmem:s4+$0x30] =	vst v8;
	v8 =	vld [tilespmem:s9+$0xFFFFFFC0];
	(erf) = vpow2.f32 v4  }
0x25b: {  	v10 =	vperm.xlane v3, v12;
	v25 =	vunpack.i.l.bf16.f32 v16;
	[tilespmem:s4+$0x20] =	vst v0;
	(erf) = vpow2.f32 v51  }
0x25c: {  	v52 =	vmul.f32 $1.442695020e+00, v5;
	v9 =	vmul.f32 v14, v25;
	v55 =	vld [tilespmem:s9+$0x20]  }
0x25d: {  	v5 =	vperm.xlane v3, v53;
	v18 =	vperm.xlane v3, v11;
	v13 =	vunpack.i.u.bf16.f32 v16  }
0x25e: {  	[tilespmem:s4+$0xFFFFFEF0] =	vst v9;
	v9 =	vperm.xlane v36, v11;
	v56 =	vmul.f32 v10, v13;
	v4 =	vpop (erf)  }
0x25f: {  	(erf) = vpow2.f32 v52;
	v10 =	vunpack.i.u.bf16.f32 v8;
	v22 =	vperm.xlane v4, v59  }
0x260: {  	v8 =	vunpack.i.l.bf16.f32 v8;
	v21 =	vperm.xlane v4, v57;
	v39 =	vperm.xlane v4, v17  }
0x261: {  	[tilespmem:s4+$0xFFFFFF00] =	vst v56;
	v7 =	vunpack.i.u.bf16.f32 v55;
	v14 =	vperm.xlane v4, v63;
	v0 =	vmul.f32 v54, v10  }
0x262: {  	v3 =	vld [tilespmem:s9+$0xFFFFFF70];
	v6 =	vmul.f32 v6, v8;
	v2 =	vmul.f32 v47, v7  }
0x263: {  	s6 =	simm.s32 $0x4240;
	v7 =	vperm.xlane v36, v12;
	v44 =	vperm.xlane v4, v62;
	v30 =	vpop (erf)  }
0x264: {  	s7 =	simm.s32 $0x4ED0;
	s2 =	simm.s32 $0x12C0;
	v46 =	vld [tilespmem:s6+$0x0];
	v42 =	vperm.xlane v4, v19;
	v51 =	vperm.xlane v4, v12;
	[tilespmem:s4+$0xFFFFFFA8] =	vst v0;
	v8 =	vpop (erf)  }
0x265: {  	v23 =	vld [tilespmem:s2+$0x40];
	v10 =	vunpack.i.l.bf16.f32 v55;
	v36 =	vperm.xlane v36, v63;
	[tilespmem:s7+$0x70] =	vst v14;
	v16 =	vperm.xlane v8, v63  }
0x266: {  	v1 =	vmul.f32 v1, v10;
	[tilespmem:s4+$0xFFFFFF98] =	vst v6;
	v40 =	vld [tilespmem:s0+$0x0];
	v10 =	vperm.xlane v30, v19  }
0x267: {  	v43 =	vld [tilespmem:s2+$0xFFFFFFF0];
	v48 =	vunpack.i.u.bf16.f32 v3;
	v20 =	vperm.xlane v30, v53;
	v13 =	vperm.xlane v30, v17;
	[tilespmem:s7+$0xFFFFFF60] =	vst v16  }
0x268: {  	v47 =	vld [tilespmem:s9+$0xFFFFFFD0];
	v3 =	vunpack.i.l.bf16.f32 v3;
	v56 =	vperm.xlane v30, v57;
	v55 =	vperm.xlane v30, v59;
	[tilespmem:$0x1FE90] =	vst v10  }
0x269: {  	v26 =	vperm.xlane v30, v62;
	v3 =	vmul.f32 v5, v3;
	v0 =	vpop (erf);
	[tilespmem:s4+$0x50] =	vst v2;
	v2 =	vld [tilespmem:s0+$0xFFFFFF60]  }
0x26a: {  	v23 =	vunpack.i.l.bf16.f32 v23;
	v14 =	vperm.xlane v8, v17;
	v45 =	vperm.xlane v0, v63;
	v49 =	vld [tilespmem:s2+$0xFFFFFFA0]  }
0x26b: {  	v24 =	vperm.xlane v0, v59;
	v54 =	vunpack.i.u.bf16.f32 v40;
	v6 =	vunpack.i.l.bf16.f32 v40;
	v52 =	vld [tilespmem:s6+$0xFFFFFFF0]  }
0x26c: {  	v46 =	vadd.f32 v23, v46;
	v5 =	vmul.f32 v51, v54;
	v6 =	vmul.f32 v44, v6;
	[tilespmem:s4+$0x40] =	vst v1;
	v51 =	vld [tilespmem:s6+$0xFFFFFFE0]  }
0x26d: {  	v25 =	vperm.xlane v0, v57;
	v16 =	vperm.xlane v8, v59;
	v40 =	vunpack.i.u.bf16.f32 v47;
	[tilespmem:s7+$0xFFFFFFE8] =	vst v45;
	v44 =	vld [tilespmem:s2+$0x90]  }
0x26e: {  	v47 =	vunpack.i.l.bf16.f32 v47;
	v38 =	vmul.f32 v38, v40;
	v50 =	vld [tilespmem:s9+$0x30];
	[tilespmem:s7+$0x0] =	vst v6;
	v6 =	vmul.f32 $2.000000030e-01, v46  }
0x26f: {  	v43 =	vunpack.i.l.bf16.f32 v43;
	v41 =	vmul.f32 v41, v47;
	v1 =	vmul.f32 v18, v48;
	[tilespmem:s7+$0x10] =	vst v5;
	v5 =	vld [tilespmem:s0+$0xFFFFFFB0]  }
0x270: {  	v48 =	vperm.xlane v8, v62;
	v18 =	vperm.xlane v8, v57;
	v47 =	vld [tilespmem:s6+$0x10];
	v6 =	vmax.f32 v46, v6  }
0x271: {  	[tilespmem:s4+$0xFFFFFFC8] =	vst v38;
	v38 =	vperm.xlane v0, v62;
	v6 =	vsub.f32 $0.0e+00, v6;
	v54 =	vunpack.i.l.bf16.f32 v2  }
0x272: {  	v43 =	vadd.f32 v43, v52;
	v40 =	vunpack.i.l.bf16.f32 v49;
	v52 =	vperm.xlane v0, v12  }
0x273: {  	[tilespmem:s4+$0xF8] =	vst v36;
	v36 =	vunpack.i.l.bf16.f32 v44;
	v45 =	vmul.f32 v48, v54;
	v48 =	vadd.f32 v40, v51  }
0x274: {  	v54 =	vunpack.i.l.bf16.f32 v50;
	v40 =	vunpack.i.u.bf16.f32 v5;
	v6 =	vmul.f32 $1.442695020e+00, v6  }
0x275: {  	v36 =	vadd.f32 v36, v47;
	v34 =	vmul.f32 v34, v54;
	v44 =	vmul.f32 $2.000000030e-01, v43  }
0x276: {  	v49 =	vld [tilespmem:s0+$0x10];
	v5 =	vunpack.i.l.bf16.f32 v5;
	v47 =	vmul.f32 v52, v40;
	v54 =	vperm.xlane v4, v11  }
0x277: {  	v46 =	vld [tilespmem:s9+$0x50];
	v40 =	vperm.xlane v0, v19;
	v5 =	vmul.f32 v38, v5  }
0x278: {  	v4 =	vperm.xlane v4, v53;
	v38 =	vperm.xlane v8, v53  }
0x279: {  	v2 =	vunpack.i.u.bf16.f32 v2;
	v51 =	vmul.f32 $2.000000030e-01, v36;
	(erf) = vpow2.f32 v6;
	[tilespmem:s7+$0xFFFFFEF0] =	vst v45  }
0x27a: {  	v45 =	vperm.xlane v0, v11;
	v43 =	vmax.f32 v43, v44;
	[tilespmem:s7+$0xFFFFFF88] =	vst v47;
	v47 =	vunpack.i.u.bf16.f32 v50  }
0x27b: {  	[tilespmem:s4+$0xFFFFFFB8] =	vst v41;
	v52 =	vunpack.i.u.bf16.f32 v49;
	v51 =	vmax.f32 v36, v51;
	v36 =	vperm.xlane v0, v17  }
0x27c: {  	v49 =	vunpack.i.l.bf16.f32 v49;
	v44 =	vmul.f32 v54, v52;
	v54 =	vunpack.i.l.bf16.f32 v46;
	v52 =	vld [tilespmem:s9+$0xFFFFFFE0]  }
0x27d: {  	v43 =	vsub.f32 $0.0e+00, v43;
	v6 =	vmul.f32 v35, v54;
	v35 =	vmul.f32 $2.000000030e-01, v48  }
0x27e: {  	[tilespmem:s4+$0xFFFFFF10] =	vst v3;
	v0 =	vperm.xlane v0, v53;
	v51 =	vsub.f32 $0.0e+00, v51;
	v4 =	vmul.f32 v4, v49  }
0x27f: {  	[tilespmem:s4+$0xFFFFFF20] =	vst v1;
	v54 =	vunpack.i.u.bf16.f32 v46;
	v35 =	vmax.f32 v48, v35;
	v48 =	vperm.xlane v8, v12  }
0x280: {  	[tilespmem:s7+$0xFFFFFF78] =	vst v5;
	v5 =	vmul.f32 $1.442695020e+00, v43;
	v7 =	vmul.f32 v7, v54;
	v54 =	vld [tilespmem:s9+$0xFFFFFF80];
	v1 =	vsub.f32 $0.0e+00, v35  }
0x281: {  	[tilespmem:s7+$0x30] =	vst v44;
	v44 =	vld [tilespmem:s0+$0xFFFFFFC0];
	v35 =	vmul.f32 $1.442695020e+00, v51;
	v2 =	vmul.f32 v48, v2;
	v41 =	vunpack.i.u.bf16.f32 v52  }
0x282: {  	v48 =	vmul.f32 v32, v47;
	v3 =	vmul.f32 v28, v41  }
0x283: {  	[tilespmem:s4+$0x88] =	vst v6;
	v41 =	vperm.xlane v8, v11;
	(erf) = vpow2.f32 v35  }
0x284: {  	[tilespmem:s4+$0x98] =	vst v7;
	v10 =	vunpack.i.l.bf16.f32 v52;
	v1 =	vmul.f32 $1.442695020e+00, v1;
	v28 =	vperm.xlane v8, v19  }
0x285: {  	[tilespmem:s4+$0x60] =	vst v34;
	v50 =	vld [tilespmem:s9+$0x60];
	v49 =	vunpack.i.u.bf16.f32 v54;
	v52 =	vunpack.i.l.bf16.f32 v54;
	v54 =	vmul.f32 v29, v10  }
0x286: {  	[tilespmem:s7+$0x20] =	vst v4;
	v10 =	vunpack.i.u.bf16.f32 v44;
	v29 =	vperm.xlane v30, v11;
	(erf) = vpow2.f32 v1  }
0x287: {  	v8 =	vld [tilespmem:s0+$0x20];
	[tilespmem:s7+$0xFFFFFF00] =	vst v2;
	v6 =	vunpack.i.l.bf16.f32 v44;
	v7 =	vmul.f32 v37, v49;
	v2 =	vmul.f32 v31, v52  }
0x288: {  	[tilespmem:s4+$0x70] =	vst v48;
	v37 =	vpop (erf);
	v35 =	vmul.f32 v45, v10;
	v47 =	vmul.f32 v0, v6  }
0x289: {  	[tilespmem:s4+$0xFFFFFFE8] =	vst v3;
	v34 =	vld [tilespmem:s0+$0xFFFFFF70];
	(erf) = vpow2.f32 v5;
	v31 =	vperm.xlane v37, v59  }
0x28a: {  	v23 =	vperm.xlane v37, v57;
	v27 =	vperm.xlane v37, v17;
	[tilespmem:s4+$0xFFFFFFD8] =	vst v54;
	v51 =	vunpack.i.u.bf16.f32 v50  }
0x28b: {  	v44 =	vperm.xlane v37, v63;
	[tilespmem:s4+$0xFFFFFF40] =	vst v7;
	v1 =	vunpack.i.l.bf16.f32 v50;
	v0 =	vmul.f32 v9, v51  }
0x28c: {  	[tilespmem:s4+$0xFFFFFF30] =	vst v2;
	v52 =	vunpack.i.l.bf16.f32 v8;
	v54 =	vunpack.i.u.bf16.f32 v8;
	v45 =	vmul.f32 v33, v1  }
0x28d: {  	s11 =	simm.s32 $0x8;
	[tilespmem:s7+$0xFFFFFFA8] =	vst v35;
	v43 =	vmul.f32 v39, v52;
	v42 =	vmul.f32 v42, v54  }
0x28e: {  	s10 =	simm.s32 $0x50F0;
	s8 =	simm.s32 $0x1400;
	s6 =	simm.s32 $0x4280;
	v48 =	vld [tilespmem:s9+$0xFFFFFF90];
	v39 =	vperm.xlane v30, v12;
	v50 =	vunpack.i.u.bf16.f32 v34;
	v51 =	vunpack.i.l.bf16.f32 v34;
	[tilespmem:s4+$0xB8] =	vst v0;
	v33 =	vpop (erf)  }
.LBB2_10:
0x28f: {  	[tilespmem:$0x1FE00] =	vst v21  }
0x290: {  	[tilespmem:$0x1FE30] =	vst v27  }
0x291: {  	[tilespmem:$0x1FE40] =	vst v20  }
0x292: {  	[tilespmem:s4+$0xA8] =	vst v45;
	v46 =	vpop (erf)  }
0x293: {  	v1 =	vperm.xlane v33, v53;
	v53 =	vperm.xlane v33, v57;
	[tilespmem:$0x1FE20] =	vst v29;
	v3 =	vld [tilespmem:s9+$0x70];
	v45 =	vpop (erf)  }
0x294: {  	v0 =	vld [tilespmem:s8+$0xFFFFFFF0];
	v4 =	vperm.xlane v37, v62;
	[tilespmem:s7+$0xFFFFFF98] =	vst v47;
	v7 =	vperm.xlane v45, v63  }
0x295: {  	v52 =	vperm.xlane v33, v59;
	[tilespmem:s7+$0x50] =	vst v42;
	v5 =	vld [tilespmem:s0+$0xFFFFFFD0];
	v2 =	vperm.xlane v46, v63  }
0x296: {  	v49 =	vperm.xlane v33, v62;
	v47 =	vperm.xlane v45, v59;
	[tilespmem:s10+$0xFFFFFFE8] =	vst v7;
	v7 =	vld [tilespmem:$0x1FE70]  }
0x297: {  	v41 =	vmul.f32 v41, v50;
	v38 =	vmul.f32 v38, v51;
	v6 =	vld [tilespmem:s8+$0x40];
	[tilespmem:s10+$0xFFFFFF60] =	vst v2  }
0x298: {  	v20 =	vmovc v55;
	v21 =	vmovc v56;
	v55 =	vld [tilespmem:s6+$0x10];
	[tilespmem:$0x1FE10] =	vst v47;
	v47 =	vperm.xlane v45, v57;
	v57 =	vunpack.i.u.bf16.f32 v3;
	v3 =	vunpack.i.l.bf16.f32 v3  }
0x299: {  	v9 =	vimm.s32 $0x4;
	v32 =	vmovc v28;
	v34 =	vmovc v25;
	[tilespmem:s7+$0x40] =	vst v43;
	v43 =	vperm.xlane v37, v19;
	v54 =	vld [tilespmem:s2+$0xFFFFFF60];
	v3 =	vmul.f32 v15, v3  }
0x29a: {  	v10 =	vimm.s32 $0x7;
	v25 =	vmovc v16;
	v35 =	vmovc v26;
	[tilespmem:$0x1FE50] =	vst v1;
	v1 =	vperm.xlane v33, v17;
	v56 =	vperm.xlane v46, v59;
	v15 =	vld [tilespmem:s8+$0x90]  }
0x29b: {  	v16 =	vimm.s32 $0x1;
	v29 =	vmovc v22;
	v22 =	vmovc v58;
	v58 =	vperm.xlane v46, v62;
	[tilespmem:s4+$0xC8] =	vst v3;
	v3 =	vmul.f32 v7, v57;
	v7 =	vld [tilespmem:$0x1FE90]  }
0x29c: {  	v26 =	vmovc v13;
	v27 =	vmovc v14;
	v17 =	vimm.s32 $0x2;
	v8 =	vld [tilespmem:s6+$0x0];
	[tilespmem:s10+$0x70] =	vst v44;
	v44 =	vperm.xlane v46, v9;
	v50 =	vperm.xlane v46, v12  }
0x29d: {  	[tilespmem:$0x1FE60] =	vst v43;
	v12 =	vunpack.i.l.bf16.f32 v48;
	v0 =	vunpack.i.l.bf16.f32 v0;
	v2 =	vperm.xlane v33, v19;
	v43 =	vmovc v24;
	v24 =	vmovc v61;
	v61 =	vld [tilespmem:s8+$0xFFFFFFA0]  }
0x29e: {  	v28 =	vmovc v23;
	[tilespmem:s7+$0xFFFFFF20] =	vst v41;
	v59 =	vperm.xlane v46, v10;
	v62 =	vperm.xlane v45, v19;
	v63 =	vunpack.i.u.bf16.f32 v5;
	v41 =	vld [tilespmem:s6+$0xFFFFFFF0]  }
0x29f: {  	v23 =	vmovc v60;
	v60 =	vld [tilespmem:s2+$0x0];
	v42 =	vmovc v1;
	v9 =	vperm.xlane v45, v9;
	v10 =	vperm.xlane v37, v11;
	v5 =	vunpack.i.l.bf16.f32 v5  }
0x2a0: {  	v1 =	vld [tilespmem:s6+$0xFFFFFFE0];
	[tilespmem:s7+$0xFFFFFF10] =	vst v38;
	v14 =	vperm.xlane v45, v16;
	v38 =	vmul.f32 v40, v63;
	v13 =	vunpack.i.l.bf16.f32 v54;
	v51 =	vmovc v7  }
0x2a1: {  	v19 =	vimm.s32 $0x3;
	v5 =	vmul.f32 v36, v5;
	v13 =	vmul.f32 v58, v13;
	v58 =	vld [tilespmem:$0x1FE80]  }
0x2a2: {  	v63 =	vld [tilespmem:$0x1FFF0];
	v40 =	vmovc v62;
	v62 =	vimm.s32 $0x0;
	v54 =	vunpack.i.u.bf16.f32 v54;
	[tilespmem:s7+$0xFFFFFFC8] =	vst v38;
	v38 =	vperm.xlane v46, v17  }
0x2a3: {  	v57 =	vimm.s32 $0x7;
	v0 =	vadd.f32 v0, v41;
	v41 =	vperm.xlane v46, v19;
	[tilespmem:$0x1FE70] =	vst v51;
	v51 =	vmovc v2  }
0x2a4: {  	v11 =	vld [tilespmem:s0+$0x30];
	v7 =	vperm.xlane v37, v16;
	v16 =	vmovc v56;
	v56 =	vmovc v53;
	v53 =	vimm.s32 $0x2;
	[tilespmem:$0x1FE90] =	vst v51;
	v51 =	vunpack.i.l.bf16.f32 v6  }
0x2a5: {  	[tilespmem:s4+$0xD8] =	vst v3;
	v6 =	vunpack.i.u.bf16.f32 v60;
	v2 =	vadd.f32 v51, v8;
	v8 =	vunpack.i.l.bf16.f32 v60  }
0x2a6: {  	[tilespmem:s7+$0xFFFFFFB8] =	vst v5;
	v3 =	vmul.f32 v7, v6;
	v60 =	vunpack.i.u.bf16.f32 v48;
	v7 =	vld [tilespmem:s9+$0x80];
	v6 =	vmul.f32 v58, v12  }
0x2a7: {  	v51 =	vld [tilespmem:s0+$0xFFFFFF80];
	v48 =	vunpack.i.l.bf16.f32 v61;
	v12 =	vperm.xlane v30, v63;
	[tilespmem:s10+$0xFFFFFEF0] =	vst v13;
	v13 =	vperm.xlane v45, v19  }
0x2a8: {  	v36 =	vmovc v9;
	v4 =	vmul.f32 v4, v8;
	v8 =	vunpack.i.l.bf16.f32 v15;
	v15 =	vmovc v25;
	v9 =	vmul.f32 $2.000000030e-01, v2;
	[tilespmem:s10+$0x10] =	vst v3  }
0x2a9: {  	s9 =	smov.u32 s0;
	s0 =	smov.u32 s2;
	v30 =	vunpack.i.l.bf16.f32 v11;
	v5 =	vmul.f32 v24, v60;
	v1 =	vadd.f32 v48, v1;
	[tilespmem:$0x1FE80] =	vst v15  }
0x2aa: {  	v48 =	vperm.xlane v45, v62;
	v8 =	vadd.f32 v8, v55;
	[tilespmem:s10+$0x0] =	vst v4;
	v2 =	vmax.f32 v2, v9;
	v9 =	vld [tilespmem:s0+$0xFFFFFFB0]  }
0x2ab: {  	[tilespmem:s7+$0xF8] =	vst v12;
	v55 =	vmovc v52;
	v52 =	vmul.f32 v29, v30;
	v4 =	vperm.xlane v37, v17;
	v15 =	vld [tilespmem:s0+$0x10];
	v24 =	vunpack.i.u.bf16.f32 v7  }
0x2ac: {  	[tilespmem:s4+$0xFFFFFF50] =	vst v6;
	v60 =	vunpack.i.l.bf16.f32 v7;
	v2 =	vsub.f32 $0.0e+00, v2;
	v12 =	vmul.f32 v22, v24  }
0x2ad: {  	v19 =	vimm.s32 $0x5;
	v3 =	vld [tilespmem:s9+$0xFFFFFFE0];
	[tilespmem:s4+$0xFFFFFF60] =	vst v5;
	v7 =	vmul.f32 $2.000000030e-01, v8;
	v6 =	vmul.f32 v23, v60  }
0x2ae: {  	v11 =	vunpack.i.u.bf16.f32 v11;
	v37 =	vld [tilespmem:s9+$0x50];
	v5 =	vmul.f32 $2.000000030e-01, v0;
	v2 =	vmul.f32 $1.442695020e+00, v2;
	[tilespmem:s4+$0xF8] =	vst v12  }
0x2af: {  	v7 =	vmax.f32 v8, v7;
	[tilespmem:s4+$0xE8] =	vst v6;
	s4 =	smov.u32 s7;
	v12 =	vunpack.i.l.bf16.f32 v9;
	v9 =	vunpack.i.u.bf16.f32 v9  }
0x2b0: {  	v22 =	vmovc v31;
	v31 =	vunpack.i.l.bf16.f32 v15;
	[tilespmem:s4+$0x60] =	vst v52;
	(erf) = vpow2.f32 v2;
	v52 =	vmul.f32 $2.000000030e-01, v1  }
0x2b1: {  	v61 =	vmovc v18;
	v6 =	vmul.f32 v14, v9;
	v9 =	vunpack.i.u.bf16.f32 v15;
	v8 =	vmul.f32 v48, v12  }
0x2b2: {  	v18 =	vmovc v59;
	v59 =	vimm.s32 $0x6;
	v30 =	vmovc v33;
	s7 =	smov.u32 s10;
	v4 =	vmul.f32 v4, v31;
	v33 =	vmul.f32 v10, v9  }
0x2b3: {  	v9 =	vunpack.i.l.bf16.f32 v37;
	v10 =	vunpack.i.u.bf16.f32 v3;
	v3 =	vunpack.i.l.bf16.f32 v3;
	[tilespmem:s7+$0xFFFFFF88] =	vst v6  }
0x2b4: {  	v0 =	vmax.f32 v0, v5;
	v2 =	vmul.f32 v35, v9;
	[tilespmem:s7+$0xFFFFFF78] =	vst v8;
	v3 =	vmul.f32 v43, v3;
	v43 =	vld [tilespmem:$0x1FE20]  }
0x2b5: {  	v1 =	vmax.f32 v1, v52;
	v8 =	vmul.f32 v50, v54;
	v9 =	vperm.xlane v45, v53;
	[tilespmem:s7+$0x20] =	vst v4;
	v45 =	vld [tilespmem:$0x1FE30]  }
0x2b6: {  	v35 =	vunpack.i.u.bf16.f32 v37;
	v37 =	vperm.xlane v46, v19;
	[tilespmem:s7+$0x30] =	vst v33;
	v33 =	vsub.f32 $0.0e+00, v7;
	v46 =	vld [tilespmem:s0+$0xFFFFFFC0]  }
0x2b7: {  	v0 =	vsub.f32 $0.0e+00, v0;
	v15 =	vmovc v26;
	v26 =	vmovc v49;
	v1 =	vsub.f32 $0.0e+00, v1;
	v49 =	vmul.f32 v34, v10;
	[tilespmem:s7+$0xFFFFFF00] =	vst v8;
	v8 =	vld [tilespmem:$0x1FE00]  }
0x2b8: {  	v17 =	vimm.s32 $0x4;
	v39 =	vmul.f32 v39, v35;
	[tilespmem:s4+$0x88] =	vst v2;
	v50 =	vld [tilespmem:s0+$0x20];
	v5 =	vmul.f32 $1.442695020e+00, v33  }
0x2b9: {  	v0 =	vmul.f32 $1.442695020e+00, v0;
	v48 =	vunpack.i.u.bf16.f32 v51;
	v1 =	vmul.f32 $1.442695020e+00, v1;
	[tilespmem:s4+$0xFFFFFFE8] =	vst v49;
	v52 =	vld [tilespmem:s0+$0xFFFFFF70]  }
0x2ba: {  	v58 =	vmovc v21;
	v51 =	vunpack.i.l.bf16.f32 v51;
	v4 =	vmul.f32 v32, v48;
	v49 =	vld [tilespmem:$0x1FE40];
	[tilespmem:s4+$0x98] =	vst v39;
	(erf) = vpow2.f32 v5  }
0x2bb: {  	v21 =	vmovc v28;
	v28 =	vmovc v37;
	v10 =	vld [tilespmem:s9+$0x60];
	(erf) = vpow2.f32 v1;
	v54 =	vunpack.i.u.bf16.f32 v46;
	v1 =	vmul.f32 v27, v51  }
0x2bc: {  	v33 =	vld [tilespmem:$0x1FE10];
	v37 =	vpop (erf);
	v32 =	vunpack.i.l.bf16.f32 v46;
	v8 =	vmul.f32 v8, v11;
	(erf) = vpow2.f32 v0  }
0x2bd: {  	s11 =	sadd.s32 $0x4, s11;
	v31 =	vperm.xlane v37, v59;
	v2 =	vmul.f32 v13, v54;
	v39 =	vunpack.i.u.bf16.f32 v50;
	v54 =	vld [tilespmem:$0x1FE60]  }
0x2be: {  	p0 =	slt.u32 s11, $0x4C;
	[tilespmem:s4+$0xFFFFFFD8] =	vst v3;
	v5 =	vunpack.i.l.bf16.f32 v50;
	v50 =	vunpack.i.u.bf16.f32 v52;
	v51 =	vunpack.i.l.bf16.f32 v52;
	v52 =	vld [tilespmem:$0x1FE50]  }
.Ltmp4:
0x2bf: {  	v25 =	vmovc v47;
	v60 =	vmovc v20;
	[tilespmem:s4+$0xFFFFFF40] =	vst v4;
	v11 =	vimm.s32 $0x3;
	v23 =	vperm.xlane v37, v57;
	v34 =	vperm.xlane v37, v17;
	(pc) =	sbr.rel @p0 .LBB2_10-.Ltmp4, $4  }
0x2c0: {  	v14 =	vmovc v44;
	v44 =	vperm.xlane v37, v63;
	v47 =	vmul.f32 v9, v32;
	[tilespmem:s4+$0xFFFFFF30] =	vst v1;
	v35 =	vunpack.i.u.bf16.f32 v10  }
0x2c1: {  	v13 =	vmovc v42;
	v29 =	vperm.xlane v30, v11;
	[tilespmem:s4+$0x70] =	vst v8;
	v46 =	vunpack.i.l.bf16.f32 v10;
	v1 =	vmul.f32 v43, v35  }
0x2c2: {  	s6 =	sadd.s32 $0x40, s6;
	v12 =	vimm.s32 $0x1;
	v24 =	vmovc v33;
	[tilespmem:s7+$0xFFFFFFA8] =	vst v2;
	v27 =	vmovc v34;
	v43 =	vmul.f32 v45, v5;
	v45 =	vmul.f32 v49, v46  }
0x2c3: {  	s2 =	smov.u32 s8;
	s8 =	sadd.s32 $0x140, s8;
	s10 =	sadd.s32 $0x220, s10;
	v48 =	vld [tilespmem:s9+$0xFFFFFF90];
	[tilespmem:s4+$0xB8] =	vst v1;
	v42 =	vmul.f32 v54, v39;
	v39 =	vperm.xlane v30, v12;
	v20 =	vmov v52;
	v33 =	vpop (erf)  }
0x2c4: {  	[tilespmem:s4+$0xA8] =	vst v45  }
0x2c5: {  	[tilespmem:s7+$0xFFFFFF98] =	vst v47  }
0x2c6: {  	[tilespmem:s7+$0x40] =	vst v43  }
0x2c7: {  	v10 =	vpop (erf);
	[tilespmem:s10+$0x70] =	vst v44;
	v47 =	vmul.f32 v41, v50  }
0x2c8: {  	v0 =	vld [tilespmem:s9+$0x70];
	[tilespmem:s7+$0x50] =	vst v42;
	v1 =	vperm.xlane v10, v63;
	v42 =	vpop (erf)  }
0x2c9: {  	v2 =	vld [tilespmem:s0+$0xFFFFFFD0];
	v3 =	vperm.xlane v42, v63;
	[tilespmem:s7+$0xFFFFFF20] =	vst v47  }
0x2ca: {  	[tilespmem:s10+$0xFFFFFF60] =	vst v1  }
0x2cb: {  	v4 =	vld [tilespmem:s2+$0x0];
	[tilespmem:s10+$0xFFFFFFE8] =	vst v3  }
0x2cc: {  	v1 =	vld [tilespmem:$0x1FE70]  }
0x2cd: {  	v50 =	vmul.f32 v38, v51;
	v5 =	vunpack.i.l.bf16.f32 v0  }
0x2ce: {  	v51 =	vunpack.i.u.bf16.f32 v2;
	v49 =	vmul.f32 v15, v5  }
0x2cf: {  	[tilespmem:s7+$0xFFFFFF10] =	vst v50;
	v2 =	vunpack.i.l.bf16.f32 v2;
	v5 =	vld [tilespmem:s2+$0xFFFFFF60];
	v3 =	vmul.f32 v40, v51  }
0x2d0: {  	v6 =	vperm.xlane v37, v12;
	v0 =	vunpack.i.u.bf16.f32 v0;
	v2 =	vmul.f32 v36, v2;
	[tilespmem:s4+$0xC8] =	vst v49  }
0x2d1: {  	v52 =	vperm.xlane v37, v62;
	v54 =	vunpack.i.u.bf16.f32 v4;
	[tilespmem:s7+$0xFFFFFFC8] =	vst v3;
	v0 =	vmul.f32 v1, v0  }
0x2d2: {  	v35 =	vld [tilespmem:s2+$0xFFFFFFB0];
	[tilespmem:s7+$0xFFFFFFB8] =	vst v2;
	v1 =	vmul.f32 v6, v54;
	v6 =	vunpack.i.l.bf16.f32 v4  }
0x2d3: {  	v8 =	vperm.xlane v10, v62;
	v2 =	vld [tilespmem:s0+$0x30];
	[tilespmem:s4+$0xD8] =	vst v0;
	v0 =	vmul.f32 v52, v6  }
0x2d4: {  	v32 =	vperm.xlane v30, v63;
	[tilespmem:s10+$0x10] =	vst v1;
	v9 =	vunpack.i.l.bf16.f32 v5;
	v52 =	vld [tilespmem:s0+$0xFFFFFF80]  }
0x2d5: {  	v7 =	vld [tilespmem:s9+$0x80];
	v1 =	vmul.f32 v8, v9;
	[tilespmem:s10+$0x0] =	vst v0  }
0x2d6: {  	v41 =	vunpack.i.u.bf16.f32 v48;
	v50 =	vperm.xlane v42, v62;
	v51 =	vperm.xlane v33, v63;
	v36 =	vld [tilespmem:$0x1FE80];
	[tilespmem:s7+$0xF8] =	vst v32  }
0x2d7: {  	v44 =	vperm.xlane v42, v12;
	v0 =	vunpack.i.l.bf16.f32 v35;
	[tilespmem:s10+$0xFFFFFEF0] =	vst v1;
	v1 =	vmul.f32 v61, v41  }
0x2d8: {  	v45 =	vunpack.i.l.bf16.f32 v2;
	v2 =	vunpack.i.u.bf16.f32 v2;
	v0 =	vmul.f32 v50, v0;
	[tilespmem:s10+$0xF8] =	vst v51  }
0x2d9: {  	v46 =	vunpack.i.u.bf16.f32 v35;
	v30 =	vmul.f32 v21, v2;
	[tilespmem:s4+$0xFFFFFF60] =	vst v1  }
0x2da: {  	v38 =	vld [tilespmem:s2+$0x10];
	v1 =	vmul.f32 v44, v46;
	[tilespmem:s10+$0xFFFFFF78] =	vst v0;
	v32 =	vunpack.i.u.bf16.f32 v52  }
0x2db: {  	v8 =	vld [tilespmem:s0+$0x50];
	[tilespmem:s7+$0x70] =	vst v30;
	v40 =	vunpack.i.u.bf16.f32 v7;
	v2 =	vmul.f32 v28, v32  }
0x2dc: {  	v61 =	vld [tilespmem:s2+$0x50];
	v43 =	vunpack.i.l.bf16.f32 v7;
	v7 =	vunpack.i.l.bf16.f32 v52;
	v4 =	vmul.f32 v58, v40;
	[tilespmem:s10+$0xFFFFFF88] =	vst v1  }
0x2dd: {  	v34 =	vunpack.i.l.bf16.f32 v48;
	v7 =	vmul.f32 v14, v7;
	[tilespmem:s7+$0xFFFFFF40] =	vst v2  }
0x2de: {  	v3 =	vmul.f32 v36, v34;
	[tilespmem:s4+$0xF8] =	vst v4  }
0x2df: {  	v47 =	vunpack.i.u.bf16.f32 v38;
	v34 =	vperm.xlane v33, v62;
	v4 =	vmul.f32 v22, v45;
	[tilespmem:s7+$0xFFFFFF30] =	vst v7  }
0x2e0: {  	v48 =	vunpack.i.l.bf16.f32 v8;
	v8 =	vunpack.i.u.bf16.f32 v8;
	[tilespmem:s4+$0xFFFFFF50] =	vst v3;
	v3 =	vmul.f32 v60, v43  }
0x2e1: {  	v6 =	vunpack.i.l.bf16.f32 v38;
	v38 =	vunpack.i.l.bf16.f32 v61;
	v8 =	vmul.f32 v39, v8;
	[tilespmem:s7+$0x60] =	vst v4  }
0x2e2: {  	v49 =	vld [tilespmem:s0+$0xFFFFFFE0];
	v58 =	vperm.xlane v10, v12;
	v39 =	vmul.f32 v34, v38;
	[tilespmem:s4+$0xE8] =	vst v3  }
0x2e3: {  	v9 =	vperm.xlane v37, v11;
	v60 =	vunpack.i.u.bf16.f32 v5;
	v4 =	vmul.f32 v26, v48;
	[tilespmem:s7+$0x98] =	vst v8  }
0x2e4: {  	v54 =	vperm.xlane v37, v53;
	v35 =	vld [tilespmem:s2+$0xFFFFFFC0];
	v0 =	vmul.f32 v58, v60;
	[tilespmem:s10+$0x88] =	vst v39  }
0x2e5: {  	v36 =	vperm.xlane v33, v12;
	v3 =	vmul.f32 v9, v47;
	[tilespmem:s7+$0x88] =	vst v4  }
0x2e6: {  	v5 =	vunpack.i.u.bf16.f32 v61;
	v4 =	vmul.f32 v54, v6;
	[tilespmem:s10+$0xFFFFFF00] =	vst v0;
	v26 =	vld [tilespmem:s0+$0x60]  }
0x2e7: {  	v22 =	vunpack.i.u.bf16.f32 v49;
	v0 =	vmul.f32 v36, v5;
	[tilespmem:s10+$0x30] =	vst v3  }
0x2e8: {  	v44 =	vperm.xlane v42, v11;
	v1 =	vunpack.i.l.bf16.f32 v49;
	v3 =	vmul.f32 v25, v22;
	v43 =	vld [tilespmem:s2+$0xFFFFFF70];
	[tilespmem:s10+$0x20] =	vst v4  }
0x2e9: {  	v1 =	vmul.f32 v24, v1;
	v45 =	vperm.xlane v42, v53;
	v46 =	vunpack.i.u.bf16.f32 v35;
	[tilespmem:s10+$0x98] =	vst v0;
	v40 =	vld [tilespmem:s2+$0x20]  }
0x2ea: {  	v6 =	vmul.f32 v44, v46;
	[tilespmem:s7+$0xFFFFFFE8] =	vst v3;
	v3 =	vunpack.i.l.bf16.f32 v35  }
0x2eb: {  	[tilespmem:s7+$0xFFFFFFD8] =	vst v1;
	v47 =	vld [tilespmem:s2+$0x60];
	v0 =	vmul.f32 v45, v3;
	v41 =	vunpack.i.u.bf16.f32 v26  }
0x2ec: {  	v52 =	vperm.xlane v10, v53;
	[tilespmem:s10+$0xFFFFFFA8] =	vst v6;
	v4 =	vunpack.i.l.bf16.f32 v26;
	v5 =	vmul.f32 v29, v41  }
0x2ed: {  	v48 =	vperm.xlane v37, v19;
	v2 =	vunpack.i.l.bf16.f32 v43;
	[tilespmem:s10+$0xFFFFFF98] =	vst v0;
	v4 =	vmul.f32 v20, v4  }
0x2ee: {  	v49 =	vperm.xlane v10, v11;
	v14 =	vld [tilespmem:s0+$0xFFFFFF90];
	v2 =	vmul.f32 v52, v2;
	v50 =	vunpack.i.u.bf16.f32 v40;
	[tilespmem:s7+$0xB8] =	vst v5  }
0x2ef: {  	v58 =	vperm.xlane v33, v11;
	v54 =	vunpack.i.u.bf16.f32 v43;
	[tilespmem:s7+$0xA8] =	vst v4;
	v3 =	vmul.f32 v48, v50  }
0x2f0: {  	v61 =	vld [tilespmem:s2+$0xFFFFFFD0];
	v11 =	vunpack.i.u.bf16.f32 v47;
	v4 =	vmul.f32 v49, v54;
	[tilespmem:s10+$0xFFFFFF10] =	vst v2  }
0x2f1: {  	v60 =	vperm.xlane v33, v53;
	v1 =	vunpack.i.l.bf16.f32 v40;
	v0 =	vmul.f32 v58, v11;
	[tilespmem:s10+$0x50] =	vst v3  }
0x2f2: {  	v12 =	vunpack.i.l.bf16.f32 v47;
	v1 =	vmul.f32 v27, v1;
	v51 =	vld [tilespmem:s0+$0x70];
	[tilespmem:s10+$0xFFFFFF20] =	vst v4  }
0x2f3: {  	v2 =	vunpack.i.u.bf16.f32 v14;
	v4 =	vmul.f32 v60, v12;
	[tilespmem:s10+$0xB8] =	vst v0;
	v22 =	vld [tilespmem:s2+$0xFFFFFF80]  }
0x2f4: {  	v25 =	vperm.xlane v42, v19;
	v32 =	vunpack.i.l.bf16.f32 v14;
	v2 =	vmul.f32 v18, v2;
	v24 =	vld [tilespmem:$0x1FE90];
	[tilespmem:s10+$0x40] =	vst v1  }
0x2f5: {  	v26 =	vperm.xlane v42, v17;
	v28 =	vunpack.i.u.bf16.f32 v61;
	v1 =	vmul.f32 v16, v32;
	[tilespmem:s10+$0xA8] =	vst v4  }
0x2f6: {  	v3 =	vunpack.i.l.bf16.f32 v61;
	[tilespmem:s7+$0xFFFFFF60] =	vst v2;
	v7 =	vmul.f32 v25, v28;
	v29 =	vld [tilespmem:s2+$0x70]  }
0x2f7: {  	v3 =	vmul.f32 v26, v3;
	[tilespmem:s7+$0xFFFFFF50] =	vst v1;
	v20 =	vunpack.i.l.bf16.f32 v51  }
0x2f8: {  	v35 =	vperm.xlane v10, v17;
	v39 =	vld [tilespmem:s2+$0x30];
	v21 =	vunpack.i.u.bf16.f32 v51;
	[tilespmem:s10+$0xFFFFFFC8] =	vst v7;
	v5 =	vmul.f32 v13, v20  }
0x2f9: {  	v30 =	vperm.xlane v10, v19;
	[tilespmem:s10+$0xFFFFFFB8] =	vst v3;
	v6 =	vmul.f32 v24, v21;
	v0 =	vunpack.i.l.bf16.f32 v22  }
0x2fa: {  	v37 =	vperm.xlane v33, v17;
	v41 =	vld [tilespmem:s2+$0xFFFFFFE0];
	v36 =	vunpack.i.u.bf16.f32 v22;
	[tilespmem:s7+$0xC8] =	vst v5;
	v0 =	vmul.f32 v35, v0  }
0x2fb: {  	v38 =	vperm.xlane v33, v19;
	[tilespmem:s7+$0xD8] =	vst v6;
	v6 =	vmul.f32 v30, v36;
	v40 =	vunpack.i.l.bf16.f32 v29  }
0x2fc: {  	v5 =	vunpack.i.u.bf16.f32 v29;
	v34 =	vld [tilespmem:s0+$0x80];
	v3 =	vmul.f32 v37, v40;
	[tilespmem:s10+$0xFFFFFF30] =	vst v0  }
0x2fd: {  	v48 =	vunpack.i.l.bf16.f32 v39;
	v43 =	vmul.f32 v38, v5;
	[tilespmem:s10+$0xFFFFFF40] =	vst v6  }
0x2fe: {  	v47 =	vperm.xlane v42, v57;
	v1 =	vunpack.i.u.bf16.f32 v39;
	v7 =	vmul.f32 v31, v48;
	[tilespmem:s10+$0xC8] =	vst v3;
	v46 =	vld [tilespmem:s2+$0xFFFFFF90]  }
0x2ff: {  	v51 =	vperm.xlane v42, v59;
	v1 =	vmul.f32 v23, v1;
	v50 =	vunpack.i.u.bf16.f32 v41;
	[tilespmem:s10+$0xD8] =	vst v43  }
0x300: {  	[tilespmem:s10+$0x60] =	vst v7;
	v6 =	vunpack.i.l.bf16.f32 v41;
	v0 =	vmul.f32 v47, v50;
	v49 =	vld [tilespmem:s2+$0x80]  }
0x301: {  	[tilespmem:s10+$0x70] =	vst v1;
	v2 =	vmul.f32 v51, v6;
	v45 =	vunpack.i.l.bf16.f32 v34  }
0x302: {  	v52 =	vperm.xlane v10, v59;
	[tilespmem:s10+$0xFFFFFFE8] =	vst v0;
	v44 =	vunpack.i.u.bf16.f32 v34;
	v3 =	vmul.f32 v55, v45  }
0x303: {  	[tilespmem:s10+$0xFFFFFFD8] =	vst v2;
	v5 =	vmul.f32 v56, v44;
	v56 =	vperm.xlane v10, v57;
	v55 =	vunpack.i.l.bf16.f32 v46  }
0x304: {  	v54 =	vperm.xlane v33, v57;
	v4 =	vunpack.i.u.bf16.f32 v46;
	[tilespmem:s7+$0xE8] =	vst v3;
	v3 =	vmul.f32 v52, v55  }
0x305: {  	v60 =	vperm.xlane v33, v59;
	[tilespmem:s7+$0xF8] =	vst v5;
	v58 =	vunpack.i.u.bf16.f32 v49;
	v1 =	vmul.f32 v56, v4  }
0x306: {  	v61 =	vunpack.i.l.bf16.f32 v49;
	v0 =	vmul.f32 v54, v58;
	[tilespmem:s10+$0xFFFFFF50] =	vst v3  }
0x307: {  	v2 =	vmul.f32 v60, v61;
	[tilespmem:s10+$0xFFFFFF60] =	vst v1  }
0x308: {  	[tilespmem:s10+$0xF8] =	vst v0  }
0x309: {  	s29 =	simm.s32 $0x780;
	s31 =	sadd.s32 $0x1, s31;
	[tilespmem:s10+$0xE8] =	vst v2  }
0x30a: {  	[spmem:s3] =	stream.indirect.scatter.add.f32 [tilespmem:s23], [sflag:$0x5], $0x88, s29, s15, $0xb8;
	[tilespmem:$0x1F060] =	vst v63  }
0x30b: {  	p0 =	sne.s32 s31, $0x5;
	_ =	swait.ge [sflag:s30], $0x2A80  }
.Ltmp5:
0x30c: {  	[sflag:s30] =	ssyncset.done $0x0;
	(pc) =	sbr.rel @p0 .LBB2_2-.Ltmp5, $4  }
0x30d: {  	[sflag:s30] =	ssyncadd.s32 $0xFFFFD580  }
0x30e: {  	_ =	swait.ge [sflag:s28], $0x2A80  }
0x30f: {  	[sflag:s28] =	ssyncset.done $0x0  }
0x310: {  	[sflag:s28] =	ssyncadd.s32 $0xFFFFD580  }
0x311: {  	[bflag:$0x0] =	sbarrier.arrive $0xFFFF  }
0x312: {  	s4 =	rddreg [dreg:$0x8]  }
0x313: {  	s0 =	rddreg [dreg:$0x9]  }
0x314: {  	s2 =	rddreg [dreg:$0xb]  }
0x315: {  	[hbm:s0], [sflag:s4] =	dma.local [spmem:s2], $0x29F8  }
0x316: {  	_ =	swait.ge [sflag:s13], $0x29F8  }
0x317: {  	s10 =	rddreg [dreg:$0x4]  }
0x318: {  	s31 =	rddreg [dreg:$0xa];
	s10 =	sadd.s32 $0x1, s10  }
0x319: {  	p0 =	sne.s32 s10, s31  }
.Ltmp6:
0x31a: {  	_ = 	snop;
	(pc) =	sbr.rel @p0 .LBB2_1-.Ltmp6, $3  }
0x31b: {  	_ =	sdelay $0x1  }
0x31c: {  	[sflag:s13] =	ssyncset.done $0x0  }
0x31d: {  	[sflag:s13] =	ssyncadd.s32 $0xFFFFD608  }
0x31e: {  	_ =	sfence.sel $0x180000  }
0x31f: {  	[bflag:$0x0] =	sbarrier.arrive $0xFFFF  }
0x320: {  	_ =	strace $0x9000004A  }
0x321: {  	s0 =	stileid.u32;
	[bflag:$0x2] =	sbarrier.arrive $0xFFFF  }
0x322: {  	p0 =	sne.s32 s0, $0x0;
	s0 =	rddreg [dreg:$0x3]  }
0x323: {  	s0 =	sadd.s32 @!p0 $0x100000, s0  }
0x324: {  	[sflag:s0] =	ssyncadd.tile.s32 @!p0 $0x1;
	_ =	shalt  }
.Lfunc_end2:
_tile_overlayer_lowered:
.L_overlay_start_2:
0x325: {  	(tag) =	ssettag $0x2  }
0x326: {  	s0 =	rddreg [dreg:$0x0];
	s2 =	stileid.u32  }
0x327: {  	s1 =	rddreg [dreg:$0x1];
	p0 =	sne.s32 s2, $0x0  }
0x328: {  	s3 =	rddreg [dreg:$0x2];
	[bflag:$0x3] =	sbarrier.arrive $0xFFFF;
	s2 =	simm.s32 @!p0 $0x1C07  }
0x329: {  	[timem:s3], [sflag:s2] =	dma.local @!p0 [hbm:s0], s1  }
0x32a: {  	s0 =	simm.s32 @!p0 $0x7  }
0x32b: {  	_ =	swait.ge @!p0 [sflag:s0], s1  }
0x32c: {  	s1 =	ssub.s32 @!p0 $0x0, s1;
	[sflag:s0] =	ssyncset.done @!p0 $0x0  }
0x32d: {  	[sflag:s0] =	ssyncadd.s32 @!p0 s1  }
0x32e: {  	[bflag:$0x3] =	sbarrier.arrive $0xFFFF  }
0x32f: {  	_ =	shalt  }

// kernel: kernel.7.cloned.1.call-start
scs
__scs_entry_jumppad:
0x0: {  	(pc) =	sbr.rel $0x88, $3  }
0x1: {  	(tag) =	ssettag $0x0;
	lr =	simm.s32 $0x1  }
0x2: {  	[smem:$0x3F9B] =	sst lr;
	_ =	strace $0xD0000000  }
0x3: {  	_ = 	snop  }
0x4: {  	_ = 	snop  }
0x5: {  	_ = 	snop  }
0x6: {  	_ = 	snop  }
0x7: {  	_ = 	snop  }
__scs_overlays_trampoline_lowered:
0x8: {  	[smem:$0x3FAA] =	sst s0  }
0x9: {  	[smem:$0x3FAB] =	sst s1  }
0xa: {  	[smem:$0x3FAC] =	sst s2  }
0xb: {  	[smem:$0x3FAD] =	sst s3  }
0xc: {  	[smem:$0x3FAE] =	sst s4  }
0xd: {  	[smem:$0x3FAF] =	sst s5  }
0xe: {  	[smem:$0x3FB0] =	sst s6  }
0xf: {  	[smem:$0x3FB1] =	sst s7  }
0x10: {  	[smem:$0x3FB2] =	sst s8  }
0x11: {  	[smem:$0x3FB3] =	sst s9;
	s0 =	simm.s32 @!p0 $0x0  }
0x12: {  	s1 =	sld [smem:$0x3F99];
	s0 =	simm.s32 @p0 $0x1  }
0x13: {  	[smem:$0x3FB4] =	sst s0;
	s0 =	simm.s32 @!p1 $0x0  }
0x14: {  	s2 =	sld [smem:$0x3F98];
	s0 =	simm.s32 @p1 $0x1  }
0x15: {  	[smem:$0x3FB5] =	sst s0;
	s0 =	simm.s32 @!p2 $0x0  }
0x16: {  	s3 =	sld [smem:$0x3FDB];
	s0 =	simm.s32 @p2 $0x1  }
0x17: {  	s4 =	simm.s32 $0x1BF5;
	[smem:$0x3FB7] =	sst s0  }
0x18: {  	s0 =	sld [smem:$0x3F9A];
	_ =	swait.ge [sflag:s4], $0x0  }
0x19: {  	s7 =	sld [smem:$0x3F9B]  }
0x1a: {  	s8 =	sadd.s32 $0xFFFFE003, lr  }
0x1b: {  	s9 =	sadd.s32 $0xFFFFFEF7, lr;
	s5 =	simm.s32 $0xFFFFFFFF;
	p2 =	slt.u32 s8, $0xFFFFF086  }
0x1c: {  	p1 =	slt.u32 s9, $0xF7A;
	s5 =	simm.s32 @!p2 $0x0  }
0x1d: {  	s5 =	simm.s32 @p1 $0x1;
	p0 =	seq.s32 s7, s2  }
0x1e: {  	s7 =	smul.u32 @!p0 $0xF7A, s2;
	p2 =	seq.s32 @!p0 s5, $0x0  }
0x1f: {  	s9 =	smul.u32 $0xF7A, s1;
	s8 =	simm.s32 @!p0 $0x1BF5;
	p2 =	por !p2, p0  }
0x20: {  	[sflag:s8] =	ssyncset.s32 @!p0 $0xFFFFF086;
	s6 =	sadd.s32 @!p0 s3, s7;
	s7 =	simm.s32 @!p0 $0x108  }
0x21: {  	s3 =	sadd.s32 s3, s9;
	s6 =	sadd.s32 @!p0 $0x88, s6;
	s7 =	simm.s32 @p2 $0x1082  }
0x22: {  	[simem:s7], [sflag:s8] =	dma.local @!p0 [hbm:s6], $0xF7A  }
0x23: {  	s9 =	sor.u32 $0xD0000000, s2;
	s6 =	simm.s32 $0x108;
	_ =	swait.ge @!p0 [sflag:s8], $0x0  }
0x24: {  	s3 =	sadd.s32 $0x88, s3;
	s6 =	simm.s32 @!p1 $0x1082;
	[sflag:s4] =	ssyncset.s32 $0xFFFFF086  }
0x25: {  	[simem:s6], [sflag:s4] =	dma.local [hbm:s3], $0xF7A  }
0x26: {  	[smem:$0x3F9B] =	sst s1;
	(tag) =	ssettag s2;
	_ =	strace s9  }
0x27: {  	s1 =	sld [smem:$0x3FAB]  }
0x28: {  	s2 =	sld [smem:$0x3FAC]  }
0x29: {  	s4 =	sld [smem:$0x3FAE]  }
0x2a: {  	p0 =	seq.s32 s5, $0x0;
	s5 =	sld [smem:$0x3FAF]  }
0x2b: {  	s6 =	sld [smem:$0x3FB0]  }
0x2c: {  	s7 =	sld [smem:$0x3FB1]  }
0x2d: {  	s3 =	simm.s32 $0x108;
	s8 =	sld [smem:$0x3FB2]  }
0x2e: {  	s3 =	simm.s32 @!p0 $0x1082;
	s9 =	sld [smem:$0x3FB3]  }
0x2f: {  	lr =	sadd.s32 s0, s3;
	s0 =	sld [smem:$0x3FAA]  }
0x30: {  	s3 =	sld [smem:$0x3FAD]  }
0x31: {  	[smem:$0x3FB6] =	sst s10  }
0x32: {  	s10 =	sld [smem:$0x3FB4];
	_ =	sdelay $0x3  }
0x33: {  	p0 =	seq.s32 s10, $0x1;
	s10 =	sld [smem:$0x3FB6];
	_ =	sdelay $0x3  }
0x34: {  	[smem:$0x3FB6] =	sst s10  }
0x35: {  	s10 =	sld [smem:$0x3FB5];
	_ =	sdelay $0x3  }
0x36: {  	p1 =	seq.s32 s10, $0x1;
	s10 =	sld [smem:$0x3FB6];
	_ =	sdelay $0x3  }
0x37: {  	[smem:$0x3FB6] =	sst s10  }
0x38: {  	s10 =	sld [smem:$0x3FB7]  }
0x39: {  	_ = 	snop;
	(pc) =	sbr.ind lr, $3  }
0x3a: {  	_ = 	snop  }
0x3b: {  	_ = 	snop  }
0x3c: {  	p2 =	seq.s32 s10, $0x1;
	s10 =	sld [smem:$0x3FB6]  }
0x3d: {  	_ =	shalt  }
0x3e: {  	_ =	shalt  }
0x3f: {  	_ =	shalt  }
0x40: {  	_ =	shalt  }
0x41: {  	_ =	shalt  }
0x42: {  	_ =	shalt  }
0x43: {  	_ =	shalt  }
0x44: {  	_ =	shalt  }
0x45: {  	_ =	shalt  }
0x46: {  	_ =	shalt  }
0x47: {  	_ =	shalt  }
0x48: {  	_ =	shalt  }
0x49: {  	_ =	shalt  }
0x4a: {  	_ =	shalt  }
0x4b: {  	_ =	shalt  }
0x4c: {  	_ =	shalt  }
0x4d: {  	_ =	shalt  }
0x4e: {  	_ =	shalt  }
0x4f: {  	_ =	shalt  }
0x50: {  	_ =	shalt  }
0x51: {  	_ =	shalt  }
0x52: {  	_ =	shalt  }
0x53: {  	_ =	shalt  }
0x54: {  	_ =	shalt  }
0x55: {  	_ =	shalt  }
0x56: {  	_ =	shalt  }
0x57: {  	_ =	shalt  }
0x58: {  	_ =	shalt  }
0x59: {  	_ =	shalt  }
0x5a: {  	_ =	shalt  }
0x5b: {  	_ =	shalt  }
0x5c: {  	_ =	shalt  }
0x5d: {  	_ =	shalt  }
0x5e: {  	_ =	shalt  }
0x5f: {  	_ =	shalt  }
0x60: {  	_ =	shalt  }
0x61: {  	_ =	shalt  }
0x62: {  	_ =	shalt  }
0x63: {  	_ =	shalt  }
0x64: {  	_ =	shalt  }
0x65: {  	_ =	shalt  }
0x66: {  	_ =	shalt  }
0x67: {  	_ =	shalt  }
0x68: {  	_ =	shalt  }
0x69: {  	_ =	shalt  }
0x6a: {  	_ =	shalt  }
0x6b: {  	_ =	shalt  }
0x6c: {  	_ =	shalt  }
0x6d: {  	_ =	shalt  }
0x6e: {  	_ =	shalt  }
0x6f: {  	_ =	shalt  }
0x70: {  	_ =	shalt  }
0x71: {  	_ =	shalt  }
0x72: {  	_ =	shalt  }
0x73: {  	_ =	shalt  }
0x74: {  	_ =	shalt  }
0x75: {  	_ =	shalt  }
0x76: {  	_ =	shalt  }
0x77: {  	_ =	shalt  }
0x78: {  	_ =	shalt  }
0x79: {  	_ =	shalt  }
0x7a: {  	_ =	shalt  }
0x7b: {  	_ =	shalt  }
0x7c: {  	_ =	shalt  }
0x7d: {  	_ =	shalt  }
0x7e: {  	_ =	shalt  }
0x7f: {  	_ =	shalt  }
0x80: {  	_ =	shalt  }
0x81: {  	_ =	shalt  }
0x82: {  	_ =	shalt  }
0x83: {  	_ =	shalt  }
0x84: {  	_ =	shalt  }
0x85: {  	_ =	shalt  }
0x86: {  	_ =	shalt  }
0x87: {  	_ =	shalt  }
.Lfunc_end0:
.L_simem_size_0:
called_computation_lowered:
.L_overlay_start_0:
0x88: {  	s2 =	sld [smem:$0x3FD9]  }
0x89: {  	s3 =	sld [smem:$0x3FFE];
	_ =	sdelay $0x1  }
0x8a: {  	s1 =	srdreg.scid  }
0x8b: {  	s0 =	sand.u32 $0x1, s1  }
0x8c: {  	s17 =	sshll.u32 s0, $0xA;
	s2 =	sadd.s32 s3, s2  }
0x8d: {  	s2 =	sadd.s32 s2, s17  }
0x8e: {  	[smem:$0x3FC2] =	sst s2  }
0x8f: {  	_ = 	snop  }
0x90: {  	s2 =	sld [smem:$0x3FD0];
	(tm) =	ssettm $0x1  }
0x91: {  	s18 =	sld [smem:$0x3FFB];
	_ =	sdelay $0x3  }
0x92: {  	_ =	strace s18  }
0x93: {  	s3 =	sld [smem:$0x3FFC];
	_ =	sdelay $0x3  }
0x94: {  	_ =	strace s3  }
0x95: {  	s3 =	sld [smem:$0x3FFD];
	_ =	sdelay $0x3  }
0x96: {  	_ =	strace s3  }
0x97: {  	_ =	strace $0x8FFFFFFF  }
0x98: {  	s19 =	sld [smem:$0x3FDB];
	_ =	sdelay $0x1  }
0x99: {  	s4 =	simm.s32 $_scs_section_size  }
0x9a: {  	s5 =	simm.s32 $_size__tile_overlayer_lowered;
	s6 =	simm.s32 $_tile_overlayer_lowered  }
0x9b: {  	s22 =	simm.s32 $0x1BFF;
	s21 =	sshll.u32 s6, $0x1;
	s3 =	sadd.s32 s4, s19  }
0x9c: {  	s7 =	simm.s32 $0x0;
	s20 =	sshll.u32 s5, $0x1;
	s5 =	sadd.s32 s21, s3  }
0x9d: {  	[timem:s7], [sflag:s22] =	dma.local [hbm:s5], s20  }
0x9e: {  	_ =	swait.ge [sflag:s22], s20  }
0x9f: {  	s4 =	ssub.s32 $0x0, s20;
	[sflag:s22] =	ssyncset.done $0x0  }
0xa0: {  	[sflag:s22] =	ssyncadd.s32 s4;
	_ =	sdelay $0x1  }
0xa1: {  	s23 =	simm.s32 $0x1B8B  }
0xa2: {  	_ =	swait.ge [sflag:s23], $0x1  }
0xa3: {  	[sflag:s23] =	ssyncset.done $0x0  }
0xa4: {  	s25 =	simm.s32 $0x1B8E;
	s24 =	sld [smem:$0x3FFE];
	[sflag:s23] =	ssyncadd.s32 $0xFFFFFFFF  }
0xa5: {  	s26 =	simm.s32 $execute0_lowered;
	[smem:$0x3FD2] =	sst s25  }
0xa6: {  	s5 =	sshll.u32 s26, $0x1;
	_ =	strace $0x80000046;
	[dreg:$0x1] =	wrdreg $0xFFFFFFFF  }
0xa7: {  	s28 =	simm.s32 $_size_execute0_lowered;
	s3 =	sadd.s32 s3, s5;
	[dreg:$0x0] =	wrdreg $0x0  }
0xa8: {  	s5 =	sshll.u32 s28, $0x1;
	[dreg:$0x2] =	wrdreg s3  }
0xa9: {  	[dreg:$0x3] =	wrdreg s5  }
0xaa: {  	[dreg:$0x4] =	wrdreg $0xC0  }
0xab: {  	_ =	task [dreg:s7], $0x5FFFF  }
0xac: {  	[dreg:$0x1] =	wrdreg $0xFFFFFFFF  }
0xad: {  	[dreg:$0x0] =	wrdreg $0x60  }
0xae: {  	[dreg:$0x2] =	wrdreg s2  }
0xaf: {  	[dreg:$0x3] =	wrdreg s24  }
0xb0: {  	[dreg:$0x4] =	wrdreg $0xA0A00  }
0xb1: {  	[dreg:$0x5] =	wrdreg $0x9  }
0xb2: {  	_ =	task.clear_ibuf [dreg:s7], $0x6FFFF;
	_ =	strace $0x90000046  }
0xb3: {  	s29 =	simm.s32 $0x9;
	_ =	strace $0x80000048  }
0xb4: {  	_ =	swait.ge [sflag:s29], $0x1  }
0xb5: {  	[sflag:s29] =	ssyncadd.s32 $0xFFFFFFFF  }
0xb6: {  	_ =	strace $0x90000048  }
0xb7: {  	_ =	sfence  }
0xb8: {  	s30 =	sld [smem:$0x0];
	_ =	sdelay $0x2  }
0xb9: {  	s31 =	sshll.u32 s1, $0xD;
	s1 =	sshrl.u32 s1, $0x2  }
0xba: {  	s3 =	sand.u32 $0x4000, s31;
	s1 =	sadd.s32 s1, s30  }
0xbb: {  	s0 =	sor.u32 s3, s0;
	s1 =	sshll.u32 s1, $0x11  }
0xbc: {  	s0 =	sor.u32 s1, s0  }
0xbd: {  	s0 =	sadd.s32 $0x8F2B, s0  }
0xbe: {  	[sflag:s0] =	ssyncadd.remote.s32 $0x1  }
0xbf: {  	_ =	sfence.sel $0xFFFF  }
0xc0: {  	[dreg:$0x0] =	wrdreg $0xFFFFFFFF;
	(pc) =	sbr.abs _section_cstart, $3  }
0xc1: {  	[dreg:$0x1] =	wrdreg $0xFFFFFFFF  }
0xc2: {  	_ =	task.clear_ibuf [dreg:s7], $0x2FFFF;
	_ =	strace $0x9FFFFFFF  }
0xc3: {  	(tm) =	ssettm $0x7FFFFFFF  }
tec
execute0_lowered:
.L_overlay_start_1:
0x0: {  	(tag) =	ssettag $0x1  }
0x1: {  	s1 =	rddreg [dreg:$0x0]  }
0x2: {  	s0 =	rddreg [dreg:$0x1]  }
0x3: {  	s3 =	rddreg [dreg:$0x2]  }
0x4: {  	s2 =	srdreg.scid;
	s9 =	stileid.u32;
	s10 =	simm.s32 $0x0  }
0x5: {  	s13 =	simm.s32 $0x7;
	s14 =	simm.s32 $0x7D0;
	s15 =	simm.s32 $0x50  }
0x6: {  	s16 =	simm.s32 $0xFA0;
	s17 =	simm.s32 $0x41A0;
	s19 =	simm.s32 $0x28A0  }
0x7: {  	s20 =	simm.s32 $0x46A0;
	s21 =	simm.s32 $0x1;
	s22 =	simm.s32 $0x3  }
0x8: {  	s28 =	simm.s32 $0x5;
	s30 =	simm.s32 $0x6;
	s2 =	sand.u32 $0x1, s2  }
0x9: {  	s4 =	smul.u32 $0x14FC0, s9;
	[smem:$0x7FF] =	sst s10;
	s5 =	sadd.s32 $0x1800, s0  }
0xa: {  	v0 =	vimm.s32 $0xE40000;
	s7 =	sadd.s32 $0x6800, s0;
	s23 =	sadd.s32 $0x1A200, s0;
	s29 =	sshll.u32 s9, $0x6  }
0xb: {  	v0 =	vunpack.c.l.s2.s4 v0;
	s6 =	smul.u32 $0x14FC00, s2;
	_ =	strace $0x80000047;
	[dreg:$0x5] =	wrdreg s7  }
0xc: {  	[dreg:$0x6] =	wrdreg s23;
	s24 =	ssub.s32 $0x2, s2;
	s2 =	sshll.u32 s2, $0x4  }
0xd: {  	s8 =	sshrl.u32 s24, $0x1;
	s2 =	sor.u32 s9, s2;
	s26 =	sadd.s32 s4, s3;
	v0 =	vunpack.c.l.s4.s8 v0  }
0xe: {  	s6 =	sadd.s32 s4, s6;
	s2 =	smul.u32 $0x7D, s2;
	s4 =	sor.u32 $0x1C07, s29  }
0xf: {  	v1 =	vimm.s32 $0x7060504;
	s23 =	simm.s32 $0x4BA0;
	s25 =	ssub.s32 s24, s8;
	v0 =	vunpack.c.0.s8.s32 v0;
	[dreg:$0x8] =	wrdreg s4  }
0x10: {  	v1 =	vunpack.c.0.s8.s32 v1;
	s6 =	sshrl.u32 s6, $0x3;
	s31 =	smax.u32 s25, $0x1;
	[dreg:$0x7] =	wrdreg s2  }
0x11: {  	vm0 =	vcmask $0x3F30;
	s0 =	sadd.s32 s6, s0;
	[dreg:$0xa] =	wrdreg s31;
	s2 =	sshrl.u32 s26, $0x3;
	v0 =	vand.u32 $0x3, v0  }
0x12: {  	v62 =	vimm.s32 $0x0;
	v53 =	vimm.s32 $0x2;
	s24 =	simm.s32 $0x2;
	s0 =	sadd.s32 $0x1CC00, s0;
	[dreg:$0xb] =	wrdreg s2;
	v63 =	vsel vm0, v1, v0  }
0x13: {  	v17 =	vimm.s32 $0x4;
	v59 =	vimm.s32 $0x6;
	v57 =	vimm.s32 $0x7;
	s25 =	simm.s32 $0x4;
	s26 =	simm.s32 $0x7620;
	[dreg:$0x9] =	wrdreg s0;
	[tilespmem:$0x1FFF0] =	vst v63  }
.LBB2_1:
0x14: {  	[dreg:$0x4] =	wrdreg s10  }
0x15: {  	s0 =	rddreg [dreg:$0x6]  }
0x16: {  	[spmem:s2], [sflag:s4] =	dma.local [hbm:s0], $0x29F8  }
0x17: {  	_ =	swait.ge [sflag:s13], $0x29F8  }
0x18: {  	[sflag:s13] =	ssyncset.done $0x0  }
0x19: {  	[sflag:s13] =	ssyncadd.s32 $0xFFFFD608  }
0x1a: {  	s31 =	simm.s32 $0x0;
	[bflag:$0x0] =	sbarrier.arrive $0xFFFF  }
.LBB2_2:
0x1b: {  	s0 =	smul.u32 $0x19, s31  }
0x1c: {  	s2 =	rddreg [dreg:$0x7]  }
0x1d: {  	s0 =	sadd.s32 s2, s0  }
0x1e: {  	s0 =	smul.u32 $0x50, s0;
	_ =	sdelay $0x1  }
0x1f: {  	s18 =	rddreg [dreg:$0x5];
	s0 =	sshrl.u32 s0, $0x3  }
0x20: {  	s2 =	sadd.s32 s18, s0;
	s0 =	simm.s32 $0x0  }
0x21: {  	[tilespmem:s0], [sflag:$0x7] =	stream.linear.gather [hbm4b:s2+s0], $0x7D0, $0x38;
	[tilespmem:$0x1F060] =	vst v63  }
0x22: {  	_ =	swait.ge [sflag:s13], $0x7D0  }
0x23: {  	[sflag:s13] =	ssyncset.done $0x0  }
0x24: {  	s2 =	sadd.s32 $0x9C40, s2;
	[sflag:s13] =	ssyncadd.s32 $0xFFFFF830  }
0x25: {  	[tilespmem:s14], [sflag:$0x7] =	stream.linear.gather [hbm4b:s2+s0], $0x7D0, $0x38;
	[tilespmem:$0x1F060] =	vst v63  }
0x26: {  	_ =	swait.ge [sflag:s13], $0x7D0  }
0x27: {  	[sflag:s13] =	ssyncset.done $0x0  }
0x28: {  	[sflag:s13] =	ssyncadd.s32 $0xFFFFF830  }
0x29: {  	[tilespmem:s16], [sflag:$0x1] =	stream.indirect.gather [hbm4b:s1+s15], $0x50, s14, s15, $0xb8;
	[tilespmem:$0x1F060] =	vst v63  }
0x2a: {  	_ = 	snop  }
0x2b: {  	[tilespmem:s17], [sflag:$0x3] =	stream.indirect.gather [hbm4b:s5+s15], $0x10, s0, s15, $0xb8;
	[tilespmem:$0x1F060] =	vst v63  }
0x2c: {  	s29 =	simm.s32 $0x820  }
0x2d: {  	[tilespmem:s19], [sflag:$0x2] =	stream.indirect.gather [hbm4b:s1+s15], $0x50, s29, s15, $0xb8;
	[tilespmem:$0x1F060] =	vst v63  }
0x2e: {  	_ = 	snop  }
0x2f: {  	[tilespmem:s20], [sflag:$0x4] =	stream.indirect.gather [hbm4b:s5+s15], $0x10, s15, s15, $0xb8;
	[tilespmem:$0x1F060] =	vst v63  }
.LBB2_3:
0x30: {  	_ =	swait.ge [sflag:s21], $0x1900  }
0x31: {  	[sflag:s21] =	ssyncset.done $0x0  }
0x32: {  	[sflag:s21] =	ssyncadd.s32 $0xFFFFE700  }
0x33: {  	_ =	swait.ge [sflag:s22], $0x500  }
0x34: {  	p0 =	seq.s32 s0, $0x0;
	[sflag:s22] =	ssyncset.done $0x0  }
0x35: {  	s2 =	simm.s32 @!p0 $0x5;
	[sflag:s22] =	ssyncadd.s32 $0xFFFFFB00  }
0x36: {  	_ =	swait.ge @!p0 [sflag:s2], $0x2A80  }
0x37: {  	[sflag:s2] =	ssyncset.done @!p0 $0x0  }
0x38: {  	s9 =	simm.s32 $0x1040;
	[sflag:s2] =	ssyncadd.s32 @!p0 $0xFFFFD580  }
0x39: {  	s18 =	simm.s32 $0x41C0;
	v10 =	vld [tilespmem:s9+$0x40]  }
0x3a: {  	v11 =	vld [tilespmem:s18+$0x0]  }
0x3b: {  	v13 =	vld [tilespmem:s9+$0x90]  }
0x3c: {  	v12 =	vld [tilespmem:s18+$0x10];
	_ =	sdelay $0x1  }
0x3d: {  	v10 =	vunpack.i.l.bf16.f32 v10  }
0x3e: {  	v9 =	vld [tilespmem:s9+$0xFFFFFFF0];
	v10 =	vadd.f32 v10, v11  }
0x3f: {  	v14 =	vld [tilespmem:s9+$0xFFFFFFA0];
	v11 =	vunpack.i.l.bf16.f32 v13  }
0x40: {  	v15 =	vld [tilespmem:s18+$0xFFFFFFE0];
	v11 =	vadd.f32 v11, v12;
	v13 =	vmul.f32 $2.000000030e-01, v10  }
0x41: {  	v16 =	vld [tilespmem:s18+$0xFFFFFFF0]  }
0x42: {  	v10 =	vmax.f32 v10, v13;
	v13 =	vmul.f32 $2.000000030e-01, v11  }
0x43: {  	v10 =	vsub.f32 $0.0e+00, v10  }
0x44: {  	v14 =	vunpack.i.l.bf16.f32 v14;
	v11 =	vmax.f32 v11, v13  }
0x45: {  	v9 =	vunpack.i.l.bf16.f32 v9;
	v10 =	vmul.f32 $1.442695020e+00, v10;
	v11 =	vsub.f32 $0.0e+00, v11  }
0x46: {  	v9 =	vadd.f32 v9, v16;
	v12 =	vadd.f32 v14, v15  }
0x47: {  	(erf) = vpow2.f32 v10;
	v10 =	vmul.f32 $1.442695020e+00, v11  }
0x48: {  	v15 =	vmul.f32 $2.000000030e-01, v9;
	v14 =	vmul.f32 $2.000000030e-01, v12  }
0x49: {  	(erf) = vpow2.f32 v10  }
0x4a: {  	v9 =	vmax.f32 v9, v15;
	v12 =	vmax.f32 v12, v14  }
0x4b: {  	v9 =	vsub.f32 $0.0e+00, v9;
	v12 =	vsub.f32 $0.0e+00, v12;
	_ =	sdelay $0x1  }
0x4c: {  	v9 =	vmul.f32 $1.442695020e+00, v9;
	v11 =	vmul.f32 $1.442695020e+00, v12;
	_ =	sdelay $0x1  }
0x4d: {  	(erf) = vpow2.f32 v11;
	_ =	sdelay $0x1  }
0x4e: {  	(erf) = vpow2.f32 v9;
	v9 =	vpop (erf)  }
0x4f: {  	v36 =	vpop (erf)  }
0x50: {  	v0 =	vperm.xlane v36, v17  }
0x51: {  	v43 =	vperm.xlane v36, v57  }
0x52: {  	v34 =	vperm.xlane v9, v59;
	v44 =	vperm.xlane v36, v59;
	[tilespmem:$0x1FF50] =	vst v0  }
0x53: {  	v2 =	vimm.s32 $0x5;
	s2 =	simm.s32 $0x1180;
	v28 =	vperm.xlane v9, v57;
	v13 =	vperm.xlane v9, v63;
	[tilespmem:$0x1FF60] =	vst v43  }
0x54: {  	s11 =	simm.s32 $0x4CB0;
	v12 =	vimm.s32 $0x1;
	v10 =	vperm.xlane v9, v17;
	v45 =	vperm.xlane v36, v2;
	v16 =	vld [tilespmem:s2+$0xFFFFFFF0];
	[tilespmem:$0x1FF70] =	vst v44  }
0x55: {  	v21 =	vperm.xlane v9, v62;
	v39 =	vperm.xlane v9, v12;
	v14 =	vpop (erf);
	[tilespmem:s11+$0x70] =	vst v13  }
0x56: {  	v33 =	vperm.xlane v36, v53;
	v46 =	vperm.xlane v14, v59;
	v22 =	vld [tilespmem:s2+$0x40];
	[tilespmem:$0x1FF80] =	vst v45  }
0x57: {  	s4 =	simm.s32 $0x4200;
	v11 =	vimm.s32 $0x3;
	v35 =	vperm.xlane v36, v62;
	v15 =	vperm.xlane v14, v63;
	v24 =	vld [tilespmem:s9+$0x0]  }
0x58: {  	v3 =	vperm.xlane v36, v11;
	v47 =	vperm.xlane v14, v57;
	v25 =	vld [tilespmem:s4+$0x0];
	[tilespmem:$0x1FF90] =	vst v46  }
0x59: {  	v19 =	vpop (erf);
	v27 =	vperm.xlane v14, v62;
	v31 =	vperm.xlane v14, v17;
	[tilespmem:s11+$0xFFFFFF60] =	vst v15;
	v26 =	vld [tilespmem:s4+$0x10]  }
0x5a: {  	v23 =	vperm.xlane v19, v63;
	v29 =	vperm.xlane v19, v59;
	v30 =	vld [tilespmem:s9+$0xFFFFFF60];
	[tilespmem:$0x1FFA0] =	vst v47  }
0x5b: {  	v32 =	vperm.xlane v19, v57;
	v38 =	vperm.xlane v19, v2;
	v37 =	vld [tilespmem:s2+$0x90]  }
0x5c: {  	v41 =	vperm.xlane v19, v17;
	v54 =	vperm.xlane v19, v62;
	v43 =	vld [tilespmem:s4+$0xFFFFFFF0]  }
0x5d: {  	v13 =	vperm.xlane v9, v2;
	v40 =	vld [tilespmem:s2+$0xFFFFFFA0];
	v22 =	vunpack.i.l.bf16.f32 v22;
	v42 =	vunpack.i.u.bf16.f32 v24  }
0x5e: {  	v48 =	vld [tilespmem:s4+$0xFFFFFFE0];
	v22 =	vadd.f32 v22, v25;
	v24 =	vunpack.i.l.bf16.f32 v24;
	v25 =	vmul.f32 v39, v42  }
0x5f: {  	v45 =	vperm.xlane v19, v12;
	[tilespmem:s11+$0xFFFFFFE8] =	vst v23;
	v21 =	vmul.f32 v21, v24  }
0x60: {  	v16 =	vunpack.i.l.bf16.f32 v16;
	v23 =	vperm.xlane v9, v11;
	v49 =	vmul.f32 $2.000000030e-01, v22;
	[tilespmem:s11+$0x10] =	vst v25  }
0x61: {  	v9 =	vperm.xlane v9, v53;
	v25 =	vld [tilespmem:s9+$0xFFFFFFB0];
	v37 =	vunpack.i.l.bf16.f32 v37;
	[tilespmem:s11+$0x0] =	vst v21;
	v16 =	vadd.f32 v16, v43  }
0x62: {  	v50 =	vunpack.i.l.bf16.f32 v40;
	v21 =	vmax.f32 v22, v49;
	v22 =	vadd.f32 v37, v26;
	v26 =	vld [tilespmem:s9+$0x10]  }
0x63: {  	v37 =	vadd.f32 v50, v48;
	v21 =	vsub.f32 $0.0e+00, v21;
	v43 =	vmul.f32 $2.000000030e-01, v16  }
0x64: {  	v24 =	vperm.xlane v14, v12;
	v51 =	vmul.f32 $2.000000030e-01, v22  }
0x65: {  	v46 =	vmul.f32 $2.000000030e-01, v37;
	v21 =	vmul.f32 $1.442695020e+00, v21;
	v16 =	vmax.f32 v16, v43  }
0x66: {  	v43 =	vperm.xlane v14, v53;
	v52 =	vunpack.i.l.bf16.f32 v25;
	v25 =	vunpack.i.u.bf16.f32 v25  }
0x67: {  	v47 =	vunpack.i.l.bf16.f32 v26;
	(erf) = vpow2.f32 v21;
	v21 =	vmax.f32 v22, v51  }
0x68: {  	v22 =	vmul.f32 v45, v25;
	v25 =	vmax.f32 v37, v46;
	v21 =	vsub.f32 $0.0e+00, v21  }
0x69: {  	v26 =	vunpack.i.u.bf16.f32 v26;
	v55 =	vmul.f32 v54, v52;
	v25 =	vsub.f32 $0.0e+00, v25  }
0x6a: {  	v23 =	vmul.f32 v23, v26;
	[tilespmem:s11+$0xFFFFFF88] =	vst v22;
	v21 =	vmul.f32 $1.442695020e+00, v21  }
0x6b: {  	v16 =	vsub.f32 $0.0e+00, v16;
	v37 =	vperm.xlane v14, v2;
	[tilespmem:s11+$0xFFFFFF78] =	vst v55;
	v22 =	vmul.f32 $1.442695020e+00, v25  }
0x6c: {  	v9 =	vmul.f32 v9, v47;
	[tilespmem:s11+$0x30] =	vst v23;
	v23 =	vld [tilespmem:s9+$0xFFFFFFC0];
	(erf) = vpow2.f32 v21  }
0x6d: {  	v16 =	vmul.f32 $1.442695020e+00, v16;
	(erf) = vpow2.f32 v22  }
0x6e: {  	v44 =	vunpack.i.l.bf16.f32 v30;
	v47 =	vperm.xlane v36, v12;
	v36 =	vperm.xlane v36, v63;
	[tilespmem:s11+$0x20] =	vst v9  }
0x6f: {  	v25 =	vmul.f32 v27, v44;
	v9 =	vperm.xlane v19, v11;
	v21 =	vld [tilespmem:s9+$0x20]  }
0x70: {  	v44 =	vperm.xlane v14, v11;
	v22 =	vunpack.i.u.bf16.f32 v30;
	(erf) = vpow2.f32 v16;
	v45 =	vpop (erf)  }
0x71: {  	v16 =	vperm.xlane v19, v53;
	v19 =	vunpack.i.u.bf16.f32 v23;
	v56 =	vperm.xlane v45, v59  }
0x72: {  	v14 =	vmul.f32 v24, v22;
	v23 =	vunpack.i.l.bf16.f32 v23;
	v9 =	vmul.f32 v9, v19  }
0x73: {  	v16 =	vmul.f32 v16, v23;
	v22 =	vperm.xlane v45, v57;
	[tilespmem:$0x1FFB0] =	vst v56  }
0x74: {  	s7 =	simm.s32 $0x12C0;
	v39 =	vperm.xlane v45, v17;
	v26 =	vperm.xlane v45, v63;
	v19 =	vunpack.i.l.bf16.f32 v21;
	[tilespmem:s11+$0xFFFFFEF0] =	vst v25  }
0x75: {  	v21 =	vunpack.i.u.bf16.f32 v21;
	v51 =	vperm.xlane v45, v62;
	v42 =	vperm.xlane v45, v2;
	[tilespmem:s11+$0xFFFFFF00] =	vst v14;
	v49 =	vld [tilespmem:s7+$0xFFFFFFF0];
	v30 =	vpop (erf)  }
0x76: {  	s10 =	simm.s32 $0x4ED0;
	s29 =	simm.s32 $0x4240;
	v19 =	vmul.f32 v10, v19;
	v23 =	vmul.f32 v13, v21;
	[tilespmem:s11+$0xFFFFFFA8] =	vst v9;
	v52 =	vld [tilespmem:s7+$0x40];
	v48 =	vpop (erf)  }
0x77: {  	v54 =	vld [tilespmem:s29+$0x0];
	[tilespmem:s10+$0x70] =	vst v26;
	v40 =	vperm.xlane v30, v53;
	v14 =	vperm.xlane v48, v63  }
0x78: {  	[tilespmem:s11+$0xFFFFFF98] =	vst v16;
	v46 =	vld [tilespmem:s9+$0xFFFFFF70];
	v13 =	vperm.xlane v30, v17;
	v1 =	vperm.xlane v30, v2  }
0x79: {  	v55 =	vld [tilespmem:s2+$0x0];
	v20 =	vperm.xlane v30, v57;
	v58 =	vperm.xlane v48, v59;
	[tilespmem:s10+$0xFFFFFF60] =	vst v14  }
0x7a: {  	v60 =	vimm.s32 $0x7;
	v56 =	vld [tilespmem:s9+$0xFFFFFFD0];
	v18 =	vperm.xlane v30, v59;
	v27 =	vperm.xlane v30, v62;
	v50 =	vpop (erf);
	[tilespmem:$0x1FFC0] =	vst v1  }
0x7b: {  	v21 =	vperm.xlane v48, v60;
	v4 =	vperm.xlane v50, v60;
	[tilespmem:$0x1FFD0] =	vst v58  }
0x7c: {  	v25 =	vperm.xlane v48, v17;
	v53 =	vperm.xlane v50, v63;
	[tilespmem:s11+$0x50] =	vst v23  }
0x7d: {  	v0 =	vimm.s32 $0x2;
	v26 =	vperm.xlane v50, v59;
	v60 =	vperm.xlane v45, v12;
	v58 =	vld [tilespmem:s2+$0xFFFFFF60];
	[tilespmem:$0x1FFE0] =	vst v4  }
0x7e: {  	v52 =	vunpack.i.l.bf16.f32 v52;
	v61 =	vunpack.i.u.bf16.f32 v46;
	v7 =	vunpack.i.u.bf16.f32 v55;
	v57 =	vld [tilespmem:s7+$0xFFFFFFA0]  }
0x7f: {  	v52 =	vadd.f32 v52, v54;
	v55 =	vunpack.i.l.bf16.f32 v55;
	v44 =	vmul.f32 v44, v61;
	v61 =	vld [tilespmem:s29+$0xFFFFFFF0]  }
0x80: {  	v49 =	vunpack.i.l.bf16.f32 v49;
	v1 =	vmul.f32 v60, v7;
	v51 =	vmul.f32 v51, v55;
	[tilespmem:s11+$0x40] =	vst v19;
	v60 =	vld [tilespmem:s29+$0xFFFFFFE0]  }
0x81: {  	v23 =	vunpack.i.l.bf16.f32 v46;
	v46 =	vperm.xlane v48, v62;
	v7 =	vmul.f32 $2.000000030e-01, v52;
	[tilespmem:s10+$0xFFFFFFE8] =	vst v53;
	v5 =	vld [tilespmem:s7+$0x90]  }
0x82: {  	v62 =	vimm.s32 $0x0;
	v43 =	vmul.f32 v43, v23;
	v4 =	vunpack.i.u.bf16.f32 v56;
	[tilespmem:s10+$0x0] =	vst v51;
	v59 =	vld [tilespmem:s9+$0x30]  }
0x83: {  	v56 =	vunpack.i.l.bf16.f32 v56;
	v38 =	vmul.f32 v38, v4;
	[tilespmem:s11+$0xF8] =	vst v36;
	v54 =	vld [tilespmem:s2+$0xFFFFFFB0];
	v51 =	vmax.f32 v52, v7  }
0x84: {  	v41 =	vmul.f32 v41, v56;
	v56 =	vld [tilespmem:s29+$0x10];
	v4 =	vperm.xlane v50, v12;
	[tilespmem:s11+$0xFFFFFF10] =	vst v43;
	v51 =	vsub.f32 $0.0e+00, v51  }
0x85: {  	v55 =	vld [tilespmem:s9+$0x50];
	v43 =	vperm.xlane v48, v12;
	[tilespmem:s11+$0xFFFFFFC8] =	vst v38;
	v38 =	vperm.xlane v48, v0;
	v6 =	vunpack.i.l.bf16.f32 v58  }
0x86: {  	[tilespmem:s10+$0x10] =	vst v1;
	v46 =	vmul.f32 v46, v6;
	v51 =	vmul.f32 $1.442695020e+00, v51;
	v1 =	vunpack.i.l.bf16.f32 v57  }
0x87: {  	v49 =	vadd.f32 v49, v61;
	v5 =	vunpack.i.l.bf16.f32 v5;
	v53 =	vadd.f32 v1, v60  }
0x88: {  	v57 =	vld [tilespmem:s2+$0x10];
	v6 =	vunpack.i.l.bf16.f32 v59;
	v1 =	vunpack.i.u.bf16.f32 v54;
	(erf) = vpow2.f32 v51  }
0x89: {  	v36 =	vadd.f32 v5, v56;
	v34 =	vmul.f32 v34, v6;
	v7 =	vmul.f32 $2.000000030e-01, v49  }
0x8a: {  	v61 =	vunpack.i.l.bf16.f32 v55;
	v56 =	vmul.f32 v4, v1;
	v4 =	vperm.xlane v45, v11  }
0x8b: {  	v54 =	vunpack.i.l.bf16.f32 v54;
	v51 =	vmul.f32 v35, v61;
	v35 =	vperm.xlane v50, v2  }
0x8c: {  	[tilespmem:s11+$0xFFFFFFB8] =	vst v41;
	v6 =	vmul.f32 $2.000000030e-01, v36;
	v1 =	vmul.f32 $2.000000030e-01, v53;
	v49 =	vmax.f32 v49, v7  }
0x8d: {  	v7 =	vperm.xlane v50, v62;
	[tilespmem:s11+$0x60] =	vst v34;
	v34 =	vperm.xlane v30, v11;
	v5 =	vunpack.i.u.bf16.f32 v57  }
0x8e: {  	v61 =	vld [tilespmem:s9+$0xFFFFFFE0];
	v60 =	vmax.f32 v36, v6;
	v41 =	vmax.f32 v53, v1;
	v36 =	vperm.xlane v50, v17  }
0x8f: {  	v6 =	vperm.xlane v45, v0;
	v45 =	vperm.xlane v50, v11;
	v53 =	vimm.s32 $0x2  }
0x90: {  	[tilespmem:s11+$0xFFFFFF20] =	vst v44;
	v52 =	vmul.f32 v4, v5;
	v54 =	vmul.f32 v7, v54;
	v4 =	vunpack.i.u.bf16.f32 v55  }
0x91: {  	[tilespmem:s10+$0xFFFFFEF0] =	vst v46;
	v5 =	vunpack.i.u.bf16.f32 v58;
	v7 =	vunpack.i.l.bf16.f32 v57;
	v60 =	vsub.f32 $0.0e+00, v60  }
0x92: {  	[tilespmem:s10+$0xFFFFFF88] =	vst v56;
	v1 =	vsub.f32 $0.0e+00, v41;
	v41 =	vperm.xlane v48, v11;
	v44 =	vmul.f32 v47, v4  }
0x93: {  	[tilespmem:s11+$0x88] =	vst v51;
	v55 =	vld [tilespmem:s9+$0xFFFFFF80];
	v46 =	vmul.f32 v6, v7;
	v43 =	vmul.f32 v43, v5;
	v5 =	vunpack.i.u.bf16.f32 v61  }
0x94: {  	v6 =	vsub.f32 $0.0e+00, v49;
	[tilespmem:s10+$0x30] =	vst v52;
	v4 =	vmul.f32 $1.442695020e+00, v60;
	v47 =	vmul.f32 v32, v5  }
0x95: {  	[tilespmem:s10+$0xFFFFFF78] =	vst v54;
	v7 =	vmul.f32 $1.442695020e+00, v1;
	v60 =	vunpack.i.u.bf16.f32 v59;
	v32 =	vperm.xlane v48, v2  }
0x96: {  	v59 =	vimm.s32 $0x6;
	v2 =	vperm.xlane v50, v53;
	v49 =	vld [tilespmem:s2+$0xFFFFFFC0];
	[tilespmem:s11+$0x98] =	vst v44;
	v0 =	vmul.f32 $1.442695020e+00, v6  }
0x97: {  	v5 =	vunpack.i.l.bf16.f32 v61;
	[tilespmem:s10+$0x20] =	vst v46;
	v28 =	vmul.f32 v28, v60;
	(erf) = vpow2.f32 v4;
	v46 =	vld [tilespmem:s9+$0x60]  }
0x98: {  	v50 =	vmul.f32 v29, v5;
	v4 =	vld [tilespmem:s2+$0x20];
	v1 =	vunpack.i.u.bf16.f32 v55;
	(erf) = vpow2.f32 v7  }
0x99: {  	[tilespmem:s10+$0xFFFFFF00] =	vst v43;
	v6 =	vunpack.i.l.bf16.f32 v55;
	v44 =	vmul.f32 v37, v1;
	(erf) = vpow2.f32 v0;
	v37 =	vpop (erf)  }
0x9a: {  	v57 =	vimm.s32 $0x7;
	v7 =	vld [tilespmem:s2+$0xFFFFFF70];
	[tilespmem:s11+$0x70] =	vst v28;
	v43 =	vmul.f32 v31, v6;
	v31 =	vperm.xlane v37, v59  }
0x9b: {  	v28 =	vperm.xlane v37, v57;
	v29 =	vunpack.i.u.bf16.f32 v49;
	[tilespmem:s11+$0xFFFFFF40] =	vst v44;
	v44 =	vperm.xlane v37, v63  }
0x9c: {  	[tilespmem:s11+$0xFFFFFFE8] =	vst v47;
	v54 =	vunpack.i.l.bf16.f32 v49;
	v45 =	vmul.f32 v45, v29;
	v29 =	vperm.xlane v37, v17  }
0x9d: {  	[tilespmem:s11+$0xFFFFFFD8] =	vst v50;
	v47 =	vmul.f32 v2, v54;
	v55 =	vunpack.i.u.bf16.f32 v46;
	v58 =	vunpack.i.l.bf16.f32 v4  }
0x9e: {  	[tilespmem:s11+$0xFFFFFF30] =	vst v43;
	v60 =	vunpack.i.u.bf16.f32 v4;
	v61 =	vunpack.i.l.bf16.f32 v46;
	v56 =	vmul.f32 v3, v55  }
0x9f: {  	s12 =	simm.s32 $0x8;
	v43 =	vmul.f32 v39, v58;
	v50 =	vunpack.i.u.bf16.f32 v7;
	v42 =	vmul.f32 v42, v60;
	[tilespmem:s10+$0xFFFFFFA8] =	vst v45  }
0xa0: {  	s6 =	simm.s32 $0x1400;
	s18 =	simm.s32 $0x4280;
	s4 =	simm.s32 $0x50F0;
	v48 =	vld [tilespmem:s9+$0xFFFFFF90];
	v51 =	vunpack.i.l.bf16.f32 v7;
	v39 =	vperm.xlane v30, v12;
	v45 =	vmul.f32 v33, v61;
	[tilespmem:s11+$0xB8] =	vst v56;
	v33 =	vpop (erf)  }
.LBB2_4:
0xa1: {  	v54 =	vld [tilespmem:s6+$0xFFFFFFF0]  }
0xa2: {  	v38 =	vmul.f32 v38, v51;
	v51 =	vld [tilespmem:$0x1FFC0];
	[tilespmem:s11+$0xA8] =	vst v45  }
0xa3: {  	v0 =	vperm.xlane v33, v53;
	v53 =	vperm.xlane v33, v57;
	v57 =	vld [tilespmem:s9+$0x70];
	v46 =	vpop (erf)  }
0xa4: {  	[tilespmem:s10+$0xFFFFFF98] =	vst v47;
	v41 =	vmul.f32 v41, v50;
	v50 =	vperm.xlane v46, v12;
	v12 =	vld [tilespmem:$0x1FF50]  }
0xa5: {  	v52 =	vperm.xlane v33, v59;
	[tilespmem:s10+$0x50] =	vst v42;
	v59 =	vld [tilespmem:s2+$0xFFFFFFD0]  }
0xa6: {  	v55 =	vperm.xlane v33, v17;
	v9 =	vimm.s32 $0x4;
	v58 =	vperm.xlane v37, v62;
	v60 =	vld [tilespmem:s6+$0x40]  }
0xa7: {  	v17 =	vimm.s32 $0x2;
	v49 =	vperm.xlane v33, v62;
	[tilespmem:$0x1FF40] =	vst v0;
	v62 =	vld [tilespmem:s18+$0x10];
	v56 =	vperm.xlane v46, v63  }
0xa8: {  	v4 =	vimm.s32 $0x7;
	[tilespmem:s10+$0x40] =	vst v43;
	v15 =	vld [tilespmem:s6+$0x90];
	v2 =	vunpack.i.u.bf16.f32 v57;
	v57 =	vunpack.i.l.bf16.f32 v57;
	v45 =	vpop (erf)  }
0xa9: {  	v1 =	vimm.s32 $0x6;
	v61 =	vld [tilespmem:s18+$0x0];
	[tilespmem:s4+$0xFFFFFF60] =	vst v56;
	v6 =	vperm.xlane v45, v63;
	v57 =	vmul.f32 v12, v57  }
0xaa: {  	v19 =	vimm.s32 $0x5;
	[tilespmem:s4+$0x70] =	vst v44;
	v63 =	vperm.xlane v46, v1;
	v43 =	vperm.xlane v45, v1;
	v1 =	vld [tilespmem:s7+$0xFFFFFF60]  }
0xab: {  	v7 =	vimm.s32 $0x0;
	v23 =	vimm.s32 $0x3;
	v42 =	vperm.xlane v37, v19;
	[tilespmem:s11+$0xC8] =	vst v57;
	v57 =	vld [tilespmem:$0x1FF80]  }
0xac: {  	v16 =	vimm.s32 $0x1;
	v3 =	vperm.xlane v46, v7;
	v5 =	vld [tilespmem:s7+$0x0];
	v44 =	vperm.xlane v46, v9;
	[tilespmem:s4+$0xFFFFFFE8] =	vst v6  }
0xad: {  	v14 =	vunpack.i.l.bf16.f32 v54;
	v56 =	vperm.xlane v33, v19;
	v12 =	vmovc v13;
	v6 =	vld [tilespmem:s6+$0xFFFFFFA0];
	[tilespmem:s10+$0xFFFFFF20] =	vst v41;
	v41 =	vunpack.i.l.bf16.f32 v59  }
0xae: {  	v24 =	vmovc v22;
	v8 =	vunpack.i.u.bf16.f32 v59;
	v47 =	vperm.xlane v45, v4;
	[tilespmem:$0x1FF50] =	vst v12;
	v10 =	vld [tilespmem:s18+$0xFFFFFFF0];
	v41 =	vmul.f32 v36, v41  }
0xaf: {  	v22 =	vmovc v55;
	v4 =	vperm.xlane v46, v4;
	v7 =	vperm.xlane v45, v19;
	v55 =	vld [tilespmem:s18+$0xFFFFFFE0];
	[tilespmem:s10+$0xFFFFFF10] =	vst v38;
	v12 =	vunpack.i.l.bf16.f32 v1  }
0xb0: {  	v54 =	vunpack.i.u.bf16.f32 v1;
	[tilespmem:s10+$0xFFFFFFB8] =	vst v41;
	v3 =	vmul.f32 v3, v12;
	v1 =	vmul.f32 v57, v2;
	v57 =	vmovc v51  }
0xb1: {  	v0 =	vperm.xlane v45, v9;
	v13 =	vperm.xlane v45, v16;
	v12 =	vld [tilespmem:$0x1FFF0];
	v51 =	vunpack.i.l.bf16.f32 v60;
	[tilespmem:$0x1FF80] =	vst v57  }
0xb2: {  	v60 =	vperm.xlane v37, v16;
	v16 =	vmul.f32 v35, v8;
	v2 =	vadd.f32 v51, v61;
	v51 =	vld [tilespmem:s2+$0xFFFFFF80];
	[tilespmem:s4+$0xFFFFFEF0] =	vst v3  }
0xb3: {  	v9 =	vperm.xlane v37, v11;
	v11 =	vunpack.i.l.bf16.f32 v48;
	v59 =	vld [tilespmem:s2+$0x30];
	v38 =	vperm.xlane v46, v17;
	[tilespmem:s11+$0xD8] =	vst v1  }
0xb4: {  	v36 =	vmovc v0;
	v6 =	vunpack.i.l.bf16.f32 v6;
	v0 =	vadd.f32 v14, v10;
	v14 =	vld [tilespmem:$0x1FFD0];
	[tilespmem:s10+$0xFFFFFFC8] =	vst v16;
	v57 =	vmovc v56;
	v56 =	vunpack.i.u.bf16.f32 v5  }
0xb5: {  	v8 =	vmovc v21;
	v5 =	vunpack.i.l.bf16.f32 v5;
	v10 =	vmul.f32 $2.000000030e-01, v2;
	[tilespmem:$0x1FFC0] =	vst v57;
	v61 =	vmul.f32 v60, v56;
	v60 =	vld [tilespmem:$0x1FFA0]  }
0xb6: {  	v6 =	vadd.f32 v6, v55;
	v56 =	vunpack.i.u.bf16.f32 v48;
	v5 =	vmul.f32 v58, v5;
	[tilespmem:$0x1FFA0] =	vst v8;
	v8 =	vld [tilespmem:$0x1FF90];
	v16 =	vmovc v63  }
0xb7: {  	v48 =	vld [tilespmem:s9+$0x80];
	v12 =	vperm.xlane v30, v12;
	v2 =	vmax.f32 v2, v10;
	v10 =	vunpack.i.l.bf16.f32 v15;
	[tilespmem:$0x1FFD0] =	vst v16  }
0xb8: {  	v3 =	vperm.xlane v45, v23;
	v16 =	vld [tilespmem:$0x1FF70];
	[tilespmem:s4+$0x0] =	vst v5;
	v10 =	vadd.f32 v10, v62;
	v2 =	vsub.f32 $0.0e+00, v2  }
0xb9: {  	v35 =	vmovc v7;
	v55 =	vperm.xlane v46, v19;
	v57 =	vimm.s32 $0x7;
	v5 =	vperm.xlane v37, v17;
	[tilespmem:s10+$0xF8] =	vst v12;
	v12 =	vld [tilespmem:$0x1FF60]  }
0xba: {  	v21 =	vmovc v4;
	s9 =	smov.u32 s2;
	s2 =	smov.u32 s7;
	v30 =	vunpack.i.l.bf16.f32 v59;
	v15 =	vmovc v20;
	[tilespmem:s4+$0x10] =	vst v61;
	v4 =	vmul.f32 $2.000000030e-01, v10;
	v2 =	vmul.f32 $1.442695020e+00, v2  }
0xbb: {  	v20 =	vmovc v53;
	v53 =	vimm.s32 $0x2;
	[tilespmem:$0x1FF60] =	vst v15;
	v61 =	vmovc v14;
	v14 =	vld [tilespmem:s2+$0x10];
	v7 =	vmul.f32 v60, v56;
	v8 =	vmul.f32 v8, v11  }
0xbc: {  	v11 =	vld [tilespmem:s2+$0xFFFFFFB0];
	[tilespmem:$0x1FF90] =	vst v61;
	v41 =	vunpack.i.u.bf16.f32 v48;
	v60 =	vmul.f32 $2.000000030e-01, v0;
	(erf) = vpow2.f32 v2  }
0xbd: {  	v37 =	vld [tilespmem:s9+$0x50];
	v4 =	vmax.f32 v10, v4;
	v10 =	vperm.xlane v45, v53;
	[tilespmem:s11+$0xFFFFFF50] =	vst v8;
	v8 =	vunpack.i.l.bf16.f32 v48  }
0xbe: {  	v58 =	vmovc v31;
	v62 =	vimm.s32 $0x0;
	v61 =	vmul.f32 v12, v41;
	v12 =	vmovc v18;
	[tilespmem:s11+$0xFFFFFF60] =	vst v7;
	v8 =	vmul.f32 v16, v8;
	v16 =	vld [tilespmem:$0x1FFB0]  }
0xbf: {  	v41 =	vperm.xlane v46, v23;
	v48 =	vperm.xlane v45, v62;
	v0 =	vmax.f32 v0, v60;
	[tilespmem:$0x1FF70] =	vst v12  }
0xc0: {  	v4 =	vsub.f32 $0.0e+00, v4;
	[tilespmem:$0x1FFB0] =	vst v58;
	v0 =	vsub.f32 $0.0e+00, v0;
	v31 =	vunpack.i.l.bf16.f32 v14  }
0xc1: {  	v1 =	vld [tilespmem:s9+$0xFFFFFFE0];
	[tilespmem:s11+$0xF8] =	vst v61;
	v12 =	vunpack.i.l.bf16.f32 v11;
	v11 =	vunpack.i.u.bf16.f32 v11;
	v5 =	vmul.f32 v5, v31  }
0xc2: {  	v4 =	vmul.f32 $1.442695020e+00, v4;
	[tilespmem:s11+$0xE8] =	vst v8;
	s11 =	smov.u32 s10;
	s10 =	smov.u32 s4;
	v8 =	vmul.f32 v13, v11;
	v11 =	vunpack.i.u.bf16.f32 v14  }
0xc3: {  	v61 =	vmul.f32 v9, v11;
	v9 =	vunpack.i.l.bf16.f32 v37;
	[tilespmem:s10+$0x20] =	vst v5;
	v56 =	vmul.f32 v16, v30  }
0xc4: {  	v15 =	vunpack.i.u.bf16.f32 v59;
	v58 =	vld [tilespmem:$0x1FFE0];
	v0 =	vmul.f32 $1.442695020e+00, v0;
	v30 =	vmovc v33;
	[tilespmem:s10+$0xFFFFFF88] =	vst v8;
	v33 =	vmul.f32 v27, v9  }
0xc5: {  	v27 =	vmovc v49;
	v8 =	vmul.f32 $2.000000030e-01, v6;
	v9 =	vmul.f32 v48, v12;
	v49 =	vunpack.i.u.bf16.f32 v37;
	[tilespmem:s11+$0x60] =	vst v56  }
0xc6: {  	v11 =	vunpack.i.u.bf16.f32 v1;
	v1 =	vunpack.i.l.bf16.f32 v1;
	v7 =	vmul.f32 v39, v49;
	[tilespmem:s11+$0x88] =	vst v33  }
0xc7: {  	v63 =	vld [tilespmem:$0x1FFF0];
	v18 =	vmovc v52;
	(erf) = vpow2.f32 v4;
	v1 =	vmul.f32 v26, v1;
	v52 =	vmax.f32 v6, v8;
	[tilespmem:s10+$0xFFFFFF78] =	vst v9  }
0xc8: {  	v9 =	vmul.f32 v50, v54;
	v56 =	vunpack.i.u.bf16.f32 v51;
	v2 =	vsub.f32 $0.0e+00, v52;
	v8 =	vld [tilespmem:s2+$0xFFFFFFC0];
	[tilespmem:s11+$0x98] =	vst v7  }
0xc9: {  	v59 =	vimm.s32 $0x6;
	v37 =	vpop (erf);
	[tilespmem:s10+$0x30] =	vst v61;
	v7 =	vmul.f32 v58, v11;
	v5 =	vmul.f32 v32, v56;
	v11 =	vld [tilespmem:s9+$0x60]  }
0xca: {  	v17 =	vimm.s32 $0x4;
	v13 =	vmovc v22;
	v14 =	vmovc v47;
	v31 =	vperm.xlane v37, v59;
	v60 =	vld [tilespmem:s2+$0x20];
	v2 =	vmul.f32 $1.442695020e+00, v2  }
0xcb: {  	v22 =	vmovc v28;
	[tilespmem:$0x1FFE0] =	vst v14;
	v32 =	vmov v55;
	v28 =	vperm.xlane v37, v57;
	v55 =	vperm.xlane v37, v17  }
0xcc: {  	v61 =	vunpack.i.l.bf16.f32 v51;
	[tilespmem:s10+$0xFFFFFF00] =	vst v9;
	v9 =	vmul.f32 v24, v15;
	(erf) = vpow2.f32 v2  }
0xcd: {  	s12 =	sadd.s32 $0x4, s12;
	v12 =	vimm.s32 $0x1;
	[tilespmem:s11+$0xFFFFFFD8] =	vst v1;
	v39 =	vld [tilespmem:s2+$0xFFFFFF70];
	v2 =	vmul.f32 v25, v61;
	v25 =	vmovc v44;
	v44 =	vperm.xlane v37, v63  }
0xce: {  	p1 =	slt.u32 s12, $0x4C;
	[tilespmem:s11+$0xFFFFFFE8] =	vst v7;
	v61 =	vld [tilespmem:$0x1FF40];
	(erf) = vpow2.f32 v0;
	v52 =	vunpack.i.u.bf16.f32 v8;
	v54 =	vunpack.i.l.bf16.f32 v8  }
.Ltmp0:
0xcf: {  	[tilespmem:s11+$0xFFFFFF40] =	vst v5;
	v56 =	vunpack.i.u.bf16.f32 v11;
	v3 =	vmul.f32 v3, v52;
	v58 =	vunpack.i.u.bf16.f32 v60;
	(pc) =	sbr.rel @p1 .LBB2_4-.Ltmp0, $4  }
0xd0: {  	v26 =	vmovc v43;
	[tilespmem:s11+$0x70] =	vst v9;
	v47 =	vmul.f32 v10, v54;
	v4 =	vunpack.i.l.bf16.f32 v60;
	v60 =	vunpack.i.l.bf16.f32 v11  }
0xd1: {  	v33 =	vpop (erf);
	[tilespmem:s11+$0xFFFFFF30] =	vst v2;
	v11 =	vimm.s32 $0x3;
	v1 =	vmul.f32 v34, v56;
	v43 =	vmul.f32 v29, v4  }
0xd2: {  	s18 =	sadd.s32 $0x40, s18;
	v50 =	vunpack.i.u.bf16.f32 v39;
	v29 =	vmovc v55;
	v34 =	vperm.xlane v30, v11;
	v45 =	vmul.f32 v40, v60;
	[tilespmem:s10+$0xFFFFFFA8] =	vst v3  }
0xd3: {  	s7 =	smov.u32 s6;
	s6 =	sadd.s32 $0x140, s6;
	s4 =	sadd.s32 $0x220, s4;
	v48 =	vld [tilespmem:s9+$0xFFFFFF90];
	v51 =	vunpack.i.l.bf16.f32 v39;
	v42 =	vmul.f32 v42, v58;
	v39 =	vperm.xlane v30, v12;
	[tilespmem:s11+$0xB8] =	vst v1;
	v40 =	vmovc v61  }
0xd4: {  	[tilespmem:s11+$0xA8] =	vst v45  }
0xd5: {  	[tilespmem:s10+$0xFFFFFF98] =	vst v47  }
0xd6: {  	[tilespmem:s10+$0x40] =	vst v43;
	v14 =	vpop (erf)  }
0xd7: {  	[tilespmem:s10+$0x50] =	vst v42;
	v1 =	vperm.xlane v14, v63;
	v42 =	vpop (erf)  }
0xd8: {  	[tilespmem:s4+$0x70] =	vst v44;
	v3 =	vperm.xlane v42, v63  }
0xd9: {  	v2 =	vld [tilespmem:s2+$0xFFFFFFD0];
	[tilespmem:s4+$0xFFFFFF60] =	vst v1  }
0xda: {  	v60 =	vmul.f32 v41, v50;
	v0 =	vld [tilespmem:s9+$0x70];
	[tilespmem:s4+$0xFFFFFFE8] =	vst v3  }
0xdb: {  	v3 =	vld [tilespmem:$0x1FF50]  }
0xdc: {  	v4 =	vld [tilespmem:s7+$0x0];
	[tilespmem:s10+$0xFFFFFF20] =	vst v60  }
0xdd: {  	v1 =	vld [tilespmem:$0x1FF80]  }
0xde: {  	v6 =	vmul.f32 v38, v51;
	v61 =	vunpack.i.u.bf16.f32 v2;
	v2 =	vunpack.i.l.bf16.f32 v2  }
0xdf: {  	v5 =	vunpack.i.l.bf16.f32 v0;
	v2 =	vmul.f32 v36, v2  }
0xe0: {  	[tilespmem:s10+$0xFFFFFF10] =	vst v6;
	v3 =	vmul.f32 v3, v5  }
0xe1: {  	v38 =	vperm.xlane v37, v12;
	v0 =	vunpack.i.u.bf16.f32 v0;
	[tilespmem:s10+$0xFFFFFFB8] =	vst v2;
	v5 =	vmul.f32 v35, v61  }
0xe2: {  	v41 =	vperm.xlane v37, v62;
	v7 =	vunpack.i.u.bf16.f32 v4;
	v0 =	vmul.f32 v1, v0;
	[tilespmem:s11+$0xC8] =	vst v3  }
0xe3: {  	v4 =	vunpack.i.l.bf16.f32 v4;
	v1 =	vld [tilespmem:s7+$0xFFFFFF60];
	v3 =	vmul.f32 v38, v7;
	[tilespmem:s10+$0xFFFFFFC8] =	vst v5  }
0xe4: {  	[tilespmem:s11+$0xD8] =	vst v0;
	v0 =	vmul.f32 v41, v4  }
0xe5: {  	[tilespmem:s4+$0x10] =	vst v3  }
0xe6: {  	[tilespmem:s4+$0x0] =	vst v0  }
0xe7: {  	v44 =	vperm.xlane v14, v62;
	v0 =	vld [tilespmem:$0x1FF90]  }
0xe8: {  	v46 =	vperm.xlane v30, v63;
	v45 =	vunpack.i.l.bf16.f32 v1  }
0xe9: {  	v4 =	vmul.f32 v44, v45  }
0xea: {  	[tilespmem:s10+$0xF8] =	vst v46  }
0xeb: {  	v47 =	vunpack.i.l.bf16.f32 v48;
	v43 =	vld [tilespmem:s9+$0x80];
	[tilespmem:s4+$0xFFFFFEF0] =	vst v4  }
0xec: {  	v4 =	vld [tilespmem:$0x1FF60];
	v0 =	vmul.f32 v0, v47  }
0xed: {  	v49 =	vld [tilespmem:s7+$0xFFFFFFB0]  }
0xee: {  	v9 =	vld [tilespmem:$0x1FFA0];
	[tilespmem:s11+$0xFFFFFF50] =	vst v0  }
0xef: {  	v10 =	vld [tilespmem:$0x1FF70]  }
0xf0: {  	v8 =	vunpack.i.u.bf16.f32 v43  }
0xf1: {  	v2 =	vld [tilespmem:s2+$0x30];
	v4 =	vmul.f32 v4, v8  }
0xf2: {  	v50 =	vld [tilespmem:s7+$0x10]  }
0xf3: {  	v51 =	vunpack.i.u.bf16.f32 v48;
	v54 =	vperm.xlane v42, v12;
	v52 =	vunpack.i.l.bf16.f32 v43;
	v8 =	vld [tilespmem:s2+$0x50];
	[tilespmem:s11+$0xF8] =	vst v4  }
0xf4: {  	v56 =	vunpack.i.u.bf16.f32 v49;
	v3 =	vmul.f32 v9, v51;
	v0 =	vmul.f32 v10, v52;
	v10 =	vld [tilespmem:$0x1FFB0]  }
0xf5: {  	v58 =	vmul.f32 v54, v56  }
0xf6: {  	v55 =	vperm.xlane v37, v11;
	v41 =	vperm.xlane v33, v63;
	[tilespmem:s11+$0xFFFFFF60] =	vst v3  }
0xf7: {  	v60 =	vunpack.i.u.bf16.f32 v50;
	[tilespmem:s4+$0xFFFFFF88] =	vst v58  }
0xf8: {  	v9 =	vunpack.i.l.bf16.f32 v2;
	v3 =	vmul.f32 v55, v60;
	[tilespmem:s4+$0xF8] =	vst v41  }
0xf9: {  	v61 =	vunpack.i.l.bf16.f32 v8;
	[tilespmem:s11+$0xE8] =	vst v0;
	v9 =	vmul.f32 v10, v9  }
0xfa: {  	v43 =	vld [tilespmem:s2+$0xFFFFFF80];
	v8 =	vunpack.i.u.bf16.f32 v8;
	v36 =	vmul.f32 v27, v61;
	[tilespmem:s4+$0x30] =	vst v3;
	v10 =	vperm.xlane v37, v53  }
0xfb: {  	v35 =	vld [tilespmem:s2+$0xFFFFFFE0];
	v7 =	vunpack.i.l.bf16.f32 v50;
	v8 =	vmul.f32 v39, v8;
	[tilespmem:s10+$0x60] =	vst v9;
	v9 =	vperm.xlane v42, v62  }
0xfc: {  	v38 =	vunpack.i.l.bf16.f32 v49;
	v44 =	vperm.xlane v14, v12;
	v46 =	vld [tilespmem:s7+$0x50];
	[tilespmem:s10+$0x88] =	vst v36;
	v45 =	vmul.f32 v10, v7  }
0xfd: {  	v1 =	vunpack.i.u.bf16.f32 v1;
	[tilespmem:s10+$0x98] =	vst v8;
	v4 =	vmul.f32 v9, v38  }
0xfe: {  	v2 =	vunpack.i.u.bf16.f32 v2;
	v0 =	vmul.f32 v44, v1;
	[tilespmem:s4+$0x20] =	vst v45  }
0xff: {  	v49 =	vunpack.i.u.bf16.f32 v43;
	v50 =	vmul.f32 v22, v2;
	v48 =	vld [tilespmem:s2+$0x60];
	[tilespmem:s4+$0xFFFFFF78] =	vst v4  }
0x100: {  	v6 =	vunpack.i.l.bf16.f32 v35;
	v51 =	vperm.xlane v33, v62;
	v7 =	vmul.f32 v32, v49;
	v3 =	vld [tilespmem:$0x1FFE0];
	[tilespmem:s4+$0xFFFFFF00] =	vst v0  }
0x101: {  	v6 =	vmul.f32 v26, v6;
	v8 =	vunpack.i.l.bf16.f32 v46;
	[tilespmem:s10+$0x70] =	vst v50  }
0x102: {  	v54 =	vperm.xlane v33, v12;
	v5 =	vunpack.i.l.bf16.f32 v43;
	v2 =	vmul.f32 v51, v8;
	v52 =	vld [tilespmem:s7+$0xFFFFFFC0];
	[tilespmem:s10+$0xFFFFFF40] =	vst v7  }
0x103: {  	v5 =	vmul.f32 v25, v5;
	v55 =	vld [tilespmem:s7+$0x20];
	v4 =	vunpack.i.u.bf16.f32 v46;
	[tilespmem:s10+$0xFFFFFFD8] =	vst v6  }
0x104: {  	v56 =	vunpack.i.u.bf16.f32 v48;
	v0 =	vmul.f32 v54, v4;
	[tilespmem:s4+$0x88] =	vst v2;
	v58 =	vld [tilespmem:s7+$0xFFFFFF70]  }
0x105: {  	v15 =	vimm.s32 $0x5;
	v47 =	vunpack.i.u.bf16.f32 v35;
	v6 =	vmul.f32 v34, v56;
	[tilespmem:s10+$0xFFFFFF30] =	vst v5  }
0x106: {  	v60 =	vperm.xlane v42, v11;
	[tilespmem:s4+$0x98] =	vst v0;
	v1 =	vmul.f32 v3, v47;
	v3 =	vunpack.i.l.bf16.f32 v48  }
0x107: {  	v9 =	vperm.xlane v37, v15;
	[tilespmem:s10+$0xB8] =	vst v6;
	v32 =	vld [tilespmem:s7+$0x60];
	v8 =	vunpack.i.u.bf16.f32 v52;
	v3 =	vmul.f32 v40, v3  }
0x108: {  	v34 =	vperm.xlane v14, v11;
	v2 =	vmul.f32 v60, v8;
	v8 =	vunpack.i.u.bf16.f32 v55;
	[tilespmem:s10+$0xFFFFFFE8] =	vst v1  }
0x109: {  	v36 =	vperm.xlane v14, v53;
	v10 =	vunpack.i.u.bf16.f32 v58;
	v37 =	vmul.f32 v9, v8;
	[tilespmem:s10+$0xA8] =	vst v3  }
0x10a: {  	v61 =	vperm.xlane v42, v53;
	v4 =	vunpack.i.l.bf16.f32 v58;
	v38 =	vmul.f32 v34, v10;
	[tilespmem:s4+$0xFFFFFFA8] =	vst v2  }
0x10b: {  	v1 =	vunpack.i.l.bf16.f32 v52;
	v8 =	vperm.xlane v33, v11;
	v40 =	vmul.f32 v36, v4;
	[tilespmem:s4+$0x50] =	vst v37  }
0x10c: {  	v0 =	vmul.f32 v61, v1;
	v41 =	vunpack.i.u.bf16.f32 v32;
	[tilespmem:s4+$0xFFFFFF20] =	vst v38  }
0x10d: {  	v43 =	vmul.f32 v8, v41;
	[tilespmem:s4+$0xFFFFFF10] =	vst v40  }
0x10e: {  	v35 =	vld [tilespmem:s2+$0x70];
	[tilespmem:s4+$0xFFFFFF98] =	vst v0  }
0x10f: {  	v39 =	vperm.xlane v33, v53;
	v9 =	vld [tilespmem:s7+$0xFFFFFFD0];
	[tilespmem:s4+$0xB8] =	vst v43  }
0x110: {  	v44 =	vunpack.i.l.bf16.f32 v32;
	v52 =	vld [tilespmem:$0x1FFC0]  }
0x111: {  	v51 =	vunpack.i.l.bf16.f32 v55;
	v47 =	vmul.f32 v39, v44  }
0x112: {  	v6 =	vmul.f32 v29, v51;
	v49 =	vld [tilespmem:s7+$0xFFFFFF80]  }
0x113: {  	[tilespmem:s4+$0xA8] =	vst v47;
	v46 =	vunpack.i.l.bf16.f32 v35  }
0x114: {  	v50 =	vperm.xlane v42, v15;
	[tilespmem:s4+$0x40] =	vst v6;
	v56 =	vld [tilespmem:s7+$0x70];
	v1 =	vunpack.i.u.bf16.f32 v35;
	v48 =	vmul.f32 v13, v46  }
0x115: {  	v54 =	vperm.xlane v42, v17;
	v36 =	vld [tilespmem:s7+$0x30];
	v55 =	vunpack.i.u.bf16.f32 v9;
	v1 =	vmul.f32 v52, v1  }
0x116: {  	v58 =	vperm.xlane v14, v15;
	v8 =	vunpack.i.l.bf16.f32 v9;
	[tilespmem:s10+$0xC8] =	vst v48;
	v0 =	vmul.f32 v50, v55  }
0x117: {  	v32 =	vunpack.i.u.bf16.f32 v49;
	v2 =	vmul.f32 v54, v8;
	v8 =	vperm.xlane v14, v17;
	[tilespmem:s10+$0xD8] =	vst v1  }
0x118: {  	v45 =	vld [tilespmem:s2+$0xFFFFFF90];
	v35 =	vperm.xlane v33, v15;
	v34 =	vunpack.i.l.bf16.f32 v49;
	[tilespmem:s4+$0xFFFFFFC8] =	vst v0;
	v1 =	vmul.f32 v58, v32  }
0x119: {  	v39 =	vunpack.i.u.bf16.f32 v56;
	v37 =	vmul.f32 v8, v34;
	v0 =	vld [tilespmem:$0x1FFD0];
	[tilespmem:s4+$0xFFFFFFB8] =	vst v2  }
0x11a: {  	v9 =	vperm.xlane v33, v17;
	v47 =	vunpack.i.l.bf16.f32 v36;
	v41 =	vmul.f32 v35, v39;
	v61 =	vld [tilespmem:s2+$0x80];
	[tilespmem:s4+$0xFFFFFF40] =	vst v1  }
0x11b: {  	v38 =	vunpack.i.l.bf16.f32 v56;
	v5 =	vmul.f32 v31, v47;
	[tilespmem:s4+$0xFFFFFF30] =	vst v37  }
0x11c: {  	v6 =	vunpack.i.u.bf16.f32 v36;
	v2 =	vmul.f32 v9, v38;
	v8 =	vld [tilespmem:s7+$0xFFFFFFE0];
	[tilespmem:s4+$0xD8] =	vst v41  }
0x11d: {  	v43 =	vunpack.i.u.bf16.f32 v45;
	v54 =	vmul.f32 v28, v6;
	[tilespmem:s4+$0x60] =	vst v5  }
0x11e: {  	v60 =	vunpack.i.l.bf16.f32 v45;
	v1 =	vmul.f32 v21, v43;
	[tilespmem:s4+$0xC8] =	vst v2;
	v45 =	vld [tilespmem:s7+$0xFFFFFF90]  }
0x11f: {  	[tilespmem:s4+$0x70] =	vst v54;
	v48 =	vld [tilespmem:s7+$0x80];
	v0 =	vmul.f32 v0, v60;
	v40 =	vunpack.i.u.bf16.f32 v61  }
0x120: {  	v46 =	vperm.xlane v42, v57;
	[tilespmem:s10+$0xFFFFFF60] =	vst v1;
	v44 =	vunpack.i.l.bf16.f32 v61;
	v3 =	vmul.f32 v20, v40  }
0x121: {  	v50 =	vperm.xlane v42, v59;
	v2 =	vmul.f32 v18, v44;
	v49 =	vunpack.i.u.bf16.f32 v8;
	[tilespmem:s10+$0xFFFFFF50] =	vst v0  }
0x122: {  	v51 =	vperm.xlane v14, v59;
	v52 =	vunpack.i.l.bf16.f32 v8;
	v0 =	vmul.f32 v46, v49;
	[tilespmem:s10+$0xF8] =	vst v3  }
0x123: {  	v55 =	vperm.xlane v33, v57;
	v56 =	vmul.f32 v50, v52;
	v58 =	vunpack.i.l.bf16.f32 v45;
	[tilespmem:s10+$0xE8] =	vst v2  }
0x124: {  	v60 =	vperm.xlane v14, v57;
	v1 =	vmul.f32 v51, v58;
	v61 =	vunpack.i.u.bf16.f32 v48;
	[tilespmem:s4+$0xFFFFFFE8] =	vst v0  }
0x125: {  	v32 =	vperm.xlane v33, v59;
	v33 =	vunpack.i.u.bf16.f32 v45;
	[tilespmem:s4+$0xFFFFFFD8] =	vst v56;
	v2 =	vmul.f32 v55, v61  }
0x126: {  	v34 =	vunpack.i.l.bf16.f32 v48;
	v0 =	vmul.f32 v60, v33;
	[tilespmem:s4+$0xFFFFFF50] =	vst v1  }
0x127: {  	s8 =	smul.u32 $0x280, s0;
	v1 =	vmul.f32 v32, v34;
	[tilespmem:s4+$0xF8] =	vst v2  }
0x128: {  	[tilespmem:s4+$0xFFFFFF60] =	vst v0  }
0x129: {  	s2 =	smul.u32 $0xA0, s0;
	s7 =	sshra.s32 s8, $0x2;
	[tilespmem:s4+$0xE8] =	vst v1  }
0x12a: {  	[spmem:s3] =	stream.indirect.scatter.add.f32 [tilespmem:s23], [sflag:$0x5], $0x88, s7, s15, $0xb8;
	[tilespmem:$0x1F060] =	vst v63  }
0x12b: {  	s9 =	sadd.s32 $0x870, s2  }
0x12c: {  	[tilespmem:s16], [sflag:$0x1] =	stream.indirect.gather [hbm4b:s1+s15], $0x50, s9, s15, $0xb8;
	[tilespmem:$0x1F060] =	vst v63  }
0x12d: {  	s10 =	sadd.s32 $0xA0, s2  }
0x12e: {  	[tilespmem:s17], [sflag:$0x3] =	stream.indirect.gather [hbm4b:s5+s15], $0x10, s10, s15, $0xb8;
	[tilespmem:$0x1F060] =	vst v63  }
0x12f: {  	_ =	swait.ge [sflag:s24], $0x1900  }
0x130: {  	[sflag:s24] =	ssyncset.done $0x0  }
0x131: {  	[sflag:s24] =	ssyncadd.s32 $0xFFFFE700  }
0x132: {  	_ =	swait.ge [sflag:s25], $0x500  }
0x133: {  	[sflag:s25] =	ssyncset.done $0x0  }
0x134: {  	s4 =	simm.s32 @!p0 $0x6;
	[sflag:s25] =	ssyncadd.s32 $0xFFFFFB00  }
0x135: {  	_ =	swait.ge @!p0 [sflag:s4], $0x2A80  }
0x136: {  	[sflag:s4] =	ssyncset.done @!p0 $0x0  }
0x137: {  	s12 =	simm.s32 $0x2940;
	[sflag:s4] =	ssyncadd.s32 @!p0 $0xFFFFD580  }
0x138: {  	s11 =	simm.s32 $0x46C0;
	v36 =	vld [tilespmem:s12+$0x40]  }
0x139: {  	v37 =	vld [tilespmem:s11+$0x0];
	_ =	sdelay $0x1  }
0x13a: {  	v39 =	vld [tilespmem:s12+$0x90]  }
0x13b: {  	v38 =	vld [tilespmem:s11+$0x10]  }
0x13c: {  	v1 =	vunpack.i.l.bf16.f32 v36  }
0x13d: {  	v1 =	vadd.f32 v1, v37  }
0x13e: {  	v40 =	vld [tilespmem:s12+$0xFFFFFFA0]  }
0x13f: {  	v41 =	vld [tilespmem:s11+$0xFFFFFFE0];
	v43 =	vunpack.i.l.bf16.f32 v39;
	v44 =	vmul.f32 $2.000000030e-01, v1  }
0x140: {  	v2 =	vadd.f32 v43, v38  }
0x141: {  	v35 =	vld [tilespmem:s12+$0xFFFFFFF0];
	v1 =	vmax.f32 v1, v44  }
0x142: {  	v42 =	vld [tilespmem:s11+$0xFFFFFFF0];
	v46 =	vmul.f32 $2.000000030e-01, v2;
	v1 =	vsub.f32 $0.0e+00, v1  }
0x143: {  	v5 =	vunpack.i.l.bf16.f32 v40  }
0x144: {  	v45 =	vadd.f32 v5, v41;
	v2 =	vmax.f32 v2, v46;
	v1 =	vmul.f32 $1.442695020e+00, v1  }
0x145: {  	v2 =	vsub.f32 $0.0e+00, v2  }
0x146: {  	v0 =	vunpack.i.l.bf16.f32 v35;
	v5 =	vmul.f32 $2.000000030e-01, v45;
	(erf) = vpow2.f32 v1  }
0x147: {  	v0 =	vadd.f32 v0, v42;
	v48 =	vmul.f32 $1.442695020e+00, v2  }
0x148: {  	v3 =	vmax.f32 v45, v5  }
0x149: {  	v47 =	vmul.f32 $2.000000030e-01, v0;
	v3 =	vsub.f32 $0.0e+00, v3;
	(erf) = vpow2.f32 v48;
	_ =	sdelay $0x1  }
0x14a: {  	v0 =	vmax.f32 v0, v47;
	v49 =	vmul.f32 $1.442695020e+00, v3  }
0x14b: {  	v0 =	vsub.f32 $0.0e+00, v0  }
0x14c: {  	(erf) = vpow2.f32 v49  }
0x14d: {  	v0 =	vmul.f32 $1.442695020e+00, v0  }
0x14e: {  	v50 =	vpop (erf)  }
0x14f: {  	(erf) = vpow2.f32 v0;
	v34 =	vperm.xlane v50, v59  }
0x150: {  	v19 =	vperm.xlane v50, v57;
	v1 =	vperm.xlane v50, v17  }
0x151: {  	v51 =	vperm.xlane v50, v63;
	v36 =	vpop (erf);
	v45 =	vperm.xlane v50, v62  }
0x152: {  	s10 =	simm.s32 $0x2A80;
	s4 =	simm.s32 $0x7730;
	v46 =	vperm.xlane v50, v15;
	v10 =	vperm.xlane v36, v15  }
0x153: {  	v56 =	vld [tilespmem:s10+$0xFFFFFFF0];
	v21 =	vperm.xlane v50, v12;
	v0 =	vperm.xlane v50, v53;
	[tilespmem:s4+$0x70] =	vst v51  }
0x154: {  	v8 =	vld [tilespmem:s10+$0x40];
	v33 =	vperm.xlane v36, v53;
	v54 =	vperm.xlane v36, v17;
	[tilespmem:$0x1FF10] =	vst v10  }
0x155: {  	s6 =	simm.s32 $0x4700;
	v3 =	vpop (erf);
	v58 =	vperm.xlane v36, v57;
	v60 =	vperm.xlane v36, v59;
	v10 =	vld [tilespmem:s12+$0x0]  }
0x156: {  	v35 =	vperm.xlane v36, v62;
	v14 =	vperm.xlane v3, v59;
	v13 =	vld [tilespmem:s6+$0x0]  }
0x157: {  	v55 =	vperm.xlane v3, v63;
	v61 =	vperm.xlane v3, v57  }
0x158: {  	v44 =	vpop (erf);
	v31 =	vperm.xlane v3, v17;
	v37 =	vperm.xlane v3, v15;
	[tilespmem:$0x1FF20] =	vst v14  }
0x159: {  	v9 =	vperm.xlane v44, v63;
	v29 =	vperm.xlane v44, v59;
	v18 =	vld [tilespmem:s10+$0x90]  }
0x15a: {  	v8 =	vunpack.i.l.bf16.f32 v8;
	v28 =	vperm.xlane v44, v57;
	v38 =	vperm.xlane v44, v15;
	v24 =	vld [tilespmem:s6+$0xFFFFFFF0]  }
0x15b: {  	v41 =	vperm.xlane v44, v17;
	v47 =	vld [tilespmem:s6+$0x10];
	v23 =	vunpack.i.u.bf16.f32 v10;
	v8 =	vadd.f32 v8, v13  }
0x15c: {  	v26 =	vperm.xlane v44, v12;
	v22 =	vld [tilespmem:s10+$0xFFFFFFA0];
	v10 =	vunpack.i.l.bf16.f32 v10;
	v13 =	vmul.f32 v21, v23  }
0x15d: {  	[tilespmem:s4+$0xFFFFFFE8] =	vst v9;
	v21 =	vld [tilespmem:s6+$0xFFFFFFE0];
	v7 =	vmul.f32 v45, v10;
	v23 =	vmul.f32 $2.000000030e-01, v8  }
0x15e: {  	v5 =	vunpack.i.l.bf16.f32 v56;
	v52 =	vperm.xlane v44, v11;
	v6 =	vperm.xlane v44, v53;
	[tilespmem:s4+$0x10] =	vst v13;
	v13 =	vld [tilespmem:s12+$0xFFFFFFB0]  }
0x15f: {  	v18 =	vunpack.i.l.bf16.f32 v18;
	v5 =	vadd.f32 v5, v24;
	[tilespmem:s4+$0x0] =	vst v7;
	v48 =	vmax.f32 v8, v23  }
0x160: {  	v14 =	vperm.xlane v3, v62;
	v4 =	vadd.f32 v18, v47;
	v8 =	vld [tilespmem:s12+$0x10];
	v7 =	vsub.f32 $0.0e+00, v48  }
0x161: {  	v9 =	vperm.xlane v50, v11;
	v18 =	vunpack.i.l.bf16.f32 v22;
	v24 =	vmul.f32 $2.000000030e-01, v5  }
0x162: {  	v18 =	vadd.f32 v18, v21;
	v21 =	vmul.f32 $2.000000030e-01, v4;
	v7 =	vmul.f32 $1.442695020e+00, v7  }
0x163: {  	v23 =	vperm.xlane v44, v62;
	v22 =	vunpack.i.l.bf16.f32 v13;
	v13 =	vunpack.i.u.bf16.f32 v13  }
0x164: {  	[tilespmem:s4+$0xFFFFFF60] =	vst v55;
	v27 =	vmul.f32 $2.000000030e-01, v18;
	v4 =	vmax.f32 v4, v21;
	(erf) = vpow2.f32 v7  }
0x165: {  	v16 =	vld [tilespmem:s12+$0xFFFFFF60];
	v30 =	vunpack.i.l.bf16.f32 v8;
	v49 =	vmul.f32 v26, v13;
	v4 =	vsub.f32 $0.0e+00, v4  }
0x166: {  	v8 =	vunpack.i.u.bf16.f32 v8;
	v13 =	vmax.f32 v18, v27;
	v18 =	vmul.f32 v23, v22  }
0x167: {  	v5 =	vmax.f32 v5, v24;
	v8 =	vmul.f32 v9, v8;
	v13 =	vsub.f32 $0.0e+00, v13;
	[tilespmem:s4+$0xFFFFFF88] =	vst v49  }
0x168: {  	v5 =	vsub.f32 $0.0e+00, v5;
	v0 =	vmul.f32 v0, v30;
	v4 =	vmul.f32 $1.442695020e+00, v4;
	[tilespmem:s4+$0xFFFFFF78] =	vst v18  }
0x169: {  	v10 =	vperm.xlane v3, v12;
	[tilespmem:s4+$0x30] =	vst v8;
	v50 =	vmul.f32 $1.442695020e+00, v13;
	v8 =	vld [tilespmem:s12+$0xFFFFFFC0]  }
0x16a: {  	v25 =	vunpack.i.l.bf16.f32 v16;
	v51 =	vmul.f32 $1.442695020e+00, v5;
	[tilespmem:s4+$0x20] =	vst v0;
	(erf) = vpow2.f32 v4  }
0x16b: {  	v9 =	vmul.f32 v14, v25;
	v55 =	vld [tilespmem:s12+$0x20];
	(erf) = vpow2.f32 v50  }
0x16c: {  	v5 =	vperm.xlane v3, v53;
	v18 =	vperm.xlane v3, v11;
	v13 =	vunpack.i.u.bf16.f32 v16  }
0x16d: {  	[tilespmem:s4+$0xFFFFFEF0] =	vst v9;
	v9 =	vperm.xlane v36, v11;
	v56 =	vmul.f32 v10, v13;
	v4 =	vpop (erf)  }
0x16e: {  	(erf) = vpow2.f32 v51;
	v10 =	vunpack.i.u.bf16.f32 v8;
	v22 =	vperm.xlane v4, v59  }
0x16f: {  	v8 =	vunpack.i.l.bf16.f32 v8;
	v21 =	vperm.xlane v4, v57;
	v39 =	vperm.xlane v4, v17  }
0x170: {  	[tilespmem:s4+$0xFFFFFF00] =	vst v56;
	v7 =	vunpack.i.u.bf16.f32 v55;
	v14 =	vperm.xlane v4, v63;
	v0 =	vmul.f32 v52, v10  }
0x171: {  	v3 =	vld [tilespmem:s12+$0xFFFFFF70];
	v6 =	vmul.f32 v6, v8;
	v2 =	vmul.f32 v46, v7  }
0x172: {  	s11 =	simm.s32 $0x2BC0;
	v7 =	vperm.xlane v36, v12;
	v44 =	vperm.xlane v4, v62  }
0x173: {  	s18 =	simm.s32 $0x4740;
	s9 =	simm.s32 $0x7950;
	v23 =	vld [tilespmem:s11+$0x40];
	v10 =	vunpack.i.l.bf16.f32 v55;
	v42 =	vperm.xlane v4, v15;
	v40 =	vperm.xlane v4, v12;
	v30 =	vpop (erf)  }
0x174: {  	v46 =	vld [tilespmem:s18+$0x0];
	v36 =	vperm.xlane v36, v63;
	v1 =	vmul.f32 v1, v10;
	[tilespmem:s9+$0x70] =	vst v14;
	v8 =	vpop (erf)  }
0x175: {  	[tilespmem:s4+$0xFFFFFF98] =	vst v6;
	v6 =	vld [tilespmem:s10+$0x0];
	v20 =	vperm.xlane v30, v53;
	v16 =	vperm.xlane v8, v63  }
0x176: {  	[tilespmem:s4+$0xFFFFFFA8] =	vst v0;
	v32 =	vunpack.i.u.bf16.f32 v3;
	v13 =	vperm.xlane v30, v17;
	v10 =	vperm.xlane v30, v15  }
0x177: {  	v43 =	vld [tilespmem:s11+$0xFFFFFFF0];
	v3 =	vunpack.i.l.bf16.f32 v3;
	v56 =	vperm.xlane v30, v57;
	v55 =	vperm.xlane v30, v59;
	[tilespmem:s9+$0xFFFFFF60] =	vst v16  }
0x178: {  	v23 =	vunpack.i.l.bf16.f32 v23;
	v47 =	vld [tilespmem:s12+$0xFFFFFFD0];
	v27 =	vperm.xlane v30, v62;
	v3 =	vmul.f32 v5, v3;
	[tilespmem:$0x1FF30] =	vst v10  }
0x179: {  	v46 =	vadd.f32 v23, v46;
	v0 =	vpop (erf);
	v48 =	vperm.xlane v8, v62;
	v14 =	vperm.xlane v8, v17;
	[tilespmem:s4+$0x50] =	vst v2;
	v2 =	vld [tilespmem:s10+$0xFFFFFF60]  }
0x17a: {  	v45 =	vperm.xlane v0, v63;
	[tilespmem:s4+$0x40] =	vst v1;
	v1 =	vmul.f32 v18, v32;
	v49 =	vld [tilespmem:s11+$0xFFFFFFA0];
	v32 =	vunpack.i.u.bf16.f32 v6  }
0x17b: {  	v24 =	vperm.xlane v0, v59;
	v52 =	vld [tilespmem:s18+$0xFFFFFFF0];
	v6 =	vunpack.i.l.bf16.f32 v6;
	v5 =	vmul.f32 v40, v32  }
0x17c: {  	v43 =	vunpack.i.l.bf16.f32 v43;
	v51 =	vld [tilespmem:s18+$0xFFFFFFE0];
	v6 =	vmul.f32 v44, v6;
	v32 =	vmul.f32 $2.000000030e-01, v46  }
0x17d: {  	v25 =	vperm.xlane v0, v57;
	v16 =	vperm.xlane v8, v59;
	[tilespmem:s9+$0xFFFFFFE8] =	vst v45;
	v50 =	vld [tilespmem:s12+$0x30];
	v40 =	vunpack.i.u.bf16.f32 v47  }
0x17e: {  	v47 =	vunpack.i.l.bf16.f32 v47;
	v44 =	vld [tilespmem:s11+$0x90];
	v38 =	vmul.f32 v38, v40;
	[tilespmem:s9+$0x0] =	vst v6;
	v6 =	vmax.f32 v46, v32  }
0x17f: {  	v18 =	vperm.xlane v8, v57;
	v41 =	vmul.f32 v41, v47;
	v47 =	vld [tilespmem:s18+$0x10];
	[tilespmem:s9+$0x10] =	vst v5;
	v6 =	vsub.f32 $0.0e+00, v6  }
0x180: {  	v5 =	vld [tilespmem:s10+$0xFFFFFFB0];
	[tilespmem:s4+$0xFFFFFFC8] =	vst v38;
	v38 =	vperm.xlane v0, v62;
	v45 =	vunpack.i.l.bf16.f32 v2;
	v43 =	vadd.f32 v43, v52  }
0x181: {  	v40 =	vunpack.i.l.bf16.f32 v49;
	v52 =	vperm.xlane v0, v12;
	v2 =	vunpack.i.u.bf16.f32 v2  }
0x182: {  	v45 =	vmul.f32 v48, v45;
	v48 =	vadd.f32 v40, v51;
	v32 =	vunpack.i.l.bf16.f32 v50  }
0x183: {  	[tilespmem:s4+$0xF8] =	vst v36;
	v49 =	vld [tilespmem:s10+$0x10];
	v36 =	vunpack.i.l.bf16.f32 v44;
	v6 =	vmul.f32 $1.442695020e+00, v6;
	v34 =	vmul.f32 v34, v32  }
0x184: {  	v46 =	vld [tilespmem:s12+$0x50];
	v44 =	vmul.f32 $2.000000030e-01, v43;
	v36 =	vadd.f32 v36, v47;
	v32 =	vperm.xlane v4, v11  }
0x185: {  	v4 =	vperm.xlane v4, v53;
	v40 =	vunpack.i.u.bf16.f32 v5;
	(erf) = vpow2.f32 v6  }
0x186: {  	v5 =	vunpack.i.l.bf16.f32 v5;
	[tilespmem:s9+$0xFFFFFEF0] =	vst v45;
	v45 =	vperm.xlane v0, v11;
	v47 =	vmul.f32 v52, v40  }
0x187: {  	v43 =	vmax.f32 v43, v44;
	v51 =	vmul.f32 $2.000000030e-01, v36;
	v40 =	vperm.xlane v0, v15  }
0x188: {  	v5 =	vmul.f32 v38, v5;
	v38 =	vperm.xlane v8, v53;
	v52 =	vunpack.i.u.bf16.f32 v49  }
0x189: {  	[tilespmem:s4+$0xFFFFFFB8] =	vst v41;
	v49 =	vunpack.i.l.bf16.f32 v49;
	v44 =	vmul.f32 v32, v52;
	v32 =	vunpack.i.l.bf16.f32 v46  }
0x18a: {  	v51 =	vmax.f32 v36, v51;
	v52 =	vld [tilespmem:s12+$0xFFFFFFE0];
	v36 =	vperm.xlane v0, v17;
	v4 =	vmul.f32 v4, v49  }
0x18b: {  	[tilespmem:s4+$0xFFFFFF10] =	vst v3;
	v43 =	vsub.f32 $0.0e+00, v43;
	v6 =	vmul.f32 v35, v32;
	v35 =	vmul.f32 $2.000000030e-01, v48  }
0x18c: {  	[tilespmem:s9+$0xFFFFFF88] =	vst v47;
	v47 =	vunpack.i.u.bf16.f32 v50;
	v0 =	vperm.xlane v0, v53;
	v32 =	vunpack.i.u.bf16.f32 v46  }
0x18d: {  	[tilespmem:s4+$0xFFFFFF20] =	vst v1;
	v51 =	vsub.f32 $0.0e+00, v51;
	v35 =	vmax.f32 v48, v35;
	v48 =	vperm.xlane v8, v12  }
0x18e: {  	[tilespmem:s9+$0xFFFFFF78] =	vst v5;
	v5 =	vmul.f32 $1.442695020e+00, v43;
	v7 =	vmul.f32 v7, v32;
	v32 =	vld [tilespmem:s12+$0xFFFFFF80];
	v1 =	vsub.f32 $0.0e+00, v35  }
0x18f: {  	[tilespmem:s9+$0x30] =	vst v44;
	v44 =	vld [tilespmem:s10+$0xFFFFFFC0];
	v35 =	vmul.f32 $1.442695020e+00, v51;
	v2 =	vmul.f32 v48, v2;
	v41 =	vunpack.i.u.bf16.f32 v52  }
0x190: {  	v48 =	vmul.f32 v19, v47;
	v3 =	vmul.f32 v28, v41  }
0x191: {  	[tilespmem:s4+$0x88] =	vst v6;
	v41 =	vperm.xlane v8, v11;
	(erf) = vpow2.f32 v35  }
0x192: {  	[tilespmem:s4+$0x98] =	vst v7;
	v10 =	vunpack.i.l.bf16.f32 v52;
	v1 =	vmul.f32 $1.442695020e+00, v1;
	v28 =	vperm.xlane v8, v15  }
0x193: {  	[tilespmem:s4+$0x60] =	vst v34;
	v50 =	vld [tilespmem:s12+$0x60];
	v34 =	vmul.f32 v29, v10;
	v49 =	vunpack.i.u.bf16.f32 v32;
	v32 =	vunpack.i.l.bf16.f32 v32  }
0x194: {  	[tilespmem:s9+$0x20] =	vst v4;
	v10 =	vunpack.i.u.bf16.f32 v44;
	(erf) = vpow2.f32 v1;
	v7 =	vmul.f32 v37, v49  }
0x195: {  	v8 =	vld [tilespmem:s10+$0x20];
	[tilespmem:s9+$0xFFFFFF00] =	vst v2;
	v6 =	vunpack.i.l.bf16.f32 v44;
	v2 =	vmul.f32 v31, v32;
	v35 =	vmul.f32 v45, v10  }
0x196: {  	[tilespmem:s4+$0x70] =	vst v48;
	v37 =	vpop (erf);
	v47 =	vmul.f32 v0, v6;
	v32 =	vperm.xlane v30, v11  }
0x197: {  	[tilespmem:s4+$0xFFFFFFE8] =	vst v3;
	v3 =	vld [tilespmem:s10+$0xFFFFFF70];
	(erf) = vpow2.f32 v5;
	v31 =	vperm.xlane v37, v59  }
0x198: {  	[tilespmem:s4+$0xFFFFFFD8] =	vst v34;
	v15 =	vperm.xlane v37, v57;
	v23 =	vperm.xlane v37, v17;
	v51 =	vunpack.i.u.bf16.f32 v50  }
0x199: {  	v44 =	vperm.xlane v37, v63;
	[tilespmem:s4+$0xFFFFFF40] =	vst v7;
	v1 =	vunpack.i.l.bf16.f32 v50;
	v0 =	vmul.f32 v9, v51  }
0x19a: {  	[tilespmem:s4+$0xFFFFFF30] =	vst v2;
	v52 =	vunpack.i.l.bf16.f32 v8;
	v7 =	vunpack.i.u.bf16.f32 v8;
	v45 =	vmul.f32 v33, v1  }
0x19b: {  	s29 =	simm.s32 $0x8;
	v19 =	vimm.s32 $0x5;
	[tilespmem:s9+$0xFFFFFFA8] =	vst v35;
	v43 =	vmul.f32 v39, v52;
	v42 =	vmul.f32 v42, v7  }
0x19c: {  	s8 =	simm.s32 $0x2D00;
	s6 =	simm.s32 $0x4780;
	s18 =	simm.s32 $0x7B70;
	v48 =	vld [tilespmem:s12+$0xFFFFFF90];
	v39 =	vperm.xlane v30, v12;
	v50 =	vunpack.i.u.bf16.f32 v3;
	v51 =	vunpack.i.l.bf16.f32 v3;
	[tilespmem:s4+$0xB8] =	vst v0;
	v33 =	vpop (erf)  }
.LBB2_6:
0x19d: {  	_ =	sdelay $0x1  }
0x19e: {  	v46 =	vpop (erf)  }
0x19f: {  	v0 =	vld [tilespmem:s8+$0xFFFFFFF0];
	[tilespmem:s4+$0xA8] =	vst v45;
	v2 =	vperm.xlane v46, v63;
	v45 =	vpop (erf)  }
0x1a0: {  	[tilespmem:s9+$0xFFFFFF98] =	vst v47;
	v3 =	vld [tilespmem:s12+$0x70];
	v7 =	vperm.xlane v45, v63  }
0x1a1: {  	v5 =	vld [tilespmem:s10+$0xFFFFFFD0];
	[tilespmem:s18+$0xFFFFFF60] =	vst v2  }
0x1a2: {  	[tilespmem:s18+$0xFFFFFFE8] =	vst v7;
	v7 =	vld [tilespmem:s11+$0xFFFFFF60];
	_ =	sdelay $0x1  }
0x1a3: {  	v1 =	vperm.xlane v33, v53  }
0x1a4: {  	[tilespmem:$0x1FEA0] =	vst v21;
	v53 =	vperm.xlane v33, v57;
	v4 =	vperm.xlane v37, v62  }
0x1a5: {  	[tilespmem:$0x1FED0] =	vst v23;
	v47 =	vperm.xlane v45, v57;
	v57 =	vunpack.i.u.bf16.f32 v3;
	v3 =	vunpack.i.l.bf16.f32 v3  }
0x1a6: {  	[tilespmem:s9+$0x50] =	vst v42;
	v42 =	vmovc v13;
	v3 =	vmul.f32 v54, v3;
	v13 =	vunpack.i.l.bf16.f32 v7;
	v54 =	vunpack.i.u.bf16.f32 v7;
	v7 =	vld [tilespmem:$0x1FF10]  }
0x1a7: {  	[tilespmem:$0x1FEE0] =	vst v20;
	v52 =	vperm.xlane v33, v59;
	v49 =	vperm.xlane v33, v62;
	v6 =	vld [tilespmem:s8+$0x40]  }
0x1a8: {  	v34 =	vperm.xlane v37, v19;
	v20 =	vmov v55;
	v41 =	vmul.f32 v41, v50;
	[tilespmem:$0x1FEF0] =	vst v1;
	v55 =	vld [tilespmem:s6+$0x10]  }
0x1a9: {  	v9 =	vimm.s32 $0x4;
	v38 =	vmul.f32 v38, v51;
	v26 =	vmovc v28;
	v28 =	vmovc v15;
	v1 =	vperm.xlane v33, v17;
	[tilespmem:s9+$0x40] =	vst v43;
	v15 =	vld [tilespmem:s8+$0x90]  }
0x1aa: {  	v21 =	vmov v56;
	v8 =	vld [tilespmem:s6+$0x0];
	v56 =	vperm.xlane v46, v59;
	[tilespmem:s18+$0x70] =	vst v44;
	v44 =	vperm.xlane v46, v9  }
0x1ab: {  	v10 =	vimm.s32 $0x7;
	v23 =	vmovc v60;
	v29 =	vmovc v14;
	v35 =	vperm.xlane v45, v59;
	[tilespmem:s4+$0xC8] =	vst v3;
	v3 =	vmul.f32 v7, v57;
	v7 =	vld [tilespmem:$0x1FF30]  }
0x1ac: {  	v17 =	vimm.s32 $0x2;
	[tilespmem:$0x1FF00] =	vst v34;
	v43 =	vmovc v24;
	v24 =	vmovc v61;
	v50 =	vperm.xlane v46, v12;
	v59 =	vperm.xlane v46, v10  }
0x1ad: {  	[tilespmem:$0x1FEC0] =	vst v42;
	v9 =	vperm.xlane v45, v9;
	v10 =	vperm.xlane v37, v11;
	v34 =	vmovc v25;
	v25 =	vmovc v16;
	v16 =	vimm.s32 $0x1;
	v61 =	vld [tilespmem:s8+$0xFFFFFFA0]  }
0x1ae: {  	v12 =	vunpack.i.l.bf16.f32 v48;
	v42 =	vmovc v1;
	v2 =	vperm.xlane v33, v19;
	v14 =	vperm.xlane v45, v16;
	[tilespmem:s9+$0xFFFFFF20] =	vst v41;
	v41 =	vld [tilespmem:s6+$0xFFFFFFF0]  }
0x1af: {  	v60 =	vld [tilespmem:s11+$0x0];
	[tilespmem:$0x1FEB0] =	vst v35;
	v63 =	vunpack.i.u.bf16.f32 v5;
	v35 =	vmovc v27;
	v27 =	vmovc v22;
	v22 =	vmov v58;
	v58 =	vperm.xlane v46, v62  }
0x1b0: {  	v0 =	vunpack.i.l.bf16.f32 v0;
	v1 =	vld [tilespmem:s6+$0xFFFFFFE0];
	[tilespmem:s9+$0xFFFFFF10] =	vst v38;
	v62 =	vperm.xlane v45, v19;
	v38 =	vmul.f32 v40, v63;
	v51 =	vmovc v7  }
0x1b1: {  	v5 =	vunpack.i.l.bf16.f32 v5;
	v19 =	vimm.s32 $0x3;
	v13 =	vmul.f32 v58, v13;
	v58 =	vld [tilespmem:$0x1FF20]  }
0x1b2: {  	v63 =	vld [tilespmem:$0x1FFF0];
	v5 =	vmul.f32 v36, v5;
	v40 =	vmovc v62;
	v62 =	vimm.s32 $0x0;
	[tilespmem:s9+$0xFFFFFFC8] =	vst v38;
	v38 =	vperm.xlane v46, v17  }
0x1b3: {  	v11 =	vld [tilespmem:s10+$0x30];
	v0 =	vadd.f32 v0, v41;
	v41 =	vperm.xlane v46, v19;
	v57 =	vimm.s32 $0x7;
	[tilespmem:$0x1FF10] =	vst v51;
	v51 =	vmovc v2  }
0x1b4: {  	v7 =	vperm.xlane v37, v16;
	v16 =	vmovc v56;
	v56 =	vmovc v53;
	v53 =	vimm.s32 $0x2;
	[tilespmem:$0x1FF30] =	vst v51;
	v51 =	vunpack.i.l.bf16.f32 v6  }
0x1b5: {  	v6 =	vunpack.i.u.bf16.f32 v60;
	v2 =	vadd.f32 v51, v8;
	v8 =	vunpack.i.l.bf16.f32 v60  }
0x1b6: {  	[tilespmem:s4+$0xD8] =	vst v3;
	v51 =	vld [tilespmem:s10+$0xFFFFFF80];
	v3 =	vmul.f32 v7, v6;
	v60 =	vunpack.i.u.bf16.f32 v48;
	v6 =	vmul.f32 v58, v12  }
0x1b7: {  	v7 =	vld [tilespmem:s12+$0x80];
	v48 =	vunpack.i.l.bf16.f32 v61;
	v12 =	vperm.xlane v30, v63;
	[tilespmem:s18+$0xFFFFFEF0] =	vst v13;
	v13 =	vperm.xlane v45, v19  }
0x1b8: {  	v36 =	vmovc v9;
	[tilespmem:s9+$0xFFFFFFB8] =	vst v5;
	v30 =	vunpack.i.l.bf16.f32 v11;
	v4 =	vmul.f32 v4, v8;
	v9 =	vmul.f32 $2.000000030e-01, v2  }
0x1b9: {  	s12 =	smov.u32 s10;
	s10 =	smov.u32 s11;
	v19 =	vimm.s32 $0x5;
	v5 =	vmul.f32 v24, v60;
	v1 =	vadd.f32 v48, v1;
	[tilespmem:s18+$0x10] =	vst v3  }
0x1ba: {  	v8 =	vunpack.i.l.bf16.f32 v15;
	v15 =	vmovc v25;
	v48 =	vperm.xlane v45, v62;
	[tilespmem:s18+$0x0] =	vst v4;
	v2 =	vmax.f32 v2, v9;
	v9 =	vld [tilespmem:s10+$0xFFFFFFB0]  }
0x1bb: {  	v11 =	vunpack.i.u.bf16.f32 v11;
	[tilespmem:$0x1FF20] =	vst v15;
	v8 =	vadd.f32 v8, v55;
	v55 =	vmovc v52;
	v52 =	vmul.f32 v27, v30;
	v15 =	vld [tilespmem:s10+$0x10]  }
0x1bc: {  	[tilespmem:s9+$0xF8] =	vst v12;
	v4 =	vperm.xlane v37, v17;
	v24 =	vunpack.i.u.bf16.f32 v7;
	v2 =	vsub.f32 $0.0e+00, v2  }
0x1bd: {  	[tilespmem:s4+$0xFFFFFF50] =	vst v6;
	v37 =	vld [tilespmem:s12+$0x50];
	v60 =	vunpack.i.l.bf16.f32 v7;
	v7 =	vmul.f32 $2.000000030e-01, v8;
	v12 =	vmul.f32 v22, v24  }
0x1be: {  	v61 =	vmovc v18;
	v18 =	vmovc v59;
	v59 =	vimm.s32 $0x6;
	v3 =	vld [tilespmem:s12+$0xFFFFFFE0];
	[tilespmem:s4+$0xFFFFFF60] =	vst v5;
	v5 =	vmul.f32 $2.000000030e-01, v0;
	v2 =	vmul.f32 $1.442695020e+00, v2  }
0x1bf: {  	v6 =	vmul.f32 v23, v60;
	v7 =	vmax.f32 v8, v7;
	[tilespmem:s4+$0xF8] =	vst v12;
	v12 =	vunpack.i.l.bf16.f32 v9  }
0x1c0: {  	v22 =	vmovc v31;
	v9 =	vunpack.i.u.bf16.f32 v9;
	v31 =	vunpack.i.l.bf16.f32 v15;
	(erf) = vpow2.f32 v2  }
0x1c1: {  	v30 =	vmovc v33;
	[tilespmem:s4+$0xE8] =	vst v6;
	s4 =	smov.u32 s9;
	v33 =	vmul.f32 v14, v9;
	v9 =	vunpack.i.u.bf16.f32 v15;
	v8 =	vmul.f32 v48, v12  }
0x1c2: {  	s9 =	smov.u32 s18;
	[tilespmem:s4+$0x60] =	vst v52;
	v48 =	vsub.f32 $0.0e+00, v7;
	v52 =	vmul.f32 v10, v9;
	v9 =	vunpack.i.l.bf16.f32 v37  }
0x1c3: {  	v4 =	vmul.f32 v4, v31;
	v10 =	vunpack.i.u.bf16.f32 v3;
	[tilespmem:s9+$0xFFFFFF88] =	vst v33;
	v33 =	vmul.f32 v35, v9  }
0x1c4: {  	v3 =	vunpack.i.l.bf16.f32 v3;
	v35 =	vmul.f32 $2.000000030e-01, v1;
	[tilespmem:s9+$0xFFFFFF78] =	vst v8;
	v8 =	vmul.f32 v50, v54  }
0x1c5: {  	v17 =	vimm.s32 $0x4;
	v0 =	vmax.f32 v0, v5;
	[tilespmem:s9+$0x20] =	vst v4;
	v3 =	vmul.f32 v43, v3;
	v43 =	vld [tilespmem:$0x1FED0]  }
0x1c6: {  	v27 =	vmovc v49;
	v49 =	vunpack.i.u.bf16.f32 v37;
	v5 =	vmul.f32 $1.442695020e+00, v48;
	v1 =	vmax.f32 v1, v35;
	[tilespmem:s9+$0xFFFFFF00] =	vst v8;
	v8 =	vld [tilespmem:$0x1FEA0]  }
0x1c7: {  	[tilespmem:s9+$0x30] =	vst v52;
	v52 =	vperm.xlane v46, v19;
	v46 =	vmul.f32 v34, v10;
	v35 =	vld [tilespmem:s10+$0xFFFFFFC0];
	v1 =	vsub.f32 $0.0e+00, v1  }
0x1c8: {  	v0 =	vsub.f32 $0.0e+00, v0;
	v9 =	vperm.xlane v45, v53;
	[tilespmem:s4+$0x88] =	vst v33;
	v33 =	vmul.f32 v39, v49;
	v48 =	vld [tilespmem:s10+$0x20]  }
0x1c9: {  	v58 =	vmovc v21;
	v45 =	vunpack.i.u.bf16.f32 v51;
	(erf) = vpow2.f32 v5;
	[tilespmem:s4+$0xFFFFFFE8] =	vst v46;
	v46 =	vld [tilespmem:$0x1FEE0];
	v1 =	vmul.f32 $1.442695020e+00, v1  }
0x1ca: {  	v21 =	vmovc v28;
	v0 =	vmul.f32 $1.442695020e+00, v0;
	v12 =	vimm.s32 $0x1;
	v4 =	vmul.f32 v26, v45;
	v28 =	vmovc v52;
	v52 =	vld [tilespmem:$0x1FF00];
	[tilespmem:s4+$0x98] =	vst v33  }
0x1cb: {  	v49 =	vunpack.i.l.bf16.f32 v51;
	v10 =	vld [tilespmem:s12+$0x60];
	v37 =	vpop (erf);
	v8 =	vmul.f32 v8, v11;
	(erf) = vpow2.f32 v1  }
0x1cc: {  	v33 =	vld [tilespmem:$0x1FEB0];
	v11 =	vimm.s32 $0x3;
	v31 =	vperm.xlane v37, v59;
	v15 =	vperm.xlane v37, v57  }
0x1cd: {  	s29 =	sadd.s32 $0x4, s29;
	v50 =	vunpack.i.u.bf16.f32 v35;
	v34 =	vperm.xlane v37, v17;
	v1 =	vmul.f32 v29, v49;
	v49 =	vld [tilespmem:$0x1FEF0]  }
0x1ce: {  	p0 =	slt.u32 s29, $0x4C;
	v14 =	vmovc v44;
	[tilespmem:s4+$0xFFFFFFD8] =	vst v3;
	v51 =	vunpack.i.l.bf16.f32 v35;
	v44 =	vperm.xlane v37, v63;
	(erf) = vpow2.f32 v0;
	v0 =	vld [tilespmem:s10+$0xFFFFFF70]  }
.Ltmp1:
0x1cf: {  	v25 =	vmovc v47;
	v7 =	vunpack.i.u.bf16.f32 v48;
	v5 =	vunpack.i.l.bf16.f32 v48;
	[tilespmem:s4+$0xFFFFFF40] =	vst v4;
	v2 =	vmul.f32 v13, v50;
	(pc) =	sbr.rel @p0 .LBB2_6-.Ltmp1, $4  }
0x1d0: {  	v60 =	vmovc v20;
	v47 =	vmul.f32 v9, v51;
	v43 =	vmul.f32 v43, v5;
	[tilespmem:s4+$0x70] =	vst v8;
	v35 =	vunpack.i.u.bf16.f32 v10  }
0x1d1: {  	v13 =	vmovc v42;
	v42 =	vmul.f32 v52, v7;
	[tilespmem:s4+$0xFFFFFF30] =	vst v1;
	v45 =	vunpack.i.l.bf16.f32 v10;
	v39 =	vmul.f32 v32, v35  }
0x1d2: {  	s6 =	sadd.s32 $0x40, s6;
	v54 =	vld [tilespmem:$0x1FEC0];
	v24 =	vmov v33;
	[tilespmem:s9+$0xFFFFFFA8] =	vst v2;
	v32 =	vperm.xlane v30, v11;
	v45 =	vmul.f32 v46, v45;
	v33 =	vpop (erf)  }
0x1d3: {  	s11 =	smov.u32 s8;
	s8 =	sadd.s32 $0x140, s8;
	s18 =	sadd.s32 $0x220, s18;
	v23 =	vmovc v34;
	v48 =	vld [tilespmem:s12+$0xFFFFFF90];
	v20 =	vmovc v49;
	v50 =	vunpack.i.u.bf16.f32 v0;
	v51 =	vunpack.i.l.bf16.f32 v0;
	[tilespmem:s4+$0xB8] =	vst v39;
	v39 =	vperm.xlane v30, v12  }
0x1d4: {  	[tilespmem:s4+$0xA8] =	vst v45  }
0x1d5: {  	[tilespmem:s9+$0xFFFFFF98] =	vst v47  }
0x1d6: {  	[tilespmem:s9+$0x50] =	vst v42  }
0x1d7: {  	v10 =	vpop (erf);
	[tilespmem:s9+$0x40] =	vst v43;
	v50 =	vmul.f32 v41, v50;
	v0 =	vld [tilespmem:s12+$0x70]  }
0x1d8: {  	[tilespmem:s18+$0x70] =	vst v44;
	v1 =	vperm.xlane v10, v63;
	v42 =	vpop (erf)  }
0x1d9: {  	v2 =	vld [tilespmem:s10+$0xFFFFFFD0];
	[tilespmem:s9+$0xFFFFFF20] =	vst v50;
	v3 =	vperm.xlane v42, v63  }
0x1da: {  	[tilespmem:s18+$0xFFFFFF60] =	vst v1  }
0x1db: {  	v4 =	vld [tilespmem:s11+$0x0];
	[tilespmem:s18+$0xFFFFFFE8] =	vst v3  }
0x1dc: {  	v5 =	vunpack.i.l.bf16.f32 v0;
	v1 =	vld [tilespmem:$0x1FF10]  }
0x1dd: {  	v52 =	vmul.f32 v54, v5  }
0x1de: {  	v26 =	vunpack.i.u.bf16.f32 v2;
	v54 =	vmul.f32 v38, v51;
	v5 =	vld [tilespmem:s11+$0xFFFFFF60]  }
0x1df: {  	v2 =	vunpack.i.l.bf16.f32 v2;
	v3 =	vmul.f32 v40, v26;
	[tilespmem:s4+$0xC8] =	vst v52  }
0x1e0: {  	v6 =	vperm.xlane v37, v12;
	v0 =	vunpack.i.u.bf16.f32 v0;
	v2 =	vmul.f32 v36, v2;
	[tilespmem:s9+$0xFFFFFF10] =	vst v54  }
0x1e1: {  	v29 =	vperm.xlane v37, v62;
	v34 =	vunpack.i.u.bf16.f32 v4;
	v38 =	vld [tilespmem:s10+$0x30];
	[tilespmem:s9+$0xFFFFFFC8] =	vst v3;
	v0 =	vmul.f32 v1, v0  }
0x1e2: {  	v35 =	vunpack.i.l.bf16.f32 v4;
	v36 =	vperm.xlane v10, v62;
	v44 =	vld [tilespmem:s11+$0xFFFFFFB0];
	[tilespmem:s9+$0xFFFFFFB8] =	vst v2;
	v1 =	vmul.f32 v6, v34  }
0x1e3: {  	v40 =	vunpack.i.l.bf16.f32 v5;
	[tilespmem:s4+$0xD8] =	vst v0;
	v0 =	vmul.f32 v29, v35  }
0x1e4: {  	v41 =	vperm.xlane v30, v63;
	[tilespmem:s18+$0x10] =	vst v1;
	v1 =	vmul.f32 v36, v40;
	v7 =	vld [tilespmem:s12+$0x80]  }
0x1e5: {  	v43 =	vunpack.i.l.bf16.f32 v48;
	v48 =	vunpack.i.u.bf16.f32 v48;
	v50 =	vperm.xlane v42, v12;
	v26 =	vld [tilespmem:s10+$0xFFFFFF80];
	[tilespmem:s18+$0x0] =	vst v0  }
0x1e6: {  	v51 =	vunpack.i.l.bf16.f32 v38;
	v2 =	vunpack.i.u.bf16.f32 v38;
	v45 =	vld [tilespmem:$0x1FF20];
	[tilespmem:s18+$0xFFFFFEF0] =	vst v1;
	v1 =	vmul.f32 v61, v48  }
0x1e7: {  	v52 =	vunpack.i.u.bf16.f32 v44;
	v38 =	vmul.f32 v21, v2;
	[tilespmem:s9+$0xF8] =	vst v41;
	v61 =	vperm.xlane v42, v62  }
0x1e8: {  	v0 =	vunpack.i.l.bf16.f32 v44;
	[tilespmem:s4+$0xFFFFFF60] =	vst v1;
	v1 =	vmul.f32 v50, v52  }
0x1e9: {  	v29 =	vperm.xlane v10, v12;
	[tilespmem:s9+$0x70] =	vst v38;
	v0 =	vmul.f32 v61, v0;
	v47 =	vunpack.i.u.bf16.f32 v7  }
0x1ea: {  	v30 =	vunpack.i.u.bf16.f32 v5;
	v4 =	vmul.f32 v58, v47;
	[tilespmem:s18+$0xFFFFFF88] =	vst v1  }
0x1eb: {  	v8 =	vld [tilespmem:s10+$0x50];
	v49 =	vunpack.i.l.bf16.f32 v7;
	v7 =	vunpack.i.l.bf16.f32 v26;
	[tilespmem:s18+$0xFFFFFF78] =	vst v0;
	v0 =	vmul.f32 v29, v30  }
0x1ec: {  	v7 =	vmul.f32 v14, v7;
	[tilespmem:s4+$0xF8] =	vst v4  }
0x1ed: {  	v3 =	vmul.f32 v45, v43;
	[tilespmem:s18+$0xFFFFFF00] =	vst v0  }
0x1ee: {  	v46 =	vld [tilespmem:s11+$0x10];
	v4 =	vmul.f32 v22, v51;
	v22 =	vperm.xlane v33, v63;
	[tilespmem:s9+$0xFFFFFF30] =	vst v7  }
0x1ef: {  	[tilespmem:s4+$0xFFFFFF50] =	vst v3  }
0x1f0: {  	v58 =	vunpack.i.l.bf16.f32 v8;
	v8 =	vunpack.i.u.bf16.f32 v8;
	v3 =	vmul.f32 v60, v49;
	v60 =	vld [tilespmem:s10+$0xFFFFFFE0];
	[tilespmem:s18+$0xF8] =	vst v22  }
0x1f1: {  	v8 =	vmul.f32 v39, v8;
	[tilespmem:s9+$0x60] =	vst v4;
	v34 =	vld [tilespmem:s11+$0x50]  }
0x1f2: {  	v9 =	vperm.xlane v37, v11;
	v39 =	vunpack.i.u.bf16.f32 v26;
	v4 =	vmul.f32 v27, v58;
	[tilespmem:s4+$0xE8] =	vst v3  }
0x1f3: {  	v54 =	vunpack.i.u.bf16.f32 v46;
	v27 =	vperm.xlane v37, v53;
	v2 =	vmul.f32 v28, v39;
	[tilespmem:s9+$0x98] =	vst v8  }
0x1f4: {  	v6 =	vunpack.i.l.bf16.f32 v46;
	v41 =	vld [tilespmem:s11+$0xFFFFFFC0];
	v3 =	vmul.f32 v9, v54;
	[tilespmem:s9+$0x88] =	vst v4  }
0x1f5: {  	v40 =	vperm.xlane v33, v62;
	v4 =	vmul.f32 v27, v6;
	[tilespmem:s9+$0xFFFFFF40] =	vst v2;
	v36 =	vld [tilespmem:s10+$0x60];
	v35 =	vunpack.i.u.bf16.f32 v60  }
0x1f6: {  	v43 =	vperm.xlane v33, v12;
	[tilespmem:s18+$0x30] =	vst v3;
	v3 =	vmul.f32 v25, v35;
	v8 =	vunpack.i.l.bf16.f32 v34  }
0x1f7: {  	[tilespmem:s18+$0x20] =	vst v4;
	v5 =	vunpack.i.u.bf16.f32 v34;
	v44 =	vmul.f32 v40, v8  }
0x1f8: {  	v48 =	vperm.xlane v42, v11;
	v47 =	vld [tilespmem:s11+$0xFFFFFF70];
	v1 =	vunpack.i.l.bf16.f32 v60;
	[tilespmem:s9+$0xFFFFFFE8] =	vst v3;
	v0 =	vmul.f32 v43, v5  }
0x1f9: {  	v1 =	vmul.f32 v24, v1;
	v45 =	vld [tilespmem:s11+$0x20];
	v8 =	vunpack.i.u.bf16.f32 v41;
	[tilespmem:s18+$0x88] =	vst v44  }
0x1fa: {  	v46 =	vunpack.i.u.bf16.f32 v36;
	v6 =	vmul.f32 v48, v8;
	[tilespmem:s18+$0x98] =	vst v0  }
0x1fb: {  	v49 =	vperm.xlane v42, v53;
	[tilespmem:s9+$0xFFFFFFD8] =	vst v1;
	v4 =	vunpack.i.l.bf16.f32 v36;
	v5 =	vmul.f32 v32, v46;
	v50 =	vld [tilespmem:s11+$0x60]  }
0x1fc: {  	v58 =	vperm.xlane v10, v53;
	v3 =	vunpack.i.l.bf16.f32 v41;
	v4 =	vmul.f32 v20, v4;
	[tilespmem:s18+$0xFFFFFFA8] =	vst v6  }
0x1fd: {  	v2 =	vunpack.i.l.bf16.f32 v47;
	v8 =	vperm.xlane v37, v19;
	v0 =	vmul.f32 v49, v3;
	[tilespmem:s9+$0xB8] =	vst v5  }
0x1fe: {  	v51 =	vperm.xlane v10, v11;
	v2 =	vmul.f32 v58, v2;
	v24 =	vld [tilespmem:s10+$0xFFFFFF90];
	v52 =	vunpack.i.u.bf16.f32 v45;
	[tilespmem:s9+$0xA8] =	vst v4  }
0x1ff: {  	v60 =	vperm.xlane v33, v11;
	v3 =	vmul.f32 v8, v52;
	v8 =	vunpack.i.u.bf16.f32 v47;
	[tilespmem:s18+$0xFFFFFF98] =	vst v0;
	v54 =	vld [tilespmem:s10+$0x70]  }
0x200: {  	[tilespmem:s18+$0xFFFFFF10] =	vst v2;
	v4 =	vmul.f32 v51, v8;
	v8 =	vperm.xlane v33, v53;
	v61 =	vld [tilespmem:s11+$0xFFFFFFD0];
	v21 =	vunpack.i.u.bf16.f32 v50  }
0x201: {  	[tilespmem:s18+$0x50] =	vst v3;
	v22 =	vunpack.i.l.bf16.f32 v50;
	v0 =	vmul.f32 v60, v21  }
0x202: {  	v1 =	vunpack.i.l.bf16.f32 v45;
	[tilespmem:s18+$0xFFFFFF20] =	vst v4;
	v4 =	vmul.f32 v8, v22  }
0x203: {  	v2 =	vunpack.i.u.bf16.f32 v24;
	v1 =	vmul.f32 v23, v1;
	v27 =	vld [tilespmem:s11+$0xFFFFFF80];
	[tilespmem:s18+$0xB8] =	vst v0  }
0x204: {  	v29 =	vperm.xlane v42, v19;
	v2 =	vmul.f32 v18, v2;
	v25 =	vunpack.i.l.bf16.f32 v54;
	v28 =	vld [tilespmem:$0x1FF30];
	[tilespmem:s18+$0xA8] =	vst v4  }
0x205: {  	v30 =	vperm.xlane v42, v17;
	v8 =	vunpack.i.u.bf16.f32 v61;
	v5 =	vmul.f32 v13, v25;
	[tilespmem:s18+$0x40] =	vst v1  }
0x206: {  	v3 =	vunpack.i.l.bf16.f32 v61;
	v7 =	vmul.f32 v29, v8;
	[tilespmem:s9+$0xFFFFFF60] =	vst v2;
	v32 =	vld [tilespmem:s11+$0x70]  }
0x207: {  	v35 =	vunpack.i.l.bf16.f32 v24;
	v3 =	vmul.f32 v30, v3;
	[tilespmem:s9+$0xC8] =	vst v5  }
0x208: {  	v37 =	vperm.xlane v10, v17;
	v26 =	vunpack.i.u.bf16.f32 v54;
	v1 =	vmul.f32 v16, v35;
	[tilespmem:s18+$0xFFFFFFC8] =	vst v7;
	v39 =	vld [tilespmem:s11+$0x30]  }
0x209: {  	v34 =	vperm.xlane v10, v19;
	[tilespmem:s18+$0xFFFFFFB8] =	vst v3;
	v0 =	vunpack.i.l.bf16.f32 v27;
	v6 =	vmul.f32 v28, v26  }
0x20a: {  	v38 =	vperm.xlane v33, v17;
	v8 =	vunpack.i.u.bf16.f32 v27;
	[tilespmem:s9+$0xFFFFFF50] =	vst v1;
	v0 =	vmul.f32 v37, v0;
	v41 =	vld [tilespmem:s11+$0xFFFFFFE0]  }
0x20b: {  	v40 =	vunpack.i.l.bf16.f32 v32;
	[tilespmem:s9+$0xD8] =	vst v6;
	v6 =	vmul.f32 v34, v8;
	v8 =	vperm.xlane v33, v19  }
0x20c: {  	[tilespmem:s18+$0xFFFFFF30] =	vst v0;
	v5 =	vunpack.i.u.bf16.f32 v32;
	v3 =	vmul.f32 v38, v40;
	v36 =	vld [tilespmem:s10+$0x80]  }
0x20d: {  	v48 =	vunpack.i.l.bf16.f32 v39;
	[tilespmem:s18+$0xFFFFFF40] =	vst v6;
	v43 =	vmul.f32 v8, v5  }
0x20e: {  	v47 =	vperm.xlane v42, v57;
	v1 =	vunpack.i.u.bf16.f32 v39;
	v7 =	vmul.f32 v31, v48;
	[tilespmem:s18+$0xC8] =	vst v3;
	v46 =	vld [tilespmem:s11+$0xFFFFFF90]  }
0x20f: {  	v51 =	vperm.xlane v42, v59;
	v50 =	vunpack.i.u.bf16.f32 v41;
	v1 =	vmul.f32 v15, v1;
	[tilespmem:s18+$0xD8] =	vst v43  }
0x210: {  	v0 =	vmul.f32 v47, v50;
	[tilespmem:s18+$0x60] =	vst v7;
	v6 =	vunpack.i.l.bf16.f32 v41;
	v49 =	vld [tilespmem:s11+$0x80]  }
0x211: {  	[tilespmem:s18+$0x70] =	vst v1;
	v2 =	vmul.f32 v51, v6;
	v45 =	vunpack.i.l.bf16.f32 v36  }
0x212: {  	v52 =	vperm.xlane v10, v59;
	[tilespmem:s18+$0xFFFFFFE8] =	vst v0;
	v44 =	vunpack.i.u.bf16.f32 v36;
	v3 =	vmul.f32 v55, v45  }
0x213: {  	[tilespmem:s18+$0xFFFFFFD8] =	vst v2;
	v5 =	vmul.f32 v56, v44;
	v56 =	vperm.xlane v10, v57;
	v55 =	vunpack.i.l.bf16.f32 v46  }
0x214: {  	v54 =	vperm.xlane v33, v57;
	v4 =	vunpack.i.u.bf16.f32 v46;
	[tilespmem:s9+$0xE8] =	vst v3;
	v3 =	vmul.f32 v52, v55  }
0x215: {  	p0 =	seq.s32 s0, $0xB;
	v60 =	vperm.xlane v33, v59;
	[tilespmem:s9+$0xF8] =	vst v5;
	v1 =	vmul.f32 v56, v4;
	v58 =	vunpack.i.u.bf16.f32 v49  }
.Ltmp2:
0x216: {  	v61 =	vunpack.i.l.bf16.f32 v49;
	v0 =	vmul.f32 v54, v58;
	[tilespmem:s18+$0xFFFFFF50] =	vst v3;
	(pc) =	sbr.rel @p0 .LBB2_9-.Ltmp2, $4  }
0x217: {  	v2 =	vmul.f32 v60, v61;
	[tilespmem:s18+$0xFFFFFF60] =	vst v1  }
0x218: {  	[tilespmem:s18+$0xF8] =	vst v0  }
0x219: {  	s29 =	sadd.s32 $0x50, s7;
	[tilespmem:s18+$0xE8] =	vst v2  }
0x21a: {  	[spmem:s3] =	stream.indirect.scatter.add.f32 [tilespmem:s26], [sflag:$0x6], $0x88, s29, s15, $0xb8;
	[tilespmem:$0x1F060] =	vst v63  }
.Ltmp3:
0x21b: {  	(pc) =	sbr.rel .LBB2_3-.Ltmp3, $4  }
0x21c: {  	s4 =	sadd.s32 $0x8C0, s2  }
0x21d: {  	[tilespmem:s19], [sflag:$0x2] =	stream.indirect.gather [hbm4b:s1+s15], $0x50, s4, s15, $0xb8;
	[tilespmem:$0x1F060] =	vst v63  }
0x21e: {  	s29 =	sadd.s32 $0xF0, s2;
	s0 =	sadd.s32 $0x1, s0  }
0x21f: {  	[tilespmem:s20], [sflag:$0x4] =	stream.indirect.gather [hbm4b:s5+s15], $0x10, s29, s15, $0xb8;
	[tilespmem:$0x1F060] =	vst v63  }
.LBB2_9:
0x220: {  	_ =	swait.ge [sflag:s21], $0x1900  }
0x221: {  	[sflag:s21] =	ssyncset.done $0x0  }
0x222: {  	[sflag:s21] =	ssyncadd.s32 $0xFFFFE700  }
0x223: {  	_ =	swait.ge [sflag:s22], $0x500  }
0x224: {  	[sflag:s22] =	ssyncset.done $0x0  }
0x225: {  	[sflag:s22] =	ssyncadd.s32 $0xFFFFFB00  }
0x226: {  	_ =	swait.ge [sflag:s28], $0x2A80  }
0x227: {  	[sflag:s28] =	ssyncset.done $0x0  }
0x228: {  	s9 =	simm.s32 $0x1040;
	[sflag:s28] =	ssyncadd.s32 $0xFFFFD580  }
0x229: {  	s0 =	simm.s32 $0x41C0;
	v1 =	vld [tilespmem:s9+$0x40]  }
0x22a: {  	v2 =	vld [tilespmem:s0+$0x0];
	_ =	sdelay $0x1  }
0x22b: {  	v4 =	vld [tilespmem:s9+$0x90]  }
0x22c: {  	v3 =	vld [tilespmem:s0+$0x10]  }
0x22d: {  	v1 =	vunpack.i.l.bf16.f32 v1  }
0x22e: {  	v5 =	vld [tilespmem:s9+$0xFFFFFFA0];
	v1 =	vadd.f32 v1, v2  }
0x22f: {  	v6 =	vld [tilespmem:s0+$0xFFFFFFE0]  }
0x230: {  	v47 =	vunpack.i.l.bf16.f32 v4;
	v48 =	vmul.f32 $2.000000030e-01, v1  }
0x231: {  	v0 =	vld [tilespmem:s9+$0xFFFFFFF0];
	v2 =	vadd.f32 v47, v3  }
0x232: {  	v7 =	vld [tilespmem:s0+$0xFFFFFFF0];
	v1 =	vmax.f32 v1, v48  }
0x233: {  	v5 =	vunpack.i.l.bf16.f32 v5;
	v50 =	vmul.f32 $2.000000030e-01, v2;
	v1 =	vsub.f32 $0.0e+00, v1  }
0x234: {  	v49 =	vadd.f32 v5, v6  }
0x235: {  	v2 =	vmax.f32 v2, v50;
	v1 =	vmul.f32 $1.442695020e+00, v1  }
0x236: {  	v0 =	vunpack.i.l.bf16.f32 v0;
	v5 =	vmul.f32 $2.000000030e-01, v49;
	v2 =	vsub.f32 $0.0e+00, v2  }
0x237: {  	v0 =	vadd.f32 v0, v7;
	(erf) = vpow2.f32 v1  }
0x238: {  	v3 =	vmax.f32 v49, v5;
	v52 =	vmul.f32 $1.442695020e+00, v2  }
0x239: {  	v51 =	vmul.f32 $2.000000030e-01, v0;
	v3 =	vsub.f32 $0.0e+00, v3  }
0x23a: {  	(erf) = vpow2.f32 v52  }
0x23b: {  	v0 =	vmax.f32 v0, v51;
	v54 =	vmul.f32 $1.442695020e+00, v3  }
0x23c: {  	v0 =	vsub.f32 $0.0e+00, v0  }
0x23d: {  	(erf) = vpow2.f32 v54  }
0x23e: {  	v0 =	vmul.f32 $1.442695020e+00, v0;
	_ =	sdelay $0x1  }
0x23f: {  	(erf) = vpow2.f32 v0;
	v55 =	vpop (erf)  }
0x240: {  	v34 =	vperm.xlane v55, v59;
	v32 =	vperm.xlane v55, v57  }
0x241: {  	v1 =	vperm.xlane v55, v17;
	v42 =	vperm.xlane v55, v63  }
0x242: {  	v36 =	vpop (erf);
	v46 =	vperm.xlane v55, v62;
	v47 =	vperm.xlane v55, v19  }
0x243: {  	s4 =	simm.s32 $0x4CB0;
	s0 =	simm.s32 $0x1180;
	v21 =	vperm.xlane v55, v12;
	v10 =	vperm.xlane v36, v19  }
0x244: {  	v44 =	vld [tilespmem:s0+$0xFFFFFFF0];
	v0 =	vperm.xlane v55, v53;
	v33 =	vperm.xlane v36, v53;
	[tilespmem:s4+$0x70] =	vst v42  }
0x245: {  	v8 =	vld [tilespmem:s0+$0x40];
	v15 =	vperm.xlane v36, v17;
	v3 =	vpop (erf);
	v58 =	vperm.xlane v36, v57;
	[tilespmem:$0x1FE70] =	vst v10  }
0x246: {  	s2 =	simm.s32 $0x4200;
	v60 =	vperm.xlane v36, v59;
	v14 =	vperm.xlane v3, v59;
	v10 =	vld [tilespmem:s9+$0x0]  }
0x247: {  	v35 =	vperm.xlane v36, v62;
	v43 =	vperm.xlane v3, v63;
	v13 =	vld [tilespmem:s2+$0x0]  }
0x248: {  	v45 =	vpop (erf);
	v61 =	vperm.xlane v3, v57;
	v31 =	vperm.xlane v3, v17;
	[tilespmem:$0x1FE80] =	vst v14  }
0x249: {  	v37 =	vperm.xlane v3, v19;
	v9 =	vperm.xlane v45, v63;
	v48 =	vld [tilespmem:s2+$0x10]  }
0x24a: {  	v8 =	vunpack.i.l.bf16.f32 v8;
	v29 =	vperm.xlane v45, v59;
	v28 =	vperm.xlane v45, v57;
	v18 =	vld [tilespmem:s0+$0x90]  }
0x24b: {  	v38 =	vperm.xlane v45, v19;
	v41 =	vperm.xlane v45, v17;
	v24 =	vld [tilespmem:s2+$0xFFFFFFF0];
	v23 =	vunpack.i.u.bf16.f32 v10  }
0x24c: {  	v22 =	vld [tilespmem:s0+$0xFFFFFFA0];
	v8 =	vadd.f32 v8, v13;
	v10 =	vunpack.i.l.bf16.f32 v10;
	v13 =	vmul.f32 v21, v23  }
0x24d: {  	v26 =	vperm.xlane v45, v12;
	[tilespmem:s4+$0xFFFFFFE8] =	vst v9;
	v21 =	vld [tilespmem:s2+$0xFFFFFFE0];
	v7 =	vmul.f32 v46, v10  }
0x24e: {  	v54 =	vperm.xlane v45, v11;
	v23 =	vmul.f32 $2.000000030e-01, v8;
	[tilespmem:s4+$0x10] =	vst v13  }
0x24f: {  	v5 =	vunpack.i.l.bf16.f32 v44;
	v6 =	vperm.xlane v45, v53;
	v9 =	vperm.xlane v55, v11;
	v13 =	vld [tilespmem:s9+$0xFFFFFFB0];
	[tilespmem:s4+$0x0] =	vst v7  }
0x250: {  	v18 =	vunpack.i.l.bf16.f32 v18;
	v5 =	vadd.f32 v5, v24;
	v49 =	vmax.f32 v8, v23;
	v8 =	vld [tilespmem:s9+$0x10]  }
0x251: {  	v4 =	vadd.f32 v18, v48;
	v18 =	vunpack.i.l.bf16.f32 v22;
	v7 =	vsub.f32 $0.0e+00, v49  }
0x252: {  	v24 =	vmul.f32 $2.000000030e-01, v5;
	v23 =	vperm.xlane v45, v62;
	v18 =	vadd.f32 v18, v21  }
0x253: {  	v21 =	vmul.f32 $2.000000030e-01, v4;
	v7 =	vmul.f32 $1.442695020e+00, v7  }
0x254: {  	v22 =	vunpack.i.l.bf16.f32 v13;
	v13 =	vunpack.i.u.bf16.f32 v13;
	v27 =	vmul.f32 $2.000000030e-01, v18  }
0x255: {  	[tilespmem:s4+$0xFFFFFF60] =	vst v43;
	v4 =	vmax.f32 v4, v21;
	v30 =	vunpack.i.l.bf16.f32 v8;
	(erf) = vpow2.f32 v7  }
0x256: {  	v16 =	vld [tilespmem:s9+$0xFFFFFF60];
	v50 =	vmul.f32 v26, v13;
	v4 =	vsub.f32 $0.0e+00, v4;
	v13 =	vmax.f32 v18, v27  }
0x257: {  	v8 =	vunpack.i.u.bf16.f32 v8;
	v18 =	vmul.f32 v23, v22;
	v13 =	vsub.f32 $0.0e+00, v13  }
0x258: {  	v8 =	vmul.f32 v9, v8;
	[tilespmem:s4+$0xFFFFFF88] =	vst v50;
	v4 =	vmul.f32 $1.442695020e+00, v4  }
0x259: {  	v5 =	vmax.f32 v5, v24;
	v0 =	vmul.f32 v0, v30;
	[tilespmem:s4+$0xFFFFFF78] =	vst v18;
	v51 =	vmul.f32 $1.442695020e+00, v13  }
0x25a: {  	v14 =	vperm.xlane v3, v62;
	v5 =	vsub.f32 $0.0e+00, v5;
	[tilespmem:s4+$0x30] =	vst v8;
	v8 =	vld [tilespmem:s9+$0xFFFFFFC0];
	(erf) = vpow2.f32 v4  }
0x25b: {  	v10 =	vperm.xlane v3, v12;
	v25 =	vunpack.i.l.bf16.f32 v16;
	[tilespmem:s4+$0x20] =	vst v0;
	(erf) = vpow2.f32 v51  }
0x25c: {  	v52 =	vmul.f32 $1.442695020e+00, v5;
	v9 =	vmul.f32 v14, v25;
	v55 =	vld [tilespmem:s9+$0x20]  }
0x25d: {  	v5 =	vperm.xlane v3, v53;
	v18 =	vperm.xlane v3, v11;
	v13 =	vunpack.i.u.bf16.f32 v16  }
0x25e: {  	[tilespmem:s4+$0xFFFFFEF0] =	vst v9;
	v9 =	vperm.xlane v36, v11;
	v56 =	vmul.f32 v10, v13;
	v4 =	vpop (erf)  }
0x25f: {  	(erf) = vpow2.f32 v52;
	v10 =	vunpack.i.u.bf16.f32 v8;
	v22 =	vperm.xlane v4, v59  }
0x260: {  	v8 =	vunpack.i.l.bf16.f32 v8;
	v21 =	vperm.xlane v4, v57;
	v39 =	vperm.xlane v4, v17  }
0x261: {  	[tilespmem:s4+$0xFFFFFF00] =	vst v56;
	v7 =	vunpack.i.u.bf16.f32 v55;
	v14 =	vperm.xlane v4, v63;
	v0 =	vmul.f32 v54, v10  }
0x262: {  	v3 =	vld [tilespmem:s9+$0xFFFFFF70];
	v6 =	vmul.f32 v6, v8;
	v2 =	vmul.f32 v47, v7  }
0x263: {  	s6 =	simm.s32 $0x4240;
	v7 =	vperm.xlane v36, v12;
	v44 =	vperm.xlane v4, v62;
	v30 =	vpop (erf)  }
0x264: {  	s7 =	simm.s32 $0x4ED0;
	s2 =	simm.s32 $0x12C0;
	v46 =	vld [tilespmem:s6+$0x0];
	v42 =	vperm.xlane v4, v19;
	v51 =	vperm.xlane v4, v12;
	[tilespmem:s4+$0xFFFFFFA8] =	vst v0;
	v8 =	vpop (erf)  }
0x265: {  	v23 =	vld [tilespmem:s2+$0x40];
	v10 =	vunpack.i.l.bf16.f32 v55;
	v36 =	vperm.xlane v36, v63;
	[tilespmem:s7+$0x70] =	vst v14;
	v16 =	vperm.xlane v8, v63  }
0x266: {  	v1 =	vmul.f32 v1, v10;
	[tilespmem:s4+$0xFFFFFF98] =	vst v6;
	v40 =	vld [tilespmem:s0+$0x0];
	v10 =	vperm.xlane v30, v19  }
0x267: {  	v43 =	vld [tilespmem:s2+$0xFFFFFFF0];
	v48 =	vunpack.i.u.bf16.f32 v3;
	v20 =	vperm.xlane v30, v53;
	v13 =	vperm.xlane v30, v17;
	[tilespmem:s7+$0xFFFFFF60] =	vst v16  }
0x268: {  	v47 =	vld [tilespmem:s9+$0xFFFFFFD0];
	v3 =	vunpack.i.l.bf16.f32 v3;
	v56 =	vperm.xlane v30, v57;
	v55 =	vperm.xlane v30, v59;
	[tilespmem:$0x1FE90] =	vst v10  }
0x269: {  	v26 =	vperm.xlane v30, v62;
	v3 =	vmul.f32 v5, v3;
	v0 =	vpop (erf);
	[tilespmem:s4+$0x50] =	vst v2;
	v2 =	vld [tilespmem:s0+$0xFFFFFF60]  }
0x26a: {  	v23 =	vunpack.i.l.bf16.f32 v23;
	v14 =	vperm.xlane v8, v17;
	v45 =	vperm.xlane v0, v63;
	v49 =	vld [tilespmem:s2+$0xFFFFFFA0]  }
0x26b: {  	v24 =	vperm.xlane v0, v59;
	v54 =	vunpack.i.u.bf16.f32 v40;
	v6 =	vunpack.i.l.bf16.f32 v40;
	v52 =	vld [tilespmem:s6+$0xFFFFFFF0]  }
0x26c: {  	v46 =	vadd.f32 v23, v46;
	v5 =	vmul.f32 v51, v54;
	v6 =	vmul.f32 v44, v6;
	[tilespmem:s4+$0x40] =	vst v1;
	v51 =	vld [tilespmem:s6+$0xFFFFFFE0]  }
0x26d: {  	v25 =	vperm.xlane v0, v57;
	v16 =	vperm.xlane v8, v59;
	v40 =	vunpack.i.u.bf16.f32 v47;
	[tilespmem:s7+$0xFFFFFFE8] =	vst v45;
	v44 =	vld [tilespmem:s2+$0x90]  }
0x26e: {  	v47 =	vunpack.i.l.bf16.f32 v47;
	v38 =	vmul.f32 v38, v40;
	v50 =	vld [tilespmem:s9+$0x30];
	[tilespmem:s7+$0x0] =	vst v6;
	v6 =	vmul.f32 $2.000000030e-01, v46  }
0x26f: {  	v43 =	vunpack.i.l.bf16.f32 v43;
	v41 =	vmul.f32 v41, v47;
	v1 =	vmul.f32 v18, v48;
	[tilespmem:s7+$0x10] =	vst v5;
	v5 =	vld [tilespmem:s0+$0xFFFFFFB0]  }
0x270: {  	v48 =	vperm.xlane v8, v62;
	v18 =	vperm.xlane v8, v57;
	v47 =	vld [tilespmem:s6+$0x10];
	v6 =	vmax.f32 v46, v6  }
0x271: {  	[tilespmem:s4+$0xFFFFFFC8] =	vst v38;
	v38 =	vperm.xlane v0, v62;
	v6 =	vsub.f32 $0.0e+00, v6;
	v54 =	vunpack.i.l.bf16.f32 v2  }
0x272: {  	v43 =	vadd.f32 v43, v52;
	v40 =	vunpack.i.l.bf16.f32 v49;
	v52 =	vperm.xlane v0, v12  }
0x273: {  	[tilespmem:s4+$0xF8] =	vst v36;
	v36 =	vunpack.i.l.bf16.f32 v44;
	v45 =	vmul.f32 v48, v54;
	v48 =	vadd.f32 v40, v51  }
0x274: {  	v54 =	vunpack.i.l.bf16.f32 v50;
	v40 =	vunpack.i.u.bf16.f32 v5;
	v6 =	vmul.f32 $1.442695020e+00, v6  }
0x275: {  	v36 =	vadd.f32 v36, v47;
	v34 =	vmul.f32 v34, v54;
	v44 =	vmul.f32 $2.000000030e-01, v43  }
0x276: {  	v49 =	vld [tilespmem:s0+$0x10];
	v5 =	vunpack.i.l.bf16.f32 v5;
	v47 =	vmul.f32 v52, v40;
	v54 =	vperm.xlane v4, v11  }
0x277: {  	v46 =	vld [tilespmem:s9+$0x50];
	v40 =	vperm.xlane v0, v19;
	v5 =	vmul.f32 v38, v5  }
0x278: {  	v4 =	vperm.xlane v4, v53;
	v38 =	vperm.xlane v8, v53  }
0x279: {  	v2 =	vunpack.i.u.bf16.f32 v2;
	v51 =	vmul.f32 $2.000000030e-01, v36;
	(erf) = vpow2.f32 v6;
	[tilespmem:s7+$0xFFFFFEF0] =	vst v45  }
0x27a: {  	v45 =	vperm.xlane v0, v11;
	v43 =	vmax.f32 v43, v44;
	[tilespmem:s7+$0xFFFFFF88] =	vst v47;
	v47 =	vunpack.i.u.bf16.f32 v50  }
0x27b: {  	[tilespmem:s4+$0xFFFFFFB8] =	vst v41;
	v52 =	vunpack.i.u.bf16.f32 v49;
	v51 =	vmax.f32 v36, v51;
	v36 =	vperm.xlane v0, v17  }
0x27c: {  	v49 =	vunpack.i.l.bf16.f32 v49;
	v44 =	vmul.f32 v54, v52;
	v54 =	vunpack.i.l.bf16.f32 v46;
	v52 =	vld [tilespmem:s9+$0xFFFFFFE0]  }
0x27d: {  	v43 =	vsub.f32 $0.0e+00, v43;
	v6 =	vmul.f32 v35, v54;
	v35 =	vmul.f32 $2.000000030e-01, v48  }
0x27e: {  	[tilespmem:s4+$0xFFFFFF10] =	vst v3;
	v0 =	vperm.xlane v0, v53;
	v51 =	vsub.f32 $0.0e+00, v51;
	v4 =	vmul.f32 v4, v49  }
0x27f: {  	[tilespmem:s4+$0xFFFFFF20] =	vst v1;
	v54 =	vunpack.i.u.bf16.f32 v46;
	v35 =	vmax.f32 v48, v35;
	v48 =	vperm.xlane v8, v12  }
0x280: {  	[tilespmem:s7+$0xFFFFFF78] =	vst v5;
	v5 =	vmul.f32 $1.442695020e+00, v43;
	v7 =	vmul.f32 v7, v54;
	v54 =	vld [tilespmem:s9+$0xFFFFFF80];
	v1 =	vsub.f32 $0.0e+00, v35  }
0x281: {  	[tilespmem:s7+$0x30] =	vst v44;
	v44 =	vld [tilespmem:s0+$0xFFFFFFC0];
	v35 =	vmul.f32 $1.442695020e+00, v51;
	v2 =	vmul.f32 v48, v2;
	v41 =	vunpack.i.u.bf16.f32 v52  }
0x282: {  	v48 =	vmul.f32 v32, v47;
	v3 =	vmul.f32 v28, v41  }
0x283: {  	[tilespmem:s4+$0x88] =	vst v6;
	v41 =	vperm.xlane v8, v11;
	(erf) = vpow2.f32 v35  }
0x284: {  	[tilespmem:s4+$0x98] =	vst v7;
	v10 =	vunpack.i.l.bf16.f32 v52;
	v1 =	vmul.f32 $1.442695020e+00, v1;
	v28 =	vperm.xlane v8, v19  }
0x285: {  	[tilespmem:s4+$0x60] =	vst v34;
	v50 =	vld [tilespmem:s9+$0x60];
	v49 =	vunpack.i.u.bf16.f32 v54;
	v52 =	vunpack.i.l.bf16.f32 v54;
	v54 =	vmul.f32 v29, v10  }
0x286: {  	[tilespmem:s7+$0x20] =	vst v4;
	v10 =	vunpack.i.u.bf16.f32 v44;
	v29 =	vperm.xlane v30, v11;
	(erf) = vpow2.f32 v1  }
0x287: {  	v8 =	vld [tilespmem:s0+$0x20];
	[tilespmem:s7+$0xFFFFFF00] =	vst v2;
	v6 =	vunpack.i.l.bf16.f32 v44;
	v7 =	vmul.f32 v37, v49;
	v2 =	vmul.f32 v31, v52  }
0x288: {  	[tilespmem:s4+$0x70] =	vst v48;
	v37 =	vpop (erf);
	v35 =	vmul.f32 v45, v10;
	v47 =	vmul.f32 v0, v6  }
0x289: {  	[tilespmem:s4+$0xFFFFFFE8] =	vst v3;
	v34 =	vld [tilespmem:s0+$0xFFFFFF70];
	(erf) = vpow2.f32 v5;
	v31 =	vperm.xlane v37, v59  }
0x28a: {  	v23 =	vperm.xlane v37, v57;
	v27 =	vperm.xlane v37, v17;
	[tilespmem:s4+$0xFFFFFFD8] =	vst v54;
	v51 =	vunpack.i.u.bf16.f32 v50  }
0x28b: {  	v44 =	vperm.xlane v37, v63;
	[tilespmem:s4+$0xFFFFFF40] =	vst v7;
	v1 =	vunpack.i.l.bf16.f32 v50;
	v0 =	vmul.f32 v9, v51  }
0x28c: {  	[tilespmem:s4+$0xFFFFFF30] =	vst v2;
	v52 =	vunpack.i.l.bf16.f32 v8;
	v54 =	vunpack.i.u.bf16.f32 v8;
	v45 =	vmul.f32 v33, v1  }
0x28d: {  	s11 =	simm.s32 $0x8;
	[tilespmem:s7+$0xFFFFFFA8] =	vst v35;
	v43 =	vmul.f32 v39, v52;
	v42 =	vmul.f32 v42, v54  }
0x28e: {  	s10 =	simm.s32 $0x50F0;
	s8 =	simm.s32 $0x1400;
	s6 =	simm.s32 $0x4280;
	v48 =	vld [tilespmem:s9+$0xFFFFFF90];
	v39 =	vperm.xlane v30, v12;
	v50 =	vunpack.i.u.bf16.f32 v34;
	v51 =	vunpack.i.l.bf16.f32 v34;
	[tilespmem:s4+$0xB8] =	vst v0;
	v33 =	vpop (erf)  }
.LBB2_10:
0x28f: {  	[tilespmem:$0x1FE00] =	vst v21  }
0x290: {  	[tilespmem:$0x1FE30] =	vst v27  }
0x291: {  	[tilespmem:$0x1FE40] =	vst v20  }
0x292: {  	[tilespmem:s4+$0xA8] =	vst v45;
	v46 =	vpop (erf)  }
0x293: {  	v1 =	vperm.xlane v33, v53;
	v53 =	vperm.xlane v33, v57;
	[tilespmem:$0x1FE20] =	vst v29;
	v3 =	vld [tilespmem:s9+$0x70];
	v45 =	vpop (erf)  }
0x294: {  	v0 =	vld [tilespmem:s8+$0xFFFFFFF0];
	v4 =	vperm.xlane v37, v62;
	[tilespmem:s7+$0xFFFFFF98] =	vst v47;
	v7 =	vperm.xlane v45, v63  }
0x295: {  	v52 =	vperm.xlane v33, v59;
	[tilespmem:s7+$0x50] =	vst v42;
	v5 =	vld [tilespmem:s0+$0xFFFFFFD0];
	v2 =	vperm.xlane v46, v63  }
0x296: {  	v49 =	vperm.xlane v33, v62;
	v47 =	vperm.xlane v45, v59;
	[tilespmem:s10+$0xFFFFFFE8] =	vst v7;
	v7 =	vld [tilespmem:$0x1FE70]  }
0x297: {  	v41 =	vmul.f32 v41, v50;
	v38 =	vmul.f32 v38, v51;
	v6 =	vld [tilespmem:s8+$0x40];
	[tilespmem:s10+$0xFFFFFF60] =	vst v2  }
0x298: {  	v20 =	vmovc v55;
	v21 =	vmovc v56;
	v55 =	vld [tilespmem:s6+$0x10];
	[tilespmem:$0x1FE10] =	vst v47;
	v47 =	vperm.xlane v45, v57;
	v57 =	vunpack.i.u.bf16.f32 v3;
	v3 =	vunpack.i.l.bf16.f32 v3  }
0x299: {  	v9 =	vimm.s32 $0x4;
	v32 =	vmovc v28;
	v34 =	vmovc v25;
	[tilespmem:s7+$0x40] =	vst v43;
	v43 =	vperm.xlane v37, v19;
	v54 =	vld [tilespmem:s2+$0xFFFFFF60];
	v3 =	vmul.f32 v15, v3  }
0x29a: {  	v10 =	vimm.s32 $0x7;
	v25 =	vmovc v16;
	v35 =	vmovc v26;
	[tilespmem:$0x1FE50] =	vst v1;
	v1 =	vperm.xlane v33, v17;
	v56 =	vperm.xlane v46, v59;
	v15 =	vld [tilespmem:s8+$0x90]  }
0x29b: {  	v16 =	vimm.s32 $0x1;
	v29 =	vmovc v22;
	v22 =	vmovc v58;
	v58 =	vperm.xlane v46, v62;
	[tilespmem:s4+$0xC8] =	vst v3;
	v3 =	vmul.f32 v7, v57;
	v7 =	vld [tilespmem:$0x1FE90]  }
0x29c: {  	v26 =	vmovc v13;
	v27 =	vmovc v14;
	v17 =	vimm.s32 $0x2;
	v8 =	vld [tilespmem:s6+$0x0];
	[tilespmem:s10+$0x70] =	vst v44;
	v44 =	vperm.xlane v46, v9;
	v50 =	vperm.xlane v46, v12  }
0x29d: {  	[tilespmem:$0x1FE60] =	vst v43;
	v12 =	vunpack.i.l.bf16.f32 v48;
	v0 =	vunpack.i.l.bf16.f32 v0;
	v2 =	vperm.xlane v33, v19;
	v43 =	vmovc v24;
	v24 =	vmovc v61;
	v61 =	vld [tilespmem:s8+$0xFFFFFFA0]  }
0x29e: {  	v28 =	vmovc v23;
	[tilespmem:s7+$0xFFFFFF20] =	vst v41;
	v59 =	vperm.xlane v46, v10;
	v62 =	vperm.xlane v45, v19;
	v63 =	vunpack.i.u.bf16.f32 v5;
	v41 =	vld [tilespmem:s6+$0xFFFFFFF0]  }
0x29f: {  	v23 =	vmovc v60;
	v60 =	vld [tilespmem:s2+$0x0];
	v42 =	vmovc v1;
	v9 =	vperm.xlane v45, v9;
	v10 =	vperm.xlane v37, v11;
	v5 =	vunpack.i.l.bf16.f32 v5  }
0x2a0: {  	v1 =	vld [tilespmem:s6+$0xFFFFFFE0];
	[tilespmem:s7+$0xFFFFFF10] =	vst v38;
	v14 =	vperm.xlane v45, v16;
	v38 =	vmul.f32 v40, v63;
	v13 =	vunpack.i.l.bf16.f32 v54;
	v51 =	vmovc v7  }
0x2a1: {  	v19 =	vimm.s32 $0x3;
	v5 =	vmul.f32 v36, v5;
	v13 =	vmul.f32 v58, v13;
	v58 =	vld [tilespmem:$0x1FE80]  }
0x2a2: {  	v63 =	vld [tilespmem:$0x1FFF0];
	v40 =	vmovc v62;
	v62 =	vimm.s32 $0x0;
	v54 =	vunpack.i.u.bf16.f32 v54;
	[tilespmem:s7+$0xFFFFFFC8] =	vst v38;
	v38 =	vperm.xlane v46, v17  }
0x2a3: {  	v57 =	vimm.s32 $0x7;
	v0 =	vadd.f32 v0, v41;
	v41 =	vperm.xlane v46, v19;
	[tilespmem:$0x1FE70] =	vst v51;
	v51 =	vmovc v2  }
0x2a4: {  	v11 =	vld [tilespmem:s0+$0x30];
	v7 =	vperm.xlane v37, v16;
	v16 =	vmovc v56;
	v56 =	vmovc v53;
	v53 =	vimm.s32 $0x2;
	[tilespmem:$0x1FE90] =	vst v51;
	v51 =	vunpack.i.l.bf16.f32 v6  }
0x2a5: {  	[tilespmem:s4+$0xD8] =	vst v3;
	v6 =	vunpack.i.u.bf16.f32 v60;
	v2 =	vadd.f32 v51, v8;
	v8 =	vunpack.i.l.bf16.f32 v60  }
0x2a6: {  	[tilespmem:s7+$0xFFFFFFB8] =	vst v5;
	v3 =	vmul.f32 v7, v6;
	v60 =	vunpack.i.u.bf16.f32 v48;
	v7 =	vld [tilespmem:s9+$0x80];
	v6 =	vmul.f32 v58, v12  }
0x2a7: {  	v51 =	vld [tilespmem:s0+$0xFFFFFF80];
	v48 =	vunpack.i.l.bf16.f32 v61;
	v12 =	vperm.xlane v30, v63;
	[tilespmem:s10+$0xFFFFFEF0] =	vst v13;
	v13 =	vperm.xlane v45, v19  }
0x2a8: {  	v36 =	vmovc v9;
	v4 =	vmul.f32 v4, v8;
	v8 =	vunpack.i.l.bf16.f32 v15;
	v15 =	vmovc v25;
	v9 =	vmul.f32 $2.000000030e-01, v2;
	[tilespmem:s10+$0x10] =	vst v3  }
0x2a9: {  	s9 =	smov.u32 s0;
	s0 =	smov.u32 s2;
	v30 =	vunpack.i.l.bf16.f32 v11;
	v5 =	vmul.f32 v24, v60;
	v1 =	vadd.f32 v48, v1;
	[tilespmem:$0x1FE80] =	vst v15  }
0x2aa: {  	v48 =	vperm.xlane v45, v62;
	v8 =	vadd.f32 v8, v55;
	[tilespmem:s10+$0x0] =	vst v4;
	v2 =	vmax.f32 v2, v9;
	v9 =	vld [tilespmem:s0+$0xFFFFFFB0]  }
0x2ab: {  	[tilespmem:s7+$0xF8] =	vst v12;
	v55 =	vmovc v52;
	v52 =	vmul.f32 v29, v30;
	v4 =	vperm.xlane v37, v17;
	v15 =	vld [tilespmem:s0+$0x10];
	v24 =	vunpack.i.u.bf16.f32 v7  }
0x2ac: {  	[tilespmem:s4+$0xFFFFFF50] =	vst v6;
	v60 =	vunpack.i.l.bf16.f32 v7;
	v2 =	vsub.f32 $0.0e+00, v2;
	v12 =	vmul.f32 v22, v24  }
0x2ad: {  	v19 =	vimm.s32 $0x5;
	v3 =	vld [tilespmem:s9+$0xFFFFFFE0];
	[tilespmem:s4+$0xFFFFFF60] =	vst v5;
	v7 =	vmul.f32 $2.000000030e-01, v8;
	v6 =	vmul.f32 v23, v60  }
0x2ae: {  	v11 =	vunpack.i.u.bf16.f32 v11;
	v37 =	vld [tilespmem:s9+$0x50];
	v5 =	vmul.f32 $2.000000030e-01, v0;
	v2 =	vmul.f32 $1.442695020e+00, v2;
	[tilespmem:s4+$0xF8] =	vst v12  }
0x2af: {  	v7 =	vmax.f32 v8, v7;
	[tilespmem:s4+$0xE8] =	vst v6;
	s4 =	smov.u32 s7;
	v12 =	vunpack.i.l.bf16.f32 v9;
	v9 =	vunpack.i.u.bf16.f32 v9  }
0x2b0: {  	v22 =	vmovc v31;
	v31 =	vunpack.i.l.bf16.f32 v15;
	[tilespmem:s4+$0x60] =	vst v52;
	(erf) = vpow2.f32 v2;
	v52 =	vmul.f32 $2.000000030e-01, v1  }
0x2b1: {  	v61 =	vmovc v18;
	v6 =	vmul.f32 v14, v9;
	v9 =	vunpack.i.u.bf16.f32 v15;
	v8 =	vmul.f32 v48, v12  }
0x2b2: {  	v18 =	vmovc v59;
	v59 =	vimm.s32 $0x6;
	v30 =	vmovc v33;
	s7 =	smov.u32 s10;
	v4 =	vmul.f32 v4, v31;
	v33 =	vmul.f32 v10, v9  }
0x2b3: {  	v9 =	vunpack.i.l.bf16.f32 v37;
	v10 =	vunpack.i.u.bf16.f32 v3;
	v3 =	vunpack.i.l.bf16.f32 v3;
	[tilespmem:s7+$0xFFFFFF88] =	vst v6  }
0x2b4: {  	v0 =	vmax.f32 v0, v5;
	v2 =	vmul.f32 v35, v9;
	[tilespmem:s7+$0xFFFFFF78] =	vst v8;
	v3 =	vmul.f32 v43, v3;
	v43 =	vld [tilespmem:$0x1FE20]  }
0x2b5: {  	v1 =	vmax.f32 v1, v52;
	v8 =	vmul.f32 v50, v54;
	v9 =	vperm.xlane v45, v53;
	[tilespmem:s7+$0x20] =	vst v4;
	v45 =	vld [tilespmem:$0x1FE30]  }
0x2b6: {  	v35 =	vunpack.i.u.bf16.f32 v37;
	v37 =	vperm.xlane v46, v19;
	[tilespmem:s7+$0x30] =	vst v33;
	v33 =	vsub.f32 $0.0e+00, v7;
	v46 =	vld [tilespmem:s0+$0xFFFFFFC0]  }
0x2b7: {  	v0 =	vsub.f32 $0.0e+00, v0;
	v15 =	vmovc v26;
	v26 =	vmovc v49;
	v1 =	vsub.f32 $0.0e+00, v1;
	v49 =	vmul.f32 v34, v10;
	[tilespmem:s7+$0xFFFFFF00] =	vst v8;
	v8 =	vld [tilespmem:$0x1FE00]  }
0x2b8: {  	v17 =	vimm.s32 $0x4;
	v39 =	vmul.f32 v39, v35;
	[tilespmem:s4+$0x88] =	vst v2;
	v50 =	vld [tilespmem:s0+$0x20];
	v5 =	vmul.f32 $1.442695020e+00, v33  }
0x2b9: {  	v0 =	vmul.f32 $1.442695020e+00, v0;
	v48 =	vunpack.i.u.bf16.f32 v51;
	v1 =	vmul.f32 $1.442695020e+00, v1;
	[tilespmem:s4+$0xFFFFFFE8] =	vst v49;
	v52 =	vld [tilespmem:s0+$0xFFFFFF70]  }
0x2ba: {  	v58 =	vmovc v21;
	v51 =	vunpack.i.l.bf16.f32 v51;
	v4 =	vmul.f32 v32, v48;
	v49 =	vld [tilespmem:$0x1FE40];
	[tilespmem:s4+$0x98] =	vst v39;
	(erf) = vpow2.f32 v5  }
0x2bb: {  	v21 =	vmovc v28;
	v28 =	vmovc v37;
	v10 =	vld [tilespmem:s9+$0x60];
	(erf) = vpow2.f32 v1;
	v54 =	vunpack.i.u.bf16.f32 v46;
	v1 =	vmul.f32 v27, v51  }
0x2bc: {  	v33 =	vld [tilespmem:$0x1FE10];
	v37 =	vpop (erf);
	v32 =	vunpack.i.l.bf16.f32 v46;
	v8 =	vmul.f32 v8, v11;
	(erf) = vpow2.f32 v0  }
0x2bd: {  	s11 =	sadd.s32 $0x4, s11;
	v31 =	vperm.xlane v37, v59;
	v2 =	vmul.f32 v13, v54;
	v39 =	vunpack.i.u.bf16.f32 v50;
	v54 =	vld [tilespmem:$0x1FE60]  }
0x2be: {  	p0 =	slt.u32 s11, $0x4C;
	[tilespmem:s4+$0xFFFFFFD8] =	vst v3;
	v5 =	vunpack.i.l.bf16.f32 v50;
	v50 =	vunpack.i.u.bf16.f32 v52;
	v51 =	vunpack.i.l.bf16.f32 v52;
	v52 =	vld [tilespmem:$0x1FE50]  }
.Ltmp4:
0x2bf: {  	v25 =	vmovc v47;
	v60 =	vmovc v20;
	[tilespmem:s4+$0xFFFFFF40] =	vst v4;
	v11 =	vimm.s32 $0x3;
	v23 =	vperm.xlane v37, v57;
	v34 =	vperm.xlane v37, v17;
	(pc) =	sbr.rel @p0 .LBB2_10-.Ltmp4, $4  }
0x2c0: {  	v14 =	vmovc v44;
	v44 =	vperm.xlane v37, v63;
	v47 =	vmul.f32 v9, v32;
	[tilespmem:s4+$0xFFFFFF30] =	vst v1;
	v35 =	vunpack.i.u.bf16.f32 v10  }
0x2c1: {  	v13 =	vmovc v42;
	v29 =	vperm.xlane v30, v11;
	[tilespmem:s4+$0x70] =	vst v8;
	v46 =	vunpack.i.l.bf16.f32 v10;
	v1 =	vmul.f32 v43, v35  }
0x2c2: {  	s6 =	sadd.s32 $0x40, s6;
	v12 =	vimm.s32 $0x1;
	v24 =	vmovc v33;
	[tilespmem:s7+$0xFFFFFFA8] =	vst v2;
	v27 =	vmovc v34;
	v43 =	vmul.f32 v45, v5;
	v45 =	vmul.f32 v49, v46  }
0x2c3: {  	s2 =	smov.u32 s8;
	s8 =	sadd.s32 $0x140, s8;
	s10 =	sadd.s32 $0x220, s10;
	v48 =	vld [tilespmem:s9+$0xFFFFFF90];
	[tilespmem:s4+$0xB8] =	vst v1;
	v42 =	vmul.f32 v54, v39;
	v39 =	vperm.xlane v30, v12;
	v20 =	vmov v52;
	v33 =	vpop (erf)  }
0x2c4: {  	[tilespmem:s4+$0xA8] =	vst v45  }
0x2c5: {  	[tilespmem:s7+$0xFFFFFF98] =	vst v47  }
0x2c6: {  	[tilespmem:s7+$0x40] =	vst v43  }
0x2c7: {  	v10 =	vpop (erf);
	[tilespmem:s10+$0x70] =	vst v44;
	v47 =	vmul.f32 v41, v50  }
0x2c8: {  	v0 =	vld [tilespmem:s9+$0x70];
	[tilespmem:s7+$0x50] =	vst v42;
	v1 =	vperm.xlane v10, v63;
	v42 =	vpop (erf)  }
0x2c9: {  	v2 =	vld [tilespmem:s0+$0xFFFFFFD0];
	v3 =	vperm.xlane v42, v63;
	[tilespmem:s7+$0xFFFFFF20] =	vst v47  }
0x2ca: {  	[tilespmem:s10+$0xFFFFFF60] =	vst v1  }
0x2cb: {  	v4 =	vld [tilespmem:s2+$0x0];
	[tilespmem:s10+$0xFFFFFFE8] =	vst v3  }
0x2cc: {  	v1 =	vld [tilespmem:$0x1FE70]  }
0x2cd: {  	v50 =	vmul.f32 v38, v51;
	v5 =	vunpack.i.l.bf16.f32 v0  }
0x2ce: {  	v51 =	vunpack.i.u.bf16.f32 v2;
	v49 =	vmul.f32 v15, v5  }
0x2cf: {  	[tilespmem:s7+$0xFFFFFF10] =	vst v50;
	v2 =	vunpack.i.l.bf16.f32 v2;
	v5 =	vld [tilespmem:s2+$0xFFFFFF60];
	v3 =	vmul.f32 v40, v51  }
0x2d0: {  	v6 =	vperm.xlane v37, v12;
	v0 =	vunpack.i.u.bf16.f32 v0;
	v2 =	vmul.f32 v36, v2;
	[tilespmem:s4+$0xC8] =	vst v49  }
0x2d1: {  	v52 =	vperm.xlane v37, v62;
	v54 =	vunpack.i.u.bf16.f32 v4;
	[tilespmem:s7+$0xFFFFFFC8] =	vst v3;
	v0 =	vmul.f32 v1, v0  }
0x2d2: {  	v35 =	vld [tilespmem:s2+$0xFFFFFFB0];
	[tilespmem:s7+$0xFFFFFFB8] =	vst v2;
	v1 =	vmul.f32 v6, v54;
	v6 =	vunpack.i.l.bf16.f32 v4  }
0x2d3: {  	v8 =	vperm.xlane v10, v62;
	v2 =	vld [tilespmem:s0+$0x30];
	[tilespmem:s4+$0xD8] =	vst v0;
	v0 =	vmul.f32 v52, v6  }
0x2d4: {  	v32 =	vperm.xlane v30, v63;
	[tilespmem:s10+$0x10] =	vst v1;
	v9 =	vunpack.i.l.bf16.f32 v5;
	v52 =	vld [tilespmem:s0+$0xFFFFFF80]  }
0x2d5: {  	v7 =	vld [tilespmem:s9+$0x80];
	v1 =	vmul.f32 v8, v9;
	[tilespmem:s10+$0x0] =	vst v0  }
0x2d6: {  	v41 =	vunpack.i.u.bf16.f32 v48;
	v50 =	vperm.xlane v42, v62;
	v51 =	vperm.xlane v33, v63;
	v36 =	vld [tilespmem:$0x1FE80];
	[tilespmem:s7+$0xF8] =	vst v32  }
0x2d7: {  	v44 =	vperm.xlane v42, v12;
	v0 =	vunpack.i.l.bf16.f32 v35;
	[tilespmem:s10+$0xFFFFFEF0] =	vst v1;
	v1 =	vmul.f32 v61, v41  }
0x2d8: {  	v45 =	vunpack.i.l.bf16.f32 v2;
	v2 =	vunpack.i.u.bf16.f32 v2;
	v0 =	vmul.f32 v50, v0;
	[tilespmem:s10+$0xF8] =	vst v51  }
0x2d9: {  	v46 =	vunpack.i.u.bf16.f32 v35;
	v30 =	vmul.f32 v21, v2;
	[tilespmem:s4+$0xFFFFFF60] =	vst v1  }
0x2da: {  	v38 =	vld [tilespmem:s2+$0x10];
	v1 =	vmul.f32 v44, v46;
	[tilespmem:s10+$0xFFFFFF78] =	vst v0;
	v32 =	vunpack.i.u.bf16.f32 v52  }
0x2db: {  	v8 =	vld [tilespmem:s0+$0x50];
	[tilespmem:s7+$0x70] =	vst v30;
	v40 =	vunpack.i.u.bf16.f32 v7;
	v2 =	vmul.f32 v28, v32  }
0x2dc: {  	v61 =	vld [tilespmem:s2+$0x50];
	v43 =	vunpack.i.l.bf16.f32 v7;
	v7 =	vunpack.i.l.bf16.f32 v52;
	v4 =	vmul.f32 v58, v40;
	[tilespmem:s10+$0xFFFFFF88] =	vst v1  }
0x2dd: {  	v34 =	vunpack.i.l.bf16.f32 v48;
	v7 =	vmul.f32 v14, v7;
	[tilespmem:s7+$0xFFFFFF40] =	vst v2  }
0x2de: {  	v3 =	vmul.f32 v36, v34;
	[tilespmem:s4+$0xF8] =	vst v4  }
0x2df: {  	v47 =	vunpack.i.u.bf16.f32 v38;
	v34 =	vperm.xlane v33, v62;
	v4 =	vmul.f32 v22, v45;
	[tilespmem:s7+$0xFFFFFF30] =	vst v7  }
0x2e0: {  	v48 =	vunpack.i.l.bf16.f32 v8;
	v8 =	vunpack.i.u.bf16.f32 v8;
	[tilespmem:s4+$0xFFFFFF50] =	vst v3;
	v3 =	vmul.f32 v60, v43  }
0x2e1: {  	v6 =	vunpack.i.l.bf16.f32 v38;
	v38 =	vunpack.i.l.bf16.f32 v61;
	v8 =	vmul.f32 v39, v8;
	[tilespmem:s7+$0x60] =	vst v4  }
0x2e2: {  	v49 =	vld [tilespmem:s0+$0xFFFFFFE0];
	v58 =	vperm.xlane v10, v12;
	v39 =	vmul.f32 v34, v38;
	[tilespmem:s4+$0xE8] =	vst v3  }
0x2e3: {  	v9 =	vperm.xlane v37, v11;
	v60 =	vunpack.i.u.bf16.f32 v5;
	v4 =	vmul.f32 v26, v48;
	[tilespmem:s7+$0x98] =	vst v8  }
0x2e4: {  	v54 =	vperm.xlane v37, v53;
	v35 =	vld [tilespmem:s2+$0xFFFFFFC0];
	v0 =	vmul.f32 v58, v60;
	[tilespmem:s10+$0x88] =	vst v39  }
0x2e5: {  	v36 =	vperm.xlane v33, v12;
	v3 =	vmul.f32 v9, v47;
	[tilespmem:s7+$0x88] =	vst v4  }
0x2e6: {  	v5 =	vunpack.i.u.bf16.f32 v61;
	v4 =	vmul.f32 v54, v6;
	[tilespmem:s10+$0xFFFFFF00] =	vst v0;
	v26 =	vld [tilespmem:s0+$0x60]  }
0x2e7: {  	v22 =	vunpack.i.u.bf16.f32 v49;
	v0 =	vmul.f32 v36, v5;
	[tilespmem:s10+$0x30] =	vst v3  }
0x2e8: {  	v44 =	vperm.xlane v42, v11;
	v1 =	vunpack.i.l.bf16.f32 v49;
	v3 =	vmul.f32 v25, v22;
	v43 =	vld [tilespmem:s2+$0xFFFFFF70];
	[tilespmem:s10+$0x20] =	vst v4  }
0x2e9: {  	v1 =	vmul.f32 v24, v1;
	v45 =	vperm.xlane v42, v53;
	v46 =	vunpack.i.u.bf16.f32 v35;
	[tilespmem:s10+$0x98] =	vst v0;
	v40 =	vld [tilespmem:s2+$0x20]  }
0x2ea: {  	v6 =	vmul.f32 v44, v46;
	[tilespmem:s7+$0xFFFFFFE8] =	vst v3;
	v3 =	vunpack.i.l.bf16.f32 v35  }
0x2eb: {  	[tilespmem:s7+$0xFFFFFFD8] =	vst v1;
	v47 =	vld [tilespmem:s2+$0x60];
	v0 =	vmul.f32 v45, v3;
	v41 =	vunpack.i.u.bf16.f32 v26  }
0x2ec: {  	v52 =	vperm.xlane v10, v53;
	[tilespmem:s10+$0xFFFFFFA8] =	vst v6;
	v4 =	vunpack.i.l.bf16.f32 v26;
	v5 =	vmul.f32 v29, v41  }
0x2ed: {  	v48 =	vperm.xlane v37, v19;
	v2 =	vunpack.i.l.bf16.f32 v43;
	[tilespmem:s10+$0xFFFFFF98] =	vst v0;
	v4 =	vmul.f32 v20, v4  }
0x2ee: {  	v49 =	vperm.xlane v10, v11;
	v14 =	vld [tilespmem:s0+$0xFFFFFF90];
	v2 =	vmul.f32 v52, v2;
	v50 =	vunpack.i.u.bf16.f32 v40;
	[tilespmem:s7+$0xB8] =	vst v5  }
0x2ef: {  	v58 =	vperm.xlane v33, v11;
	v54 =	vunpack.i.u.bf16.f32 v43;
	[tilespmem:s7+$0xA8] =	vst v4;
	v3 =	vmul.f32 v48, v50  }
0x2f0: {  	v61 =	vld [tilespmem:s2+$0xFFFFFFD0];
	v11 =	vunpack.i.u.bf16.f32 v47;
	v4 =	vmul.f32 v49, v54;
	[tilespmem:s10+$0xFFFFFF10] =	vst v2  }
0x2f1: {  	v60 =	vperm.xlane v33, v53;
	v1 =	vunpack.i.l.bf16.f32 v40;
	v0 =	vmul.f32 v58, v11;
	[tilespmem:s10+$0x50] =	vst v3  }
0x2f2: {  	v12 =	vunpack.i.l.bf16.f32 v47;
	v1 =	vmul.f32 v27, v1;
	v51 =	vld [tilespmem:s0+$0x70];
	[tilespmem:s10+$0xFFFFFF20] =	vst v4  }
0x2f3: {  	v2 =	vunpack.i.u.bf16.f32 v14;
	v4 =	vmul.f32 v60, v12;
	[tilespmem:s10+$0xB8] =	vst v0;
	v22 =	vld [tilespmem:s2+$0xFFFFFF80]  }
0x2f4: {  	v25 =	vperm.xlane v42, v19;
	v32 =	vunpack.i.l.bf16.f32 v14;
	v2 =	vmul.f32 v18, v2;
	v24 =	vld [tilespmem:$0x1FE90];
	[tilespmem:s10+$0x40] =	vst v1  }
0x2f5: {  	v26 =	vperm.xlane v42, v17;
	v28 =	vunpack.i.u.bf16.f32 v61;
	v1 =	vmul.f32 v16, v32;
	[tilespmem:s10+$0xA8] =	vst v4  }
0x2f6: {  	v3 =	vunpack.i.l.bf16.f32 v61;
	[tilespmem:s7+$0xFFFFFF60] =	vst v2;
	v7 =	vmul.f32 v25, v28;
	v29 =	vld [tilespmem:s2+$0x70]  }
0x2f7: {  	v3 =	vmul.f32 v26, v3;
	[tilespmem:s7+$0xFFFFFF50] =	vst v1;
	v20 =	vunpack.i.l.bf16.f32 v51  }
0x2f8: {  	v35 =	vperm.xlane v10, v17;
	v39 =	vld [tilespmem:s2+$0x30];
	v21 =	vunpack.i.u.bf16.f32 v51;
	[tilespmem:s10+$0xFFFFFFC8] =	vst v7;
	v5 =	vmul.f32 v13, v20  }
0x2f9: {  	v30 =	vperm.xlane v10, v19;
	[tilespmem:s10+$0xFFFFFFB8] =	vst v3;
	v6 =	vmul.f32 v24, v21;
	v0 =	vunpack.i.l.bf16.f32 v22  }
0x2fa: {  	v37 =	vperm.xlane v33, v17;
	v41 =	vld [tilespmem:s2+$0xFFFFFFE0];
	v36 =	vunpack.i.u.bf16.f32 v22;
	[tilespmem:s7+$0xC8] =	vst v5;
	v0 =	vmul.f32 v35, v0  }
0x2fb: {  	v38 =	vperm.xlane v33, v19;
	[tilespmem:s7+$0xD8] =	vst v6;
	v6 =	vmul.f32 v30, v36;
	v40 =	vunpack.i.l.bf16.f32 v29  }
0x2fc: {  	v5 =	vunpack.i.u.bf16.f32 v29;
	v34 =	vld [tilespmem:s0+$0x80];
	v3 =	vmul.f32 v37, v40;
	[tilespmem:s10+$0xFFFFFF30] =	vst v0  }
0x2fd: {  	v48 =	vunpack.i.l.bf16.f32 v39;
	v43 =	vmul.f32 v38, v5;
	[tilespmem:s10+$0xFFFFFF40] =	vst v6  }
0x2fe: {  	v47 =	vperm.xlane v42, v57;
	v1 =	vunpack.i.u.bf16.f32 v39;
	v7 =	vmul.f32 v31, v48;
	[tilespmem:s10+$0xC8] =	vst v3;
	v46 =	vld [tilespmem:s2+$0xFFFFFF90]  }
0x2ff: {  	v51 =	vperm.xlane v42, v59;
	v1 =	vmul.f32 v23, v1;
	v50 =	vunpack.i.u.bf16.f32 v41;
	[tilespmem:s10+$0xD8] =	vst v43  }
0x300: {  	[tilespmem:s10+$0x60] =	vst v7;
	v6 =	vunpack.i.l.bf16.f32 v41;
	v0 =	vmul.f32 v47, v50;
	v49 =	vld [tilespmem:s2+$0x80]  }
0x301: {  	[tilespmem:s10+$0x70] =	vst v1;
	v2 =	vmul.f32 v51, v6;
	v45 =	vunpack.i.l.bf16.f32 v34  }
0x302: {  	v52 =	vperm.xlane v10, v59;
	[tilespmem:s10+$0xFFFFFFE8] =	vst v0;
	v44 =	vunpack.i.u.bf16.f32 v34;
	v3 =	vmul.f32 v55, v45  }
0x303: {  	[tilespmem:s10+$0xFFFFFFD8] =	vst v2;
	v5 =	vmul.f32 v56, v44;
	v56 =	vperm.xlane v10, v57;
	v55 =	vunpack.i.l.bf16.f32 v46  }
0x304: {  	v54 =	vperm.xlane v33, v57;
	v4 =	vunpack.i.u.bf16.f32 v46;
	[tilespmem:s7+$0xE8] =	vst v3;
	v3 =	vmul.f32 v52, v55  }
0x305: {  	v60 =	vperm.xlane v33, v59;
	[tilespmem:s7+$0xF8] =	vst v5;
	v58 =	vunpack.i.u.bf16.f32 v49;
	v1 =	vmul.f32 v56, v4  }
0x306: {  	v61 =	vunpack.i.l.bf16.f32 v49;
	v0 =	vmul.f32 v54, v58;
	[tilespmem:s10+$0xFFFFFF50] =	vst v3  }
0x307: {  	v2 =	vmul.f32 v60, v61;
	[tilespmem:s10+$0xFFFFFF60] =	vst v1  }
0x308: {  	[tilespmem:s10+$0xF8] =	vst v0  }
0x309: {  	s29 =	simm.s32 $0x780;
	s31 =	sadd.s32 $0x1, s31;
	[tilespmem:s10+$0xE8] =	vst v2  }
0x30a: {  	[spmem:s3] =	stream.indirect.scatter.add.f32 [tilespmem:s23], [sflag:$0x5], $0x88, s29, s15, $0xb8;
	[tilespmem:$0x1F060] =	vst v63  }
0x30b: {  	p0 =	sne.s32 s31, $0x5;
	_ =	swait.ge [sflag:s30], $0x2A80  }
.Ltmp5:
0x30c: {  	[sflag:s30] =	ssyncset.done $0x0;
	(pc) =	sbr.rel @p0 .LBB2_2-.Ltmp5, $4  }
0x30d: {  	[sflag:s30] =	ssyncadd.s32 $0xFFFFD580  }
0x30e: {  	_ =	swait.ge [sflag:s28], $0x2A80  }
0x30f: {  	[sflag:s28] =	ssyncset.done $0x0  }
0x310: {  	[sflag:s28] =	ssyncadd.s32 $0xFFFFD580  }
0x311: {  	[bflag:$0x0] =	sbarrier.arrive $0xFFFF  }
0x312: {  	s4 =	rddreg [dreg:$0x8]  }
0x313: {  	s0 =	rddreg [dreg:$0x9]  }
0x314: {  	s2 =	rddreg [dreg:$0xb]  }
0x315: {  	[hbm:s0], [sflag:s4] =	dma.local [spmem:s2], $0x29F8  }
0x316: {  	_ =	swait.ge [sflag:s13], $0x29F8  }
0x317: {  	s10 =	rddreg [dreg:$0x4]  }
0x318: {  	s31 =	rddreg [dreg:$0xa];
	s10 =	sadd.s32 $0x1, s10  }
0x319: {  	p0 =	sne.s32 s10, s31  }
.Ltmp6:
0x31a: {  	_ = 	snop;
	(pc) =	sbr.rel @p0 .LBB2_1-.Ltmp6, $3  }
0x31b: {  	_ =	sdelay $0x1  }
0x31c: {  	[sflag:s13] =	ssyncset.done $0x0  }
0x31d: {  	[sflag:s13] =	ssyncadd.s32 $0xFFFFD608  }
0x31e: {  	_ =	sfence.sel $0x180000  }
0x31f: {  	[bflag:$0x0] =	sbarrier.arrive $0xFFFF  }
0x320: {  	_ =	strace $0x90000047  }
0x321: {  	s0 =	stileid.u32;
	[bflag:$0x2] =	sbarrier.arrive $0xFFFF  }
0x322: {  	p0 =	sne.s32 s0, $0x0;
	s0 =	rddreg [dreg:$0x3]  }
0x323: {  	s0 =	sadd.s32 @!p0 $0x100000, s0  }
0x324: {  	[sflag:s0] =	ssyncadd.tile.s32 @!p0 $0x1;
	_ =	shalt  }
.Lfunc_end2:
_tile_overlayer_lowered:
.L_overlay_start_2:
0x325: {  	(tag) =	ssettag $0x2  }
0x326: {  	s0 =	rddreg [dreg:$0x0];
	s2 =	stileid.u32  }
0x327: {  	s1 =	rddreg [dreg:$0x1];
	p0 =	sne.s32 s2, $0x0  }
0x328: {  	s3 =	rddreg [dreg:$0x2];
	[bflag:$0x3] =	sbarrier.arrive $0xFFFF;
	s2 =	simm.s32 @!p0 $0x1C07  }
0x329: {  	[timem:s3], [sflag:s2] =	dma.local @!p0 [hbm:s0], s1  }
0x32a: {  	s0 =	simm.s32 @!p0 $0x7  }
0x32b: {  	_ =	swait.ge @!p0 [sflag:s0], s1  }
0x32c: {  	s1 =	ssub.s32 @!p0 $0x0, s1;
	[sflag:s0] =	ssyncset.done @!p0 $0x0  }
0x32d: {  	[sflag:s0] =	ssyncadd.s32 @!p0 s1  }
0x32e: {  	[bflag:$0x3] =	sbarrier.arrive $0xFFFF  }
0x32f: {  	_ =	shalt  }

</sc_bundles>
